<compile_context>
chip_gen: v7x
topology: tpu7x:2x2x1
jax: 0.10.2.dev20260603
libtpu: 0.0.44.dev20260713+nightly
codegen_flags: <defaults>
</compile_context>

<pallas_src>
import functools
import math

import jax
import jax.numpy as jnp
from jax import lax
from jax.experimental import pallas as pl
from jax.experimental.pallas import tpu as pltpu
from jax.experimental.pallas import tpu_sc as plsc

B = 4
N_PER = 12500
E_PER = 200000
N_TOT = B * N_PER
E_TOT = B * E_PER
NUM_SPECIES = 119
MUL = 64
NUM_BASIS = 10
CUTOFF = 4.0
NUM_SH = 9

NC = 2
NS = 16
HALF_E = E_TOT // NC
EDGES_PER_SUB = HALF_E // NS
CH = 128
N_FULL = EDGES_PER_SUB // CH
CH_REM = EDGES_PER_SUB - N_FULL * CH
STRIPE = 784
N_PAD = STRIPE * NS
NCH_B = E_PER // CH
REM_B = E_PER - NCH_B * CH
ITER_B = (NCH_B + NS - 1) // NS

@functools.lru_cache(maxsize=None)
def _sc_kernels():
    mesh = plsc.VectorSubcoreMesh(
        core_axis_name="c", subcore_axis_name="s",
        num_cores=NC, num_subcores=NS)

    @functools.partial(
        pl.kernel,
        out_type=(
            jax.ShapeDtypeStruct((E_TOT, 4), jnp.float32),
            jax.ShapeDtypeStruct((E_TOT, 4), jnp.float32),
        ),
        mesh=mesh,
        compiler_params=pltpu.CompilerParams(use_tc_tiling_on_sc=False),
        scratch_types=[
            pltpu.VMEM((CH,), jnp.int32),
            pltpu.VMEM((CH,), jnp.int32),
            pltpu.VMEM((CH, 4), jnp.float32),
            pltpu.VMEM((CH, 4), jnp.float32),
            pltpu.VMEM((CH_REM,), jnp.int32),
            pltpu.VMEM((CH_REM,), jnp.int32),
            pltpu.VMEM((CH_REM, 4), jnp.float32),
            pltpu.VMEM((CH_REM, 4), jnp.float32),
            pltpu.SemaphoreType.DMA,
        ],
    )
    def sc_gather_xyz(src_hbm, dst_hbm, xyz_hbm, gs_hbm, gd_hbm,
                      is_v, id_v, bs_v, bd_v, ris_v, rid_v, rbs_v, rbd_v, sem):
        c = lax.axis_index("c")
        s = lax.axis_index("s")
        base0 = (c * NS + s) * EDGES_PER_SUB

        def chunk(i, _):
            base = base0 + i * CH
            pltpu.sync_copy(src_hbm.at[pl.ds(base, CH)], is_v)
            pltpu.sync_copy(dst_hbm.at[pl.ds(base, CH)], id_v)
            pltpu.async_copy(xyz_hbm.at[is_v], bs_v, sem).wait()
            pltpu.async_copy(xyz_hbm.at[id_v], bd_v, sem).wait()
            pltpu.sync_copy(bs_v, gs_hbm.at[pl.ds(base, CH)])
            pltpu.sync_copy(bd_v, gd_hbm.at[pl.ds(base, CH)])
            return 0

        lax.fori_loop(0, N_FULL, chunk, 0)
        rbase = base0 + N_FULL * CH
        pltpu.sync_copy(src_hbm.at[pl.ds(rbase, CH_REM)], ris_v)
        pltpu.sync_copy(dst_hbm.at[pl.ds(rbase, CH_REM)], rid_v)
        pltpu.async_copy(xyz_hbm.at[ris_v], rbs_v, sem).wait()
        pltpu.async_copy(xyz_hbm.at[rid_v], rbd_v, sem).wait()
        pltpu.sync_copy(rbs_v, gs_hbm.at[pl.ds(rbase, CH_REM)])
        pltpu.sync_copy(rbd_v, gd_hbm.at[pl.ds(rbase, CH_REM)])

    @functools.partial(
        pl.kernel,
        out_type=jax.ShapeDtypeStruct((NC, 2, N_PAD, MUL), jnp.float32),
        mesh=mesh,
        compiler_params=pltpu.CompilerParams(use_tc_tiling_on_sc=False),
        scratch_types=[
            pltpu.VMEM((CH,), jnp.int32),
            pltpu.VMEM((CH,), jnp.int32),
            pltpu.VMEM((CH, MUL), jnp.float32),
            pltpu.VMEM((CH, 2 * MUL), jnp.float32),
            pltpu.VMEM((REM_B,), jnp.int32),
            pltpu.VMEM((REM_B,), jnp.int32),
            pltpu.VMEM((REM_B, MUL), jnp.float32),
            pltpu.VMEM((REM_B, 2 * MUL), jnp.float32),
            pltpu.VMEM((STRIPE // 7, MUL), jnp.float32),
            pltpu.VMEM_SHARED((N_PAD, MUL), jnp.float32),
            pltpu.SemaphoreType.DMA,
        ],
    )
    def sc_interact(src_hbm, dstl_hbm, feat_hbm, coef_hbm, agg_hbm,
                    is_v, id_v, rows_v, crows_v, ris_v, rid_v, rrows_v,
                    rcrows_v, zbuf_v, table, sem):
        c = lax.axis_index("c")
        s = lax.axis_index("s")

        z16 = jnp.zeros((16,), jnp.float32)

        def zrow(r, _):
            for k in range(MUL // 16):
                zbuf_v[r, pl.ds(k * 16, 16)] = z16
            return 0

        lax.fori_loop(0, STRIPE // 7, zrow, 0)

        def mul_rows(rows, crows, n, off):
            def body(r, _):
                for k in range(MUL // 16):
                    rows[r, pl.ds(k * 16, 16)] = (
                        rows[r, pl.ds(k * 16, 16)] *
                        crows[r, pl.ds(off + k * 16, 16)])
                return 0
            lax.fori_loop(0, n, body, 0)

        for p in range(2):
            for j in range(7):
                pltpu.sync_copy(
                    zbuf_v,
                    table.at[pl.ds(s * STRIPE + j * (STRIPE // 7),
                                   STRIPE // 7)])
            plsc.subcore_barrier()

            base0 = c * HALF_E + p * E_PER
            cbase0 = p * E_PER

            def chunk(i, _):
                cid = i * NS + s
                @pl.when(cid < NCH_B)
                def _():
                    base = base0 + cid * CH
                    pltpu.sync_copy(src_hbm.at[pl.ds(base, CH)], is_v)
                    pltpu.sync_copy(dstl_hbm.at[pl.ds(base, CH)], id_v)
                    pltpu.async_copy(feat_hbm.at[is_v], rows_v, sem).wait()
                    pltpu.sync_copy(coef_hbm.at[pl.ds(cbase0 + cid * CH, CH)],
                                    crows_v)
                    @pl.when(c == 0)
                    def _():
                        mul_rows(rows_v, crows_v, CH, 0)
                    @pl.when(c == 1)
                    def _():
                        mul_rows(rows_v, crows_v, CH, MUL)
                    pltpu.sync_copy(rows_v, table.at[id_v], add=True)
                return 0

            lax.fori_loop(0, ITER_B, chunk, 0)

            @pl.when(s == NS - 1)
            def _():
                rbase = base0 + NCH_B * CH
                pltpu.sync_copy(src_hbm.at[pl.ds(rbase, REM_B)], ris_v)
                pltpu.sync_copy(dstl_hbm.at[pl.ds(rbase, REM_B)], rid_v)
                pltpu.async_copy(feat_hbm.at[ris_v], rrows_v, sem).wait()
                pltpu.sync_copy(
                    coef_hbm.at[pl.ds(cbase0 + NCH_B * CH, REM_B)], rcrows_v)
                @pl.when(c == 0)
                def _():
                    mul_rows(rrows_v, rcrows_v, REM_B, 0)
                @pl.when(c == 1)
                def _():
                    mul_rows(rrows_v, rcrows_v, REM_B, MUL)
                pltpu.sync_copy(rrows_v, table.at[rid_v], add=True)

            plsc.subcore_barrier()

            pltpu.sync_copy(table.at[pl.ds(s * STRIPE, STRIPE)],
                            agg_hbm.at[c, p, pl.ds(s * STRIPE, STRIPE)])

    return sc_gather_xyz, sc_interact


def _sc_gather_xyz(src, dst, xyz4):
    return _sc_kernels()[0](src, dst, xyz4)


def _sc_interact(src, dstl, feat, coef):
    return _sc_kernels()[1](src, dstl, feat, coef)


EBLK = 2000
_S3 = math.sqrt(3.0)
_S5 = math.sqrt(5.0)
_S15 = math.sqrt(15.0)
_STEP = CUTOFF / (NUM_BASIS - 1)


def _geom_half(cell, gs, gd, dp, w1a, w2a, wsa, w1b, w2b, wsb):
    def disp_comp(k):
        return (dp[:, 0:1] * cell[0, 0 * 4 + k] +
                dp[:, 1:2] * cell[0, 1 * 4 + k] +
                dp[:, 2:3] * cell[0, 2 * 4 + k])

    evx = gd[:, 0:1] - gs[:, 0:1] - disp_comp(0)
    evy = gd[:, 1:2] - gs[:, 1:2] - disp_comp(1)
    evz = gd[:, 2:3] - gs[:, 2:3] - disp_comp(2)
    r2 = evx * evx + evy * evy + evz * evz
    r = jnp.sqrt(r2)
    inv = 1.0 / (r + 1e-12)
    x = evx * inv
    y = evy * inv
    z = evz * inv
    one = jnp.ones_like(x)
    sh = jnp.concatenate([
        one, _S3 * x, _S3 * y, _S3 * z,
        _S15 * x * y, _S15 * y * z, (_S5 / 2.0) * (3.0 * z * z - 1.0),
        _S15 * x * z, (_S15 / 2.0) * (x * x - y * y),
    ], axis=1)
    centers = lax.broadcasted_iota(
        jnp.int32, (1, NUM_BASIS), 1).astype(jnp.float32) * _STEP
    d = (r - centers) / _STEP
    emb = 1.12 * jnp.exp(-d * d)

    outs = []
    for (w1, w2, ws) in ((w1a, w2a, wsa), (w1b, w2b, wsb)):
        hmid = jax.nn.silu(jnp.dot(emb, w1, precision=lax.Precision.HIGHEST,
                                   preferred_element_type=jnp.float32))
        rr = jnp.dot(hmid, w2, precision=lax.Precision.HIGHEST,
                     preferred_element_type=jnp.float32)
        ss = jnp.dot(sh, ws, precision=lax.Precision.HIGHEST,
                     preferred_element_type=jnp.float32)
        outs.append(rr * ss)
    return outs


def _geom_body(cell_ref, gs0_ref, gd0_ref, dp0_ref, gs1_ref, gd1_ref, dp1_ref,
               w1a_ref, w2a_ref, wsa_ref, w1b_ref, w2b_ref, wsb_ref,
               c0_ref, c1_ref):
    b = pl.program_id(0)
    w = (w1a_ref[...], w2a_ref[...], wsa_ref[...],
         w1b_ref[...], w2b_ref[...], wsb_ref[...])
    cells = cell_ref[...]
    iota_r = lax.broadcasted_iota(jnp.int32, (B, 16), 0)
    cell_lo = jnp.sum(jnp.where(iota_r == b, cells, 0.0), axis=0,
                      keepdims=True)
    cell_hi = jnp.sum(jnp.where(iota_r == b + 2, cells, 0.0), axis=0,
                      keepdims=True)
    c0_lo, c1_lo = _geom_half(cell_lo, gs0_ref[...], gd0_ref[...],
                              dp0_ref[...], *w)
    c0_hi, c1_hi = _geom_half(cell_hi, gs1_ref[...], gd1_ref[...],
                              dp1_ref[...], *w)
    c0_ref[...] = jnp.concatenate([c0_lo, c0_hi], axis=1)
    c1_ref[...] = jnp.concatenate([c1_lo, c1_hi], axis=1)


def _run_geometry(cellp, gsrc, gdst, dispp, W1_0, W2_0, Wsh_0, W1_1, W2_1, Wsh_1):
    n_e = E_PER // EBLK
    grid = (2, n_e)
    lo = lambda w: pl.BlockSpec((EBLK, w), lambda b, e: (b * n_e + e, 0))
    hi = lambda w: pl.BlockSpec((EBLK, w),
                                lambda b, e: (2 * n_e + b * n_e + e, 0))
    full = lambda a: pl.BlockSpec(a, lambda b, e: (0, 0))
    out = lambda: pl.BlockSpec((EBLK, 2 * MUL), lambda b, e: (b * n_e + e, 0))
    return pl.pallas_call(
        _geom_body,
        grid=grid,
        in_specs=[
            full((B, 16)),
            lo(4), lo(4), lo(4), hi(4), hi(4), hi(4),
            full((NUM_BASIS, 100)), full((100, MUL)), full((NUM_SH, MUL)),
            full((NUM_BASIS, 100)), full((100, MUL)), full((NUM_SH, MUL)),
        ],
        out_specs=[out(), out()],
        out_shape=[
            jax.ShapeDtypeStruct((HALF_E, 2 * MUL), jnp.float32),
            jax.ShapeDtypeStruct((HALF_E, 2 * MUL), jnp.float32),
        ],
    )(cellp, gsrc, gdst, dispp, gsrc, gdst, dispp,
      W1_0, W2_0, Wsh_0, W1_1, W2_1, Wsh_1)


NBLK = 1000


def _n0_body(ids_ref, wm_ref, ws_ref, feat_ref, self_ref):
    ids = ids_ref[...]
    iota = lax.broadcasted_iota(jnp.int32, (NBLK, NUM_SPECIES), 1)
    oh = (ids == iota).astype(jnp.float32)
    feat_ref[...] = jnp.dot(oh, wm_ref[...], precision=lax.Precision.HIGHEST,
                            preferred_element_type=jnp.float32)
    self_ref[...] = jnp.dot(oh, ws_ref[...], precision=lax.Precision.HIGHEST,
                            preferred_element_type=jnp.float32)


def _run_n0(nodes2, W_msg_0, W_self_0):
    grid = (N_TOT // NBLK,)
    return pl.pallas_call(
        _n0_body,
        grid=grid,
        in_specs=[
            pl.BlockSpec((NBLK, 1), lambda i: (i, 0)),
            pl.BlockSpec((NUM_SPECIES, MUL), lambda i: (0, 0)),
            pl.BlockSpec((NUM_SPECIES, MUL), lambda i: (0, 0)),
        ],
        out_specs=[
            pl.BlockSpec((NBLK, MUL), lambda i: (i, 0)),
            pl.BlockSpec((NBLK, MUL), lambda i: (i, 0)),
        ],
        out_shape=[
            jax.ShapeDtypeStruct((N_TOT, MUL), jnp.float32),
            jax.ShapeDtypeStruct((N_TOT, MUL), jnp.float32),
        ],
    )(nodes2, W_msg_0, W_self_0)


def _n1_body(self_ref, agg_ref, wm_ref, ws_ref, h_ref, feat_ref, selfn_ref):
    h = jax.nn.silu(self_ref[...] + 0.25 * agg_ref[...])
    h_ref[...] = h
    feat_ref[...] = jnp.dot(h, wm_ref[...], precision=lax.Precision.HIGHEST,
                            preferred_element_type=jnp.float32)
    selfn_ref[...] = jnp.dot(h, ws_ref[...], precision=lax.Precision.HIGHEST,
                            preferred_element_type=jnp.float32)


def _run_n1(self0, agg0, W_msg_1, W_self_1):
    grid = (N_TOT // NBLK,)
    nb = pl.BlockSpec((NBLK, MUL), lambda i: (i, 0))
    return pl.pallas_call(
        _n1_body,
        grid=grid,
        in_specs=[nb, nb,
                  pl.BlockSpec((MUL, MUL), lambda i: (0, 0)),
                  pl.BlockSpec((MUL, MUL), lambda i: (0, 0))],
        out_specs=[nb, nb, nb],
        out_shape=[jax.ShapeDtypeStruct((N_TOT, MUL), jnp.float32)] * 3,
    )(self0, agg0, W_msg_1, W_self_1)


def _n2_body(self_ref, agg_ref, h_ref):
    h_ref[...] = jax.nn.silu(self_ref[...] + 0.25 * agg_ref[...])


def _run_n2(self1, agg1):
    grid = (N_TOT // NBLK,)
    nb = pl.BlockSpec((NBLK, MUL), lambda i: (i, 0))
    return pl.pallas_call(
        _n2_body, grid=grid, in_specs=[nb, nb], out_specs=nb,
        out_shape=jax.ShapeDtypeStruct((N_TOT, MUL), jnp.float32),
    )(self1, agg1)


def kernel(atom_edges_displacement, num_atom_edges, num_nodes, atom_edges,
           atom_xyz, nodes, cell,
           W_self_0, W_msg_0, W1_0, W2_0, Wsh_0,
           W_self_1, W_msg_1, W1_1, W2_1, Wsh_1):
    node_off = (jnp.arange(B, dtype=jnp.int32) * N_PER)[:, None]
    src = (atom_edges[:, :, 0].astype(jnp.int32) + node_off).reshape(E_TOT)
    dst = (atom_edges[:, :, 1].astype(jnp.int32) + node_off).reshape(E_TOT)
    dstl = atom_edges[:, :, 1].astype(jnp.int32).reshape(E_TOT)
    xyz4 = jnp.pad(atom_xyz.reshape(N_TOT, 3), ((0, 0), (0, 1)))
    dispp = jnp.pad(atom_edges_displacement.reshape(E_TOT, 3),
                    ((0, 0), (0, 1)))
    cellp = jnp.pad(cell, ((0, 0), (0, 1), (0, 1))).reshape(B, 16)
    nodes2 = nodes.reshape(N_TOT, 1).astype(jnp.int32)

    gsrc, gdst = _sc_gather_xyz(src, dst, xyz4)

    c0, c1 = _run_geometry(cellp, gsrc, gdst, dispp,
                           W1_0, W2_0, Wsh_0, W1_1, W2_1, Wsh_1)

    feat0, self0 = _run_n0(nodes2, W_msg_0, W_self_0)

    aggp0 = _sc_interact(src, dstl, feat0, c0)
    agg0 = aggp0[:, :, :N_PER].reshape(N_TOT, MUL)

    h1, feat1, self1 = _run_n1(self0, agg0, W_msg_1, W_self_1)

    aggp1 = _sc_interact(src, dstl, feat1, c1)
    agg1 = aggp1[:, :, :N_PER].reshape(N_TOT, MUL)

    h2 = _run_n2(self1, agg1)
    return (h1, h2)

# --- scband reference (transcript-rebuilt; emitter-appended) ---
"""Pipeline reference for scband-atomic-configuration-model-72335839200043 (READ-ONLY COPY).

The authoritative reference and input builder live on the scoring server;
editing this copy changes nothing except your own understanding.
"""

import jax, jax.numpy as jnp
import numpy as np

B = 4
N_PER = 12500
E_PER = 200000
NUM_SPECIES = 119
MUL = 64
NUM_BASIS = 10
CUTOFF = 4.0
NUM_NEIGH = 16.0
NUM_SH = 9  # lmax=2 -> 1+3+5 components


def _spherical_harmonics(vec):
    # component-normalized real spherical harmonics up to l=2 of the normalized edge vector
    n = vec / (jnp.linalg.norm(vec, axis=1, keepdims=True) + 1e-12)
    x, y, z = n[:, 0], n[:, 1], n[:, 2]
    s3 = np.sqrt(3.0); s5 = np.sqrt(5.0); s15 = np.sqrt(15.0)
    return jnp.stack([
        jnp.ones_like(x),
        s3 * x, s3 * y, s3 * z,
        s15 * x * y, s15 * y * z, (s5 / 2.0) * (3.0 * z * z - 1.0), s15 * x * z, (s15 / 2.0) * (x * x - y * y),
    ], axis=1)


def _radial_basis(r):
    # normalized gaussian basis on [0, cutoff] (soft_one_hot_linspace, basis='gaussian')
    centers = jnp.linspace(0.0, CUTOFF, NUM_BASIS)
    step = CUTOFF / (NUM_BASIS - 1)
    d = (r[:, None] - centers[None, :]) / step
    return 1.12 * jnp.exp(-d * d)


def _unpad_and_cat(stacked, lens):
    b, n = stacked.shape[0], stacked.shape[1]
    mask = (jnp.arange(n, dtype=lens.dtype)[None, :] < lens[:, None])
    mask = mask.reshape((b * n,) + (1,) * (stacked.ndim - 2)).astype(stacked.dtype)
    return stacked.reshape((b * n,) + stacked.shape[2:]) * mask


def setup_inputs(seed: int = 0) -> dict:
    key = jax.random.key(seed)
    ks = jax.random.split(key, 16)
    inp = {}
    inp['atom_edges_displacement'] = jax.random.randint(ks[0], (B, E_PER, 3), -1, 2).astype(jnp.float32)
    inp['num_atom_edges'] = jnp.full((B,), E_PER, dtype=jnp.int32)
    inp['num_nodes'] = jnp.full((B,), N_PER, dtype=jnp.int32)
    inp['atom_edges'] = jax.random.randint(ks[1], (B, E_PER, 2), 0, N_PER)
    inp['atom_xyz'] = jax.random.normal(ks[2], (B, N_PER, 3), dtype=jnp.float32) * 5.0
    inp['nodes'] = jax.random.randint(ks[3], (B, N_PER), 0, NUM_SPECIES)
    inp['cell'] = jnp.tile(jnp.eye(3, dtype=jnp.float32) * 10.0, (B, 1, 1)) + 0.01 * jax.random.normal(ks[4], (B, 3, 3), dtype=jnp.float32)
    # learned parameters for 2 interaction blocks
    dims_in = [NUM_SPECIES, MUL]
    for i in range(2):
        f_in = dims_in[i]
        inp[f'W_self_{i}'] = 0.1 * jax.random.normal(ks[5 + 5 * i], (f_in, MUL), dtype=jnp.float32)
        inp[f'W_msg_{i}'] = 0.1 * jax.random.normal(ks[6 + 5 * i], (f_in, MUL), dtype=jnp.float32)
        inp[f'W1_{i}'] = 0.1 * jax.random.normal(ks[7 + 5 * i], (NUM_BASIS, 100), dtype=jnp.float32)
        inp[f'W2_{i}'] = 0.1 * jax.random.normal(ks[8 + 5 * i], (100, MUL), dtype=jnp.float32)
        inp[f'Wsh_{i}'] = 0.1 * jax.random.normal(ks[9 + 5 * i], (NUM_SH, MUL), dtype=jnp.float32)
    return inp


def reference(atom_edges_displacement, num_atom_edges, num_nodes, atom_edges, atom_xyz, nodes, cell,
              W_self_0, W_msg_0, W1_0, W2_0, Wsh_0, W_self_1, W_msg_1, W1_1, W2_1, Wsh_1):
    # --- edge / node flattening (unpad_and_cat + batch offsets) ---
    edges_displacement = _unpad_and_cat(atom_edges_displacement, num_atom_edges)
    edge_offset = jnp.cumsum(jnp.concatenate([jnp.zeros((1,), dtype=num_nodes.dtype), num_nodes[:-1]]))
    edges = atom_edges + edge_offset[:, None, None]
    edges = _unpad_and_cat(edges, num_atom_edges)
    edge_src = edges[:, 0]
    edge_dst = edges[:, 1]
    atom_xyz_f = _unpad_and_cat(atom_xyz, num_nodes)
    nodes_f = _unpad_and_cat(nodes, num_nodes)
    h = jax.nn.one_hot(nodes_f, NUM_SPECIES, dtype=jnp.float32)
    # --- periodic displacement: repeat_interleave(cell) then matmul ---
    unitcell_repeat = jnp.repeat(cell, atom_edges_displacement.shape[1], axis=0)
    displacement = jnp.einsum('ej,ejk->ek', edges_displacement, unitcell_repeat)
    neigh_pos = jnp.take(atom_xyz_f, edge_src, axis=0)
    neigh_abs_pos = neigh_pos + displacement
    this_pos = jnp.take(atom_xyz_f, edge_dst, axis=0)
    edge_vec = this_pos - neigh_abs_pos
    edge_attr = _spherical_harmonics(edge_vec)
    edge_length = jnp.linalg.norm(edge_vec, axis=1)
    emb = _radial_basis(edge_length)
    n_total = atom_xyz_f.shape[0]
    # --- equivariant-style message passing interactions ---
    params = [(W_self_0, W_msg_0, W1_0, W2_0, Wsh_0), (W_self_1, W_msg_1, W1_1, W2_1, Wsh_1)]
    nodes_list = []
    for (Ws, Wm, W1, W2, Wsh) in params:
        R = jax.nn.silu(emb @ W1) @ W2                 # radial fc_neurons=[10,100] -> mul
        S = edge_attr @ Wsh                            # spherical-harmonic edge mixing
        msg = jnp.take(h @ Wm, edge_src, axis=0) * R * S
        agg = jax.ops.segment_sum(msg, edge_dst, num_segments=n_total) / np.sqrt(NUM_NEIGH)
        h = jax.nn.silu(h @ Ws + agg)                  # gated self-connection + aggregation
        nodes_list.append(h)
    return tuple(nodes_list)

if __name__ == "__main__":
    import jax
    _d = setup_inputs()
    print(jax.jit(kernel)(*tuple(_d.values())))

</pallas_src>

<mosaic_0001>
#map = affine_map<(d0, d1) -> (0)>
#map1 = affine_map<(d0, d1) -> (0, 0)>
#map2 = affine_map<(d0, d1) -> (0, 0, 0, 0)>
module attributes {stable_mosaic.version = 14 : i64} {
  func.func @sc_interact(%arg0: i32, %arg1: i32, %arg2: memref<800000xi32, #tpu.memory_space<hbm>>, %arg3: memref<800000xi32, #tpu.memory_space<hbm>>, %arg4: memref<50000x64xf32, #tpu.memory_space<hbm>>, %arg5: memref<400000x128xf32, #tpu.memory_space<hbm>>, %arg6: memref<2x2x12544x64xf32, #tpu.memory_space<hbm>>, %arg7: memref<128xi32, #tpu.memory_space<vmem>>, %arg8: memref<128xi32, #tpu.memory_space<vmem>>, %arg9: memref<128x64xf32, #tpu.memory_space<vmem>>, %arg10: memref<128x128xf32, #tpu.memory_space<vmem>>, %arg11: memref<64xi32, #tpu.memory_space<vmem>>, %arg12: memref<64xi32, #tpu.memory_space<vmem>>, %arg13: memref<64x64xf32, #tpu.memory_space<vmem>>, %arg14: memref<64x128xf32, #tpu.memory_space<vmem>>, %arg15: memref<112x64xf32, #tpu.memory_space<vmem>>, %arg16: memref<12544x64xf32, #tpu.memory_space<vmem_shared>>, %arg17: memref<!tpu.dma_semaphore, #tpu.memory_space<semaphore_mem>>) attributes {dimension_semantics = [#tpu.dimension_semantics<core_parallel>, #tpu.dimension_semantics<subcore_parallel>], iteration_bounds = array<i64: 2, 16>, scalar_prefetch = 0 : i64, scratch_operands = 11 : i64, tpu.core_type = #tpu.core_type<sc_vector_subcore>, window_params = [{transform_indices = #map}, {transform_indices = #map}, {transform_indices = #map1}, {transform_indices = #map1}, {transform_indices = #map2}]} {
    %broadcast_in_dim3A = arith.constant 0.000000e+00 : f32
    %broadcast_in_dim3A_0 = vector.broadcast %broadcast_in_dim3A : f32 to vector<16xf32>
    %scan3A = arith.constant 0 : i32
    %scan3A_1 = arith.constant 0 : i32
    %scan3A_2 = arith.constant 112 : i32
    %scan3A_3 = arith.addi %scan3A_1, %scan3A_2 : i32
    %scan3A_4 = arith.constant 1 : i32
    %scan3A_5 = scf.for %scan3A_102 = %scan3A_1 to %scan3A_3 step %scan3A_4 iter_args(%scan3A_103 = %scan3A) -> (i32)  : i32 {
      %swap3A = arith.index_cast %scan3A_102 : i32 to index
      %swap3A_104 = arith.constant 0 : index
      %swap3A_105 = tpu.vector_load %arg15[%swap3A, %swap3A_104] {strides = array<i32>} : memref<112x64xf32, #tpu.memory_space<vmem>>, vector<1x16xf32>,
      %swap3A_106 = vector.shape_cast %swap3A_105 : vector<1x16xf32> to vector<16xf32>
      %swap3A_107 = vector.shape_cast %broadcast_in_dim3A_0 : vector<16xf32> to vector<1x16xf32>
      tpu.vector_store %arg15[%swap3A, %swap3A_104], %swap3A_107 {strides = array<i32>} : memref<112x64xf32, #tpu.memory_space<vmem>>, vector<1x16xf32>,
      %swap3A_108 = arith.index_cast %scan3A_102 : i32 to index
      %swap3A_109 = arith.constant 16 : index
      %swap3A_110 = tpu.vector_load %arg15[%swap3A_108, %swap3A_109] {strides = array<i32>} : memref<112x64xf32, #tpu.memory_space<vmem>>, vector<1x16xf32>,
      %swap3A_111 = vector.shape_cast %swap3A_110 : vector<1x16xf32> to vector<16xf32>
      %swap3A_112 = vector.shape_cast %broadcast_in_dim3A_0 : vector<16xf32> to vector<1x16xf32>
      tpu.vector_store %arg15[%swap3A_108, %swap3A_109], %swap3A_112 {strides = array<i32>} : memref<112x64xf32, #tpu.memory_space<vmem>>, vector<1x16xf32>,
      %swap3A_113 = arith.index_cast %scan3A_102 : i32 to index
      %swap3A_114 = arith.constant 32 : index
      %swap3A_115 = tpu.vector_load %arg15[%swap3A_113, %swap3A_114] {strides = array<i32>} : memref<112x64xf32, #tpu.memory_space<vmem>>, vector<1x16xf32>,
      %swap3A_116 = vector.shape_cast %swap3A_115 : vector<1x16xf32> to vector<16xf32>
      %swap3A_117 = vector.shape_cast %broadcast_in_dim3A_0 : vector<16xf32> to vector<1x16xf32>
      tpu.vector_store %arg15[%swap3A_113, %swap3A_114], %swap3A_117 {strides = array<i32>} : memref<112x64xf32, #tpu.memory_space<vmem>>, vector<1x16xf32>,
      %swap3A_118 = arith.index_cast %scan3A_102 : i32 to index
      %swap3A_119 = arith.constant 48 : index
      %swap3A_120 = tpu.vector_load %arg15[%swap3A_118, %swap3A_119] {strides = array<i32>} : memref<112x64xf32, #tpu.memory_space<vmem>>, vector<1x16xf32>,
      %swap3A_121 = vector.shape_cast %swap3A_120 : vector<1x16xf32> to vector<16xf32>
      %swap3A_122 = vector.shape_cast %broadcast_in_dim3A_0 : vector<16xf32> to vector<1x16xf32>
      tpu.vector_store %arg15[%swap3A_118, %swap3A_119], %swap3A_122 {strides = array<i32>} : memref<112x64xf32, #tpu.memory_space<vmem>>, vector<1x16xf32>,
      %scan3A_123 = arith.constant 0 : i32
      scf.yield %scan3A_123 : i32
    }
    %scan3A_6 = arith.constant 112 : i32
    %mul3A = arith.constant 784 : i32
    %mul3A_7 = arith.muli %arg1, %mul3A : i32
    %add3A = arith.constant 0 : i32
    %add3A_8 = arith.addi %mul3A_7, %add3A : i32
    "tpu.region"() ({
      %run_scoped3A_102 = tpu.sem_alloc : memref<!tpu.dma_semaphore, #tpu.memory_space<semaphore_mem>>
      %dma_start3A = arith.constant 0 : i32
      %dma_start3A_103 = tpu.memref_slice %arg16[%add3A_8, %dma_start3A] : memref<12544x64xf32, #tpu.memory_space<vmem_shared>> -> memref<112x64xf32, #tpu.memory_space<vmem_shared>>
      %dma_start3A_104 = arith.constant 0 : i32
      %dma_start3A_105 = tpu.memref_slice %arg16[%add3A_8, %dma_start3A_104] : memref<12544x64xf32, #tpu.memory_space<vmem_shared>> -> memref<112x64xf32, #tpu.memory_space<vmem_shared>>
      tpu.enqueue_dma source(%arg15 : memref<112x64xf32, #tpu.memory_space<vmem>>) target(%dma_start3A_105 : memref<112x64xf32, #tpu.memory_space<vmem_shared>>) target_semaphore(%run_scoped3A_102 : memref<!tpu.dma_semaphore, #tpu.memory_space<semaphore_mem>>)
      %dma_wait3A = arith.constant 0 : i32
      %dma_wait3A_106 = tpu.memref_slice %arg16[%add3A_8, %dma_wait3A] : memref<12544x64xf32, #tpu.memory_space<vmem_shared>> -> memref<112x64xf32, #tpu.memory_space<vmem_shared>>
      %dma_wait3A_107 = arith.constant 0 : i32
      %dma_wait3A_108 = tpu.memref_slice %arg16[%add3A_8, %dma_wait3A_107] : memref<12544x64xf32, #tpu.memory_space<vmem_shared>> -> memref<112x64xf32, #tpu.memory_space<vmem_shared>>
      tpu.wait_dma2 semaphore(%run_scoped3A_102 : memref<!tpu.dma_semaphore, #tpu.memory_space<semaphore_mem>>) src(%arg15 : memref<112x64xf32, #tpu.memory_space<vmem>>) dst(%dma_wait3A_108 : memref<112x64xf32, #tpu.memory_space<vmem_shared>>)
      tpu.yield
    }) : () -> ()
    %mul3A_9 = arith.constant 784 : i32
    %mul3A_10 = arith.muli %arg1, %mul3A_9 : i32
    %add3A_11 = arith.constant 112 : i32
    %add3A_12 = arith.addi %mul3A_10, %add3A_11 : i32
    "tpu.region"() ({
      %run_scoped3A_102 = tpu.sem_alloc : memref<!tpu.dma_semaphore, #tpu.memory_space<semaphore_mem>>
      %dma_start3A = arith.constant 0 : i32
      %dma_start3A_103 = tpu.memref_slice %arg16[%add3A_12, %dma_start3A] : memref<12544x64xf32, #tpu.memory_space<vmem_shared>> -> memref<112x64xf32, #tpu.memory_space<vmem_shared>>
      %dma_start3A_104 = arith.constant 0 : i32
      %dma_start3A_105 = tpu.memref_slice %arg16[%add3A_12, %dma_start3A_104] : memref<12544x64xf32, #tpu.memory_space<vmem_shared>> -> memref<112x64xf32, #tpu.memory_space<vmem_shared>>
      tpu.enqueue_dma source(%arg15 : memref<112x64xf32, #tpu.memory_space<vmem>>) target(%dma_start3A_105 : memref<112x64xf32, #tpu.memory_space<vmem_shared>>) target_semaphore(%run_scoped3A_102 : memref<!tpu.dma_semaphore, #tpu.memory_space<semaphore_mem>>)
      %dma_wait3A = arith.constant 0 : i32
      %dma_wait3A_106 = tpu.memref_slice %arg16[%add3A_12, %dma_wait3A] : memref<12544x64xf32, #tpu.memory_space<vmem_shared>> -> memref<112x64xf32, #tpu.memory_space<vmem_shared>>
      %dma_wait3A_107 = arith.constant 0 : i32
      %dma_wait3A_108 = tpu.memref_slice %arg16[%add3A_12, %dma_wait3A_107] : memref<12544x64xf32, #tpu.memory_space<vmem_shared>> -> memref<112x64xf32, #tpu.memory_space<vmem_shared>>
      tpu.wait_dma2 semaphore(%run_scoped3A_102 : memref<!tpu.dma_semaphore, #tpu.memory_space<semaphore_mem>>) src(%arg15 : memref<112x64xf32, #tpu.memory_space<vmem>>) dst(%dma_wait3A_108 : memref<112x64xf32, #tpu.memory_space<vmem_shared>>)
      tpu.yield
    }) : () -> ()
    %mul3A_13 = arith.constant 784 : i32
    %mul3A_14 = arith.muli %arg1, %mul3A_13 : i32
    %add3A_15 = arith.constant 224 : i32
    %add3A_16 = arith.addi %mul3A_14, %add3A_15 : i32
    "tpu.region"() ({
      %run_scoped3A_102 = tpu.sem_alloc : memref<!tpu.dma_semaphore, #tpu.memory_space<semaphore_mem>>
      %dma_start3A = arith.constant 0 : i32
      %dma_start3A_103 = tpu.memref_slice %arg16[%add3A_16, %dma_start3A] : memref<12544x64xf32, #tpu.memory_space<vmem_shared>> -> memref<112x64xf32, #tpu.memory_space<vmem_shared>>
      %dma_start3A_104 = arith.constant 0 : i32
      %dma_start3A_105 = tpu.memref_slice %arg16[%add3A_16, %dma_start3A_104] : memref<12544x64xf32, #tpu.memory_space<vmem_shared>> -> memref<112x64xf32, #tpu.memory_space<vmem_shared>>
      tpu.enqueue_dma source(%arg15 : memref<112x64xf32, #tpu.memory_space<vmem>>) target(%dma_start3A_105 : memref<112x64xf32, #tpu.memory_space<vmem_shared>>) target_semaphore(%run_scoped3A_102 : memref<!tpu.dma_semaphore, #tpu.memory_space<semaphore_mem>>)
      %dma_wait3A = arith.constant 0 : i32
      %dma_wait3A_106 = tpu.memref_slice %arg16[%add3A_16, %dma_wait3A] : memref<12544x64xf32, #tpu.memory_space<vmem_shared>> -> memref<112x64xf32, #tpu.memory_space<vmem_shared>>
      %dma_wait3A_107 = arith.constant 0 : i32
      %dma_wait3A_108 = tpu.memref_slice %arg16[%add3A_16, %dma_wait3A_107] : memref<12544x64xf32, #tpu.memory_space<vmem_shared>> -> memref<112x64xf32, #tpu.memory_space<vmem_shared>>
      tpu.wait_dma2 semaphore(%run_scoped3A_102 : memref<!tpu.dma_semaphore, #tpu.memory_space<semaphore_mem>>) src(%arg15 : memref<112x64xf32, #tpu.memory_space<vmem>>) dst(%dma_wait3A_108 : memref<112x64xf32, #tpu.memory_space<vmem_shared>>)
      tpu.yield
    }) : () -> ()
    %mul3A_17 = arith.constant 784 : i32
    %mul3A_18 = arith.muli %arg1, %mul3A_17 : i32
    %add3A_19 = arith.constant 336 : i32
    %add3A_20 = arith.addi %mul3A_18, %add3A_19 : i32
    "tpu.region"() ({
      %run_scoped3A_102 = tpu.sem_alloc : memref<!tpu.dma_semaphore, #tpu.memory_space<semaphore_mem>>
      %dma_start3A = arith.constant 0 : i32
      %dma_start3A_103 = tpu.memref_slice %arg16[%add3A_20, %dma_start3A] : memref<12544x64xf32, #tpu.memory_space<vmem_shared>> -> memref<112x64xf32, #tpu.memory_space<vmem_shared>>
      %dma_start3A_104 = arith.constant 0 : i32
      %dma_start3A_105 = tpu.memref_slice %arg16[%add3A_20, %dma_start3A_104] : memref<12544x64xf32, #tpu.memory_space<vmem_shared>> -> memref<112x64xf32, #tpu.memory_space<vmem_shared>>
      tpu.enqueue_dma source(%arg15 : memref<112x64xf32, #tpu.memory_space<vmem>>) target(%dma_start3A_105 : memref<112x64xf32, #tpu.memory_space<vmem_shared>>) target_semaphore(%run_scoped3A_102 : memref<!tpu.dma_semaphore, #tpu.memory_space<semaphore_mem>>)
      %dma_wait3A = arith.constant 0 : i32
      %dma_wait3A_106 = tpu.memref_slice %arg16[%add3A_20, %dma_wait3A] : memref<12544x64xf32, #tpu.memory_space<vmem_shared>> -> memref<112x64xf32, #tpu.memory_space<vmem_shared>>
      %dma_wait3A_107 = arith.constant 0 : i32
      %dma_wait3A_108 = tpu.memref_slice %arg16[%add3A_20, %dma_wait3A_107] : memref<12544x64xf32, #tpu.memory_space<vmem_shared>> -> memref<112x64xf32, #tpu.memory_space<vmem_shared>>
      tpu.wait_dma2 semaphore(%run_scoped3A_102 : memref<!tpu.dma_semaphore, #tpu.memory_space<semaphore_mem>>) src(%arg15 : memref<112x64xf32, #tpu.memory_space<vmem>>) dst(%dma_wait3A_108 : memref<112x64xf32, #tpu.memory_space<vmem_shared>>)
      tpu.yield
    }) : () -> ()
    %mul3A_21 = arith.constant 784 : i32
    %mul3A_22 = arith.muli %arg1, %mul3A_21 : i32
    %add3A_23 = arith.constant 448 : i32
    %add3A_24 = arith.addi %mul3A_22, %add3A_23 : i32
    "tpu.region"() ({
      %run_scoped3A_102 = tpu.sem_alloc : memref<!tpu.dma_semaphore, #tpu.memory_space<semaphore_mem>>
      %dma_start3A = arith.constant 0 : i32
      %dma_start3A_103 = tpu.memref_slice %arg16[%add3A_24, %dma_start3A] : memref<12544x64xf32, #tpu.memory_space<vmem_shared>> -> memref<112x64xf32, #tpu.memory_space<vmem_shared>>
      %dma_start3A_104 = arith.constant 0 : i32
      %dma_start3A_105 = tpu.memref_slice %arg16[%add3A_24, %dma_start3A_104] : memref<12544x64xf32, #tpu.memory_space<vmem_shared>> -> memref<112x64xf32, #tpu.memory_space<vmem_shared>>
      tpu.enqueue_dma source(%arg15 : memref<112x64xf32, #tpu.memory_space<vmem>>) target(%dma_start3A_105 : memref<112x64xf32, #tpu.memory_space<vmem_shared>>) target_semaphore(%run_scoped3A_102 : memref<!tpu.dma_semaphore, #tpu.memory_space<semaphore_mem>>)
      %dma_wait3A = arith.constant 0 : i32
      %dma_wait3A_106 = tpu.memref_slice %arg16[%add3A_24, %dma_wait3A] : memref<12544x64xf32, #tpu.memory_space<vmem_shared>> -> memref<112x64xf32, #tpu.memory_space<vmem_shared>>
      %dma_wait3A_107 = arith.constant 0 : i32
      %dma_wait3A_108 = tpu.memref_slice %arg16[%add3A_24, %dma_wait3A_107] : memref<12544x64xf32, #tpu.memory_space<vmem_shared>> -> memref<112x64xf32, #tpu.memory_space<vmem_shared>>
      tpu.wait_dma2 semaphore(%run_scoped3A_102 : memref<!tpu.dma_semaphore, #tpu.memory_space<semaphore_mem>>) src(%arg15 : memref<112x64xf32, #tpu.memory_space<vmem>>) dst(%dma_wait3A_108 : memref<112x64xf32, #tpu.memory_space<vmem_shared>>)
      tpu.yield
    }) : () -> ()
    %mul3A_25 = arith.constant 784 : i32
    %mul3A_26 = arith.muli %arg1, %mul3A_25 : i32
    %add3A_27 = arith.constant 560 : i32
    %add3A_28 = arith.addi %mul3A_26, %add3A_27 : i32
    "tpu.region"() ({
      %run_scoped3A_102 = tpu.sem_alloc : memref<!tpu.dma_semaphore, #tpu.memory_space<semaphore_mem>>
      %dma_start3A = arith.constant 0 : i32
      %dma_start3A_103 = tpu.memref_slice %arg16[%add3A_28, %dma_start3A] : memref<12544x64xf32, #tpu.memory_space<vmem_shared>> -> memref<112x64xf32, #tpu.memory_space<vmem_shared>>
      %dma_start3A_104 = arith.constant 0 : i32
      %dma_start3A_105 = tpu.memref_slice %arg16[%add3A_28, %dma_start3A_104] : memref<12544x64xf32, #tpu.memory_space<vmem_shared>> -> memref<112x64xf32, #tpu.memory_space<vmem_shared>>
      tpu.enqueue_dma source(%arg15 : memref<112x64xf32, #tpu.memory_space<vmem>>) target(%dma_start3A_105 : memref<112x64xf32, #tpu.memory_space<vmem_shared>>) target_semaphore(%run_scoped3A_102 : memref<!tpu.dma_semaphore, #tpu.memory_space<semaphore_mem>>)
      %dma_wait3A = arith.constant 0 : i32
      %dma_wait3A_106 = tpu.memref_slice %arg16[%add3A_28, %dma_wait3A] : memref<12544x64xf32, #tpu.memory_space<vmem_shared>> -> memref<112x64xf32, #tpu.memory_space<vmem_shared>>
      %dma_wait3A_107 = arith.constant 0 : i32
      %dma_wait3A_108 = tpu.memref_slice %arg16[%add3A_28, %dma_wait3A_107] : memref<12544x64xf32, #tpu.memory_space<vmem_shared>> -> memref<112x64xf32, #tpu.memory_space<vmem_shared>>
      tpu.wait_dma2 semaphore(%run_scoped3A_102 : memref<!tpu.dma_semaphore, #tpu.memory_space<semaphore_mem>>) src(%arg15 : memref<112x64xf32, #tpu.memory_space<vmem>>) dst(%dma_wait3A_108 : memref<112x64xf32, #tpu.memory_space<vmem_shared>>)
      tpu.yield
    }) : () -> ()
    %mul3A_29 = arith.constant 784 : i32
    %mul3A_30 = arith.muli %arg1, %mul3A_29 : i32
    %add3A_31 = arith.constant 672 : i32
    %add3A_32 = arith.addi %mul3A_30, %add3A_31 : i32
    "tpu.region"() ({
      %run_scoped3A_102 = tpu.sem_alloc : memref<!tpu.dma_semaphore, #tpu.memory_space<semaphore_mem>>
      %dma_start3A = arith.constant 0 : i32
      %dma_start3A_103 = tpu.memref_slice %arg16[%add3A_32, %dma_start3A] : memref<12544x64xf32, #tpu.memory_space<vmem_shared>> -> memref<112x64xf32, #tpu.memory_space<vmem_shared>>
      %dma_start3A_104 = arith.constant 0 : i32
      %dma_start3A_105 = tpu.memref_slice %arg16[%add3A_32, %dma_start3A_104] : memref<12544x64xf32, #tpu.memory_space<vmem_shared>> -> memref<112x64xf32, #tpu.memory_space<vmem_shared>>
      tpu.enqueue_dma source(%arg15 : memref<112x64xf32, #tpu.memory_space<vmem>>) target(%dma_start3A_105 : memref<112x64xf32, #tpu.memory_space<vmem_shared>>) target_semaphore(%run_scoped3A_102 : memref<!tpu.dma_semaphore, #tpu.memory_space<semaphore_mem>>)
      %dma_wait3A = arith.constant 0 : i32
      %dma_wait3A_106 = tpu.memref_slice %arg16[%add3A_32, %dma_wait3A] : memref<12544x64xf32, #tpu.memory_space<vmem_shared>> -> memref<112x64xf32, #tpu.memory_space<vmem_shared>>
      %dma_wait3A_107 = arith.constant 0 : i32
      %dma_wait3A_108 = tpu.memref_slice %arg16[%add3A_32, %dma_wait3A_107] : memref<12544x64xf32, #tpu.memory_space<vmem_shared>> -> memref<112x64xf32, #tpu.memory_space<vmem_shared>>
      tpu.wait_dma2 semaphore(%run_scoped3A_102 : memref<!tpu.dma_semaphore, #tpu.memory_space<semaphore_mem>>) src(%arg15 : memref<112x64xf32, #tpu.memory_space<vmem>>) dst(%dma_wait3A_108 : memref<112x64xf32, #tpu.memory_space<vmem_shared>>)
      tpu.yield
    }) : () -> ()
    %barrier3A = arith.constant 0 : index
    tpu.barrier barrier_id(%barrier3A)
    %mul3A_33 = arith.constant 400000 : i32
    %mul3A_34 = arith.muli %arg0, %mul3A_33 : i32
    %add3A_35 = arith.constant 0 : i32
    %add3A_36 = arith.addi %mul3A_34, %add3A_35 : i32
    %scan3A_37 = arith.constant 0 : i32
    %scan3A_38 = arith.constant 0 : i32
    %scan3A_39 = arith.constant 98 : i32
    %scan3A_40 = arith.addi %scan3A_38, %scan3A_39 : i32
    %scan3A_41 = arith.constant 1 : i32
    %scan3A_42 = scf.for %scan3A_102 = %scan3A_38 to %scan3A_40 step %scan3A_41 iter_args(%scan3A_103 = %scan3A_37) -> (i32)  : i32 {
      %mul3A_104 = arith.constant 16 : i32
      %mul3A_105 = arith.muli %scan3A_102, %mul3A_104 : i32
      %add3A_106 = arith.addi %mul3A_105, %arg1 : i32
      %lt3A = arith.constant 1562 : i32
      %lt3A_107 = arith.cmpi slt, %add3A_106, %lt3A : i32
      %convert_element_type3A_108 = arith.extui %lt3A_107 : i1 to i32
      %cond3A_109 = arith.constant 0 : i32
      %cond3A_110 = arith.cmpi ne, %convert_element_type3A_108, %cond3A_109 : i32
      scf.if %cond3A_110 {
        %mul3A_112 = arith.constant 128 : i32
        %mul3A_113 = arith.muli %add3A_106, %mul3A_112 : i32
        %add3A_114 = arith.addi %add3A_36, %mul3A_113 : i32
        "tpu.region"() ({
          %run_scoped3A_133 = tpu.sem_alloc : memref<!tpu.dma_semaphore, #tpu.memory_space<semaphore_mem>>
          %dma_start3A_134 = tpu.memref_slice %arg2[%add3A_114] : memref<800000xi32, #tpu.memory_space<hbm>> -> memref<128xi32, #tpu.memory_space<hbm>>
          %dma_start3A_135 = tpu.memref_slice %arg2[%add3A_114] : memref<800000xi32, #tpu.memory_space<hbm>> -> memref<128xi32, #tpu.memory_space<hbm>>
          tpu.enqueue_dma source(%dma_start3A_135 : memref<128xi32, #tpu.memory_space<hbm>>) target(%arg7 : memref<128xi32, #tpu.memory_space<vmem>>) target_semaphore(%run_scoped3A_133 : memref<!tpu.dma_semaphore, #tpu.memory_space<semaphore_mem>>)
          %dma_wait3A_136 = tpu.memref_slice %arg2[%add3A_114] : memref<800000xi32, #tpu.memory_space<hbm>> -> memref<128xi32, #tpu.memory_space<hbm>>
          %dma_wait3A_137 = tpu.memref_slice %arg2[%add3A_114] : memref<800000xi32, #tpu.memory_space<hbm>> -> memref<128xi32, #tpu.memory_space<hbm>>
          tpu.wait_dma2 semaphore(%run_scoped3A_133 : memref<!tpu.dma_semaphore, #tpu.memory_space<semaphore_mem>>) src(%dma_wait3A_137 : memref<128xi32, #tpu.memory_space<hbm>>) dst(%arg7 : memref<128xi32, #tpu.memory_space<vmem>>)
          tpu.yield
        }) : () -> ()
        "tpu.region"() ({
          %run_scoped3A_133 = tpu.sem_alloc : memref<!tpu.dma_semaphore, #tpu.memory_space<semaphore_mem>>
          %dma_start3A_134 = tpu.memref_slice %arg3[%add3A_114] : memref<800000xi32, #tpu.memory_space<hbm>> -> memref<128xi32, #tpu.memory_space<hbm>>
          %dma_start3A_135 = tpu.memref_slice %arg3[%add3A_114] : memref<800000xi32, #tpu.memory_space<hbm>> -> memref<128xi32, #tpu.memory_space<hbm>>
          tpu.enqueue_dma source(%dma_start3A_135 : memref<128xi32, #tpu.memory_space<hbm>>) target(%arg8 : memref<128xi32, #tpu.memory_space<vmem>>) target_semaphore(%run_scoped3A_133 : memref<!tpu.dma_semaphore, #tpu.memory_space<semaphore_mem>>)
          %dma_wait3A_136 = tpu.memref_slice %arg3[%add3A_114] : memref<800000xi32, #tpu.memory_space<hbm>> -> memref<128xi32, #tpu.memory_space<hbm>>
          %dma_wait3A_137 = tpu.memref_slice %arg3[%add3A_114] : memref<800000xi32, #tpu.memory_space<hbm>> -> memref<128xi32, #tpu.memory_space<hbm>>
          tpu.wait_dma2 semaphore(%run_scoped3A_133 : memref<!tpu.dma_semaphore, #tpu.memory_space<semaphore_mem>>) src(%dma_wait3A_137 : memref<128xi32, #tpu.memory_space<hbm>>) dst(%arg8 : memref<128xi32, #tpu.memory_space<vmem>>)
          tpu.yield
        }) : () -> ()
        %dma_start3A = arith.constant 0 : i32
        %dma_start3A_115 = arith.constant 0 : i32
        %dma_start3A_116 = tpu.memref_slice %arg4[%dma_start3A, %dma_start3A_115] : memref<50000x64xf32, #tpu.memory_space<hbm>> -> memref<50000x64xf32, #tpu.memory_space<hbm>>
        tpu.enqueue_indirect_dma source(%dma_start3A_116 : memref<50000x64xf32, #tpu.memory_space<hbm>>) target(%arg9 : memref<128x64xf32, #tpu.memory_space<vmem>>) offsets(%arg7 : memref<128xi32, #tpu.memory_space<vmem>>) semaphore(%arg17 : memref<!tpu.dma_semaphore, #tpu.memory_space<semaphore_mem>>)
        %dma_wait3A = arith.constant 0 : i32
        %dma_wait3A_117 = arith.constant 0 : i32
        %dma_wait3A_118 = tpu.memref_slice %arg4[%dma_wait3A, %dma_wait3A_117] : memref<50000x64xf32, #tpu.memory_space<hbm>> -> memref<50000x64xf32, #tpu.memory_space<hbm>>
        tpu.wait_indirect_dma semaphore(%arg17 : memref<!tpu.dma_semaphore, #tpu.memory_space<semaphore_mem>>) src(%dma_wait3A_118 : memref<50000x64xf32, #tpu.memory_space<hbm>>) dst(%arg9 : memref<128x64xf32, #tpu.memory_space<vmem>>)
        %mul3A_119 = arith.constant 128 : i32
        %mul3A_120 = arith.muli %add3A_106, %mul3A_119 : i32
        %add3A_121 = arith.constant 0 : i32
        %add3A_122 = arith.addi %add3A_121, %mul3A_120 : i32
        "tpu.region"() ({
          %run_scoped3A_133 = tpu.sem_alloc : memref<!tpu.dma_semaphore, #tpu.memory_space<semaphore_mem>>
          %dma_start3A_134 = arith.constant 0 : i32
          %dma_start3A_135 = tpu.memref_slice %arg5[%add3A_122, %dma_start3A_134] : memref<400000x128xf32, #tpu.memory_space<hbm>> -> memref<128x128xf32, #tpu.memory_space<hbm>>
          %dma_start3A_136 = arith.constant 0 : i32
          %dma_start3A_137 = tpu.memref_slice %arg5[%add3A_122, %dma_start3A_136] : memref<400000x128xf32, #tpu.memory_space<hbm>> -> memref<128x128xf32, #tpu.memory_space<hbm>>
          tpu.enqueue_dma source(%dma_start3A_137 : memref<128x128xf32, #tpu.memory_space<hbm>>) target(%arg10 : memref<128x128xf32, #tpu.memory_space<vmem>>) target_semaphore(%run_scoped3A_133 : memref<!tpu.dma_semaphore, #tpu.memory_space<semaphore_mem>>)
          %dma_wait3A_138 = arith.constant 0 : i32
          %dma_wait3A_139 = tpu.memref_slice %arg5[%add3A_122, %dma_wait3A_138] : memref<400000x128xf32, #tpu.memory_space<hbm>> -> memref<128x128xf32, #tpu.memory_space<hbm>>
          %dma_wait3A_140 = arith.constant 0 : i32
          %dma_wait3A_141 = tpu.memref_slice %arg5[%add3A_122, %dma_wait3A_140] : memref<400000x128xf32, #tpu.memory_space<hbm>> -> memref<128x128xf32, #tpu.memory_space<hbm>>
          tpu.wait_dma2 semaphore(%run_scoped3A_133 : memref<!tpu.dma_semaphore, #tpu.memory_space<semaphore_mem>>) src(%dma_wait3A_141 : memref<128x128xf32, #tpu.memory_space<hbm>>) dst(%arg10 : memref<128x128xf32, #tpu.memory_space<vmem>>)
          tpu.yield
        }) : () -> ()
        %eq3A_123 = arith.constant 0 : i32
        %eq3A_124 = arith.cmpi eq, %arg0, %eq3A_123 : i32
        %convert_element_type3A_125 = arith.extui %eq3A_124 : i1 to i32
        %cond3A_126 = arith.constant 0 : i32
        %cond3A_127 = arith.cmpi ne, %convert_element_type3A_125, %cond3A_126 : i32
        scf.if %cond3A_127 {
          %scan3A_133 = arith.constant 0 : i32
          %scan3A_134 = arith.constant 0 : i32
          %scan3A_135 = arith.constant 128 : i32
          %scan3A_136 = arith.addi %scan3A_134, %scan3A_135 : i32
          %scan3A_137 = arith.constant 1 : i32
          %scan3A_138 = scf.for %scan3A_140 = %scan3A_134 to %scan3A_136 step %scan3A_137 iter_args(%scan3A_141 = %scan3A_133) -> (i32)  : i32 {
            %get3A = arith.index_cast %scan3A_140 : i32 to index
            %get3A_142 = arith.constant 0 : index
            %get3A_143 = tpu.vector_load %arg9[%get3A, %get3A_142] {strides = array<i32>} : memref<128x64xf32, #tpu.memory_space<vmem>>, vector<1x16xf32>,
            %get3A_144 = vector.shape_cast %get3A_143 : vector<1x16xf32> to vector<16xf32>
            %get3A_145 = arith.index_cast %scan3A_140 : i32 to index
            %get3A_146 = arith.constant 0 : index
            %get3A_147 = tpu.vector_load %arg10[%get3A_145, %get3A_146] {strides = array<i32>} : memref<128x128xf32, #tpu.memory_space<vmem>>, vector<1x16xf32>,
            %get3A_148 = vector.shape_cast %get3A_147 : vector<1x16xf32> to vector<16xf32>
            %mul3A_149 = arith.mulf %get3A_144, %get3A_148 : vector<16xf32>
            %swap3A = arith.index_cast %scan3A_140 : i32 to index
            %swap3A_150 = arith.constant 0 : index
            %swap3A_151 = tpu.vector_load %arg9[%swap3A, %swap3A_150] {strides = array<i32>} : memref<128x64xf32, #tpu.memory_space<vmem>>, vector<1x16xf32>,
            %swap3A_152 = vector.shape_cast %swap3A_151 : vector<1x16xf32> to vector<16xf32>
            %swap3A_153 = vector.shape_cast %mul3A_149 : vector<16xf32> to vector<1x16xf32>
            tpu.vector_store %arg9[%swap3A, %swap3A_150], %swap3A_153 {strides = array<i32>} : memref<128x64xf32, #tpu.memory_space<vmem>>, vector<1x16xf32>,
            %get3A_154 = arith.index_cast %scan3A_140 : i32 to index
            %get3A_155 = arith.constant 16 : index
            %get3A_156 = tpu.vector_load %arg9[%get3A_154, %get3A_155] {strides = array<i32>} : memref<128x64xf32, #tpu.memory_space<vmem>>, vector<1x16xf32>,
            %get3A_157 = vector.shape_cast %get3A_156 : vector<1x16xf32> to vector<16xf32>
            %get3A_158 = arith.index_cast %scan3A_140 : i32 to index
            %get3A_159 = arith.constant 16 : index
            %get3A_160 = tpu.vector_load %arg10[%get3A_158, %get3A_159] {strides = array<i32>} : memref<128x128xf32, #tpu.memory_space<vmem>>, vector<1x16xf32>,
            %get3A_161 = vector.shape_cast %get3A_160 : vector<1x16xf32> to vector<16xf32>
            %mul3A_162 = arith.mulf %get3A_157, %get3A_161 : vector<16xf32>
            %swap3A_163 = arith.index_cast %scan3A_140 : i32 to index
            %swap3A_164 = arith.constant 16 : index
            %swap3A_165 = tpu.vector_load %arg9[%swap3A_163, %swap3A_164] {strides = array<i32>} : memref<128x64xf32, #tpu.memory_space<vmem>>, vector<1x16xf32>,
            %swap3A_166 = vector.shape_cast %swap3A_165 : vector<1x16xf32> to vector<16xf32>
            %swap3A_167 = vector.shape_cast %mul3A_162 : vector<16xf32> to vector<1x16xf32>
            tpu.vector_store %arg9[%swap3A_163, %swap3A_164], %swap3A_167 {strides = array<i32>} : memref<128x64xf32, #tpu.memory_space<vmem>>, vector<1x16xf32>,
            %get3A_168 = arith.index_cast %scan3A_140 : i32 to index
            %get3A_169 = arith.constant 32 : index
            %get3A_170 = tpu.vector_load %arg9[%get3A_168, %get3A_169] {strides = array<i32>} : memref<128x64xf32, #tpu.memory_space<vmem>>, vector<1x16xf32>,
            %get3A_171 = vector.shape_cast %get3A_170 : vector<1x16xf32> to vector<16xf32>
            %get3A_172 = arith.index_cast %scan3A_140 : i32 to index
            %get3A_173 = arith.constant 32 : index
            %get3A_174 = tpu.vector_load %arg10[%get3A_172, %get3A_173] {strides = array<i32>} : memref<128x128xf32, #tpu.memory_space<vmem>>, vector<1x16xf32>,
            %get3A_175 = vector.shape_cast %get3A_174 : vector<1x16xf32> to vector<16xf32>
            %mul3A_176 = arith.mulf %get3A_171, %get3A_175 : vector<16xf32>
            %swap3A_177 = arith.index_cast %scan3A_140 : i32 to index
            %swap3A_178 = arith.constant 32 : index
            %swap3A_179 = tpu.vector_load %arg9[%swap3A_177, %swap3A_178] {strides = array<i32>} : memref<128x64xf32, #tpu.memory_space<vmem>>, vector<1x16xf32>,
            %swap3A_180 = vector.shape_cast %swap3A_179 : vector<1x16xf32> to vector<16xf32>
            %swap3A_181 = vector.shape_cast %mul3A_176 : vector<16xf32> to vector<1x16xf32>
            tpu.vector_store %arg9[%swap3A_177, %swap3A_178], %swap3A_181 {strides = array<i32>} : memref<128x64xf32, #tpu.memory_space<vmem>>, vector<1x16xf32>,
            %get3A_182 = arith.index_cast %scan3A_140 : i32 to index
            %get3A_183 = arith.constant 48 : index
            %get3A_184 = tpu.vector_load %arg9[%get3A_182, %get3A_183] {strides = array<i32>} : memref<128x64xf32, #tpu.memory_space<vmem>>, vector<1x16xf32>,
            %get3A_185 = vector.shape_cast %get3A_184 : vector<1x16xf32> to vector<16xf32>
            %get3A_186 = arith.index_cast %scan3A_140 : i32 to index
            %get3A_187 = arith.constant 48 : index
            %get3A_188 = tpu.vector_load %arg10[%get3A_186, %get3A_187] {strides = array<i32>} : memref<128x128xf32, #tpu.memory_space<vmem>>, vector<1x16xf32>,
            %get3A_189 = vector.shape_cast %get3A_188 : vector<1x16xf32> to vector<16xf32>
            %mul3A_190 = arith.mulf %get3A_185, %get3A_189 : vector<16xf32>
            %swap3A_191 = arith.index_cast %scan3A_140 : i32 to index
            %swap3A_192 = arith.constant 48 : index
            %swap3A_193 = tpu.vector_load %arg9[%swap3A_191, %swap3A_192] {strides = array<i32>} : memref<128x64xf32, #tpu.memory_space<vmem>>, vector<1x16xf32>,
            %swap3A_194 = vector.shape_cast %swap3A_193 : vector<1x16xf32> to vector<16xf32>
            %swap3A_195 = vector.shape_cast %mul3A_190 : vector<16xf32> to vector<1x16xf32>
            tpu.vector_store %arg9[%swap3A_191, %swap3A_192], %swap3A_195 {strides = array<i32>} : memref<128x64xf32, #tpu.memory_space<vmem>>, vector<1x16xf32>,
            %scan3A_196 = arith.constant 0 : i32
            scf.yield %scan3A_196 : i32
          }
          %scan3A_139 = arith.constant 128 : i32
        } else {
        }
        %eq3A_128 = arith.constant 1 : i32
        %eq3A_129 = arith.cmpi eq, %arg0, %eq3A_128 : i32
        %convert_element_type3A_130 = arith.extui %eq3A_129 : i1 to i32
        %cond3A_131 = arith.constant 0 : i32
        %cond3A_132 = arith.cmpi ne, %convert_element_type3A_130, %cond3A_131 : i32
        scf.if %cond3A_132 {
          %scan3A_133 = arith.constant 0 : i32
          %scan3A_134 = arith.constant 0 : i32
          %scan3A_135 = arith.constant 128 : i32
          %scan3A_136 = arith.addi %scan3A_134, %scan3A_135 : i32
          %scan3A_137 = arith.constant 1 : i32
          %scan3A_138 = scf.for %scan3A_140 = %scan3A_134 to %scan3A_136 step %scan3A_137 iter_args(%scan3A_141 = %scan3A_133) -> (i32)  : i32 {
            %get3A = arith.index_cast %scan3A_140 : i32 to index
            %get3A_142 = arith.constant 0 : index
            %get3A_143 = tpu.vector_load %arg9[%get3A, %get3A_142] {strides = array<i32>} : memref<128x64xf32, #tpu.memory_space<vmem>>, vector<1x16xf32>,
            %get3A_144 = vector.shape_cast %get3A_143 : vector<1x16xf32> to vector<16xf32>
            %get3A_145 = arith.index_cast %scan3A_140 : i32 to index
            %get3A_146 = arith.constant 64 : index
            %get3A_147 = tpu.vector_load %arg10[%get3A_145, %get3A_146] {strides = array<i32>} : memref<128x128xf32, #tpu.memory_space<vmem>>, vector<1x16xf32>,
            %get3A_148 = vector.shape_cast %get3A_147 : vector<1x16xf32> to vector<16xf32>
            %mul3A_149 = arith.mulf %get3A_144, %get3A_148 : vector<16xf32>
            %swap3A = arith.index_cast %scan3A_140 : i32 to index
            %swap3A_150 = arith.constant 0 : index
            %swap3A_151 = tpu.vector_load %arg9[%swap3A, %swap3A_150] {strides = array<i32>} : memref<128x64xf32, #tpu.memory_space<vmem>>, vector<1x16xf32>,
            %swap3A_152 = vector.shape_cast %swap3A_151 : vector<1x16xf32> to vector<16xf32>
            %swap3A_153 = vector.shape_cast %mul3A_149 : vector<16xf32> to vector<1x16xf32>
            tpu.vector_store %arg9[%swap3A, %swap3A_150], %swap3A_153 {strides = array<i32>} : memref<128x64xf32, #tpu.memory_space<vmem>>, vector<1x16xf32>,
            %get3A_154 = arith.index_cast %scan3A_140 : i32 to index
            %get3A_155 = arith.constant 16 : index
            %get3A_156 = tpu.vector_load %arg9[%get3A_154, %get3A_155] {strides = array<i32>} : memref<128x64xf32, #tpu.memory_space<vmem>>, vector<1x16xf32>,
            %get3A_157 = vector.shape_cast %get3A_156 : vector<1x16xf32> to vector<16xf32>
            %get3A_158 = arith.index_cast %scan3A_140 : i32 to index
            %get3A_159 = arith.constant 80 : index
            %get3A_160 = tpu.vector_load %arg10[%get3A_158, %get3A_159] {strides = array<i32>} : memref<128x128xf32, #tpu.memory_space<vmem>>, vector<1x16xf32>,
            %get3A_161 = vector.shape_cast %get3A_160 : vector<1x16xf32> to vector<16xf32>
            %mul3A_162 = arith.mulf %get3A_157, %get3A_161 : vector<16xf32>
            %swap3A_163 = arith.index_cast %scan3A_140 : i32 to index
            %swap3A_164 = arith.constant 16 : index
            %swap3A_165 = tpu.vector_load %arg9[%swap3A_163, %swap3A_164] {strides = array<i32>} : memref<128x64xf32, #tpu.memory_space<vmem>>, vector<1x16xf32>,
            %swap3A_166 = vector.shape_cast %swap3A_165 : vector<1x16xf32> to vector<16xf32>
            %swap3A_167 = vector.shape_cast %mul3A_162 : vector<16xf32> to vector<1x16xf32>
            tpu.vector_store %arg9[%swap3A_163, %swap3A_164], %swap3A_167 {strides = array<i32>} : memref<128x64xf32, #tpu.memory_space<vmem>>, vector<1x16xf32>,
            %get3A_168 = arith.index_cast %scan3A_140 : i32 to index
            %get3A_169 = arith.constant 32 : index
            %get3A_170 = tpu.vector_load %arg9[%get3A_168, %get3A_169] {strides = array<i32>} : memref<128x64xf32, #tpu.memory_space<vmem>>, vector<1x16xf32>,
            %get3A_171 = vector.shape_cast %get3A_170 : vector<1x16xf32> to vector<16xf32>
            %get3A_172 = arith.index_cast %scan3A_140 : i32 to index
            %get3A_173 = arith.constant 96 : index
            %get3A_174 = tpu.vector_load %arg10[%get3A_172, %get3A_173] {strides = array<i32>} : memref<128x128xf32, #tpu.memory_space<vmem>>, vector<1x16xf32>,
            %get3A_175 = vector.shape_cast %get3A_174 : vector<1x16xf32> to vector<16xf32>
            %mul3A_176 = arith.mulf %get3A_171, %get3A_175 : vector<16xf32>
            %swap3A_177 = arith.index_cast %scan3A_140 : i32 to index
            %swap3A_178 = arith.constant 32 : index
            %swap3A_179 = tpu.vector_load %arg9[%swap3A_177, %swap3A_178] {strides = array<i32>} : memref<128x64xf32, #tpu.memory_space<vmem>>, vector<1x16xf32>,
            %swap3A_180 = vector.shape_cast %swap3A_179 : vector<1x16xf32> to vector<16xf32>
            %swap3A_181 = vector.shape_cast %mul3A_176 : vector<16xf32> to vector<1x16xf32>
            tpu.vector_store %arg9[%swap3A_177, %swap3A_178], %swap3A_181 {strides = array<i32>} : memref<128x64xf32, #tpu.memory_space<vmem>>, vector<1x16xf32>,
            %get3A_182 = arith.index_cast %scan3A_140 : i32 to index
            %get3A_183 = arith.constant 48 : index
            %get3A_184 = tpu.vector_load %arg9[%get3A_182, %get3A_183] {strides = array<i32>} : memref<128x64xf32, #tpu.memory_space<vmem>>, vector<1x16xf32>,
            %get3A_185 = vector.shape_cast %get3A_184 : vector<1x16xf32> to vector<16xf32>
            %get3A_186 = arith.index_cast %scan3A_140 : i32 to index
            %get3A_187 = arith.constant 112 : index
            %get3A_188 = tpu.vector_load %arg10[%get3A_186, %get3A_187] {strides = array<i32>} : memref<128x128xf32, #tpu.memory_space<vmem>>, vector<1x16xf32>,
            %get3A_189 = vector.shape_cast %get3A_188 : vector<1x16xf32> to vector<16xf32>
            %mul3A_190 = arith.mulf %get3A_185, %get3A_189 : vector<16xf32>
            %swap3A_191 = arith.index_cast %scan3A_140 : i32 to index
            %swap3A_192 = arith.constant 48 : index
            %swap3A_193 = tpu.vector_load %arg9[%swap3A_191, %swap3A_192] {strides = array<i32>} : memref<128x64xf32, #tpu.memory_space<vmem>>, vector<1x16xf32>,
            %swap3A_194 = vector.shape_cast %swap3A_193 : vector<1x16xf32> to vector<16xf32>
            %swap3A_195 = vector.shape_cast %mul3A_190 : vector<16xf32> to vector<1x16xf32>
            tpu.vector_store %arg9[%swap3A_191, %swap3A_192], %swap3A_195 {strides = array<i32>} : memref<128x64xf32, #tpu.memory_space<vmem>>, vector<1x16xf32>,
            %scan3A_196 = arith.constant 0 : i32
            scf.yield %scan3A_196 : i32
          }
          %scan3A_139 = arith.constant 128 : i32
        } else {
        }
        "tpu.region"() ({
          %run_scoped3A_133 = tpu.sem_alloc : memref<!tpu.dma_semaphore, #tpu.memory_space<semaphore_mem>>
          %dma_start3A_134 = arith.constant 0 : i32
          %dma_start3A_135 = arith.constant 0 : i32
          %dma_start3A_136 = tpu.memref_slice %arg16[%dma_start3A_134, %dma_start3A_135] : memref<12544x64xf32, #tpu.memory_space<vmem_shared>> -> memref<12544x64xf32, #tpu.memory_space<vmem_shared>>
          tpu.enqueue_indirect_dma source(%arg9 : memref<128x64xf32, #tpu.memory_space<vmem>>) target(%dma_start3A_136 : memref<12544x64xf32, #tpu.memory_space<vmem_shared>>) offsets(%arg8 : memref<128xi32, #tpu.memory_space<vmem>>) semaphore(%run_scoped3A_133 : memref<!tpu.dma_semaphore, #tpu.memory_space<semaphore_mem>>) {add = true}
          %dma_wait3A_137 = arith.constant 0 : i32
          %dma_wait3A_138 = arith.constant 0 : i32
          %dma_wait3A_139 = tpu.memref_slice %arg16[%dma_wait3A_137, %dma_wait3A_138] : memref<12544x64xf32, #tpu.memory_space<vmem_shared>> -> memref<12544x64xf32, #tpu.memory_space<vmem_shared>>
          tpu.wait_indirect_dma semaphore(%run_scoped3A_133 : memref<!tpu.dma_semaphore, #tpu.memory_space<semaphore_mem>>) src(%arg9 : memref<128x64xf32, #tpu.memory_space<vmem>>) dst(%dma_wait3A_139 : memref<12544x64xf32, #tpu.memory_space<vmem_shared>>)
          tpu.yield
        }) : () -> ()
      } else {
      }
      %scan3A_111 = arith.constant 0 : i32
      scf.yield %scan3A_111 : i32
    }
    %scan3A_43 = arith.constant 98 : i32
    %eq3A = arith.constant 15 : i32
    %eq3A_44 = arith.cmpi eq, %arg1, %eq3A : i32
    %convert_element_type3A = arith.extui %eq3A_44 : i1 to i32
    %cond3A = arith.constant 0 : i32
    %cond3A_45 = arith.cmpi ne, %convert_element_type3A, %cond3A : i32
    scf.if %cond3A_45 {
      %add3A_102 = arith.constant 199936 : i32
      %add3A_103 = arith.addi %add3A_36, %add3A_102 : i32
      "tpu.region"() ({
        %run_scoped3A_118 = tpu.sem_alloc : memref<!tpu.dma_semaphore, #tpu.memory_space<semaphore_mem>>
        %dma_start3A_119 = tpu.memref_slice %arg2[%add3A_103] : memref<800000xi32, #tpu.memory_space<hbm>> -> memref<64xi32, #tpu.memory_space<hbm>>
        %dma_start3A_120 = tpu.memref_slice %arg2[%add3A_103] : memref<800000xi32, #tpu.memory_space<hbm>> -> memref<64xi32, #tpu.memory_space<hbm>>
        tpu.enqueue_dma source(%dma_start3A_120 : memref<64xi32, #tpu.memory_space<hbm>>) target(%arg11 : memref<64xi32, #tpu.memory_space<vmem>>) target_semaphore(%run_scoped3A_118 : memref<!tpu.dma_semaphore, #tpu.memory_space<semaphore_mem>>)
        %dma_wait3A_121 = tpu.memref_slice %arg2[%add3A_103] : memref<800000xi32, #tpu.memory_space<hbm>> -> memref<64xi32, #tpu.memory_space<hbm>>
        %dma_wait3A_122 = tpu.memref_slice %arg2[%add3A_103] : memref<800000xi32, #tpu.memory_space<hbm>> -> memref<64xi32, #tpu.memory_space<hbm>>
        tpu.wait_dma2 semaphore(%run_scoped3A_118 : memref<!tpu.dma_semaphore, #tpu.memory_space<semaphore_mem>>) src(%dma_wait3A_122 : memref<64xi32, #tpu.memory_space<hbm>>) dst(%arg11 : memref<64xi32, #tpu.memory_space<vmem>>)
        tpu.yield
      }) : () -> ()
      "tpu.region"() ({
        %run_scoped3A_118 = tpu.sem_alloc : memref<!tpu.dma_semaphore, #tpu.memory_space<semaphore_mem>>
        %dma_start3A_119 = tpu.memref_slice %arg3[%add3A_103] : memref<800000xi32, #tpu.memory_space<hbm>> -> memref<64xi32, #tpu.memory_space<hbm>>
        %dma_start3A_120 = tpu.memref_slice %arg3[%add3A_103] : memref<800000xi32, #tpu.memory_space<hbm>> -> memref<64xi32, #tpu.memory_space<hbm>>
        tpu.enqueue_dma source(%dma_start3A_120 : memref<64xi32, #tpu.memory_space<hbm>>) target(%arg12 : memref<64xi32, #tpu.memory_space<vmem>>) target_semaphore(%run_scoped3A_118 : memref<!tpu.dma_semaphore, #tpu.memory_space<semaphore_mem>>)
        %dma_wait3A_121 = tpu.memref_slice %arg3[%add3A_103] : memref<800000xi32, #tpu.memory_space<hbm>> -> memref<64xi32, #tpu.memory_space<hbm>>
        %dma_wait3A_122 = tpu.memref_slice %arg3[%add3A_103] : memref<800000xi32, #tpu.memory_space<hbm>> -> memref<64xi32, #tpu.memory_space<hbm>>
        tpu.wait_dma2 semaphore(%run_scoped3A_118 : memref<!tpu.dma_semaphore, #tpu.memory_space<semaphore_mem>>) src(%dma_wait3A_122 : memref<64xi32, #tpu.memory_space<hbm>>) dst(%arg12 : memref<64xi32, #tpu.memory_space<vmem>>)
        tpu.yield
      }) : () -> ()
      %dma_start3A = arith.constant 0 : i32
      %dma_start3A_104 = arith.constant 0 : i32
      %dma_start3A_105 = tpu.memref_slice %arg4[%dma_start3A, %dma_start3A_104] : memref<50000x64xf32, #tpu.memory_space<hbm>> -> memref<50000x64xf32, #tpu.memory_space<hbm>>
      tpu.enqueue_indirect_dma source(%dma_start3A_105 : memref<50000x64xf32, #tpu.memory_space<hbm>>) target(%arg13 : memref<64x64xf32, #tpu.memory_space<vmem>>) offsets(%arg11 : memref<64xi32, #tpu.memory_space<vmem>>) semaphore(%arg17 : memref<!tpu.dma_semaphore, #tpu.memory_space<semaphore_mem>>)
      %dma_wait3A = arith.constant 0 : i32
      %dma_wait3A_106 = arith.constant 0 : i32
      %dma_wait3A_107 = tpu.memref_slice %arg4[%dma_wait3A, %dma_wait3A_106] : memref<50000x64xf32, #tpu.memory_space<hbm>> -> memref<50000x64xf32, #tpu.memory_space<hbm>>
      tpu.wait_indirect_dma semaphore(%arg17 : memref<!tpu.dma_semaphore, #tpu.memory_space<semaphore_mem>>) src(%dma_wait3A_107 : memref<50000x64xf32, #tpu.memory_space<hbm>>) dst(%arg13 : memref<64x64xf32, #tpu.memory_space<vmem>>)
      "tpu.region"() ({
        %run_scoped3A_118 = tpu.sem_alloc : memref<!tpu.dma_semaphore, #tpu.memory_space<semaphore_mem>>
        %dma_start3A_119 = arith.constant 199936 : i32
        %dma_start3A_120 = arith.constant 0 : i32
        %dma_start3A_121 = tpu.memref_slice %arg5[%dma_start3A_119, %dma_start3A_120] : memref<400000x128xf32, #tpu.memory_space<hbm>> -> memref<64x128xf32, #tpu.memory_space<hbm>>
        %dma_start3A_122 = arith.constant 199936 : i32
        %dma_start3A_123 = arith.constant 0 : i32
        %dma_start3A_124 = tpu.memref_slice %arg5[%dma_start3A_122, %dma_start3A_123] : memref<400000x128xf32, #tpu.memory_space<hbm>> -> memref<64x128xf32, #tpu.memory_space<hbm>>
        tpu.enqueue_dma source(%dma_start3A_124 : memref<64x128xf32, #tpu.memory_space<hbm>>) target(%arg14 : memref<64x128xf32, #tpu.memory_space<vmem>>) target_semaphore(%run_scoped3A_118 : memref<!tpu.dma_semaphore, #tpu.memory_space<semaphore_mem>>)
        %dma_wait3A_125 = arith.constant 199936 : i32
        %dma_wait3A_126 = arith.constant 0 : i32
        %dma_wait3A_127 = tpu.memref_slice %arg5[%dma_wait3A_125, %dma_wait3A_126] : memref<400000x128xf32, #tpu.memory_space<hbm>> -> memref<64x128xf32, #tpu.memory_space<hbm>>
        %dma_wait3A_128 = arith.constant 199936 : i32
        %dma_wait3A_129 = arith.constant 0 : i32
        %dma_wait3A_130 = tpu.memref_slice %arg5[%dma_wait3A_128, %dma_wait3A_129] : memref<400000x128xf32, #tpu.memory_space<hbm>> -> memref<64x128xf32, #tpu.memory_space<hbm>>
        tpu.wait_dma2 semaphore(%run_scoped3A_118 : memref<!tpu.dma_semaphore, #tpu.memory_space<semaphore_mem>>) src(%dma_wait3A_130 : memref<64x128xf32, #tpu.memory_space<hbm>>) dst(%arg14 : memref<64x128xf32, #tpu.memory_space<vmem>>)
        tpu.yield
      }) : () -> ()
      %eq3A_108 = arith.constant 0 : i32
      %eq3A_109 = arith.cmpi eq, %arg0, %eq3A_108 : i32
      %convert_element_type3A_110 = arith.extui %eq3A_109 : i1 to i32
      %cond3A_111 = arith.constant 0 : i32
      %cond3A_112 = arith.cmpi ne, %convert_element_type3A_110, %cond3A_111 : i32
      scf.if %cond3A_112 {
        %scan3A_118 = arith.constant 0 : i32
        %scan3A_119 = arith.constant 0 : i32
        %scan3A_120 = arith.constant 64 : i32
        %scan3A_121 = arith.addi %scan3A_119, %scan3A_120 : i32
        %scan3A_122 = arith.constant 1 : i32
        %scan3A_123 = scf.for %scan3A_125 = %scan3A_119 to %scan3A_121 step %scan3A_122 iter_args(%scan3A_126 = %scan3A_118) -> (i32)  : i32 {
          %get3A = arith.index_cast %scan3A_125 : i32 to index
          %get3A_127 = arith.constant 0 : index
          %get3A_128 = tpu.vector_load %arg13[%get3A, %get3A_127] {strides = array<i32>} : memref<64x64xf32, #tpu.memory_space<vmem>>, vector<1x16xf32>,
          %get3A_129 = vector.shape_cast %get3A_128 : vector<1x16xf32> to vector<16xf32>
          %get3A_130 = arith.index_cast %scan3A_125 : i32 to index
          %get3A_131 = arith.constant 0 : index
          %get3A_132 = tpu.vector_load %arg14[%get3A_130, %get3A_131] {strides = array<i32>} : memref<64x128xf32, #tpu.memory_space<vmem>>, vector<1x16xf32>,
          %get3A_133 = vector.shape_cast %get3A_132 : vector<1x16xf32> to vector<16xf32>
          %mul3A_134 = arith.mulf %get3A_129, %get3A_133 : vector<16xf32>
          %swap3A = arith.index_cast %scan3A_125 : i32 to index
          %swap3A_135 = arith.constant 0 : index
          %swap3A_136 = tpu.vector_load %arg13[%swap3A, %swap3A_135] {strides = array<i32>} : memref<64x64xf32, #tpu.memory_space<vmem>>, vector<1x16xf32>,
          %swap3A_137 = vector.shape_cast %swap3A_136 : vector<1x16xf32> to vector<16xf32>
          %swap3A_138 = vector.shape_cast %mul3A_134 : vector<16xf32> to vector<1x16xf32>
          tpu.vector_store %arg13[%swap3A, %swap3A_135], %swap3A_138 {strides = array<i32>} : memref<64x64xf32, #tpu.memory_space<vmem>>, vector<1x16xf32>,
          %get3A_139 = arith.index_cast %scan3A_125 : i32 to index
          %get3A_140 = arith.constant 16 : index
          %get3A_141 = tpu.vector_load %arg13[%get3A_139, %get3A_140] {strides = array<i32>} : memref<64x64xf32, #tpu.memory_space<vmem>>, vector<1x16xf32>,
          %get3A_142 = vector.shape_cast %get3A_141 : vector<1x16xf32> to vector<16xf32>
          %get3A_143 = arith.index_cast %scan3A_125 : i32 to index
          %get3A_144 = arith.constant 16 : index
          %get3A_145 = tpu.vector_load %arg14[%get3A_143, %get3A_144] {strides = array<i32>} : memref<64x128xf32, #tpu.memory_space<vmem>>, vector<1x16xf32>,
          %get3A_146 = vector.shape_cast %get3A_145 : vector<1x16xf32> to vector<16xf32>
          %mul3A_147 = arith.mulf %get3A_142, %get3A_146 : vector<16xf32>
          %swap3A_148 = arith.index_cast %scan3A_125 : i32 to index
          %swap3A_149 = arith.constant 16 : index
          %swap3A_150 = tpu.vector_load %arg13[%swap3A_148, %swap3A_149] {strides = array<i32>} : memref<64x64xf32, #tpu.memory_space<vmem>>, vector<1x16xf32>,
          %swap3A_151 = vector.shape_cast %swap3A_150 : vector<1x16xf32> to vector<16xf32>
          %swap3A_152 = vector.shape_cast %mul3A_147 : vector<16xf32> to vector<1x16xf32>
          tpu.vector_store %arg13[%swap3A_148, %swap3A_149], %swap3A_152 {strides = array<i32>} : memref<64x64xf32, #tpu.memory_space<vmem>>, vector<1x16xf32>,
          %get3A_153 = arith.index_cast %scan3A_125 : i32 to index
          %get3A_154 = arith.constant 32 : index
          %get3A_155 = tpu.vector_load %arg13[%get3A_153, %get3A_154] {strides = array<i32>} : memref<64x64xf32, #tpu.memory_space<vmem>>, vector<1x16xf32>,
          %get3A_156 = vector.shape_cast %get3A_155 : vector<1x16xf32> to vector<16xf32>
          %get3A_157 = arith.index_cast %scan3A_125 : i32 to index
          %get3A_158 = arith.constant 32 : index
          %get3A_159 = tpu.vector_load %arg14[%get3A_157, %get3A_158] {strides = array<i32>} : memref<64x128xf32, #tpu.memory_space<vmem>>, vector<1x16xf32>,
          %get3A_160 = vector.shape_cast %get3A_159 : vector<1x16xf32> to vector<16xf32>
          %mul3A_161 = arith.mulf %get3A_156, %get3A_160 : vector<16xf32>
          %swap3A_162 = arith.index_cast %scan3A_125 : i32 to index
          %swap3A_163 = arith.constant 32 : index
          %swap3A_164 = tpu.vector_load %arg13[%swap3A_162, %swap3A_163] {strides = array<i32>} : memref<64x64xf32, #tpu.memory_space<vmem>>, vector<1x16xf32>,
          %swap3A_165 = vector.shape_cast %swap3A_164 : vector<1x16xf32> to vector<16xf32>
          %swap3A_166 = vector.shape_cast %mul3A_161 : vector<16xf32> to vector<1x16xf32>
          tpu.vector_store %arg13[%swap3A_162, %swap3A_163], %swap3A_166 {strides = array<i32>} : memref<64x64xf32, #tpu.memory_space<vmem>>, vector<1x16xf32>,
          %get3A_167 = arith.index_cast %scan3A_125 : i32 to index
          %get3A_168 = arith.constant 48 : index
          %get3A_169 = tpu.vector_load %arg13[%get3A_167, %get3A_168] {strides = array<i32>} : memref<64x64xf32, #tpu.memory_space<vmem>>, vector<1x16xf32>,
          %get3A_170 = vector.shape_cast %get3A_169 : vector<1x16xf32> to vector<16xf32>
          %get3A_171 = arith.index_cast %scan3A_125 : i32 to index
          %get3A_172 = arith.constant 48 : index
          %get3A_173 = tpu.vector_load %arg14[%get3A_171, %get3A_172] {strides = array<i32>} : memref<64x128xf32, #tpu.memory_space<vmem>>, vector<1x16xf32>,
          %get3A_174 = vector.shape_cast %get3A_173 : vector<1x16xf32> to vector<16xf32>
          %mul3A_175 = arith.mulf %get3A_170, %get3A_174 : vector<16xf32>
          %swap3A_176 = arith.index_cast %scan3A_125 : i32 to index
          %swap3A_177 = arith.constant 48 : index
          %swap3A_178 = tpu.vector_load %arg13[%swap3A_176, %swap3A_177] {strides = array<i32>} : memref<64x64xf32, #tpu.memory_space<vmem>>, vector<1x16xf32>,
          %swap3A_179 = vector.shape_cast %swap3A_178 : vector<1x16xf32> to vector<16xf32>
          %swap3A_180 = vector.shape_cast %mul3A_175 : vector<16xf32> to vector<1x16xf32>
          tpu.vector_store %arg13[%swap3A_176, %swap3A_177], %swap3A_180 {strides = array<i32>} : memref<64x64xf32, #tpu.memory_space<vmem>>, vector<1x16xf32>,
          %scan3A_181 = arith.constant 0 : i32
          scf.yield %scan3A_181 : i32
        }
        %scan3A_124 = arith.constant 64 : i32
      } else {
      }
      %eq3A_113 = arith.constant 1 : i32
      %eq3A_114 = arith.cmpi eq, %arg0, %eq3A_113 : i32
      %convert_element_type3A_115 = arith.extui %eq3A_114 : i1 to i32
      %cond3A_116 = arith.constant 0 : i32
      %cond3A_117 = arith.cmpi ne, %convert_element_type3A_115, %cond3A_116 : i32
      scf.if %cond3A_117 {
        %scan3A_118 = arith.constant 0 : i32
        %scan3A_119 = arith.constant 0 : i32
        %scan3A_120 = arith.constant 64 : i32
        %scan3A_121 = arith.addi %scan3A_119, %scan3A_120 : i32
        %scan3A_122 = arith.constant 1 : i32
        %scan3A_123 = scf.for %scan3A_125 = %scan3A_119 to %scan3A_121 step %scan3A_122 iter_args(%scan3A_126 = %scan3A_118) -> (i32)  : i32 {
          %get3A = arith.index_cast %scan3A_125 : i32 to index
          %get3A_127 = arith.constant 0 : index
          %get3A_128 = tpu.vector_load %arg13[%get3A, %get3A_127] {strides = array<i32>} : memref<64x64xf32, #tpu.memory_space<vmem>>, vector<1x16xf32>,
          %get3A_129 = vector.shape_cast %get3A_128 : vector<1x16xf32> to vector<16xf32>
          %get3A_130 = arith.index_cast %scan3A_125 : i32 to index
          %get3A_131 = arith.constant 64 : index
          %get3A_132 = tpu.vector_load %arg14[%get3A_130, %get3A_131] {strides = array<i32>} : memref<64x128xf32, #tpu.memory_space<vmem>>, vector<1x16xf32>,
          %get3A_133 = vector.shape_cast %get3A_132 : vector<1x16xf32> to vector<16xf32>
          %mul3A_134 = arith.mulf %get3A_129, %get3A_133 : vector<16xf32>
          %swap3A = arith.index_cast %scan3A_125 : i32 to index
          %swap3A_135 = arith.constant 0 : index
          %swap3A_136 = tpu.vector_load %arg13[%swap3A, %swap3A_135] {strides = array<i32>} : memref<64x64xf32, #tpu.memory_space<vmem>>, vector<1x16xf32>,
          %swap3A_137 = vector.shape_cast %swap3A_136 : vector<1x16xf32> to vector<16xf32>
          %swap3A_138 = vector.shape_cast %mul3A_134 : vector<16xf32> to vector<1x16xf32>
          tpu.vector_store %arg13[%swap3A, %swap3A_135], %swap3A_138 {strides = array<i32>} : memref<64x64xf32, #tpu.memory_space<vmem>>, vector<1x16xf32>,
          %get3A_139 = arith.index_cast %scan3A_125 : i32 to index
          %get3A_140 = arith.constant 16 : index
          %get3A_141 = tpu.vector_load %arg13[%get3A_139, %get3A_140] {strides = array<i32>} : memref<64x64xf32, #tpu.memory_space<vmem>>, vector<1x16xf32>,
          %get3A_142 = vector.shape_cast %get3A_141 : vector<1x16xf32> to vector<16xf32>
          %get3A_143 = arith.index_cast %scan3A_125 : i32 to index
          %get3A_144 = arith.constant 80 : index
          %get3A_145 = tpu.vector_load %arg14[%get3A_143, %get3A_144] {strides = array<i32>} : memref<64x128xf32, #tpu.memory_space<vmem>>, vector<1x16xf32>,
          %get3A_146 = vector.shape_cast %get3A_145 : vector<1x16xf32> to vector<16xf32>
          %mul3A_147 = arith.mulf %get3A_142, %get3A_146 : vector<16xf32>
          %swap3A_148 = arith.index_cast %scan3A_125 : i32 to index
          %swap3A_149 = arith.constant 16 : index
          %swap3A_150 = tpu.vector_load %arg13[%swap3A_148, %swap3A_149] {strides = array<i32>} : memref<64x64xf32, #tpu.memory_space<vmem>>, vector<1x16xf32>,
          %swap3A_151 = vector.shape_cast %swap3A_150 : vector<1x16xf32> to vector<16xf32>
          %swap3A_152 = vector.shape_cast %mul3A_147 : vector<16xf32> to vector<1x16xf32>
          tpu.vector_store %arg13[%swap3A_148, %swap3A_149], %swap3A_152 {strides = array<i32>} : memref<64x64xf32, #tpu.memory_space<vmem>>, vector<1x16xf32>,
          %get3A_153 = arith.index_cast %scan3A_125 : i32 to index
          %get3A_154 = arith.constant 32 : index
          %get3A_155 = tpu.vector_load %arg13[%get3A_153, %get3A_154] {strides = array<i32>} : memref<64x64xf32, #tpu.memory_space<vmem>>, vector<1x16xf32>,
          %get3A_156 = vector.shape_cast %get3A_155 : vector<1x16xf32> to vector<16xf32>
          %get3A_157 = arith.index_cast %scan3A_125 : i32 to index
          %get3A_158 = arith.constant 96 : index
          %get3A_159 = tpu.vector_load %arg14[%get3A_157, %get3A_158] {strides = array<i32>} : memref<64x128xf32, #tpu.memory_space<vmem>>, vector<1x16xf32>,
          %get3A_160 = vector.shape_cast %get3A_159 : vector<1x16xf32> to vector<16xf32>
          %mul3A_161 = arith.mulf %get3A_156, %get3A_160 : vector<16xf32>
          %swap3A_162 = arith.index_cast %scan3A_125 : i32 to index
          %swap3A_163 = arith.constant 32 : index
          %swap3A_164 = tpu.vector_load %arg13[%swap3A_162, %swap3A_163] {strides = array<i32>} : memref<64x64xf32, #tpu.memory_space<vmem>>, vector<1x16xf32>,
          %swap3A_165 = vector.shape_cast %swap3A_164 : vector<1x16xf32> to vector<16xf32>
          %swap3A_166 = vector.shape_cast %mul3A_161 : vector<16xf32> to vector<1x16xf32>
          tpu.vector_store %arg13[%swap3A_162, %swap3A_163], %swap3A_166 {strides = array<i32>} : memref<64x64xf32, #tpu.memory_space<vmem>>, vector<1x16xf32>,
          %get3A_167 = arith.index_cast %scan3A_125 : i32 to index
          %get3A_168 = arith.constant 48 : index
          %get3A_169 = tpu.vector_load %arg13[%get3A_167, %get3A_168] {strides = array<i32>} : memref<64x64xf32, #tpu.memory_space<vmem>>, vector<1x16xf32>,
          %get3A_170 = vector.shape_cast %get3A_169 : vector<1x16xf32> to vector<16xf32>
          %get3A_171 = arith.index_cast %scan3A_125 : i32 to index
          %get3A_172 = arith.constant 112 : index
          %get3A_173 = tpu.vector_load %arg14[%get3A_171, %get3A_172] {strides = array<i32>} : memref<64x128xf32, #tpu.memory_space<vmem>>, vector<1x16xf32>,
          %get3A_174 = vector.shape_cast %get3A_173 : vector<1x16xf32> to vector<16xf32>
          %mul3A_175 = arith.mulf %get3A_170, %get3A_174 : vector<16xf32>
          %swap3A_176 = arith.index_cast %scan3A_125 : i32 to index
          %swap3A_177 = arith.constant 48 : index
          %swap3A_178 = tpu.vector_load %arg13[%swap3A_176, %swap3A_177] {strides = array<i32>} : memref<64x64xf32, #tpu.memory_space<vmem>>, vector<1x16xf32>,
          %swap3A_179 = vector.shape_cast %swap3A_178 : vector<1x16xf32> to vector<16xf32>
          %swap3A_180 = vector.shape_cast %mul3A_175 : vector<16xf32> to vector<1x16xf32>
          tpu.vector_store %arg13[%swap3A_176, %swap3A_177], %swap3A_180 {strides = array<i32>} : memref<64x64xf32, #tpu.memory_space<vmem>>, vector<1x16xf32>,
          %scan3A_181 = arith.constant 0 : i32
          scf.yield %scan3A_181 : i32
        }
        %scan3A_124 = arith.constant 64 : i32
      } else {
      }
      "tpu.region"() ({
        %run_scoped3A_118 = tpu.sem_alloc : memref<!tpu.dma_semaphore, #tpu.memory_space<semaphore_mem>>
        %dma_start3A_119 = arith.constant 0 : i32
        %dma_start3A_120 = arith.constant 0 : i32
        %dma_start3A_121 = tpu.memref_slice %arg16[%dma_start3A_119, %dma_start3A_120] : memref<12544x64xf32, #tpu.memory_space<vmem_shared>> -> memref<12544x64xf32, #tpu.memory_space<vmem_shared>>
        tpu.enqueue_indirect_dma source(%arg13 : memref<64x64xf32, #tpu.memory_space<vmem>>) target(%dma_start3A_121 : memref<12544x64xf32, #tpu.memory_space<vmem_shared>>) offsets(%arg12 : memref<64xi32, #tpu.memory_space<vmem>>) semaphore(%run_scoped3A_118 : memref<!tpu.dma_semaphore, #tpu.memory_space<semaphore_mem>>) {add = true}
        %dma_wait3A_122 = arith.constant 0 : i32
        %dma_wait3A_123 = arith.constant 0 : i32
        %dma_wait3A_124 = tpu.memref_slice %arg16[%dma_wait3A_122, %dma_wait3A_123] : memref<12544x64xf32, #tpu.memory_space<vmem_shared>> -> memref<12544x64xf32, #tpu.memory_space<vmem_shared>>
        tpu.wait_indirect_dma semaphore(%run_scoped3A_118 : memref<!tpu.dma_semaphore, #tpu.memory_space<semaphore_mem>>) src(%arg13 : memref<64x64xf32, #tpu.memory_space<vmem>>) dst(%dma_wait3A_124 : memref<12544x64xf32, #tpu.memory_space<vmem_shared>>)
        tpu.yield
      }) : () -> ()
    } else {
    }
    %barrier3A_46 = arith.constant 0 : index
    tpu.barrier barrier_id(%barrier3A_46)
    %mul3A_47 = arith.constant 784 : i32
    %mul3A_48 = arith.muli %arg1, %mul3A_47 : i32
    %mul3A_49 = arith.constant 784 : i32
    %mul3A_50 = arith.muli %arg1, %mul3A_49 : i32
    %run_scoped3A = arith.constant 0 : i32
    "tpu.region"() ({
      %run_scoped3A_102 = tpu.sem_alloc : memref<!tpu.dma_semaphore, #tpu.memory_space<semaphore_mem>>
      %dma_start3A = arith.constant 0 : i32
      %dma_start3A_103 = tpu.memref_slice %arg6[%arg0, %run_scoped3A, %mul3A_50, %dma_start3A] : memref<2x2x12544x64xf32, #tpu.memory_space<hbm>> -> memref<1x1x784x64xf32, #tpu.memory_space<hbm>>
      %dma_start3A_104 = tpu.memref_squeeze %dma_start3A_103 : memref<1x1x784x64xf32, #tpu.memory_space<hbm>> -> memref<784x64xf32, #tpu.memory_space<hbm>>
      %dma_start3A_105 = arith.constant 0 : i32
      %dma_start3A_106 = tpu.memref_slice %arg16[%mul3A_48, %dma_start3A_105] : memref<12544x64xf32, #tpu.memory_space<vmem_shared>> -> memref<784x64xf32, #tpu.memory_space<vmem_shared>>
      tpu.enqueue_dma source(%dma_start3A_106 : memref<784x64xf32, #tpu.memory_space<vmem_shared>>) target(%dma_start3A_104 : memref<784x64xf32, #tpu.memory_space<hbm>>) target_semaphore(%run_scoped3A_102 : memref<!tpu.dma_semaphore, #tpu.memory_space<semaphore_mem>>)
      %dma_wait3A = arith.constant 0 : i32
      %dma_wait3A_107 = tpu.memref_slice %arg6[%arg0, %run_scoped3A, %mul3A_50, %dma_wait3A] : memref<2x2x12544x64xf32, #tpu.memory_space<hbm>> -> memref<1x1x784x64xf32, #tpu.memory_space<hbm>>
      %dma_wait3A_108 = tpu.memref_squeeze %dma_wait3A_107 : memref<1x1x784x64xf32, #tpu.memory_space<hbm>> -> memref<784x64xf32, #tpu.memory_space<hbm>>
      %dma_wait3A_109 = arith.constant 0 : i32
      %dma_wait3A_110 = tpu.memref_slice %arg16[%mul3A_48, %dma_wait3A_109] : memref<12544x64xf32, #tpu.memory_space<vmem_shared>> -> memref<784x64xf32, #tpu.memory_space<vmem_shared>>
      tpu.wait_dma2 semaphore(%run_scoped3A_102 : memref<!tpu.dma_semaphore, #tpu.memory_space<semaphore_mem>>) src(%dma_wait3A_110 : memref<784x64xf32, #tpu.memory_space<vmem_shared>>) dst(%dma_wait3A_108 : memref<784x64xf32, #tpu.memory_space<hbm>>)
      tpu.yield
    }) : () -> ()
    %mul3A_51 = arith.constant 784 : i32
    %mul3A_52 = arith.muli %arg1, %mul3A_51 : i32
    %add3A_53 = arith.constant 0 : i32
    %add3A_54 = arith.addi %mul3A_52, %add3A_53 : i32
    "tpu.region"() ({
      %run_scoped3A_102 = tpu.sem_alloc : memref<!tpu.dma_semaphore, #tpu.memory_space<semaphore_mem>>
      %dma_start3A = arith.constant 0 : i32
      %dma_start3A_103 = tpu.memref_slice %arg16[%add3A_54, %dma_start3A] : memref<12544x64xf32, #tpu.memory_space<vmem_shared>> -> memref<112x64xf32, #tpu.memory_space<vmem_shared>>
      %dma_start3A_104 = arith.constant 0 : i32
      %dma_start3A_105 = tpu.memref_slice %arg16[%add3A_54, %dma_start3A_104] : memref<12544x64xf32, #tpu.memory_space<vmem_shared>> -> memref<112x64xf32, #tpu.memory_space<vmem_shared>>
      tpu.enqueue_dma source(%arg15 : memref<112x64xf32, #tpu.memory_space<vmem>>) target(%dma_start3A_105 : memref<112x64xf32, #tpu.memory_space<vmem_shared>>) target_semaphore(%run_scoped3A_102 : memref<!tpu.dma_semaphore, #tpu.memory_space<semaphore_mem>>)
      %dma_wait3A = arith.constant 0 : i32
      %dma_wait3A_106 = tpu.memref_slice %arg16[%add3A_54, %dma_wait3A] : memref<12544x64xf32, #tpu.memory_space<vmem_shared>> -> memref<112x64xf32, #tpu.memory_space<vmem_shared>>
      %dma_wait3A_107 = arith.constant 0 : i32
      %dma_wait3A_108 = tpu.memref_slice %arg16[%add3A_54, %dma_wait3A_107] : memref<12544x64xf32, #tpu.memory_space<vmem_shared>> -> memref<112x64xf32, #tpu.memory_space<vmem_shared>>
      tpu.wait_dma2 semaphore(%run_scoped3A_102 : memref<!tpu.dma_semaphore, #tpu.memory_space<semaphore_mem>>) src(%arg15 : memref<112x64xf32, #tpu.memory_space<vmem>>) dst(%dma_wait3A_108 : memref<112x64xf32, #tpu.memory_space<vmem_shared>>)
      tpu.yield
    }) : () -> ()
    %mul3A_55 = arith.constant 784 : i32
    %mul3A_56 = arith.muli %arg1, %mul3A_55 : i32
    %add3A_57 = arith.constant 112 : i32
    %add3A_58 = arith.addi %mul3A_56, %add3A_57 : i32
    "tpu.region"() ({
      %run_scoped3A_102 = tpu.sem_alloc : memref<!tpu.dma_semaphore, #tpu.memory_space<semaphore_mem>>
      %dma_start3A = arith.constant 0 : i32
      %dma_start3A_103 = tpu.memref_slice %arg16[%add3A_58, %dma_start3A] : memref<12544x64xf32, #tpu.memory_space<vmem_shared>> -> memref<112x64xf32, #tpu.memory_space<vmem_shared>>
      %dma_start3A_104 = arith.constant 0 : i32
      %dma_start3A_105 = tpu.memref_slice %arg16[%add3A_58, %dma_start3A_104] : memref<12544x64xf32, #tpu.memory_space<vmem_shared>> -> memref<112x64xf32, #tpu.memory_space<vmem_shared>>
      tpu.enqueue_dma source(%arg15 : memref<112x64xf32, #tpu.memory_space<vmem>>) target(%dma_start3A_105 : memref<112x64xf32, #tpu.memory_space<vmem_shared>>) target_semaphore(%run_scoped3A_102 : memref<!tpu.dma_semaphore, #tpu.memory_space<semaphore_mem>>)
      %dma_wait3A = arith.constant 0 : i32
      %dma_wait3A_106 = tpu.memref_slice %arg16[%add3A_58, %dma_wait3A] : memref<12544x64xf32, #tpu.memory_space<vmem_shared>> -> memref<112x64xf32, #tpu.memory_space<vmem_shared>>
      %dma_wait3A_107 = arith.constant 0 : i32
      %dma_wait3A_108 = tpu.memref_slice %arg16[%add3A_58, %dma_wait3A_107] : memref<12544x64xf32, #tpu.memory_space<vmem_shared>> -> memref<112x64xf32, #tpu.memory_space<vmem_shared>>
      tpu.wait_dma2 semaphore(%run_scoped3A_102 : memref<!tpu.dma_semaphore, #tpu.memory_space<semaphore_mem>>) src(%arg15 : memref<112x64xf32, #tpu.memory_space<vmem>>) dst(%dma_wait3A_108 : memref<112x64xf32, #tpu.memory_space<vmem_shared>>)
      tpu.yield
    }) : () -> ()
    %mul3A_59 = arith.constant 784 : i32
    %mul3A_60 = arith.muli %arg1, %mul3A_59 : i32
    %add3A_61 = arith.constant 224 : i32
    %add3A_62 = arith.addi %mul3A_60, %add3A_61 : i32
    "tpu.region"() ({
      %run_scoped3A_102 = tpu.sem_alloc : memref<!tpu.dma_semaphore, #tpu.memory_space<semaphore_mem>>
      %dma_start3A = arith.constant 0 : i32
      %dma_start3A_103 = tpu.memref_slice %arg16[%add3A_62, %dma_start3A] : memref<12544x64xf32, #tpu.memory_space<vmem_shared>> -> memref<112x64xf32, #tpu.memory_space<vmem_shared>>
      %dma_start3A_104 = arith.constant 0 : i32
      %dma_start3A_105 = tpu.memref_slice %arg16[%add3A_62, %dma_start3A_104] : memref<12544x64xf32, #tpu.memory_space<vmem_shared>> -> memref<112x64xf32, #tpu.memory_space<vmem_shared>>
      tpu.enqueue_dma source(%arg15 : memref<112x64xf32, #tpu.memory_space<vmem>>) target(%dma_start3A_105 : memref<112x64xf32, #tpu.memory_space<vmem_shared>>) target_semaphore(%run_scoped3A_102 : memref<!tpu.dma_semaphore, #tpu.memory_space<semaphore_mem>>)
      %dma_wait3A = arith.constant 0 : i32
      %dma_wait3A_106 = tpu.memref_slice %arg16[%add3A_62, %dma_wait3A] : memref<12544x64xf32, #tpu.memory_space<vmem_shared>> -> memref<112x64xf32, #tpu.memory_space<vmem_shared>>
      %dma_wait3A_107 = arith.constant 0 : i32
      %dma_wait3A_108 = tpu.memref_slice %arg16[%add3A_62, %dma_wait3A_107] : memref<12544x64xf32, #tpu.memory_space<vmem_shared>> -> memref<112x64xf32, #tpu.memory_space<vmem_shared>>
      tpu.wait_dma2 semaphore(%run_scoped3A_102 : memref<!tpu.dma_semaphore, #tpu.memory_space<semaphore_mem>>) src(%arg15 : memref<112x64xf32, #tpu.memory_space<vmem>>) dst(%dma_wait3A_108 : memref<112x64xf32, #tpu.memory_space<vmem_shared>>)
      tpu.yield
    }) : () -> ()
    %mul3A_63 = arith.constant 784 : i32
    %mul3A_64 = arith.muli %arg1, %mul3A_63 : i32
    %add3A_65 = arith.constant 336 : i32
    %add3A_66 = arith.addi %mul3A_64, %add3A_65 : i32
    "tpu.region"() ({
      %run_scoped3A_102 = tpu.sem_alloc : memref<!tpu.dma_semaphore, #tpu.memory_space<semaphore_mem>>
      %dma_start3A = arith.constant 0 : i32
      %dma_start3A_103 = tpu.memref_slice %arg16[%add3A_66, %dma_start3A] : memref<12544x64xf32, #tpu.memory_space<vmem_shared>> -> memref<112x64xf32, #tpu.memory_space<vmem_shared>>
      %dma_start3A_104 = arith.constant 0 : i32
      %dma_start3A_105 = tpu.memref_slice %arg16[%add3A_66, %dma_start3A_104] : memref<12544x64xf32, #tpu.memory_space<vmem_shared>> -> memref<112x64xf32, #tpu.memory_space<vmem_shared>>
      tpu.enqueue_dma source(%arg15 : memref<112x64xf32, #tpu.memory_space<vmem>>) target(%dma_start3A_105 : memref<112x64xf32, #tpu.memory_space<vmem_shared>>) target_semaphore(%run_scoped3A_102 : memref<!tpu.dma_semaphore, #tpu.memory_space<semaphore_mem>>)
      %dma_wait3A = arith.constant 0 : i32
      %dma_wait3A_106 = tpu.memref_slice %arg16[%add3A_66, %dma_wait3A] : memref<12544x64xf32, #tpu.memory_space<vmem_shared>> -> memref<112x64xf32, #tpu.memory_space<vmem_shared>>
      %dma_wait3A_107 = arith.constant 0 : i32
      %dma_wait3A_108 = tpu.memref_slice %arg16[%add3A_66, %dma_wait3A_107] : memref<12544x64xf32, #tpu.memory_space<vmem_shared>> -> memref<112x64xf32, #tpu.memory_space<vmem_shared>>
      tpu.wait_dma2 semaphore(%run_scoped3A_102 : memref<!tpu.dma_semaphore, #tpu.memory_space<semaphore_mem>>) src(%arg15 : memref<112x64xf32, #tpu.memory_space<vmem>>) dst(%dma_wait3A_108 : memref<112x64xf32, #tpu.memory_space<vmem_shared>>)
      tpu.yield
    }) : () -> ()
    %mul3A_67 = arith.constant 784 : i32
    %mul3A_68 = arith.muli %arg1, %mul3A_67 : i32
    %add3A_69 = arith.constant 448 : i32
    %add3A_70 = arith.addi %mul3A_68, %add3A_69 : i32
    "tpu.region"() ({
      %run_scoped3A_102 = tpu.sem_alloc : memref<!tpu.dma_semaphore, #tpu.memory_space<semaphore_mem>>
      %dma_start3A = arith.constant 0 : i32
      %dma_start3A_103 = tpu.memref_slice %arg16[%add3A_70, %dma_start3A] : memref<12544x64xf32, #tpu.memory_space<vmem_shared>> -> memref<112x64xf32, #tpu.memory_space<vmem_shared>>
      %dma_start3A_104 = arith.constant 0 : i32
      %dma_start3A_105 = tpu.memref_slice %arg16[%add3A_70, %dma_start3A_104] : memref<12544x64xf32, #tpu.memory_space<vmem_shared>> -> memref<112x64xf32, #tpu.memory_space<vmem_shared>>
      tpu.enqueue_dma source(%arg15 : memref<112x64xf32, #tpu.memory_space<vmem>>) target(%dma_start3A_105 : memref<112x64xf32, #tpu.memory_space<vmem_shared>>) target_semaphore(%run_scoped3A_102 : memref<!tpu.dma_semaphore, #tpu.memory_space<semaphore_mem>>)
      %dma_wait3A = arith.constant 0 : i32
      %dma_wait3A_106 = tpu.memref_slice %arg16[%add3A_70, %dma_wait3A] : memref<12544x64xf32, #tpu.memory_space<vmem_shared>> -> memref<112x64xf32, #tpu.memory_space<vmem_shared>>
      %dma_wait3A_107 = arith.constant 0 : i32
      %dma_wait3A_108 = tpu.memref_slice %arg16[%add3A_70, %dma_wait3A_107] : memref<12544x64xf32, #tpu.memory_space<vmem_shared>> -> memref<112x64xf32, #tpu.memory_space<vmem_shared>>
      tpu.wait_dma2 semaphore(%run_scoped3A_102 : memref<!tpu.dma_semaphore, #tpu.memory_space<semaphore_mem>>) src(%arg15 : memref<112x64xf32, #tpu.memory_space<vmem>>) dst(%dma_wait3A_108 : memref<112x64xf32, #tpu.memory_space<vmem_shared>>)
      tpu.yield
    }) : () -> ()
    %mul3A_71 = arith.constant 784 : i32
    %mul3A_72 = arith.muli %arg1, %mul3A_71 : i32
    %add3A_73 = arith.constant 560 : i32
    %add3A_74 = arith.addi %mul3A_72, %add3A_73 : i32
    "tpu.region"() ({
      %run_scoped3A_102 = tpu.sem_alloc : memref<!tpu.dma_semaphore, #tpu.memory_space<semaphore_mem>>
      %dma_start3A = arith.constant 0 : i32
      %dma_start3A_103 = tpu.memref_slice %arg16[%add3A_74, %dma_start3A] : memref<12544x64xf32, #tpu.memory_space<vmem_shared>> -> memref<112x64xf32, #tpu.memory_space<vmem_shared>>
      %dma_start3A_104 = arith.constant 0 : i32
      %dma_start3A_105 = tpu.memref_slice %arg16[%add3A_74, %dma_start3A_104] : memref<12544x64xf32, #tpu.memory_space<vmem_shared>> -> memref<112x64xf32, #tpu.memory_space<vmem_shared>>
      tpu.enqueue_dma source(%arg15 : memref<112x64xf32, #tpu.memory_space<vmem>>) target(%dma_start3A_105 : memref<112x64xf32, #tpu.memory_space<vmem_shared>>) target_semaphore(%run_scoped3A_102 : memref<!tpu.dma_semaphore, #tpu.memory_space<semaphore_mem>>)
      %dma_wait3A = arith.constant 0 : i32
      %dma_wait3A_106 = tpu.memref_slice %arg16[%add3A_74, %dma_wait3A] : memref<12544x64xf32, #tpu.memory_space<vmem_shared>> -> memref<112x64xf32, #tpu.memory_space<vmem_shared>>
      %dma_wait3A_107 = arith.constant 0 : i32
      %dma_wait3A_108 = tpu.memref_slice %arg16[%add3A_74, %dma_wait3A_107] : memref<12544x64xf32, #tpu.memory_space<vmem_shared>> -> memref<112x64xf32, #tpu.memory_space<vmem_shared>>
      tpu.wait_dma2 semaphore(%run_scoped3A_102 : memref<!tpu.dma_semaphore, #tpu.memory_space<semaphore_mem>>) src(%arg15 : memref<112x64xf32, #tpu.memory_space<vmem>>) dst(%dma_wait3A_108 : memref<112x64xf32, #tpu.memory_space<vmem_shared>>)
      tpu.yield
    }) : () -> ()
    %mul3A_75 = arith.constant 784 : i32
    %mul3A_76 = arith.muli %arg1, %mul3A_75 : i32
    %add3A_77 = arith.constant 672 : i32
    %add3A_78 = arith.addi %mul3A_76, %add3A_77 : i32
    "tpu.region"() ({
      %run_scoped3A_102 = tpu.sem_alloc : memref<!tpu.dma_semaphore, #tpu.memory_space<semaphore_mem>>
      %dma_start3A = arith.constant 0 : i32
      %dma_start3A_103 = tpu.memref_slice %arg16[%add3A_78, %dma_start3A] : memref<12544x64xf32, #tpu.memory_space<vmem_shared>> -> memref<112x64xf32, #tpu.memory_space<vmem_shared>>
      %dma_start3A_104 = arith.constant 0 : i32
      %dma_start3A_105 = tpu.memref_slice %arg16[%add3A_78, %dma_start3A_104] : memref<12544x64xf32, #tpu.memory_space<vmem_shared>> -> memref<112x64xf32, #tpu.memory_space<vmem_shared>>
      tpu.enqueue_dma source(%arg15 : memref<112x64xf32, #tpu.memory_space<vmem>>) target(%dma_start3A_105 : memref<112x64xf32, #tpu.memory_space<vmem_shared>>) target_semaphore(%run_scoped3A_102 : memref<!tpu.dma_semaphore, #tpu.memory_space<semaphore_mem>>)
      %dma_wait3A = arith.constant 0 : i32
      %dma_wait3A_106 = tpu.memref_slice %arg16[%add3A_78, %dma_wait3A] : memref<12544x64xf32, #tpu.memory_space<vmem_shared>> -> memref<112x64xf32, #tpu.memory_space<vmem_shared>>
      %dma_wait3A_107 = arith.constant 0 : i32
      %dma_wait3A_108 = tpu.memref_slice %arg16[%add3A_78, %dma_wait3A_107] : memref<12544x64xf32, #tpu.memory_space<vmem_shared>> -> memref<112x64xf32, #tpu.memory_space<vmem_shared>>
      tpu.wait_dma2 semaphore(%run_scoped3A_102 : memref<!tpu.dma_semaphore, #tpu.memory_space<semaphore_mem>>) src(%arg15 : memref<112x64xf32, #tpu.memory_space<vmem>>) dst(%dma_wait3A_108 : memref<112x64xf32, #tpu.memory_space<vmem_shared>>)
      tpu.yield
    }) : () -> ()
    %barrier3A_79 = arith.constant 0 : index
    tpu.barrier barrier_id(%barrier3A_79)
    %mul3A_80 = arith.constant 400000 : i32
    %mul3A_81 = arith.muli %arg0, %mul3A_80 : i32
    %add3A_82 = arith.constant 200000 : i32
    %add3A_83 = arith.addi %mul3A_81, %add3A_82 : i32
    %scan3A_84 = arith.constant 0 : i32
    %scan3A_85 = arith.constant 0 : i32
    %scan3A_86 = arith.constant 98 : i32
    %scan3A_87 = arith.addi %scan3A_85, %scan3A_86 : i32
    %scan3A_88 = arith.constant 1 : i32
    %scan3A_89 = scf.for %scan3A_102 = %scan3A_85 to %scan3A_87 step %scan3A_88 iter_args(%scan3A_103 = %scan3A_84) -> (i32)  : i32 {
      %mul3A_104 = arith.constant 16 : i32
      %mul3A_105 = arith.muli %scan3A_102, %mul3A_104 : i32
      %add3A_106 = arith.addi %mul3A_105, %arg1 : i32
      %lt3A = arith.constant 1562 : i32
      %lt3A_107 = arith.cmpi slt, %add3A_106, %lt3A : i32
      %convert_element_type3A_108 = arith.extui %lt3A_107 : i1 to i32
      %cond3A_109 = arith.constant 0 : i32
      %cond3A_110 = arith.cmpi ne, %convert_element_type3A_108, %cond3A_109 : i32
      scf.if %cond3A_110 {
        %mul3A_112 = arith.constant 128 : i32
        %mul3A_113 = arith.muli %add3A_106, %mul3A_112 : i32
        %add3A_114 = arith.addi %add3A_83, %mul3A_113 : i32
        "tpu.region"() ({
          %run_scoped3A_133 = tpu.sem_alloc : memref<!tpu.dma_semaphore, #tpu.memory_space<semaphore_mem>>
          %dma_start3A_134 = tpu.memref_slice %arg2[%add3A_114] : memref<800000xi32, #tpu.memory_space<hbm>> -> memref<128xi32, #tpu.memory_space<hbm>>
          %dma_start3A_135 = tpu.memref_slice %arg2[%add3A_114] : memref<800000xi32, #tpu.memory_space<hbm>> -> memref<128xi32, #tpu.memory_space<hbm>>
          tpu.enqueue_dma source(%dma_start3A_135 : memref<128xi32, #tpu.memory_space<hbm>>) target(%arg7 : memref<128xi32, #tpu.memory_space<vmem>>) target_semaphore(%run_scoped3A_133 : memref<!tpu.dma_semaphore, #tpu.memory_space<semaphore_mem>>)
          %dma_wait3A_136 = tpu.memref_slice %arg2[%add3A_114] : memref<800000xi32, #tpu.memory_space<hbm>> -> memref<128xi32, #tpu.memory_space<hbm>>
          %dma_wait3A_137 = tpu.memref_slice %arg2[%add3A_114] : memref<800000xi32, #tpu.memory_space<hbm>> -> memref<128xi32, #tpu.memory_space<hbm>>
          tpu.wait_dma2 semaphore(%run_scoped3A_133 : memref<!tpu.dma_semaphore, #tpu.memory_space<semaphore_mem>>) src(%dma_wait3A_137 : memref<128xi32, #tpu.memory_space<hbm>>) dst(%arg7 : memref<128xi32, #tpu.memory_space<vmem>>)
          tpu.yield
        }) : () -> ()
        "tpu.region"() ({
          %run_scoped3A_133 = tpu.sem_alloc : memref<!tpu.dma_semaphore, #tpu.memory_space<semaphore_mem>>
          %dma_start3A_134 = tpu.memref_slice %arg3[%add3A_114] : memref<800000xi32, #tpu.memory_space<hbm>> -> memref<128xi32, #tpu.memory_space<hbm>>
          %dma_start3A_135 = tpu.memref_slice %arg3[%add3A_114] : memref<800000xi32, #tpu.memory_space<hbm>> -> memref<128xi32, #tpu.memory_space<hbm>>
          tpu.enqueue_dma source(%dma_start3A_135 : memref<128xi32, #tpu.memory_space<hbm>>) target(%arg8 : memref<128xi32, #tpu.memory_space<vmem>>) target_semaphore(%run_scoped3A_133 : memref<!tpu.dma_semaphore, #tpu.memory_space<semaphore_mem>>)
          %dma_wait3A_136 = tpu.memref_slice %arg3[%add3A_114] : memref<800000xi32, #tpu.memory_space<hbm>> -> memref<128xi32, #tpu.memory_space<hbm>>
          %dma_wait3A_137 = tpu.memref_slice %arg3[%add3A_114] : memref<800000xi32, #tpu.memory_space<hbm>> -> memref<128xi32, #tpu.memory_space<hbm>>
          tpu.wait_dma2 semaphore(%run_scoped3A_133 : memref<!tpu.dma_semaphore, #tpu.memory_space<semaphore_mem>>) src(%dma_wait3A_137 : memref<128xi32, #tpu.memory_space<hbm>>) dst(%arg8 : memref<128xi32, #tpu.memory_space<vmem>>)
          tpu.yield
        }) : () -> ()
        %dma_start3A = arith.constant 0 : i32
        %dma_start3A_115 = arith.constant 0 : i32
        %dma_start3A_116 = tpu.memref_slice %arg4[%dma_start3A, %dma_start3A_115] : memref<50000x64xf32, #tpu.memory_space<hbm>> -> memref<50000x64xf32, #tpu.memory_space<hbm>>
        tpu.enqueue_indirect_dma source(%dma_start3A_116 : memref<50000x64xf32, #tpu.memory_space<hbm>>) target(%arg9 : memref<128x64xf32, #tpu.memory_space<vmem>>) offsets(%arg7 : memref<128xi32, #tpu.memory_space<vmem>>) semaphore(%arg17 : memref<!tpu.dma_semaphore, #tpu.memory_space<semaphore_mem>>)
        %dma_wait3A = arith.constant 0 : i32
        %dma_wait3A_117 = arith.constant 0 : i32
        %dma_wait3A_118 = tpu.memref_slice %arg4[%dma_wait3A, %dma_wait3A_117] : memref<50000x64xf32, #tpu.memory_space<hbm>> -> memref<50000x64xf32, #tpu.memory_space<hbm>>
        tpu.wait_indirect_dma semaphore(%arg17 : memref<!tpu.dma_semaphore, #tpu.memory_space<semaphore_mem>>) src(%dma_wait3A_118 : memref<50000x64xf32, #tpu.memory_space<hbm>>) dst(%arg9 : memref<128x64xf32, #tpu.memory_space<vmem>>)
        %mul3A_119 = arith.constant 128 : i32
        %mul3A_120 = arith.muli %add3A_106, %mul3A_119 : i32
        %add3A_121 = arith.constant 200000 : i32
        %add3A_122 = arith.addi %add3A_121, %mul3A_120 : i32
        "tpu.region"() ({
          %run_scoped3A_133 = tpu.sem_alloc : memref<!tpu.dma_semaphore, #tpu.memory_space<semaphore_mem>>
          %dma_start3A_134 = arith.constant 0 : i32
          %dma_start3A_135 = tpu.memref_slice %arg5[%add3A_122, %dma_start3A_134] : memref<400000x128xf32, #tpu.memory_space<hbm>> -> memref<128x128xf32, #tpu.memory_space<hbm>>
          %dma_start3A_136 = arith.constant 0 : i32
          %dma_start3A_137 = tpu.memref_slice %arg5[%add3A_122, %dma_start3A_136] : memref<400000x128xf32, #tpu.memory_space<hbm>> -> memref<128x128xf32, #tpu.memory_space<hbm>>
          tpu.enqueue_dma source(%dma_start3A_137 : memref<128x128xf32, #tpu.memory_space<hbm>>) target(%arg10 : memref<128x128xf32, #tpu.memory_space<vmem>>) target_semaphore(%run_scoped3A_133 : memref<!tpu.dma_semaphore, #tpu.memory_space<semaphore_mem>>)
          %dma_wait3A_138 = arith.constant 0 : i32
          %dma_wait3A_139 = tpu.memref_slice %arg5[%add3A_122, %dma_wait3A_138] : memref<400000x128xf32, #tpu.memory_space<hbm>> -> memref<128x128xf32, #tpu.memory_space<hbm>>
          %dma_wait3A_140 = arith.constant 0 : i32
          %dma_wait3A_141 = tpu.memref_slice %arg5[%add3A_122, %dma_wait3A_140] : memref<400000x128xf32, #tpu.memory_space<hbm>> -> memref<128x128xf32, #tpu.memory_space<hbm>>
          tpu.wait_dma2 semaphore(%run_scoped3A_133 : memref<!tpu.dma_semaphore, #tpu.memory_space<semaphore_mem>>) src(%dma_wait3A_141 : memref<128x128xf32, #tpu.memory_space<hbm>>) dst(%arg10 : memref<128x128xf32, #tpu.memory_space<vmem>>)
          tpu.yield
        }) : () -> ()
        %eq3A_123 = arith.constant 0 : i32
        %eq3A_124 = arith.cmpi eq, %arg0, %eq3A_123 : i32
        %convert_element_type3A_125 = arith.extui %eq3A_124 : i1 to i32
        %cond3A_126 = arith.constant 0 : i32
        %cond3A_127 = arith.cmpi ne, %convert_element_type3A_125, %cond3A_126 : i32
        scf.if %cond3A_127 {
          %scan3A_133 = arith.constant 0 : i32
          %scan3A_134 = arith.constant 0 : i32
          %scan3A_135 = arith.constant 128 : i32
          %scan3A_136 = arith.addi %scan3A_134, %scan3A_135 : i32
          %scan3A_137 = arith.constant 1 : i32
          %scan3A_138 = scf.for %scan3A_140 = %scan3A_134 to %scan3A_136 step %scan3A_137 iter_args(%scan3A_141 = %scan3A_133) -> (i32)  : i32 {
            %get3A = arith.index_cast %scan3A_140 : i32 to index
            %get3A_142 = arith.constant 0 : index
            %get3A_143 = tpu.vector_load %arg9[%get3A, %get3A_142] {strides = array<i32>} : memref<128x64xf32, #tpu.memory_space<vmem>>, vector<1x16xf32>,
            %get3A_144 = vector.shape_cast %get3A_143 : vector<1x16xf32> to vector<16xf32>
            %get3A_145 = arith.index_cast %scan3A_140 : i32 to index
            %get3A_146 = arith.constant 0 : index
            %get3A_147 = tpu.vector_load %arg10[%get3A_145, %get3A_146] {strides = array<i32>} : memref<128x128xf32, #tpu.memory_space<vmem>>, vector<1x16xf32>,
            %get3A_148 = vector.shape_cast %get3A_147 : vector<1x16xf32> to vector<16xf32>
            %mul3A_149 = arith.mulf %get3A_144, %get3A_148 : vector<16xf32>
            %swap3A = arith.index_cast %scan3A_140 : i32 to index
            %swap3A_150 = arith.constant 0 : index
            %swap3A_151 = tpu.vector_load %arg9[%swap3A, %swap3A_150] {strides = array<i32>} : memref<128x64xf32, #tpu.memory_space<vmem>>, vector<1x16xf32>,
            %swap3A_152 = vector.shape_cast %swap3A_151 : vector<1x16xf32> to vector<16xf32>
            %swap3A_153 = vector.shape_cast %mul3A_149 : vector<16xf32> to vector<1x16xf32>
            tpu.vector_store %arg9[%swap3A, %swap3A_150], %swap3A_153 {strides = array<i32>} : memref<128x64xf32, #tpu.memory_space<vmem>>, vector<1x16xf32>,
            %get3A_154 = arith.index_cast %scan3A_140 : i32 to index
            %get3A_155 = arith.constant 16 : index
            %get3A_156 = tpu.vector_load %arg9[%get3A_154, %get3A_155] {strides = array<i32>} : memref<128x64xf32, #tpu.memory_space<vmem>>, vector<1x16xf32>,
            %get3A_157 = vector.shape_cast %get3A_156 : vector<1x16xf32> to vector<16xf32>
            %get3A_158 = arith.index_cast %scan3A_140 : i32 to index
            %get3A_159 = arith.constant 16 : index
            %get3A_160 = tpu.vector_load %arg10[%get3A_158, %get3A_159] {strides = array<i32>} : memref<128x128xf32, #tpu.memory_space<vmem>>, vector<1x16xf32>,
            %get3A_161 = vector.shape_cast %get3A_160 : vector<1x16xf32> to vector<16xf32>
            %mul3A_162 = arith.mulf %get3A_157, %get3A_161 : vector<16xf32>
            %swap3A_163 = arith.index_cast %scan3A_140 : i32 to index
            %swap3A_164 = arith.constant 16 : index
            %swap3A_165 = tpu.vector_load %arg9[%swap3A_163, %swap3A_164] {strides = array<i32>} : memref<128x64xf32, #tpu.memory_space<vmem>>, vector<1x16xf32>,
            %swap3A_166 = vector.shape_cast %swap3A_165 : vector<1x16xf32> to vector<16xf32>
            %swap3A_167 = vector.shape_cast %mul3A_162 : vector<16xf32> to vector<1x16xf32>
            tpu.vector_store %arg9[%swap3A_163, %swap3A_164], %swap3A_167 {strides = array<i32>} : memref<128x64xf32, #tpu.memory_space<vmem>>, vector<1x16xf32>,
            %get3A_168 = arith.index_cast %scan3A_140 : i32 to index
            %get3A_169 = arith.constant 32 : index
            %get3A_170 = tpu.vector_load %arg9[%get3A_168, %get3A_169] {strides = array<i32>} : memref<128x64xf32, #tpu.memory_space<vmem>>, vector<1x16xf32>,
            %get3A_171 = vector.shape_cast %get3A_170 : vector<1x16xf32> to vector<16xf32>
            %get3A_172 = arith.index_cast %scan3A_140 : i32 to index
            %get3A_173 = arith.constant 32 : index
            %get3A_174 = tpu.vector_load %arg10[%get3A_172, %get3A_173] {strides = array<i32>} : memref<128x128xf32, #tpu.memory_space<vmem>>, vector<1x16xf32>,
            %get3A_175 = vector.shape_cast %get3A_174 : vector<1x16xf32> to vector<16xf32>
            %mul3A_176 = arith.mulf %get3A_171, %get3A_175 : vector<16xf32>
            %swap3A_177 = arith.index_cast %scan3A_140 : i32 to index
            %swap3A_178 = arith.constant 32 : index
            %swap3A_179 = tpu.vector_load %arg9[%swap3A_177, %swap3A_178] {strides = array<i32>} : memref<128x64xf32, #tpu.memory_space<vmem>>, vector<1x16xf32>,
            %swap3A_180 = vector.shape_cast %swap3A_179 : vector<1x16xf32> to vector<16xf32>
            %swap3A_181 = vector.shape_cast %mul3A_176 : vector<16xf32> to vector<1x16xf32>
            tpu.vector_store %arg9[%swap3A_177, %swap3A_178], %swap3A_181 {strides = array<i32>} : memref<128x64xf32, #tpu.memory_space<vmem>>, vector<1x16xf32>,
            %get3A_182 = arith.index_cast %scan3A_140 : i32 to index
            %get3A_183 = arith.constant 48 : index
            %get3A_184 = tpu.vector_load %arg9[%get3A_182, %get3A_183] {strides = array<i32>} : memref<128x64xf32, #tpu.memory_space<vmem>>, vector<1x16xf32>,
            %get3A_185 = vector.shape_cast %get3A_184 : vector<1x16xf32> to vector<16xf32>
            %get3A_186 = arith.index_cast %scan3A_140 : i32 to index
            %get3A_187 = arith.constant 48 : index
            %get3A_188 = tpu.vector_load %arg10[%get3A_186, %get3A_187] {strides = array<i32>} : memref<128x128xf32, #tpu.memory_space<vmem>>, vector<1x16xf32>,
            %get3A_189 = vector.shape_cast %get3A_188 : vector<1x16xf32> to vector<16xf32>
            %mul3A_190 = arith.mulf %get3A_185, %get3A_189 : vector<16xf32>
            %swap3A_191 = arith.index_cast %scan3A_140 : i32 to index
            %swap3A_192 = arith.constant 48 : index
            %swap3A_193 = tpu.vector_load %arg9[%swap3A_191, %swap3A_192] {strides = array<i32>} : memref<128x64xf32, #tpu.memory_space<vmem>>, vector<1x16xf32>,
            %swap3A_194 = vector.shape_cast %swap3A_193 : vector<1x16xf32> to vector<16xf32>
            %swap3A_195 = vector.shape_cast %mul3A_190 : vector<16xf32> to vector<1x16xf32>
            tpu.vector_store %arg9[%swap3A_191, %swap3A_192], %swap3A_195 {strides = array<i32>} : memref<128x64xf32, #tpu.memory_space<vmem>>, vector<1x16xf32>,
            %scan3A_196 = arith.constant 0 : i32
            scf.yield %scan3A_196 : i32
          }
          %scan3A_139 = arith.constant 128 : i32
        } else {
        }
        %eq3A_128 = arith.constant 1 : i32
        %eq3A_129 = arith.cmpi eq, %arg0, %eq3A_128 : i32
        %convert_element_type3A_130 = arith.extui %eq3A_129 : i1 to i32
        %cond3A_131 = arith.constant 0 : i32
        %cond3A_132 = arith.cmpi ne, %convert_element_type3A_130, %cond3A_131 : i32
        scf.if %cond3A_132 {
          %scan3A_133 = arith.constant 0 : i32
          %scan3A_134 = arith.constant 0 : i32
          %scan3A_135 = arith.constant 128 : i32
          %scan3A_136 = arith.addi %scan3A_134, %scan3A_135 : i32
          %scan3A_137 = arith.constant 1 : i32
          %scan3A_138 = scf.for %scan3A_140 = %scan3A_134 to %scan3A_136 step %scan3A_137 iter_args(%scan3A_141 = %scan3A_133) -> (i32)  : i32 {
            %get3A = arith.index_cast %scan3A_140 : i32 to index
            %get3A_142 = arith.constant 0 : index
            %get3A_143 = tpu.vector_load %arg9[%get3A, %get3A_142] {strides = array<i32>} : memref<128x64xf32, #tpu.memory_space<vmem>>, vector<1x16xf32>,
            %get3A_144 = vector.shape_cast %get3A_143 : vector<1x16xf32> to vector<16xf32>
            %get3A_145 = arith.index_cast %scan3A_140 : i32 to index
            %get3A_146 = arith.constant 64 : index
            %get3A_147 = tpu.vector_load %arg10[%get3A_145, %get3A_146] {strides = array<i32>} : memref<128x128xf32, #tpu.memory_space<vmem>>, vector<1x16xf32>,
            %get3A_148 = vector.shape_cast %get3A_147 : vector<1x16xf32> to vector<16xf32>
            %mul3A_149 = arith.mulf %get3A_144, %get3A_148 : vector<16xf32>
            %swap3A = arith.index_cast %scan3A_140 : i32 to index
            %swap3A_150 = arith.constant 0 : index
            %swap3A_151 = tpu.vector_load %arg9[%swap3A, %swap3A_150] {strides = array<i32>} : memref<128x64xf32, #tpu.memory_space<vmem>>, vector<1x16xf32>,
            %swap3A_152 = vector.shape_cast %swap3A_151 : vector<1x16xf32> to vector<16xf32>
            %swap3A_153 = vector.shape_cast %mul3A_149 : vector<16xf32> to vector<1x16xf32>
            tpu.vector_store %arg9[%swap3A, %swap3A_150], %swap3A_153 {strides = array<i32>} : memref<128x64xf32, #tpu.memory_space<vmem>>, vector<1x16xf32>,
            %get3A_154 = arith.index_cast %scan3A_140 : i32 to index
            %get3A_155 = arith.constant 16 : index
            %get3A_156 = tpu.vector_load %arg9[%get3A_154, %get3A_155] {strides = array<i32>} : memref<128x64xf32, #tpu.memory_space<vmem>>, vector<1x16xf32>,
            %get3A_157 = vector.shape_cast %get3A_156 : vector<1x16xf32> to vector<16xf32>
            %get3A_158 = arith.index_cast %scan3A_140 : i32 to index
            %get3A_159 = arith.constant 80 : index
            %get3A_160 = tpu.vector_load %arg10[%get3A_158, %get3A_159] {strides = array<i32>} : memref<128x128xf32, #tpu.memory_space<vmem>>, vector<1x16xf32>,
            %get3A_161 = vector.shape_cast %get3A_160 : vector<1x16xf32> to vector<16xf32>
            %mul3A_162 = arith.mulf %get3A_157, %get3A_161 : vector<16xf32>
            %swap3A_163 = arith.index_cast %scan3A_140 : i32 to index
            %swap3A_164 = arith.constant 16 : index
            %swap3A_165 = tpu.vector_load %arg9[%swap3A_163, %swap3A_164] {strides = array<i32>} : memref<128x64xf32, #tpu.memory_space<vmem>>, vector<1x16xf32>,
            %swap3A_166 = vector.shape_cast %swap3A_165 : vector<1x16xf32> to vector<16xf32>
            %swap3A_167 = vector.shape_cast %mul3A_162 : vector<16xf32> to vector<1x16xf32>
            tpu.vector_store %arg9[%swap3A_163, %swap3A_164], %swap3A_167 {strides = array<i32>} : memref<128x64xf32, #tpu.memory_space<vmem>>, vector<1x16xf32>,
            %get3A_168 = arith.index_cast %scan3A_140 : i32 to index
            %get3A_169 = arith.constant 32 : index
            %get3A_170 = tpu.vector_load %arg9[%get3A_168, %get3A_169] {strides = array<i32>} : memref<128x64xf32, #tpu.memory_space<vmem>>, vector<1x16xf32>,
            %get3A_171 = vector.shape_cast %get3A_170 : vector<1x16xf32> to vector<16xf32>
            %get3A_172 = arith.index_cast %scan3A_140 : i32 to index
            %get3A_173 = arith.constant 96 : index
            %get3A_174 = tpu.vector_load %arg10[%get3A_172, %get3A_173] {strides = array<i32>} : memref<128x128xf32, #tpu.memory_space<vmem>>, vector<1x16xf32>,
            %get3A_175 = vector.shape_cast %get3A_174 : vector<1x16xf32> to vector<16xf32>
            %mul3A_176 = arith.mulf %get3A_171, %get3A_175 : vector<16xf32>
            %swap3A_177 = arith.index_cast %scan3A_140 : i32 to index
            %swap3A_178 = arith.constant 32 : index
            %swap3A_179 = tpu.vector_load %arg9[%swap3A_177, %swap3A_178] {strides = array<i32>} : memref<128x64xf32, #tpu.memory_space<vmem>>, vector<1x16xf32>,
            %swap3A_180 = vector.shape_cast %swap3A_179 : vector<1x16xf32> to vector<16xf32>
            %swap3A_181 = vector.shape_cast %mul3A_176 : vector<16xf32> to vector<1x16xf32>
            tpu.vector_store %arg9[%swap3A_177, %swap3A_178], %swap3A_181 {strides = array<i32>} : memref<128x64xf32, #tpu.memory_space<vmem>>, vector<1x16xf32>,
            %get3A_182 = arith.index_cast %scan3A_140 : i32 to index
            %get3A_183 = arith.constant 48 : index
            %get3A_184 = tpu.vector_load %arg9[%get3A_182, %get3A_183] {strides = array<i32>} : memref<128x64xf32, #tpu.memory_space<vmem>>, vector<1x16xf32>,
            %get3A_185 = vector.shape_cast %get3A_184 : vector<1x16xf32> to vector<16xf32>
            %get3A_186 = arith.index_cast %scan3A_140 : i32 to index
            %get3A_187 = arith.constant 112 : index
            %get3A_188 = tpu.vector_load %arg10[%get3A_186, %get3A_187] {strides = array<i32>} : memref<128x128xf32, #tpu.memory_space<vmem>>, vector<1x16xf32>,
            %get3A_189 = vector.shape_cast %get3A_188 : vector<1x16xf32> to vector<16xf32>
            %mul3A_190 = arith.mulf %get3A_185, %get3A_189 : vector<16xf32>
            %swap3A_191 = arith.index_cast %scan3A_140 : i32 to index
            %swap3A_192 = arith.constant 48 : index
            %swap3A_193 = tpu.vector_load %arg9[%swap3A_191, %swap3A_192] {strides = array<i32>} : memref<128x64xf32, #tpu.memory_space<vmem>>, vector<1x16xf32>,
            %swap3A_194 = vector.shape_cast %swap3A_193 : vector<1x16xf32> to vector<16xf32>
            %swap3A_195 = vector.shape_cast %mul3A_190 : vector<16xf32> to vector<1x16xf32>
            tpu.vector_store %arg9[%swap3A_191, %swap3A_192], %swap3A_195 {strides = array<i32>} : memref<128x64xf32, #tpu.memory_space<vmem>>, vector<1x16xf32>,
            %scan3A_196 = arith.constant 0 : i32
            scf.yield %scan3A_196 : i32
          }
          %scan3A_139 = arith.constant 128 : i32
        } else {
        }
        "tpu.region"() ({
          %run_scoped3A_133 = tpu.sem_alloc : memref<!tpu.dma_semaphore, #tpu.memory_space<semaphore_mem>>
          %dma_start3A_134 = arith.constant 0 : i32
          %dma_start3A_135 = arith.constant 0 : i32
          %dma_start3A_136 = tpu.memref_slice %arg16[%dma_start3A_134, %dma_start3A_135] : memref<12544x64xf32, #tpu.memory_space<vmem_shared>> -> memref<12544x64xf32, #tpu.memory_space<vmem_shared>>
          tpu.enqueue_indirect_dma source(%arg9 : memref<128x64xf32, #tpu.memory_space<vmem>>) target(%dma_start3A_136 : memref<12544x64xf32, #tpu.memory_space<vmem_shared>>) offsets(%arg8 : memref<128xi32, #tpu.memory_space<vmem>>) semaphore(%run_scoped3A_133 : memref<!tpu.dma_semaphore, #tpu.memory_space<semaphore_mem>>) {add = true}
          %dma_wait3A_137 = arith.constant 0 : i32
          %dma_wait3A_138 = arith.constant 0 : i32
          %dma_wait3A_139 = tpu.memref_slice %arg16[%dma_wait3A_137, %dma_wait3A_138] : memref<12544x64xf32, #tpu.memory_space<vmem_shared>> -> memref<12544x64xf32, #tpu.memory_space<vmem_shared>>
          tpu.wait_indirect_dma semaphore(%run_scoped3A_133 : memref<!tpu.dma_semaphore, #tpu.memory_space<semaphore_mem>>) src(%arg9 : memref<128x64xf32, #tpu.memory_space<vmem>>) dst(%dma_wait3A_139 : memref<12544x64xf32, #tpu.memory_space<vmem_shared>>)
          tpu.yield
        }) : () -> ()
      } else {
      }
      %scan3A_111 = arith.constant 0 : i32
      scf.yield %scan3A_111 : i32
    }
    %scan3A_90 = arith.constant 98 : i32
    %eq3A_91 = arith.constant 15 : i32
    %eq3A_92 = arith.cmpi eq, %arg1, %eq3A_91 : i32
    %convert_element_type3A_93 = arith.extui %eq3A_92 : i1 to i32
    %cond3A_94 = arith.constant 0 : i32
    %cond3A_95 = arith.cmpi ne, %convert_element_type3A_93, %cond3A_94 : i32
    scf.if %cond3A_95 {
      %add3A_102 = arith.constant 199936 : i32
      %add3A_103 = arith.addi %add3A_83, %add3A_102 : i32
      "tpu.region"() ({
        %run_scoped3A_118 = tpu.sem_alloc : memref<!tpu.dma_semaphore, #tpu.memory_space<semaphore_mem>>
        %dma_start3A_119 = tpu.memref_slice %arg2[%add3A_103] : memref<800000xi32, #tpu.memory_space<hbm>> -> memref<64xi32, #tpu.memory_space<hbm>>
        %dma_start3A_120 = tpu.memref_slice %arg2[%add3A_103] : memref<800000xi32, #tpu.memory_space<hbm>> -> memref<64xi32, #tpu.memory_space<hbm>>
        tpu.enqueue_dma source(%dma_start3A_120 : memref<64xi32, #tpu.memory_space<hbm>>) target(%arg11 : memref<64xi32, #tpu.memory_space<vmem>>) target_semaphore(%run_scoped3A_118 : memref<!tpu.dma_semaphore, #tpu.memory_space<semaphore_mem>>)
        %dma_wait3A_121 = tpu.memref_slice %arg2[%add3A_103] : memref<800000xi32, #tpu.memory_space<hbm>> -> memref<64xi32, #tpu.memory_space<hbm>>
        %dma_wait3A_122 = tpu.memref_slice %arg2[%add3A_103] : memref<800000xi32, #tpu.memory_space<hbm>> -> memref<64xi32, #tpu.memory_space<hbm>>
        tpu.wait_dma2 semaphore(%run_scoped3A_118 : memref<!tpu.dma_semaphore, #tpu.memory_space<semaphore_mem>>) src(%dma_wait3A_122 : memref<64xi32, #tpu.memory_space<hbm>>) dst(%arg11 : memref<64xi32, #tpu.memory_space<vmem>>)
        tpu.yield
      }) : () -> ()
      "tpu.region"() ({
        %run_scoped3A_118 = tpu.sem_alloc : memref<!tpu.dma_semaphore, #tpu.memory_space<semaphore_mem>>
        %dma_start3A_119 = tpu.memref_slice %arg3[%add3A_103] : memref<800000xi32, #tpu.memory_space<hbm>> -> memref<64xi32, #tpu.memory_space<hbm>>
        %dma_start3A_120 = tpu.memref_slice %arg3[%add3A_103] : memref<800000xi32, #tpu.memory_space<hbm>> -> memref<64xi32, #tpu.memory_space<hbm>>
        tpu.enqueue_dma source(%dma_start3A_120 : memref<64xi32, #tpu.memory_space<hbm>>) target(%arg12 : memref<64xi32, #tpu.memory_space<vmem>>) target_semaphore(%run_scoped3A_118 : memref<!tpu.dma_semaphore, #tpu.memory_space<semaphore_mem>>)
        %dma_wait3A_121 = tpu.memref_slice %arg3[%add3A_103] : memref<800000xi32, #tpu.memory_space<hbm>> -> memref<64xi32, #tpu.memory_space<hbm>>
        %dma_wait3A_122 = tpu.memref_slice %arg3[%add3A_103] : memref<800000xi32, #tpu.memory_space<hbm>> -> memref<64xi32, #tpu.memory_space<hbm>>
        tpu.wait_dma2 semaphore(%run_scoped3A_118 : memref<!tpu.dma_semaphore, #tpu.memory_space<semaphore_mem>>) src(%dma_wait3A_122 : memref<64xi32, #tpu.memory_space<hbm>>) dst(%arg12 : memref<64xi32, #tpu.memory_space<vmem>>)
        tpu.yield
      }) : () -> ()
      %dma_start3A = arith.constant 0 : i32
      %dma_start3A_104 = arith.constant 0 : i32
      %dma_start3A_105 = tpu.memref_slice %arg4[%dma_start3A, %dma_start3A_104] : memref<50000x64xf32, #tpu.memory_space<hbm>> -> memref<50000x64xf32, #tpu.memory_space<hbm>>
      tpu.enqueue_indirect_dma source(%dma_start3A_105 : memref<50000x64xf32, #tpu.memory_space<hbm>>) target(%arg13 : memref<64x64xf32, #tpu.memory_space<vmem>>) offsets(%arg11 : memref<64xi32, #tpu.memory_space<vmem>>) semaphore(%arg17 : memref<!tpu.dma_semaphore, #tpu.memory_space<semaphore_mem>>)
      %dma_wait3A = arith.constant 0 : i32
      %dma_wait3A_106 = arith.constant 0 : i32
      %dma_wait3A_107 = tpu.memref_slice %arg4[%dma_wait3A, %dma_wait3A_106] : memref<50000x64xf32, #tpu.memory_space<hbm>> -> memref<50000x64xf32, #tpu.memory_space<hbm>>
      tpu.wait_indirect_dma semaphore(%arg17 : memref<!tpu.dma_semaphore, #tpu.memory_space<semaphore_mem>>) src(%dma_wait3A_107 : memref<50000x64xf32, #tpu.memory_space<hbm>>) dst(%arg13 : memref<64x64xf32, #tpu.memory_space<vmem>>)
      "tpu.region"() ({
        %run_scoped3A_118 = tpu.sem_alloc : memref<!tpu.dma_semaphore, #tpu.memory_space<semaphore_mem>>
        %dma_start3A_119 = arith.constant 399936 : i32
        %dma_start3A_120 = arith.constant 0 : i32
        %dma_start3A_121 = tpu.memref_slice %arg5[%dma_start3A_119, %dma_start3A_120] : memref<400000x128xf32, #tpu.memory_space<hbm>> -> memref<64x128xf32, #tpu.memory_space<hbm>>
        %dma_start3A_122 = arith.constant 399936 : i32
        %dma_start3A_123 = arith.constant 0 : i32
        %dma_start3A_124 = tpu.memref_slice %arg5[%dma_start3A_122, %dma_start3A_123] : memref<400000x128xf32, #tpu.memory_space<hbm>> -> memref<64x128xf32, #tpu.memory_space<hbm>>
        tpu.enqueue_dma source(%dma_start3A_124 : memref<64x128xf32, #tpu.memory_space<hbm>>) target(%arg14 : memref<64x128xf32, #tpu.memory_space<vmem>>) target_semaphore(%run_scoped3A_118 : memref<!tpu.dma_semaphore, #tpu.memory_space<semaphore_mem>>)
        %dma_wait3A_125 = arith.constant 399936 : i32
        %dma_wait3A_126 = arith.constant 0 : i32
        %dma_wait3A_127 = tpu.memref_slice %arg5[%dma_wait3A_125, %dma_wait3A_126] : memref<400000x128xf32, #tpu.memory_space<hbm>> -> memref<64x128xf32, #tpu.memory_space<hbm>>
        %dma_wait3A_128 = arith.constant 399936 : i32
        %dma_wait3A_129 = arith.constant 0 : i32
        %dma_wait3A_130 = tpu.memref_slice %arg5[%dma_wait3A_128, %dma_wait3A_129] : memref<400000x128xf32, #tpu.memory_space<hbm>> -> memref<64x128xf32, #tpu.memory_space<hbm>>
        tpu.wait_dma2 semaphore(%run_scoped3A_118 : memref<!tpu.dma_semaphore, #tpu.memory_space<semaphore_mem>>) src(%dma_wait3A_130 : memref<64x128xf32, #tpu.memory_space<hbm>>) dst(%arg14 : memref<64x128xf32, #tpu.memory_space<vmem>>)
        tpu.yield
      }) : () -> ()
      %eq3A_108 = arith.constant 0 : i32
      %eq3A_109 = arith.cmpi eq, %arg0, %eq3A_108 : i32
      %convert_element_type3A_110 = arith.extui %eq3A_109 : i1 to i32
      %cond3A_111 = arith.constant 0 : i32
      %cond3A_112 = arith.cmpi ne, %convert_element_type3A_110, %cond3A_111 : i32
      scf.if %cond3A_112 {
        %scan3A_118 = arith.constant 0 : i32
        %scan3A_119 = arith.constant 0 : i32
        %scan3A_120 = arith.constant 64 : i32
        %scan3A_121 = arith.addi %scan3A_119, %scan3A_120 : i32
        %scan3A_122 = arith.constant 1 : i32
        %scan3A_123 = scf.for %scan3A_125 = %scan3A_119 to %scan3A_121 step %scan3A_122 iter_args(%scan3A_126 = %scan3A_118) -> (i32)  : i32 {
          %get3A = arith.index_cast %scan3A_125 : i32 to index
          %get3A_127 = arith.constant 0 : index
          %get3A_128 = tpu.vector_load %arg13[%get3A, %get3A_127] {strides = array<i32>} : memref<64x64xf32, #tpu.memory_space<vmem>>, vector<1x16xf32>,
          %get3A_129 = vector.shape_cast %get3A_128 : vector<1x16xf32> to vector<16xf32>
          %get3A_130 = arith.index_cast %scan3A_125 : i32 to index
          %get3A_131 = arith.constant 0 : index
          %get3A_132 = tpu.vector_load %arg14[%get3A_130, %get3A_131] {strides = array<i32>} : memref<64x128xf32, #tpu.memory_space<vmem>>, vector<1x16xf32>,
          %get3A_133 = vector.shape_cast %get3A_132 : vector<1x16xf32> to vector<16xf32>
          %mul3A_134 = arith.mulf %get3A_129, %get3A_133 : vector<16xf32>
          %swap3A = arith.index_cast %scan3A_125 : i32 to index
          %swap3A_135 = arith.constant 0 : index
          %swap3A_136 = tpu.vector_load %arg13[%swap3A, %swap3A_135] {strides = array<i32>} : memref<64x64xf32, #tpu.memory_space<vmem>>, vector<1x16xf32>,
          %swap3A_137 = vector.shape_cast %swap3A_136 : vector<1x16xf32> to vector<16xf32>
          %swap3A_138 = vector.shape_cast %mul3A_134 : vector<16xf32> to vector<1x16xf32>
          tpu.vector_store %arg13[%swap3A, %swap3A_135], %swap3A_138 {strides = array<i32>} : memref<64x64xf32, #tpu.memory_space<vmem>>, vector<1x16xf32>,
          %get3A_139 = arith.index_cast %scan3A_125 : i32 to index
          %get3A_140 = arith.constant 16 : index
          %get3A_141 = tpu.vector_load %arg13[%get3A_139, %get3A_140] {strides = array<i32>} : memref<64x64xf32, #tpu.memory_space<vmem>>, vector<1x16xf32>,
          %get3A_142 = vector.shape_cast %get3A_141 : vector<1x16xf32> to vector<16xf32>
          %get3A_143 = arith.index_cast %scan3A_125 : i32 to index
          %get3A_144 = arith.constant 16 : index
          %get3A_145 = tpu.vector_load %arg14[%get3A_143, %get3A_144] {strides = array<i32>} : memref<64x128xf32, #tpu.memory_space<vmem>>, vector<1x16xf32>,
          %get3A_146 = vector.shape_cast %get3A_145 : vector<1x16xf32> to vector<16xf32>
          %mul3A_147 = arith.mulf %get3A_142, %get3A_146 : vector<16xf32>
          %swap3A_148 = arith.index_cast %scan3A_125 : i32 to index
          %swap3A_149 = arith.constant 16 : index
          %swap3A_150 = tpu.vector_load %arg13[%swap3A_148, %swap3A_149] {strides = array<i32>} : memref<64x64xf32, #tpu.memory_space<vmem>>, vector<1x16xf32>,
          %swap3A_151 = vector.shape_cast %swap3A_150 : vector<1x16xf32> to vector<16xf32>
          %swap3A_152 = vector.shape_cast %mul3A_147 : vector<16xf32> to vector<1x16xf32>
          tpu.vector_store %arg13[%swap3A_148, %swap3A_149], %swap3A_152 {strides = array<i32>} : memref<64x64xf32, #tpu.memory_space<vmem>>, vector<1x16xf32>,
          %get3A_153 = arith.index_cast %scan3A_125 : i32 to index
          %get3A_154 = arith.constant 32 : index
          %get3A_155 = tpu.vector_load %arg13[%get3A_153, %get3A_154] {strides = array<i32>} : memref<64x64xf32, #tpu.memory_space<vmem>>, vector<1x16xf32>,
          %get3A_156 = vector.shape_cast %get3A_155 : vector<1x16xf32> to vector<16xf32>
          %get3A_157 = arith.index_cast %scan3A_125 : i32 to index
          %get3A_158 = arith.constant 32 : index
          %get3A_159 = tpu.vector_load %arg14[%get3A_157, %get3A_158] {strides = array<i32>} : memref<64x128xf32, #tpu.memory_space<vmem>>, vector<1x16xf32>,
          %get3A_160 = vector.shape_cast %get3A_159 : vector<1x16xf32> to vector<16xf32>
          %mul3A_161 = arith.mulf %get3A_156, %get3A_160 : vector<16xf32>
          %swap3A_162 = arith.index_cast %scan3A_125 : i32 to index
          %swap3A_163 = arith.constant 32 : index
          %swap3A_164 = tpu.vector_load %arg13[%swap3A_162, %swap3A_163] {strides = array<i32>} : memref<64x64xf32, #tpu.memory_space<vmem>>, vector<1x16xf32>,
          %swap3A_165 = vector.shape_cast %swap3A_164 : vector<1x16xf32> to vector<16xf32>
          %swap3A_166 = vector.shape_cast %mul3A_161 : vector<16xf32> to vector<1x16xf32>
          tpu.vector_store %arg13[%swap3A_162, %swap3A_163], %swap3A_166 {strides = array<i32>} : memref<64x64xf32, #tpu.memory_space<vmem>>, vector<1x16xf32>,
          %get3A_167 = arith.index_cast %scan3A_125 : i32 to index
          %get3A_168 = arith.constant 48 : index
          %get3A_169 = tpu.vector_load %arg13[%get3A_167, %get3A_168] {strides = array<i32>} : memref<64x64xf32, #tpu.memory_space<vmem>>, vector<1x16xf32>,
          %get3A_170 = vector.shape_cast %get3A_169 : vector<1x16xf32> to vector<16xf32>
          %get3A_171 = arith.index_cast %scan3A_125 : i32 to index
          %get3A_172 = arith.constant 48 : index
          %get3A_173 = tpu.vector_load %arg14[%get3A_171, %get3A_172] {strides = array<i32>} : memref<64x128xf32, #tpu.memory_space<vmem>>, vector<1x16xf32>,
          %get3A_174 = vector.shape_cast %get3A_173 : vector<1x16xf32> to vector<16xf32>
          %mul3A_175 = arith.mulf %get3A_170, %get3A_174 : vector<16xf32>
          %swap3A_176 = arith.index_cast %scan3A_125 : i32 to index
          %swap3A_177 = arith.constant 48 : index
          %swap3A_178 = tpu.vector_load %arg13[%swap3A_176, %swap3A_177] {strides = array<i32>} : memref<64x64xf32, #tpu.memory_space<vmem>>, vector<1x16xf32>,
          %swap3A_179 = vector.shape_cast %swap3A_178 : vector<1x16xf32> to vector<16xf32>
          %swap3A_180 = vector.shape_cast %mul3A_175 : vector<16xf32> to vector<1x16xf32>
          tpu.vector_store %arg13[%swap3A_176, %swap3A_177], %swap3A_180 {strides = array<i32>} : memref<64x64xf32, #tpu.memory_space<vmem>>, vector<1x16xf32>,
          %scan3A_181 = arith.constant 0 : i32
          scf.yield %scan3A_181 : i32
        }
        %scan3A_124 = arith.constant 64 : i32
      } else {
      }
      %eq3A_113 = arith.constant 1 : i32
      %eq3A_114 = arith.cmpi eq, %arg0, %eq3A_113 : i32
      %convert_element_type3A_115 = arith.extui %eq3A_114 : i1 to i32
      %cond3A_116 = arith.constant 0 : i32
      %cond3A_117 = arith.cmpi ne, %convert_element_type3A_115, %cond3A_116 : i32
      scf.if %cond3A_117 {
        %scan3A_118 = arith.constant 0 : i32
        %scan3A_119 = arith.constant 0 : i32
        %scan3A_120 = arith.constant 64 : i32
        %scan3A_121 = arith.addi %scan3A_119, %scan3A_120 : i32
        %scan3A_122 = arith.constant 1 : i32
        %scan3A_123 = scf.for %scan3A_125 = %scan3A_119 to %scan3A_121 step %scan3A_122 iter_args(%scan3A_126 = %scan3A_118) -> (i32)  : i32 {
          %get3A = arith.index_cast %scan3A_125 : i32 to index
          %get3A_127 = arith.constant 0 : index
          %get3A_128 = tpu.vector_load %arg13[%get3A, %get3A_127] {strides = array<i32>} : memref<64x64xf32, #tpu.memory_space<vmem>>, vector<1x16xf32>,
          %get3A_129 = vector.shape_cast %get3A_128 : vector<1x16xf32> to vector<16xf32>
          %get3A_130 = arith.index_cast %scan3A_125 : i32 to index
          %get3A_131 = arith.constant 64 : index
          %get3A_132 = tpu.vector_load %arg14[%get3A_130, %get3A_131] {strides = array<i32>} : memref<64x128xf32, #tpu.memory_space<vmem>>, vector<1x16xf32>,
          %get3A_133 = vector.shape_cast %get3A_132 : vector<1x16xf32> to vector<16xf32>
          %mul3A_134 = arith.mulf %get3A_129, %get3A_133 : vector<16xf32>
          %swap3A = arith.index_cast %scan3A_125 : i32 to index
          %swap3A_135 = arith.constant 0 : index
          %swap3A_136 = tpu.vector_load %arg13[%swap3A, %swap3A_135] {strides = array<i32>} : memref<64x64xf32, #tpu.memory_space<vmem>>, vector<1x16xf32>,
          %swap3A_137 = vector.shape_cast %swap3A_136 : vector<1x16xf32> to vector<16xf32>
          %swap3A_138 = vector.shape_cast %mul3A_134 : vector<16xf32> to vector<1x16xf32>
          tpu.vector_store %arg13[%swap3A, %swap3A_135], %swap3A_138 {strides = array<i32>} : memref<64x64xf32, #tpu.memory_space<vmem>>, vector<1x16xf32>,
          %get3A_139 = arith.index_cast %scan3A_125 : i32 to index
          %get3A_140 = arith.constant 16 : index
          %get3A_141 = tpu.vector_load %arg13[%get3A_139, %get3A_140] {strides = array<i32>} : memref<64x64xf32, #tpu.memory_space<vmem>>, vector<1x16xf32>,
          %get3A_142 = vector.shape_cast %get3A_141 : vector<1x16xf32> to vector<16xf32>
          %get3A_143 = arith.index_cast %scan3A_125 : i32 to index
          %get3A_144 = arith.constant 80 : index
          %get3A_145 = tpu.vector_load %arg14[%get3A_143, %get3A_144] {strides = array<i32>} : memref<64x128xf32, #tpu.memory_space<vmem>>, vector<1x16xf32>,
          %get3A_146 = vector.shape_cast %get3A_145 : vector<1x16xf32> to vector<16xf32>
          %mul3A_147 = arith.mulf %get3A_142, %get3A_146 : vector<16xf32>
          %swap3A_148 = arith.index_cast %scan3A_125 : i32 to index
          %swap3A_149 = arith.constant 16 : index
          %swap3A_150 = tpu.vector_load %arg13[%swap3A_148, %swap3A_149] {strides = array<i32>} : memref<64x64xf32, #tpu.memory_space<vmem>>, vector<1x16xf32>,
          %swap3A_151 = vector.shape_cast %swap3A_150 : vector<1x16xf32> to vector<16xf32>
          %swap3A_152 = vector.shape_cast %mul3A_147 : vector<16xf32> to vector<1x16xf32>
          tpu.vector_store %arg13[%swap3A_148, %swap3A_149], %swap3A_152 {strides = array<i32>} : memref<64x64xf32, #tpu.memory_space<vmem>>, vector<1x16xf32>,
          %get3A_153 = arith.index_cast %scan3A_125 : i32 to index
          %get3A_154 = arith.constant 32 : index
          %get3A_155 = tpu.vector_load %arg13[%get3A_153, %get3A_154] {strides = array<i32>} : memref<64x64xf32, #tpu.memory_space<vmem>>, vector<1x16xf32>,
          %get3A_156 = vector.shape_cast %get3A_155 : vector<1x16xf32> to vector<16xf32>
          %get3A_157 = arith.index_cast %scan3A_125 : i32 to index
          %get3A_158 = arith.constant 96 : index
          %get3A_159 = tpu.vector_load %arg14[%get3A_157, %get3A_158] {strides = array<i32>} : memref<64x128xf32, #tpu.memory_space<vmem>>, vector<1x16xf32>,
          %get3A_160 = vector.shape_cast %get3A_159 : vector<1x16xf32> to vector<16xf32>
          %mul3A_161 = arith.mulf %get3A_156, %get3A_160 : vector<16xf32>
          %swap3A_162 = arith.index_cast %scan3A_125 : i32 to index
          %swap3A_163 = arith.constant 32 : index
          %swap3A_164 = tpu.vector_load %arg13[%swap3A_162, %swap3A_163] {strides = array<i32>} : memref<64x64xf32, #tpu.memory_space<vmem>>, vector<1x16xf32>,
          %swap3A_165 = vector.shape_cast %swap3A_164 : vector<1x16xf32> to vector<16xf32>
          %swap3A_166 = vector.shape_cast %mul3A_161 : vector<16xf32> to vector<1x16xf32>
          tpu.vector_store %arg13[%swap3A_162, %swap3A_163], %swap3A_166 {strides = array<i32>} : memref<64x64xf32, #tpu.memory_space<vmem>>, vector<1x16xf32>,
          %get3A_167 = arith.index_cast %scan3A_125 : i32 to index
          %get3A_168 = arith.constant 48 : index
          %get3A_169 = tpu.vector_load %arg13[%get3A_167, %get3A_168] {strides = array<i32>} : memref<64x64xf32, #tpu.memory_space<vmem>>, vector<1x16xf32>,
          %get3A_170 = vector.shape_cast %get3A_169 : vector<1x16xf32> to vector<16xf32>
          %get3A_171 = arith.index_cast %scan3A_125 : i32 to index
          %get3A_172 = arith.constant 112 : index
          %get3A_173 = tpu.vector_load %arg14[%get3A_171, %get3A_172] {strides = array<i32>} : memref<64x128xf32, #tpu.memory_space<vmem>>, vector<1x16xf32>,
          %get3A_174 = vector.shape_cast %get3A_173 : vector<1x16xf32> to vector<16xf32>
          %mul3A_175 = arith.mulf %get3A_170, %get3A_174 : vector<16xf32>
          %swap3A_176 = arith.index_cast %scan3A_125 : i32 to index
          %swap3A_177 = arith.constant 48 : index
          %swap3A_178 = tpu.vector_load %arg13[%swap3A_176, %swap3A_177] {strides = array<i32>} : memref<64x64xf32, #tpu.memory_space<vmem>>, vector<1x16xf32>,
          %swap3A_179 = vector.shape_cast %swap3A_178 : vector<1x16xf32> to vector<16xf32>
          %swap3A_180 = vector.shape_cast %mul3A_175 : vector<16xf32> to vector<1x16xf32>
          tpu.vector_store %arg13[%swap3A_176, %swap3A_177], %swap3A_180 {strides = array<i32>} : memref<64x64xf32, #tpu.memory_space<vmem>>, vector<1x16xf32>,
          %scan3A_181 = arith.constant 0 : i32
          scf.yield %scan3A_181 : i32
        }
        %scan3A_124 = arith.constant 64 : i32
      } else {
      }
      "tpu.region"() ({
        %run_scoped3A_118 = tpu.sem_alloc : memref<!tpu.dma_semaphore, #tpu.memory_space<semaphore_mem>>
        %dma_start3A_119 = arith.constant 0 : i32
        %dma_start3A_120 = arith.constant 0 : i32
        %dma_start3A_121 = tpu.memref_slice %arg16[%dma_start3A_119, %dma_start3A_120] : memref<12544x64xf32, #tpu.memory_space<vmem_shared>> -> memref<12544x64xf32, #tpu.memory_space<vmem_shared>>
        tpu.enqueue_indirect_dma source(%arg13 : memref<64x64xf32, #tpu.memory_space<vmem>>) target(%dma_start3A_121 : memref<12544x64xf32, #tpu.memory_space<vmem_shared>>) offsets(%arg12 : memref<64xi32, #tpu.memory_space<vmem>>) semaphore(%run_scoped3A_118 : memref<!tpu.dma_semaphore, #tpu.memory_space<semaphore_mem>>) {add = true}
        %dma_wait3A_122 = arith.constant 0 : i32
        %dma_wait3A_123 = arith.constant 0 : i32
        %dma_wait3A_124 = tpu.memref_slice %arg16[%dma_wait3A_122, %dma_wait3A_123] : memref<12544x64xf32, #tpu.memory_space<vmem_shared>> -> memref<12544x64xf32, #tpu.memory_space<vmem_shared>>
        tpu.wait_indirect_dma semaphore(%run_scoped3A_118 : memref<!tpu.dma_semaphore, #tpu.memory_space<semaphore_mem>>) src(%arg13 : memref<64x64xf32, #tpu.memory_space<vmem>>) dst(%dma_wait3A_124 : memref<12544x64xf32, #tpu.memory_space<vmem_shared>>)
        tpu.yield
      }) : () -> ()
    } else {
    }
    %barrier3A_96 = arith.constant 0 : index
    tpu.barrier barrier_id(%barrier3A_96)
    %mul3A_97 = arith.constant 784 : i32
    %mul3A_98 = arith.muli %arg1, %mul3A_97 : i32
    %mul3A_99 = arith.constant 784 : i32
    %mul3A_100 = arith.muli %arg1, %mul3A_99 : i32
    %run_scoped3A_101 = arith.constant 1 : i32
    "tpu.region"() ({
      %run_scoped3A_102 = tpu.sem_alloc : memref<!tpu.dma_semaphore, #tpu.memory_space<semaphore_mem>>
      %dma_start3A = arith.constant 0 : i32
      %dma_start3A_103 = tpu.memref_slice %arg6[%arg0, %run_scoped3A_101, %mul3A_100, %dma_start3A] : memref<2x2x12544x64xf32, #tpu.memory_space<hbm>> -> memref<1x1x784x64xf32, #tpu.memory_space<hbm>>
      %dma_start3A_104 = tpu.memref_squeeze %dma_start3A_103 : memref<1x1x784x64xf32, #tpu.memory_space<hbm>> -> memref<784x64xf32, #tpu.memory_space<hbm>>
      %dma_start3A_105 = arith.constant 0 : i32
      %dma_start3A_106 = tpu.memref_slice %arg16[%mul3A_98, %dma_start3A_105] : memref<12544x64xf32, #tpu.memory_space<vmem_shared>> -> memref<784x64xf32, #tpu.memory_space<vmem_shared>>
      tpu.enqueue_dma source(%dma_start3A_106 : memref<784x64xf32, #tpu.memory_space<vmem_shared>>) target(%dma_start3A_104 : memref<784x64xf32, #tpu.memory_space<hbm>>) target_semaphore(%run_scoped3A_102 : memref<!tpu.dma_semaphore, #tpu.memory_space<semaphore_mem>>)
      %dma_wait3A = arith.constant 0 : i32
      %dma_wait3A_107 = tpu.memref_slice %arg6[%arg0, %run_scoped3A_101, %mul3A_100, %dma_wait3A] : memref<2x2x12544x64xf32, #tpu.memory_space<hbm>> -> memref<1x1x784x64xf32, #tpu.memory_space<hbm>>
      %dma_wait3A_108 = tpu.memref_squeeze %dma_wait3A_107 : memref<1x1x784x64xf32, #tpu.memory_space<hbm>> -> memref<784x64xf32, #tpu.memory_space<hbm>>
      %dma_wait3A_109 = arith.constant 0 : i32
      %dma_wait3A_110 = tpu.memref_slice %arg16[%mul3A_98, %dma_wait3A_109] : memref<12544x64xf32, #tpu.memory_space<vmem_shared>> -> memref<784x64xf32, #tpu.memory_space<vmem_shared>>
      tpu.wait_dma2 semaphore(%run_scoped3A_102 : memref<!tpu.dma_semaphore, #tpu.memory_space<semaphore_mem>>) src(%dma_wait3A_110 : memref<784x64xf32, #tpu.memory_space<vmem_shared>>) dst(%dma_wait3A_108 : memref<784x64xf32, #tpu.memory_space<hbm>>)
      tpu.yield
    }) : () -> ()
    return
  }
}

#map = affine_map<(d0, d1) -> (0)>
#map1 = affine_map<(d0, d1) -> (0, 0)>
module attributes {stable_mosaic.version = 14 : i64} {
  func.func @sc_gather_xyz(%arg0: i32, %arg1: i32, %arg2: memref<800000xi32, #tpu.memory_space<hbm>>, %arg3: memref<800000xi32, #tpu.memory_space<hbm>>, %arg4: memref<50000x4xf32, #tpu.memory_space<hbm>>, %arg5: memref<800000x4xf32, #tpu.memory_space<hbm>>, %arg6: memref<800000x4xf32, #tpu.memory_space<hbm>>, %arg7: memref<128xi32, #tpu.memory_space<vmem>>, %arg8: memref<128xi32, #tpu.memory_space<vmem>>, %arg9: memref<128x4xf32, #tpu.memory_space<vmem>>, %arg10: memref<128x4xf32, #tpu.memory_space<vmem>>, %arg11: memref<40xi32, #tpu.memory_space<vmem>>, %arg12: memref<40xi32, #tpu.memory_space<vmem>>, %arg13: memref<40x4xf32, #tpu.memory_space<vmem>>, %arg14: memref<40x4xf32, #tpu.memory_space<vmem>>, %arg15: memref<!tpu.dma_semaphore, #tpu.memory_space<semaphore_mem>>) attributes {dimension_semantics = [#tpu.dimension_semantics<core_parallel>, #tpu.dimension_semantics<subcore_parallel>], iteration_bounds = array<i64: 2, 16>, scalar_prefetch = 0 : i64, scratch_operands = 9 : i64, tpu.core_type = #tpu.core_type<sc_vector_subcore>, window_params = [{transform_indices = #map}, {transform_indices = #map}, {transform_indices = #map1}, {transform_indices = #map1}, {transform_indices = #map1}]} {
    %mul3A = arith.constant 16 : i32
    %mul3A_0 = arith.muli %arg0, %mul3A : i32
    %add3A = arith.addi %mul3A_0, %arg1 : i32
    %mul3A_1 = arith.constant 25000 : i32
    %mul3A_2 = arith.muli %add3A, %mul3A_1 : i32
    %scan3A = arith.constant 0 : i32
    %scan3A_3 = arith.constant 0 : i32
    %scan3A_4 = arith.constant 195 : i32
    %scan3A_5 = arith.addi %scan3A_3, %scan3A_4 : i32
    %scan3A_6 = arith.constant 1 : i32
    %scan3A_7 = scf.for %scan3A_21 = %scan3A_3 to %scan3A_5 step %scan3A_6 iter_args(%scan3A_22 = %scan3A) -> (i32)  : i32 {
      %mul3A_23 = arith.constant 128 : i32
      %mul3A_24 = arith.muli %scan3A_21, %mul3A_23 : i32
      %add3A_25 = arith.addi %mul3A_2, %mul3A_24 : i32
      "tpu.region"() ({
        %run_scoped3A = tpu.sem_alloc : memref<!tpu.dma_semaphore, #tpu.memory_space<semaphore_mem>>
        %dma_start3A_39 = tpu.memref_slice %arg2[%add3A_25] : memref<800000xi32, #tpu.memory_space<hbm>> -> memref<128xi32, #tpu.memory_space<hbm>>
        %dma_start3A_40 = tpu.memref_slice %arg2[%add3A_25] : memref<800000xi32, #tpu.memory_space<hbm>> -> memref<128xi32, #tpu.memory_space<hbm>>
        tpu.enqueue_dma source(%dma_start3A_40 : memref<128xi32, #tpu.memory_space<hbm>>) target(%arg7 : memref<128xi32, #tpu.memory_space<vmem>>) target_semaphore(%run_scoped3A : memref<!tpu.dma_semaphore, #tpu.memory_space<semaphore_mem>>)
        %dma_wait3A_41 = tpu.memref_slice %arg2[%add3A_25] : memref<800000xi32, #tpu.memory_space<hbm>> -> memref<128xi32, #tpu.memory_space<hbm>>
        %dma_wait3A_42 = tpu.memref_slice %arg2[%add3A_25] : memref<800000xi32, #tpu.memory_space<hbm>> -> memref<128xi32, #tpu.memory_space<hbm>>
        tpu.wait_dma2 semaphore(%run_scoped3A : memref<!tpu.dma_semaphore, #tpu.memory_space<semaphore_mem>>) src(%dma_wait3A_42 : memref<128xi32, #tpu.memory_space<hbm>>) dst(%arg7 : memref<128xi32, #tpu.memory_space<vmem>>)
        tpu.yield
      }) : () -> ()
      "tpu.region"() ({
        %run_scoped3A = tpu.sem_alloc : memref<!tpu.dma_semaphore, #tpu.memory_space<semaphore_mem>>
        %dma_start3A_39 = tpu.memref_slice %arg3[%add3A_25] : memref<800000xi32, #tpu.memory_space<hbm>> -> memref<128xi32, #tpu.memory_space<hbm>>
        %dma_start3A_40 = tpu.memref_slice %arg3[%add3A_25] : memref<800000xi32, #tpu.memory_space<hbm>> -> memref<128xi32, #tpu.memory_space<hbm>>
        tpu.enqueue_dma source(%dma_start3A_40 : memref<128xi32, #tpu.memory_space<hbm>>) target(%arg8 : memref<128xi32, #tpu.memory_space<vmem>>) target_semaphore(%run_scoped3A : memref<!tpu.dma_semaphore, #tpu.memory_space<semaphore_mem>>)
        %dma_wait3A_41 = tpu.memref_slice %arg3[%add3A_25] : memref<800000xi32, #tpu.memory_space<hbm>> -> memref<128xi32, #tpu.memory_space<hbm>>
        %dma_wait3A_42 = tpu.memref_slice %arg3[%add3A_25] : memref<800000xi32, #tpu.memory_space<hbm>> -> memref<128xi32, #tpu.memory_space<hbm>>
        tpu.wait_dma2 semaphore(%run_scoped3A : memref<!tpu.dma_semaphore, #tpu.memory_space<semaphore_mem>>) src(%dma_wait3A_42 : memref<128xi32, #tpu.memory_space<hbm>>) dst(%arg8 : memref<128xi32, #tpu.memory_space<vmem>>)
        tpu.yield
      }) : () -> ()
      %dma_start3A_26 = arith.constant 0 : i32
      %dma_start3A_27 = arith.constant 0 : i32
      %dma_start3A_28 = tpu.memref_slice %arg4[%dma_start3A_26, %dma_start3A_27] : memref<50000x4xf32, #tpu.memory_space<hbm>> -> memref<50000x4xf32, #tpu.memory_space<hbm>>
      tpu.enqueue_indirect_dma source(%dma_start3A_28 : memref<50000x4xf32, #tpu.memory_space<hbm>>) target(%arg9 : memref<128x4xf32, #tpu.memory_space<vmem>>) offsets(%arg7 : memref<128xi32, #tpu.memory_space<vmem>>) semaphore(%arg15 : memref<!tpu.dma_semaphore, #tpu.memory_space<semaphore_mem>>)
      %dma_wait3A_29 = arith.constant 0 : i32
      %dma_wait3A_30 = arith.constant 0 : i32
      %dma_wait3A_31 = tpu.memref_slice %arg4[%dma_wait3A_29, %dma_wait3A_30] : memref<50000x4xf32, #tpu.memory_space<hbm>> -> memref<50000x4xf32, #tpu.memory_space<hbm>>
      tpu.wait_indirect_dma semaphore(%arg15 : memref<!tpu.dma_semaphore, #tpu.memory_space<semaphore_mem>>) src(%dma_wait3A_31 : memref<50000x4xf32, #tpu.memory_space<hbm>>) dst(%arg9 : memref<128x4xf32, #tpu.memory_space<vmem>>)
      %dma_start3A_32 = arith.constant 0 : i32
      %dma_start3A_33 = arith.constant 0 : i32
      %dma_start3A_34 = tpu.memref_slice %arg4[%dma_start3A_32, %dma_start3A_33] : memref<50000x4xf32, #tpu.memory_space<hbm>> -> memref<50000x4xf32, #tpu.memory_space<hbm>>
      tpu.enqueue_indirect_dma source(%dma_start3A_34 : memref<50000x4xf32, #tpu.memory_space<hbm>>) target(%arg10 : memref<128x4xf32, #tpu.memory_space<vmem>>) offsets(%arg8 : memref<128xi32, #tpu.memory_space<vmem>>) semaphore(%arg15 : memref<!tpu.dma_semaphore, #tpu.memory_space<semaphore_mem>>)
      %dma_wait3A_35 = arith.constant 0 : i32
      %dma_wait3A_36 = arith.constant 0 : i32
      %dma_wait3A_37 = tpu.memref_slice %arg4[%dma_wait3A_35, %dma_wait3A_36] : memref<50000x4xf32, #tpu.memory_space<hbm>> -> memref<50000x4xf32, #tpu.memory_space<hbm>>
      tpu.wait_indirect_dma semaphore(%arg15 : memref<!tpu.dma_semaphore, #tpu.memory_space<semaphore_mem>>) src(%dma_wait3A_37 : memref<50000x4xf32, #tpu.memory_space<hbm>>) dst(%arg10 : memref<128x4xf32, #tpu.memory_space<vmem>>)
      "tpu.region"() ({
        %run_scoped3A = tpu.sem_alloc : memref<!tpu.dma_semaphore, #tpu.memory_space<semaphore_mem>>
        %dma_start3A_39 = arith.constant 0 : i32
        %dma_start3A_40 = tpu.memref_slice %arg5[%add3A_25, %dma_start3A_39] : memref<800000x4xf32, #tpu.memory_space<hbm>> -> memref<128x4xf32, #tpu.memory_space<hbm>>
        %dma_start3A_41 = arith.constant 0 : i32
        %dma_start3A_42 = tpu.memref_slice %arg5[%add3A_25, %dma_start3A_41] : memref<800000x4xf32, #tpu.memory_space<hbm>> -> memref<128x4xf32, #tpu.memory_space<hbm>>
        tpu.enqueue_dma source(%arg9 : memref<128x4xf32, #tpu.memory_space<vmem>>) target(%dma_start3A_42 : memref<128x4xf32, #tpu.memory_space<hbm>>) target_semaphore(%run_scoped3A : memref<!tpu.dma_semaphore, #tpu.memory_space<semaphore_mem>>)
        %dma_wait3A_43 = arith.constant 0 : i32
        %dma_wait3A_44 = tpu.memref_slice %arg5[%add3A_25, %dma_wait3A_43] : memref<800000x4xf32, #tpu.memory_space<hbm>> -> memref<128x4xf32, #tpu.memory_space<hbm>>
        %dma_wait3A_45 = arith.constant 0 : i32
        %dma_wait3A_46 = tpu.memref_slice %arg5[%add3A_25, %dma_wait3A_45] : memref<800000x4xf32, #tpu.memory_space<hbm>> -> memref<128x4xf32, #tpu.memory_space<hbm>>
        tpu.wait_dma2 semaphore(%run_scoped3A : memref<!tpu.dma_semaphore, #tpu.memory_space<semaphore_mem>>) src(%arg9 : memref<128x4xf32, #tpu.memory_space<vmem>>) dst(%dma_wait3A_46 : memref<128x4xf32, #tpu.memory_space<hbm>>)
        tpu.yield
      }) : () -> ()
      "tpu.region"() ({
        %run_scoped3A = tpu.sem_alloc : memref<!tpu.dma_semaphore, #tpu.memory_space<semaphore_mem>>
        %dma_start3A_39 = arith.constant 0 : i32
        %dma_start3A_40 = tpu.memref_slice %arg6[%add3A_25, %dma_start3A_39] : memref<800000x4xf32, #tpu.memory_space<hbm>> -> memref<128x4xf32, #tpu.memory_space<hbm>>
        %dma_start3A_41 = arith.constant 0 : i32
        %dma_start3A_42 = tpu.memref_slice %arg6[%add3A_25, %dma_start3A_41] : memref<800000x4xf32, #tpu.memory_space<hbm>> -> memref<128x4xf32, #tpu.memory_space<hbm>>
        tpu.enqueue_dma source(%arg10 : memref<128x4xf32, #tpu.memory_space<vmem>>) target(%dma_start3A_42 : memref<128x4xf32, #tpu.memory_space<hbm>>) target_semaphore(%run_scoped3A : memref<!tpu.dma_semaphore, #tpu.memory_space<semaphore_mem>>)
        %dma_wait3A_43 = arith.constant 0 : i32
        %dma_wait3A_44 = tpu.memref_slice %arg6[%add3A_25, %dma_wait3A_43] : memref<800000x4xf32, #tpu.memory_space<hbm>> -> memref<128x4xf32, #tpu.memory_space<hbm>>
        %dma_wait3A_45 = arith.constant 0 : i32
        %dma_wait3A_46 = tpu.memref_slice %arg6[%add3A_25, %dma_wait3A_45] : memref<800000x4xf32, #tpu.memory_space<hbm>> -> memref<128x4xf32, #tpu.memory_space<hbm>>
        tpu.wait_dma2 semaphore(%run_scoped3A : memref<!tpu.dma_semaphore, #tpu.memory_space<semaphore_mem>>) src(%arg10 : memref<128x4xf32, #tpu.memory_space<vmem>>) dst(%dma_wait3A_46 : memref<128x4xf32, #tpu.memory_space<hbm>>)
        tpu.yield
      }) : () -> ()
      %scan3A_38 = arith.constant 0 : i32
      scf.yield %scan3A_38 : i32
    }
    %scan3A_8 = arith.constant 195 : i32
    %add3A_9 = arith.constant 24960 : i32
    %add3A_10 = arith.addi %mul3A_2, %add3A_9 : i32
    "tpu.region"() ({
      %run_scoped3A = tpu.sem_alloc : memref<!tpu.dma_semaphore, #tpu.memory_space<semaphore_mem>>
      %dma_start3A_21 = tpu.memref_slice %arg2[%add3A_10] : memref<800000xi32, #tpu.memory_space<hbm>> -> memref<40xi32, #tpu.memory_space<hbm>>
      %dma_start3A_22 = tpu.memref_slice %arg2[%add3A_10] : memref<800000xi32, #tpu.memory_space<hbm>> -> memref<40xi32, #tpu.memory_space<hbm>>
      tpu.enqueue_dma source(%dma_start3A_22 : memref<40xi32, #tpu.memory_space<hbm>>) target(%arg11 : memref<40xi32, #tpu.memory_space<vmem>>) target_semaphore(%run_scoped3A : memref<!tpu.dma_semaphore, #tpu.memory_space<semaphore_mem>>)
      %dma_wait3A_23 = tpu.memref_slice %arg2[%add3A_10] : memref<800000xi32, #tpu.memory_space<hbm>> -> memref<40xi32, #tpu.memory_space<hbm>>
      %dma_wait3A_24 = tpu.memref_slice %arg2[%add3A_10] : memref<800000xi32, #tpu.memory_space<hbm>> -> memref<40xi32, #tpu.memory_space<hbm>>
      tpu.wait_dma2 semaphore(%run_scoped3A : memref<!tpu.dma_semaphore, #tpu.memory_space<semaphore_mem>>) src(%dma_wait3A_24 : memref<40xi32, #tpu.memory_space<hbm>>) dst(%arg11 : memref<40xi32, #tpu.memory_space<vmem>>)
      tpu.yield
    }) : () -> ()
    "tpu.region"() ({
      %run_scoped3A = tpu.sem_alloc : memref<!tpu.dma_semaphore, #tpu.memory_space<semaphore_mem>>
      %dma_start3A_21 = tpu.memref_slice %arg3[%add3A_10] : memref<800000xi32, #tpu.memory_space<hbm>> -> memref<40xi32, #tpu.memory_space<hbm>>
      %dma_start3A_22 = tpu.memref_slice %arg3[%add3A_10] : memref<800000xi32, #tpu.memory_space<hbm>> -> memref<40xi32, #tpu.memory_space<hbm>>
      tpu.enqueue_dma source(%dma_start3A_22 : memref<40xi32, #tpu.memory_space<hbm>>) target(%arg12 : memref<40xi32, #tpu.memory_space<vmem>>) target_semaphore(%run_scoped3A : memref<!tpu.dma_semaphore, #tpu.memory_space<semaphore_mem>>)
      %dma_wait3A_23 = tpu.memref_slice %arg3[%add3A_10] : memref<800000xi32, #tpu.memory_space<hbm>> -> memref<40xi32, #tpu.memory_space<hbm>>
      %dma_wait3A_24 = tpu.memref_slice %arg3[%add3A_10] : memref<800000xi32, #tpu.memory_space<hbm>> -> memref<40xi32, #tpu.memory_space<hbm>>
      tpu.wait_dma2 semaphore(%run_scoped3A : memref<!tpu.dma_semaphore, #tpu.memory_space<semaphore_mem>>) src(%dma_wait3A_24 : memref<40xi32, #tpu.memory_space<hbm>>) dst(%arg12 : memref<40xi32, #tpu.memory_space<vmem>>)
      tpu.yield
    }) : () -> ()
    %dma_start3A = arith.constant 0 : i32
    %dma_start3A_11 = arith.constant 0 : i32
    %dma_start3A_12 = tpu.memref_slice %arg4[%dma_start3A, %dma_start3A_11] : memref<50000x4xf32, #tpu.memory_space<hbm>> -> memref<50000x4xf32, #tpu.memory_space<hbm>>
    tpu.enqueue_indirect_dma source(%dma_start3A_12 : memref<50000x4xf32, #tpu.memory_space<hbm>>) target(%arg13 : memref<40x4xf32, #tpu.memory_space<vmem>>) offsets(%arg11 : memref<40xi32, #tpu.memory_space<vmem>>) semaphore(%arg15 : memref<!tpu.dma_semaphore, #tpu.memory_space<semaphore_mem>>)
    %dma_wait3A = arith.constant 0 : i32
    %dma_wait3A_13 = arith.constant 0 : i32
    %dma_wait3A_14 = tpu.memref_slice %arg4[%dma_wait3A, %dma_wait3A_13] : memref<50000x4xf32, #tpu.memory_space<hbm>> -> memref<50000x4xf32, #tpu.memory_space<hbm>>
    tpu.wait_indirect_dma semaphore(%arg15 : memref<!tpu.dma_semaphore, #tpu.memory_space<semaphore_mem>>) src(%dma_wait3A_14 : memref<50000x4xf32, #tpu.memory_space<hbm>>) dst(%arg13 : memref<40x4xf32, #tpu.memory_space<vmem>>)
    %dma_start3A_15 = arith.constant 0 : i32
    %dma_start3A_16 = arith.constant 0 : i32
    %dma_start3A_17 = tpu.memref_slice %arg4[%dma_start3A_15, %dma_start3A_16] : memref<50000x4xf32, #tpu.memory_space<hbm>> -> memref<50000x4xf32, #tpu.memory_space<hbm>>
    tpu.enqueue_indirect_dma source(%dma_start3A_17 : memref<50000x4xf32, #tpu.memory_space<hbm>>) target(%arg14 : memref<40x4xf32, #tpu.memory_space<vmem>>) offsets(%arg12 : memref<40xi32, #tpu.memory_space<vmem>>) semaphore(%arg15 : memref<!tpu.dma_semaphore, #tpu.memory_space<semaphore_mem>>)
    %dma_wait3A_18 = arith.constant 0 : i32
    %dma_wait3A_19 = arith.constant 0 : i32
    %dma_wait3A_20 = tpu.memref_slice %arg4[%dma_wait3A_18, %dma_wait3A_19] : memref<50000x4xf32, #tpu.memory_space<hbm>> -> memref<50000x4xf32, #tpu.memory_space<hbm>>
    tpu.wait_indirect_dma semaphore(%arg15 : memref<!tpu.dma_semaphore, #tpu.memory_space<semaphore_mem>>) src(%dma_wait3A_20 : memref<50000x4xf32, #tpu.memory_space<hbm>>) dst(%arg14 : memref<40x4xf32, #tpu.memory_space<vmem>>)
    "tpu.region"() ({
      %run_scoped3A = tpu.sem_alloc : memref<!tpu.dma_semaphore, #tpu.memory_space<semaphore_mem>>
      %dma_start3A_21 = arith.constant 0 : i32
      %dma_start3A_22 = tpu.memref_slice %arg5[%add3A_10, %dma_start3A_21] : memref<800000x4xf32, #tpu.memory_space<hbm>> -> memref<40x4xf32, #tpu.memory_space<hbm>>
      %dma_start3A_23 = arith.constant 0 : i32
      %dma_start3A_24 = tpu.memref_slice %arg5[%add3A_10, %dma_start3A_23] : memref<800000x4xf32, #tpu.memory_space<hbm>> -> memref<40x4xf32, #tpu.memory_space<hbm>>
      tpu.enqueue_dma source(%arg13 : memref<40x4xf32, #tpu.memory_space<vmem>>) target(%dma_start3A_24 : memref<40x4xf32, #tpu.memory_space<hbm>>) target_semaphore(%run_scoped3A : memref<!tpu.dma_semaphore, #tpu.memory_space<semaphore_mem>>)
      %dma_wait3A_25 = arith.constant 0 : i32
      %dma_wait3A_26 = tpu.memref_slice %arg5[%add3A_10, %dma_wait3A_25] : memref<800000x4xf32, #tpu.memory_space<hbm>> -> memref<40x4xf32, #tpu.memory_space<hbm>>
      %dma_wait3A_27 = arith.constant 0 : i32
      %dma_wait3A_28 = tpu.memref_slice %arg5[%add3A_10, %dma_wait3A_27] : memref<800000x4xf32, #tpu.memory_space<hbm>> -> memref<40x4xf32, #tpu.memory_space<hbm>>
      tpu.wait_dma2 semaphore(%run_scoped3A : memref<!tpu.dma_semaphore, #tpu.memory_space<semaphore_mem>>) src(%arg13 : memref<40x4xf32, #tpu.memory_space<vmem>>) dst(%dma_wait3A_28 : memref<40x4xf32, #tpu.memory_space<hbm>>)
      tpu.yield
    }) : () -> ()
    "tpu.region"() ({
      %run_scoped3A = tpu.sem_alloc : memref<!tpu.dma_semaphore, #tpu.memory_space<semaphore_mem>>
      %dma_start3A_21 = arith.constant 0 : i32
      %dma_start3A_22 = tpu.memref_slice %arg6[%add3A_10, %dma_start3A_21] : memref<800000x4xf32, #tpu.memory_space<hbm>> -> memref<40x4xf32, #tpu.memory_space<hbm>>
      %dma_start3A_23 = arith.constant 0 : i32
      %dma_start3A_24 = tpu.memref_slice %arg6[%add3A_10, %dma_start3A_23] : memref<800000x4xf32, #tpu.memory_space<hbm>> -> memref<40x4xf32, #tpu.memory_space<hbm>>
      tpu.enqueue_dma source(%arg14 : memref<40x4xf32, #tpu.memory_space<vmem>>) target(%dma_start3A_24 : memref<40x4xf32, #tpu.memory_space<hbm>>) target_semaphore(%run_scoped3A : memref<!tpu.dma_semaphore, #tpu.memory_space<semaphore_mem>>)
      %dma_wait3A_25 = arith.constant 0 : i32
      %dma_wait3A_26 = tpu.memref_slice %arg6[%add3A_10, %dma_wait3A_25] : memref<800000x4xf32, #tpu.memory_space<hbm>> -> memref<40x4xf32, #tpu.memory_space<hbm>>
      %dma_wait3A_27 = arith.constant 0 : i32
      %dma_wait3A_28 = tpu.memref_slice %arg6[%add3A_10, %dma_wait3A_27] : memref<800000x4xf32, #tpu.memory_space<hbm>> -> memref<40x4xf32, #tpu.memory_space<hbm>>
      tpu.wait_dma2 semaphore(%run_scoped3A : memref<!tpu.dma_semaphore, #tpu.memory_space<semaphore_mem>>) src(%arg14 : memref<40x4xf32, #tpu.memory_space<vmem>>) dst(%dma_wait3A_28 : memref<40x4xf32, #tpu.memory_space<hbm>>)
      tpu.yield
    }) : () -> ()
    return
  }
}

#map = affine_map<(d0, d1) -> (0)>
#map1 = affine_map<(d0, d1) -> (0, 0)>
#map2 = affine_map<(d0, d1) -> (0, 0, 0, 0)>
module attributes {stable_mosaic.version = 14 : i64} {
  func.func @sc_interact(%arg0: i32, %arg1: i32, %arg2: memref<800000xi32, #tpu.memory_space<hbm>>, %arg3: memref<800000xi32, #tpu.memory_space<hbm>>, %arg4: memref<50000x64xf32, #tpu.memory_space<hbm>>, %arg5: memref<400000x128xf32, #tpu.memory_space<hbm>>, %arg6: memref<2x2x12544x64xf32, #tpu.memory_space<hbm>>, %arg7: memref<128xi32, #tpu.memory_space<vmem>>, %arg8: memref<128xi32, #tpu.memory_space<vmem>>, %arg9: memref<128x64xf32, #tpu.memory_space<vmem>>, %arg10: memref<128x128xf32, #tpu.memory_space<vmem>>, %arg11: memref<64xi32, #tpu.memory_space<vmem>>, %arg12: memref<64xi32, #tpu.memory_space<vmem>>, %arg13: memref<64x64xf32, #tpu.memory_space<vmem>>, %arg14: memref<64x128xf32, #tpu.memory_space<vmem>>, %arg15: memref<112x64xf32, #tpu.memory_space<vmem>>, %arg16: memref<12544x64xf32, #tpu.memory_space<vmem_shared>>, %arg17: memref<!tpu.dma_semaphore, #tpu.memory_space<semaphore_mem>>) attributes {dimension_semantics = [#tpu.dimension_semantics<core_parallel>, #tpu.dimension_semantics<subcore_parallel>], iteration_bounds = array<i64: 2, 16>, scalar_prefetch = 0 : i64, scratch_operands = 11 : i64, tpu.core_type = #tpu.core_type<sc_vector_subcore>, window_params = [{transform_indices = #map}, {transform_indices = #map}, {transform_indices = #map1}, {transform_indices = #map1}, {transform_indices = #map2}]} {
    %broadcast_in_dim3A = arith.constant 0.000000e+00 : f32
    %broadcast_in_dim3A_0 = vector.broadcast %broadcast_in_dim3A : f32 to vector<16xf32>
    %scan3A = arith.constant 0 : i32
    %scan3A_1 = arith.constant 0 : i32
    %scan3A_2 = arith.constant 112 : i32
    %scan3A_3 = arith.addi %scan3A_1, %scan3A_2 : i32
    %scan3A_4 = arith.constant 1 : i32
    %scan3A_5 = scf.for %scan3A_102 = %scan3A_1 to %scan3A_3 step %scan3A_4 iter_args(%scan3A_103 = %scan3A) -> (i32)  : i32 {
      %swap3A = arith.index_cast %scan3A_102 : i32 to index
      %swap3A_104 = arith.constant 0 : index
      %swap3A_105 = tpu.vector_load %arg15[%swap3A, %swap3A_104] {strides = array<i32>} : memref<112x64xf32, #tpu.memory_space<vmem>>, vector<1x16xf32>,
      %swap3A_106 = vector.shape_cast %swap3A_105 : vector<1x16xf32> to vector<16xf32>
      %swap3A_107 = vector.shape_cast %broadcast_in_dim3A_0 : vector<16xf32> to vector<1x16xf32>
      tpu.vector_store %arg15[%swap3A, %swap3A_104], %swap3A_107 {strides = array<i32>} : memref<112x64xf32, #tpu.memory_space<vmem>>, vector<1x16xf32>,
      %swap3A_108 = arith.index_cast %scan3A_102 : i32 to index
      %swap3A_109 = arith.constant 16 : index
      %swap3A_110 = tpu.vector_load %arg15[%swap3A_108, %swap3A_109] {strides = array<i32>} : memref<112x64xf32, #tpu.memory_space<vmem>>, vector<1x16xf32>,
      %swap3A_111 = vector.shape_cast %swap3A_110 : vector<1x16xf32> to vector<16xf32>
      %swap3A_112 = vector.shape_cast %broadcast_in_dim3A_0 : vector<16xf32> to vector<1x16xf32>
      tpu.vector_store %arg15[%swap3A_108, %swap3A_109], %swap3A_112 {strides = array<i32>} : memref<112x64xf32, #tpu.memory_space<vmem>>, vector<1x16xf32>,
      %swap3A_113 = arith.index_cast %scan3A_102 : i32 to index
      %swap3A_114 = arith.constant 32 : index
      %swap3A_115 = tpu.vector_load %arg15[%swap3A_113, %swap3A_114] {strides = array<i32>} : memref<112x64xf32, #tpu.memory_space<vmem>>, vector<1x16xf32>,
      %swap3A_116 = vector.shape_cast %swap3A_115 : vector<1x16xf32> to vector<16xf32>
      %swap3A_117 = vector.shape_cast %broadcast_in_dim3A_0 : vector<16xf32> to vector<1x16xf32>
      tpu.vector_store %arg15[%swap3A_113, %swap3A_114], %swap3A_117 {strides = array<i32>} : memref<112x64xf32, #tpu.memory_space<vmem>>, vector<1x16xf32>,
      %swap3A_118 = arith.index_cast %scan3A_102 : i32 to index
      %swap3A_119 = arith.constant 48 : index
      %swap3A_120 = tpu.vector_load %arg15[%swap3A_118, %swap3A_119] {strides = array<i32>} : memref<112x64xf32, #tpu.memory_space<vmem>>, vector<1x16xf32>,
      %swap3A_121 = vector.shape_cast %swap3A_120 : vector<1x16xf32> to vector<16xf32>
      %swap3A_122 = vector.shape_cast %broadcast_in_dim3A_0 : vector<16xf32> to vector<1x16xf32>
      tpu.vector_store %arg15[%swap3A_118, %swap3A_119], %swap3A_122 {strides = array<i32>} : memref<112x64xf32, #tpu.memory_space<vmem>>, vector<1x16xf32>,
      %scan3A_123 = arith.constant 0 : i32
      scf.yield %scan3A_123 : i32
    }
    %scan3A_6 = arith.constant 112 : i32
    %mul3A = arith.constant 784 : i32
    %mul3A_7 = arith.muli %arg1, %mul3A : i32
    %add3A = arith.constant 0 : i32
    %add3A_8 = arith.addi %mul3A_7, %add3A : i32
    "tpu.region"() ({
      %run_scoped3A_102 = tpu.sem_alloc : memref<!tpu.dma_semaphore, #tpu.memory_space<semaphore_mem>>
      %dma_start3A = arith.constant 0 : i32
      %dma_start3A_103 = tpu.memref_slice %arg16[%add3A_8, %dma_start3A] : memref<12544x64xf32, #tpu.memory_space<vmem_shared>> -> memref<112x64xf32, #tpu.memory_space<vmem_shared>>
      %dma_start3A_104 = arith.constant 0 : i32
      %dma_start3A_105 = tpu.memref_slice %arg16[%add3A_8, %dma_start3A_104] : memref<12544x64xf32, #tpu.memory_space<vmem_shared>> -> memref<112x64xf32, #tpu.memory_space<vmem_shared>>
      tpu.enqueue_dma source(%arg15 : memref<112x64xf32, #tpu.memory_space<vmem>>) target(%dma_start3A_105 : memref<112x64xf32, #tpu.memory_space<vmem_shared>>) target_semaphore(%run_scoped3A_102 : memref<!tpu.dma_semaphore, #tpu.memory_space<semaphore_mem>>)
      %dma_wait3A = arith.constant 0 : i32
      %dma_wait3A_106 = tpu.memref_slice %arg16[%add3A_8, %dma_wait3A] : memref<12544x64xf32, #tpu.memory_space<vmem_shared>> -> memref<112x64xf32, #tpu.memory_space<vmem_shared>>
      %dma_wait3A_107 = arith.constant 0 : i32
      %dma_wait3A_108 = tpu.memref_slice %arg16[%add3A_8, %dma_wait3A_107] : memref<12544x64xf32, #tpu.memory_space<vmem_shared>> -> memref<112x64xf32, #tpu.memory_space<vmem_shared>>
      tpu.wait_dma2 semaphore(%run_scoped3A_102 : memref<!tpu.dma_semaphore, #tpu.memory_space<semaphore_mem>>) src(%arg15 : memref<112x64xf32, #tpu.memory_space<vmem>>) dst(%dma_wait3A_108 : memref<112x64xf32, #tpu.memory_space<vmem_shared>>)
      tpu.yield
    }) : () -> ()
    %mul3A_9 = arith.constant 784 : i32
    %mul3A_10 = arith.muli %arg1, %mul3A_9 : i32
    %add3A_11 = arith.constant 112 : i32
    %add3A_12 = arith.addi %mul3A_10, %add3A_11 : i32
    "tpu.region"() ({
      %run_scoped3A_102 = tpu.sem_alloc : memref<!tpu.dma_semaphore, #tpu.memory_space<semaphore_mem>>
      %dma_start3A = arith.constant 0 : i32
      %dma_start3A_103 = tpu.memref_slice %arg16[%add3A_12, %dma_start3A] : memref<12544x64xf32, #tpu.memory_space<vmem_shared>> -> memref<112x64xf32, #tpu.memory_space<vmem_shared>>
      %dma_start3A_104 = arith.constant 0 : i32
      %dma_start3A_105 = tpu.memref_slice %arg16[%add3A_12, %dma_start3A_104] : memref<12544x64xf32, #tpu.memory_space<vmem_shared>> -> memref<112x64xf32, #tpu.memory_space<vmem_shared>>
      tpu.enqueue_dma source(%arg15 : memref<112x64xf32, #tpu.memory_space<vmem>>) target(%dma_start3A_105 : memref<112x64xf32, #tpu.memory_space<vmem_shared>>) target_semaphore(%run_scoped3A_102 : memref<!tpu.dma_semaphore, #tpu.memory_space<semaphore_mem>>)
      %dma_wait3A = arith.constant 0 : i32
      %dma_wait3A_106 = tpu.memref_slice %arg16[%add3A_12, %dma_wait3A] : memref<12544x64xf32, #tpu.memory_space<vmem_shared>> -> memref<112x64xf32, #tpu.memory_space<vmem_shared>>
      %dma_wait3A_107 = arith.constant 0 : i32
      %dma_wait3A_108 = tpu.memref_slice %arg16[%add3A_12, %dma_wait3A_107] : memref<12544x64xf32, #tpu.memory_space<vmem_shared>> -> memref<112x64xf32, #tpu.memory_space<vmem_shared>>
      tpu.wait_dma2 semaphore(%run_scoped3A_102 : memref<!tpu.dma_semaphore, #tpu.memory_space<semaphore_mem>>) src(%arg15 : memref<112x64xf32, #tpu.memory_space<vmem>>) dst(%dma_wait3A_108 : memref<112x64xf32, #tpu.memory_space<vmem_shared>>)
      tpu.yield
    }) : () -> ()
    %mul3A_13 = arith.constant 784 : i32
    %mul3A_14 = arith.muli %arg1, %mul3A_13 : i32
    %add3A_15 = arith.constant 224 : i32
    %add3A_16 = arith.addi %mul3A_14, %add3A_15 : i32
    "tpu.region"() ({
      %run_scoped3A_102 = tpu.sem_alloc : memref<!tpu.dma_semaphore, #tpu.memory_space<semaphore_mem>>
      %dma_start3A = arith.constant 0 : i32
      %dma_start3A_103 = tpu.memref_slice %arg16[%add3A_16, %dma_start3A] : memref<12544x64xf32, #tpu.memory_space<vmem_shared>> -> memref<112x64xf32, #tpu.memory_space<vmem_shared>>
      %dma_start3A_104 = arith.constant 0 : i32
      %dma_start3A_105 = tpu.memref_slice %arg16[%add3A_16, %dma_start3A_104] : memref<12544x64xf32, #tpu.memory_space<vmem_shared>> -> memref<112x64xf32, #tpu.memory_space<vmem_shared>>
      tpu.enqueue_dma source(%arg15 : memref<112x64xf32, #tpu.memory_space<vmem>>) target(%dma_start3A_105 : memref<112x64xf32, #tpu.memory_space<vmem_shared>>) target_semaphore(%run_scoped3A_102 : memref<!tpu.dma_semaphore, #tpu.memory_space<semaphore_mem>>)
      %dma_wait3A = arith.constant 0 : i32
      %dma_wait3A_106 = tpu.memref_slice %arg16[%add3A_16, %dma_wait3A] : memref<12544x64xf32, #tpu.memory_space<vmem_shared>> -> memref<112x64xf32, #tpu.memory_space<vmem_shared>>
      %dma_wait3A_107 = arith.constant 0 : i32
      %dma_wait3A_108 = tpu.memref_slice %arg16[%add3A_16, %dma_wait3A_107] : memref<12544x64xf32, #tpu.memory_space<vmem_shared>> -> memref<112x64xf32, #tpu.memory_space<vmem_shared>>
      tpu.wait_dma2 semaphore(%run_scoped3A_102 : memref<!tpu.dma_semaphore, #tpu.memory_space<semaphore_mem>>) src(%arg15 : memref<112x64xf32, #tpu.memory_space<vmem>>) dst(%dma_wait3A_108 : memref<112x64xf32, #tpu.memory_space<vmem_shared>>)
      tpu.yield
    }) : () -> ()
    %mul3A_17 = arith.constant 784 : i32
    %mul3A_18 = arith.muli %arg1, %mul3A_17 : i32
    %add3A_19 = arith.constant 336 : i32
    %add3A_20 = arith.addi %mul3A_18, %add3A_19 : i32
    "tpu.region"() ({
      %run_scoped3A_102 = tpu.sem_alloc : memref<!tpu.dma_semaphore, #tpu.memory_space<semaphore_mem>>
      %dma_start3A = arith.constant 0 : i32
      %dma_start3A_103 = tpu.memref_slice %arg16[%add3A_20, %dma_start3A] : memref<12544x64xf32, #tpu.memory_space<vmem_shared>> -> memref<112x64xf32, #tpu.memory_space<vmem_shared>>
      %dma_start3A_104 = arith.constant 0 : i32
      %dma_start3A_105 = tpu.memref_slice %arg16[%add3A_20, %dma_start3A_104] : memref<12544x64xf32, #tpu.memory_space<vmem_shared>> -> memref<112x64xf32, #tpu.memory_space<vmem_shared>>
      tpu.enqueue_dma source(%arg15 : memref<112x64xf32, #tpu.memory_space<vmem>>) target(%dma_start3A_105 : memref<112x64xf32, #tpu.memory_space<vmem_shared>>) target_semaphore(%run_scoped3A_102 : memref<!tpu.dma_semaphore, #tpu.memory_space<semaphore_mem>>)
      %dma_wait3A = arith.constant 0 : i32
      %dma_wait3A_106 = tpu.memref_slice %arg16[%add3A_20, %dma_wait3A] : memref<12544x64xf32, #tpu.memory_space<vmem_shared>> -> memref<112x64xf32, #tpu.memory_space<vmem_shared>>
      %dma_wait3A_107 = arith.constant 0 : i32
      %dma_wait3A_108 = tpu.memref_slice %arg16[%add3A_20, %dma_wait3A_107] : memref<12544x64xf32, #tpu.memory_space<vmem_shared>> -> memref<112x64xf32, #tpu.memory_space<vmem_shared>>
      tpu.wait_dma2 semaphore(%run_scoped3A_102 : memref<!tpu.dma_semaphore, #tpu.memory_space<semaphore_mem>>) src(%arg15 : memref<112x64xf32, #tpu.memory_space<vmem>>) dst(%dma_wait3A_108 : memref<112x64xf32, #tpu.memory_space<vmem_shared>>)
      tpu.yield
    }) : () -> ()
    %mul3A_21 = arith.constant 784 : i32
    %mul3A_22 = arith.muli %arg1, %mul3A_21 : i32
    %add3A_23 = arith.constant 448 : i32
    %add3A_24 = arith.addi %mul3A_22, %add3A_23 : i32
    "tpu.region"() ({
      %run_scoped3A_102 = tpu.sem_alloc : memref<!tpu.dma_semaphore, #tpu.memory_space<semaphore_mem>>
      %dma_start3A = arith.constant 0 : i32
      %dma_start3A_103 = tpu.memref_slice %arg16[%add3A_24, %dma_start3A] : memref<12544x64xf32, #tpu.memory_space<vmem_shared>> -> memref<112x64xf32, #tpu.memory_space<vmem_shared>>
      %dma_start3A_104 = arith.constant 0 : i32
      %dma_start3A_105 = tpu.memref_slice %arg16[%add3A_24, %dma_start3A_104] : memref<12544x64xf32, #tpu.memory_space<vmem_shared>> -> memref<112x64xf32, #tpu.memory_space<vmem_shared>>
      tpu.enqueue_dma source(%arg15 : memref<112x64xf32, #tpu.memory_space<vmem>>) target(%dma_start3A_105 : memref<112x64xf32, #tpu.memory_space<vmem_shared>>) target_semaphore(%run_scoped3A_102 : memref<!tpu.dma_semaphore, #tpu.memory_space<semaphore_mem>>)
      %dma_wait3A = arith.constant 0 : i32
      %dma_wait3A_106 = tpu.memref_slice %arg16[%add3A_24, %dma_wait3A] : memref<12544x64xf32, #tpu.memory_space<vmem_shared>> -> memref<112x64xf32, #tpu.memory_space<vmem_shared>>
      %dma_wait3A_107 = arith.constant 0 : i32
      %dma_wait3A_108 = tpu.memref_slice %arg16[%add3A_24, %dma_wait3A_107] : memref<12544x64xf32, #tpu.memory_space<vmem_shared>> -> memref<112x64xf32, #tpu.memory_space<vmem_shared>>
      tpu.wait_dma2 semaphore(%run_scoped3A_102 : memref<!tpu.dma_semaphore, #tpu.memory_space<semaphore_mem>>) src(%arg15 : memref<112x64xf32, #tpu.memory_space<vmem>>) dst(%dma_wait3A_108 : memref<112x64xf32, #tpu.memory_space<vmem_shared>>)
      tpu.yield
    }) : () -> ()
    %mul3A_25 = arith.constant 784 : i32
    %mul3A_26 = arith.muli %arg1, %mul3A_25 : i32
    %add3A_27 = arith.constant 560 : i32
    %add3A_28 = arith.addi %mul3A_26, %add3A_27 : i32
    "tpu.region"() ({
      %run_scoped3A_102 = tpu.sem_alloc : memref<!tpu.dma_semaphore, #tpu.memory_space<semaphore_mem>>
      %dma_start3A = arith.constant 0 : i32
      %dma_start3A_103 = tpu.memref_slice %arg16[%add3A_28, %dma_start3A] : memref<12544x64xf32, #tpu.memory_space<vmem_shared>> -> memref<112x64xf32, #tpu.memory_space<vmem_shared>>
      %dma_start3A_104 = arith.constant 0 : i32
      %dma_start3A_105 = tpu.memref_slice %arg16[%add3A_28, %dma_start3A_104] : memref<12544x64xf32, #tpu.memory_space<vmem_shared>> -> memref<112x64xf32, #tpu.memory_space<vmem_shared>>
      tpu.enqueue_dma source(%arg15 : memref<112x64xf32, #tpu.memory_space<vmem>>) target(%dma_start3A_105 : memref<112x64xf32, #tpu.memory_space<vmem_shared>>) target_semaphore(%run_scoped3A_102 : memref<!tpu.dma_semaphore, #tpu.memory_space<semaphore_mem>>)
      %dma_wait3A = arith.constant 0 : i32
      %dma_wait3A_106 = tpu.memref_slice %arg16[%add3A_28, %dma_wait3A] : memref<12544x64xf32, #tpu.memory_space<vmem_shared>> -> memref<112x64xf32, #tpu.memory_space<vmem_shared>>
      %dma_wait3A_107 = arith.constant 0 : i32
      %dma_wait3A_108 = tpu.memref_slice %arg16[%add3A_28, %dma_wait3A_107] : memref<12544x64xf32, #tpu.memory_space<vmem_shared>> -> memref<112x64xf32, #tpu.memory_space<vmem_shared>>
      tpu.wait_dma2 semaphore(%run_scoped3A_102 : memref<!tpu.dma_semaphore, #tpu.memory_space<semaphore_mem>>) src(%arg15 : memref<112x64xf32, #tpu.memory_space<vmem>>) dst(%dma_wait3A_108 : memref<112x64xf32, #tpu.memory_space<vmem_shared>>)
      tpu.yield
    }) : () -> ()
    %mul3A_29 = arith.constant 784 : i32
    %mul3A_30 = arith.muli %arg1, %mul3A_29 : i32
    %add3A_31 = arith.constant 672 : i32
    %add3A_32 = arith.addi %mul3A_30, %add3A_31 : i32
    "tpu.region"() ({
      %run_scoped3A_102 = tpu.sem_alloc : memref<!tpu.dma_semaphore, #tpu.memory_space<semaphore_mem>>
      %dma_start3A = arith.constant 0 : i32
      %dma_start3A_103 = tpu.memref_slice %arg16[%add3A_32, %dma_start3A] : memref<12544x64xf32, #tpu.memory_space<vmem_shared>> -> memref<112x64xf32, #tpu.memory_space<vmem_shared>>
      %dma_start3A_104 = arith.constant 0 : i32
      %dma_start3A_105 = tpu.memref_slice %arg16[%add3A_32, %dma_start3A_104] : memref<12544x64xf32, #tpu.memory_space<vmem_shared>> -> memref<112x64xf32, #tpu.memory_space<vmem_shared>>
      tpu.enqueue_dma source(%arg15 : memref<112x64xf32, #tpu.memory_space<vmem>>) target(%dma_start3A_105 : memref<112x64xf32, #tpu.memory_space<vmem_shared>>) target_semaphore(%run_scoped3A_102 : memref<!tpu.dma_semaphore, #tpu.memory_space<semaphore_mem>>)
      %dma_wait3A = arith.constant 0 : i32
      %dma_wait3A_106 = tpu.memref_slice %arg16[%add3A_32, %dma_wait3A] : memref<12544x64xf32, #tpu.memory_space<vmem_shared>> -> memref<112x64xf32, #tpu.memory_space<vmem_shared>>
      %dma_wait3A_107 = arith.constant 0 : i32
      %dma_wait3A_108 = tpu.memref_slice %arg16[%add3A_32, %dma_wait3A_107] : memref<12544x64xf32, #tpu.memory_space<vmem_shared>> -> memref<112x64xf32, #tpu.memory_space<vmem_shared>>
      tpu.wait_dma2 semaphore(%run_scoped3A_102 : memref<!tpu.dma_semaphore, #tpu.memory_space<semaphore_mem>>) src(%arg15 : memref<112x64xf32, #tpu.memory_space<vmem>>) dst(%dma_wait3A_108 : memref<112x64xf32, #tpu.memory_space<vmem_shared>>)
      tpu.yield
    }) : () -> ()
    %barrier3A = arith.constant 0 : index
    tpu.barrier barrier_id(%barrier3A)
    %mul3A_33 = arith.constant 400000 : i32
    %mul3A_34 = arith.muli %arg0, %mul3A_33 : i32
    %add3A_35 = arith.constant 0 : i32
    %add3A_36 = arith.addi %mul3A_34, %add3A_35 : i32
    %scan3A_37 = arith.constant 0 : i32
    %scan3A_38 = arith.constant 0 : i32
    %scan3A_39 = arith.constant 98 : i32
    %scan3A_40 = arith.addi %scan3A_38, %scan3A_39 : i32
    %scan3A_41 = arith.constant 1 : i32
    %scan3A_42 = scf.for %scan3A_102 = %scan3A_38 to %scan3A_40 step %scan3A_41 iter_args(%scan3A_103 = %scan3A_37) -> (i32)  : i32 {
      %mul3A_104 = arith.constant 16 : i32
      %mul3A_105 = arith.muli %scan3A_102, %mul3A_104 : i32
      %add3A_106 = arith.addi %mul3A_105, %arg1 : i32
      %lt3A = arith.constant 1562 : i32
      %lt3A_107 = arith.cmpi slt, %add3A_106, %lt3A : i32
      %convert_element_type3A_108 = arith.extui %lt3A_107 : i1 to i32
      %cond3A_109 = arith.constant 0 : i32
      %cond3A_110 = arith.cmpi ne, %convert_element_type3A_108, %cond3A_109 : i32
      scf.if %cond3A_110 {
        %mul3A_112 = arith.constant 128 : i32
        %mul3A_113 = arith.muli %add3A_106, %mul3A_112 : i32
        %add3A_114 = arith.addi %add3A_36, %mul3A_113 : i32
        "tpu.region"() ({
          %run_scoped3A_133 = tpu.sem_alloc : memref<!tpu.dma_semaphore, #tpu.memory_space<semaphore_mem>>
          %dma_start3A_134 = tpu.memref_slice %arg2[%add3A_114] : memref<800000xi32, #tpu.memory_space<hbm>> -> memref<128xi32, #tpu.memory_space<hbm>>
          %dma_start3A_135 = tpu.memref_slice %arg2[%add3A_114] : memref<800000xi32, #tpu.memory_space<hbm>> -> memref<128xi32, #tpu.memory_space<hbm>>
          tpu.enqueue_dma source(%dma_start3A_135 : memref<128xi32, #tpu.memory_space<hbm>>) target(%arg7 : memref<128xi32, #tpu.memory_space<vmem>>) target_semaphore(%run_scoped3A_133 : memref<!tpu.dma_semaphore, #tpu.memory_space<semaphore_mem>>)
          %dma_wait3A_136 = tpu.memref_slice %arg2[%add3A_114] : memref<800000xi32, #tpu.memory_space<hbm>> -> memref<128xi32, #tpu.memory_space<hbm>>
          %dma_wait3A_137 = tpu.memref_slice %arg2[%add3A_114] : memref<800000xi32, #tpu.memory_space<hbm>> -> memref<128xi32, #tpu.memory_space<hbm>>
          tpu.wait_dma2 semaphore(%run_scoped3A_133 : memref<!tpu.dma_semaphore, #tpu.memory_space<semaphore_mem>>) src(%dma_wait3A_137 : memref<128xi32, #tpu.memory_space<hbm>>) dst(%arg7 : memref<128xi32, #tpu.memory_space<vmem>>)
          tpu.yield
        }) : () -> ()
        "tpu.region"() ({
          %run_scoped3A_133 = tpu.sem_alloc : memref<!tpu.dma_semaphore, #tpu.memory_space<semaphore_mem>>
          %dma_start3A_134 = tpu.memref_slice %arg3[%add3A_114] : memref<800000xi32, #tpu.memory_space<hbm>> -> memref<128xi32, #tpu.memory_space<hbm>>
          %dma_start3A_135 = tpu.memref_slice %arg3[%add3A_114] : memref<800000xi32, #tpu.memory_space<hbm>> -> memref<128xi32, #tpu.memory_space<hbm>>
          tpu.enqueue_dma source(%dma_start3A_135 : memref<128xi32, #tpu.memory_space<hbm>>) target(%arg8 : memref<128xi32, #tpu.memory_space<vmem>>) target_semaphore(%run_scoped3A_133 : memref<!tpu.dma_semaphore, #tpu.memory_space<semaphore_mem>>)
          %dma_wait3A_136 = tpu.memref_slice %arg3[%add3A_114] : memref<800000xi32, #tpu.memory_space<hbm>> -> memref<128xi32, #tpu.memory_space<hbm>>
          %dma_wait3A_137 = tpu.memref_slice %arg3[%add3A_114] : memref<800000xi32, #tpu.memory_space<hbm>> -> memref<128xi32, #tpu.memory_space<hbm>>
          tpu.wait_dma2 semaphore(%run_scoped3A_133 : memref<!tpu.dma_semaphore, #tpu.memory_space<semaphore_mem>>) src(%dma_wait3A_137 : memref<128xi32, #tpu.memory_space<hbm>>) dst(%arg8 : memref<128xi32, #tpu.memory_space<vmem>>)
          tpu.yield
        }) : () -> ()
        %dma_start3A = arith.constant 0 : i32
        %dma_start3A_115 = arith.constant 0 : i32
        %dma_start3A_116 = tpu.memref_slice %arg4[%dma_start3A, %dma_start3A_115] : memref<50000x64xf32, #tpu.memory_space<hbm>> -> memref<50000x64xf32, #tpu.memory_space<hbm>>
        tpu.enqueue_indirect_dma source(%dma_start3A_116 : memref<50000x64xf32, #tpu.memory_space<hbm>>) target(%arg9 : memref<128x64xf32, #tpu.memory_space<vmem>>) offsets(%arg7 : memref<128xi32, #tpu.memory_space<vmem>>) semaphore(%arg17 : memref<!tpu.dma_semaphore, #tpu.memory_space<semaphore_mem>>)
        %dma_wait3A = arith.constant 0 : i32
        %dma_wait3A_117 = arith.constant 0 : i32
        %dma_wait3A_118 = tpu.memref_slice %arg4[%dma_wait3A, %dma_wait3A_117] : memref<50000x64xf32, #tpu.memory_space<hbm>> -> memref<50000x64xf32, #tpu.memory_space<hbm>>
        tpu.wait_indirect_dma semaphore(%arg17 : memref<!tpu.dma_semaphore, #tpu.memory_space<semaphore_mem>>) src(%dma_wait3A_118 : memref<50000x64xf32, #tpu.memory_space<hbm>>) dst(%arg9 : memref<128x64xf32, #tpu.memory_space<vmem>>)
        %mul3A_119 = arith.constant 128 : i32
        %mul3A_120 = arith.muli %add3A_106, %mul3A_119 : i32
        %add3A_121 = arith.constant 0 : i32
        %add3A_122 = arith.addi %add3A_121, %mul3A_120 : i32
        "tpu.region"() ({
          %run_scoped3A_133 = tpu.sem_alloc : memref<!tpu.dma_semaphore, #tpu.memory_space<semaphore_mem>>
          %dma_start3A_134 = arith.constant 0 : i32
          %dma_start3A_135 = tpu.memref_slice %arg5[%add3A_122, %dma_start3A_134] : memref<400000x128xf32, #tpu.memory_space<hbm>> -> memref<128x128xf32, #tpu.memory_space<hbm>>
          %dma_start3A_136 = arith.constant 0 : i32
          %dma_start3A_137 = tpu.memref_slice %arg5[%add3A_122, %dma_start3A_136] : memref<400000x128xf32, #tpu.memory_space<hbm>> -> memref<128x128xf32, #tpu.memory_space<hbm>>
          tpu.enqueue_dma source(%dma_start3A_137 : memref<128x128xf32, #tpu.memory_space<hbm>>) target(%arg10 : memref<128x128xf32, #tpu.memory_space<vmem>>) target_semaphore(%run_scoped3A_133 : memref<!tpu.dma_semaphore, #tpu.memory_space<semaphore_mem>>)
          %dma_wait3A_138 = arith.constant 0 : i32
          %dma_wait3A_139 = tpu.memref_slice %arg5[%add3A_122, %dma_wait3A_138] : memref<400000x128xf32, #tpu.memory_space<hbm>> -> memref<128x128xf32, #tpu.memory_space<hbm>>
          %dma_wait3A_140 = arith.constant 0 : i32
          %dma_wait3A_141 = tpu.memref_slice %arg5[%add3A_122, %dma_wait3A_140] : memref<400000x128xf32, #tpu.memory_space<hbm>> -> memref<128x128xf32, #tpu.memory_space<hbm>>
          tpu.wait_dma2 semaphore(%run_scoped3A_133 : memref<!tpu.dma_semaphore, #tpu.memory_space<semaphore_mem>>) src(%dma_wait3A_141 : memref<128x128xf32, #tpu.memory_space<hbm>>) dst(%arg10 : memref<128x128xf32, #tpu.memory_space<vmem>>)
          tpu.yield
        }) : () -> ()
        %eq3A_123 = arith.constant 0 : i32
        %eq3A_124 = arith.cmpi eq, %arg0, %eq3A_123 : i32
        %convert_element_type3A_125 = arith.extui %eq3A_124 : i1 to i32
        %cond3A_126 = arith.constant 0 : i32
        %cond3A_127 = arith.cmpi ne, %convert_element_type3A_125, %cond3A_126 : i32
        scf.if %cond3A_127 {
          %scan3A_133 = arith.constant 0 : i32
          %scan3A_134 = arith.constant 0 : i32
          %scan3A_135 = arith.constant 128 : i32
          %scan3A_136 = arith.addi %scan3A_134, %scan3A_135 : i32
          %scan3A_137 = arith.constant 1 : i32
          %scan3A_138 = scf.for %scan3A_140 = %scan3A_134 to %scan3A_136 step %scan3A_137 iter_args(%scan3A_141 = %scan3A_133) -> (i32)  : i32 {
            %get3A = arith.index_cast %scan3A_140 : i32 to index
            %get3A_142 = arith.constant 0 : index
            %get3A_143 = tpu.vector_load %arg9[%get3A, %get3A_142] {strides = array<i32>} : memref<128x64xf32, #tpu.memory_space<vmem>>, vector<1x16xf32>,
            %get3A_144 = vector.shape_cast %get3A_143 : vector<1x16xf32> to vector<16xf32>
            %get3A_145 = arith.index_cast %scan3A_140 : i32 to index
            %get3A_146 = arith.constant 0 : index
            %get3A_147 = tpu.vector_load %arg10[%get3A_145, %get3A_146] {strides = array<i32>} : memref<128x128xf32, #tpu.memory_space<vmem>>, vector<1x16xf32>,
            %get3A_148 = vector.shape_cast %get3A_147 : vector<1x16xf32> to vector<16xf32>
            %mul3A_149 = arith.mulf %get3A_144, %get3A_148 : vector<16xf32>
            %swap3A = arith.index_cast %scan3A_140 : i32 to index
            %swap3A_150 = arith.constant 0 : index
            %swap3A_151 = tpu.vector_load %arg9[%swap3A, %swap3A_150] {strides = array<i32>} : memref<128x64xf32, #tpu.memory_space<vmem>>, vector<1x16xf32>,
            %swap3A_152 = vector.shape_cast %swap3A_151 : vector<1x16xf32> to vector<16xf32>
            %swap3A_153 = vector.shape_cast %mul3A_149 : vector<16xf32> to vector<1x16xf32>
            tpu.vector_store %arg9[%swap3A, %swap3A_150], %swap3A_153 {strides = array<i32>} : memref<128x64xf32, #tpu.memory_space<vmem>>, vector<1x16xf32>,
            %get3A_154 = arith.index_cast %scan3A_140 : i32 to index
            %get3A_155 = arith.constant 16 : index
            %get3A_156 = tpu.vector_load %arg9[%get3A_154, %get3A_155] {strides = array<i32>} : memref<128x64xf32, #tpu.memory_space<vmem>>, vector<1x16xf32>,
            %get3A_157 = vector.shape_cast %get3A_156 : vector<1x16xf32> to vector<16xf32>
            %get3A_158 = arith.index_cast %scan3A_140 : i32 to index
            %get3A_159 = arith.constant 16 : index
            %get3A_160 = tpu.vector_load %arg10[%get3A_158, %get3A_159] {strides = array<i32>} : memref<128x128xf32, #tpu.memory_space<vmem>>, vector<1x16xf32>,
            %get3A_161 = vector.shape_cast %get3A_160 : vector<1x16xf32> to vector<16xf32>
            %mul3A_162 = arith.mulf %get3A_157, %get3A_161 : vector<16xf32>
            %swap3A_163 = arith.index_cast %scan3A_140 : i32 to index
            %swap3A_164 = arith.constant 16 : index
            %swap3A_165 = tpu.vector_load %arg9[%swap3A_163, %swap3A_164] {strides = array<i32>} : memref<128x64xf32, #tpu.memory_space<vmem>>, vector<1x16xf32>,
            %swap3A_166 = vector.shape_cast %swap3A_165 : vector<1x16xf32> to vector<16xf32>
            %swap3A_167 = vector.shape_cast %mul3A_162 : vector<16xf32> to vector<1x16xf32>
            tpu.vector_store %arg9[%swap3A_163, %swap3A_164], %swap3A_167 {strides = array<i32>} : memref<128x64xf32, #tpu.memory_space<vmem>>, vector<1x16xf32>,
            %get3A_168 = arith.index_cast %scan3A_140 : i32 to index
            %get3A_169 = arith.constant 32 : index
            %get3A_170 = tpu.vector_load %arg9[%get3A_168, %get3A_169] {strides = array<i32>} : memref<128x64xf32, #tpu.memory_space<vmem>>, vector<1x16xf32>,
            %get3A_171 = vector.shape_cast %get3A_170 : vector<1x16xf32> to vector<16xf32>
            %get3A_172 = arith.index_cast %scan3A_140 : i32 to index
            %get3A_173 = arith.constant 32 : index
            %get3A_174 = tpu.vector_load %arg10[%get3A_172, %get3A_173] {strides = array<i32>} : memref<128x128xf32, #tpu.memory_space<vmem>>, vector<1x16xf32>,
            %get3A_175 = vector.shape_cast %get3A_174 : vector<1x16xf32> to vector<16xf32>
            %mul3A_176 = arith.mulf %get3A_171, %get3A_175 : vector<16xf32>
            %swap3A_177 = arith.index_cast %scan3A_140 : i32 to index
            %swap3A_178 = arith.constant 32 : index
            %swap3A_179 = tpu.vector_load %arg9[%swap3A_177, %swap3A_178] {strides = array<i32>} : memref<128x64xf32, #tpu.memory_space<vmem>>, vector<1x16xf32>,
            %swap3A_180 = vector.shape_cast %swap3A_179 : vector<1x16xf32> to vector<16xf32>
            %swap3A_181 = vector.shape_cast %mul3A_176 : vector<16xf32> to vector<1x16xf32>
            tpu.vector_store %arg9[%swap3A_177, %swap3A_178], %swap3A_181 {strides = array<i32>} : memref<128x64xf32, #tpu.memory_space<vmem>>, vector<1x16xf32>,
            %get3A_182 = arith.index_cast %scan3A_140 : i32 to index
            %get3A_183 = arith.constant 48 : index
            %get3A_184 = tpu.vector_load %arg9[%get3A_182, %get3A_183] {strides = array<i32>} : memref<128x64xf32, #tpu.memory_space<vmem>>, vector<1x16xf32>,
            %get3A_185 = vector.shape_cast %get3A_184 : vector<1x16xf32> to vector<16xf32>
            %get3A_186 = arith.index_cast %scan3A_140 : i32 to index
            %get3A_187 = arith.constant 48 : index
            %get3A_188 = tpu.vector_load %arg10[%get3A_186, %get3A_187] {strides = array<i32>} : memref<128x128xf32, #tpu.memory_space<vmem>>, vector<1x16xf32>,
            %get3A_189 = vector.shape_cast %get3A_188 : vector<1x16xf32> to vector<16xf32>
            %mul3A_190 = arith.mulf %get3A_185, %get3A_189 : vector<16xf32>
            %swap3A_191 = arith.index_cast %scan3A_140 : i32 to index
            %swap3A_192 = arith.constant 48 : index
            %swap3A_193 = tpu.vector_load %arg9[%swap3A_191, %swap3A_192] {strides = array<i32>} : memref<128x64xf32, #tpu.memory_space<vmem>>, vector<1x16xf32>,
            %swap3A_194 = vector.shape_cast %swap3A_193 : vector<1x16xf32> to vector<16xf32>
            %swap3A_195 = vector.shape_cast %mul3A_190 : vector<16xf32> to vector<1x16xf32>
            tpu.vector_store %arg9[%swap3A_191, %swap3A_192], %swap3A_195 {strides = array<i32>} : memref<128x64xf32, #tpu.memory_space<vmem>>, vector<1x16xf32>,
            %scan3A_196 = arith.constant 0 : i32
            scf.yield %scan3A_196 : i32
          }
          %scan3A_139 = arith.constant 128 : i32
        } else {
        }
        %eq3A_128 = arith.constant 1 : i32
        %eq3A_129 = arith.cmpi eq, %arg0, %eq3A_128 : i32
        %convert_element_type3A_130 = arith.extui %eq3A_129 : i1 to i32
        %cond3A_131 = arith.constant 0 : i32
        %cond3A_132 = arith.cmpi ne, %convert_element_type3A_130, %cond3A_131 : i32
        scf.if %cond3A_132 {
          %scan3A_133 = arith.constant 0 : i32
          %scan3A_134 = arith.constant 0 : i32
          %scan3A_135 = arith.constant 128 : i32
          %scan3A_136 = arith.addi %scan3A_134, %scan3A_135 : i32
          %scan3A_137 = arith.constant 1 : i32
          %scan3A_138 = scf.for %scan3A_140 = %scan3A_134 to %scan3A_136 step %scan3A_137 iter_args(%scan3A_141 = %scan3A_133) -> (i32)  : i32 {
            %get3A = arith.index_cast %scan3A_140 : i32 to index
            %get3A_142 = arith.constant 0 : index
            %get3A_143 = tpu.vector_load %arg9[%get3A, %get3A_142] {strides = array<i32>} : memref<128x64xf32, #tpu.memory_space<vmem>>, vector<1x16xf32>,
            %get3A_144 = vector.shape_cast %get3A_143 : vector<1x16xf32> to vector<16xf32>
            %get3A_145 = arith.index_cast %scan3A_140 : i32 to index
            %get3A_146 = arith.constant 64 : index
            %get3A_147 = tpu.vector_load %arg10[%get3A_145, %get3A_146] {strides = array<i32>} : memref<128x128xf32, #tpu.memory_space<vmem>>, vector<1x16xf32>,
            %get3A_148 = vector.shape_cast %get3A_147 : vector<1x16xf32> to vector<16xf32>
            %mul3A_149 = arith.mulf %get3A_144, %get3A_148 : vector<16xf32>
            %swap3A = arith.index_cast %scan3A_140 : i32 to index
            %swap3A_150 = arith.constant 0 : index
            %swap3A_151 = tpu.vector_load %arg9[%swap3A, %swap3A_150] {strides = array<i32>} : memref<128x64xf32, #tpu.memory_space<vmem>>, vector<1x16xf32>,
            %swap3A_152 = vector.shape_cast %swap3A_151 : vector<1x16xf32> to vector<16xf32>
            %swap3A_153 = vector.shape_cast %mul3A_149 : vector<16xf32> to vector<1x16xf32>
            tpu.vector_store %arg9[%swap3A, %swap3A_150], %swap3A_153 {strides = array<i32>} : memref<128x64xf32, #tpu.memory_space<vmem>>, vector<1x16xf32>,
            %get3A_154 = arith.index_cast %scan3A_140 : i32 to index
            %get3A_155 = arith.constant 16 : index
            %get3A_156 = tpu.vector_load %arg9[%get3A_154, %get3A_155] {strides = array<i32>} : memref<128x64xf32, #tpu.memory_space<vmem>>, vector<1x16xf32>,
            %get3A_157 = vector.shape_cast %get3A_156 : vector<1x16xf32> to vector<16xf32>
            %get3A_158 = arith.index_cast %scan3A_140 : i32 to index
            %get3A_159 = arith.constant 80 : index
            %get3A_160 = tpu.vector_load %arg10[%get3A_158, %get3A_159] {strides = array<i32>} : memref<128x128xf32, #tpu.memory_space<vmem>>, vector<1x16xf32>,
            %get3A_161 = vector.shape_cast %get3A_160 : vector<1x16xf32> to vector<16xf32>
            %mul3A_162 = arith.mulf %get3A_157, %get3A_161 : vector<16xf32>
            %swap3A_163 = arith.index_cast %scan3A_140 : i32 to index
            %swap3A_164 = arith.constant 16 : index
            %swap3A_165 = tpu.vector_load %arg9[%swap3A_163, %swap3A_164] {strides = array<i32>} : memref<128x64xf32, #tpu.memory_space<vmem>>, vector<1x16xf32>,
            %swap3A_166 = vector.shape_cast %swap3A_165 : vector<1x16xf32> to vector<16xf32>
            %swap3A_167 = vector.shape_cast %mul3A_162 : vector<16xf32> to vector<1x16xf32>
            tpu.vector_store %arg9[%swap3A_163, %swap3A_164], %swap3A_167 {strides = array<i32>} : memref<128x64xf32, #tpu.memory_space<vmem>>, vector<1x16xf32>,
            %get3A_168 = arith.index_cast %scan3A_140 : i32 to index
            %get3A_169 = arith.constant 32 : index
            %get3A_170 = tpu.vector_load %arg9[%get3A_168, %get3A_169] {strides = array<i32>} : memref<128x64xf32, #tpu.memory_space<vmem>>, vector<1x16xf32>,
            %get3A_171 = vector.shape_cast %get3A_170 : vector<1x16xf32> to vector<16xf32>
            %get3A_172 = arith.index_cast %scan3A_140 : i32 to index
            %get3A_173 = arith.constant 96 : index
            %get3A_174 = tpu.vector_load %arg10[%get3A_172, %get3A_173] {strides = array<i32>} : memref<128x128xf32, #tpu.memory_space<vmem>>, vector<1x16xf32>,
            %get3A_175 = vector.shape_cast %get3A_174 : vector<1x16xf32> to vector<16xf32>
            %mul3A_176 = arith.mulf %get3A_171, %get3A_175 : vector<16xf32>
            %swap3A_177 = arith.index_cast %scan3A_140 : i32 to index
            %swap3A_178 = arith.constant 32 : index
            %swap3A_179 = tpu.vector_load %arg9[%swap3A_177, %swap3A_178] {strides = array<i32>} : memref<128x64xf32, #tpu.memory_space<vmem>>, vector<1x16xf32>,
            %swap3A_180 = vector.shape_cast %swap3A_179 : vector<1x16xf32> to vector<16xf32>
            %swap3A_181 = vector.shape_cast %mul3A_176 : vector<16xf32> to vector<1x16xf32>
            tpu.vector_store %arg9[%swap3A_177, %swap3A_178], %swap3A_181 {strides = array<i32>} : memref<128x64xf32, #tpu.memory_space<vmem>>, vector<1x16xf32>,
            %get3A_182 = arith.index_cast %scan3A_140 : i32 to index
            %get3A_183 = arith.constant 48 : index
            %get3A_184 = tpu.vector_load %arg9[%get3A_182, %get3A_183] {strides = array<i32>} : memref<128x64xf32, #tpu.memory_space<vmem>>, vector<1x16xf32>,
            %get3A_185 = vector.shape_cast %get3A_184 : vector<1x16xf32> to vector<16xf32>
            %get3A_186 = arith.index_cast %scan3A_140 : i32 to index
            %get3A_187 = arith.constant 112 : index
            %get3A_188 = tpu.vector_load %arg10[%get3A_186, %get3A_187] {strides = array<i32>} : memref<128x128xf32, #tpu.memory_space<vmem>>, vector<1x16xf32>,
            %get3A_189 = vector.shape_cast %get3A_188 : vector<1x16xf32> to vector<16xf32>
            %mul3A_190 = arith.mulf %get3A_185, %get3A_189 : vector<16xf32>
            %swap3A_191 = arith.index_cast %scan3A_140 : i32 to index
            %swap3A_192 = arith.constant 48 : index
            %swap3A_193 = tpu.vector_load %arg9[%swap3A_191, %swap3A_192] {strides = array<i32>} : memref<128x64xf32, #tpu.memory_space<vmem>>, vector<1x16xf32>,
            %swap3A_194 = vector.shape_cast %swap3A_193 : vector<1x16xf32> to vector<16xf32>
            %swap3A_195 = vector.shape_cast %mul3A_190 : vector<16xf32> to vector<1x16xf32>
            tpu.vector_store %arg9[%swap3A_191, %swap3A_192], %swap3A_195 {strides = array<i32>} : memref<128x64xf32, #tpu.memory_space<vmem>>, vector<1x16xf32>,
            %scan3A_196 = arith.constant 0 : i32
            scf.yield %scan3A_196 : i32
          }
          %scan3A_139 = arith.constant 128 : i32
        } else {
        }
        "tpu.region"() ({
          %run_scoped3A_133 = tpu.sem_alloc : memref<!tpu.dma_semaphore, #tpu.memory_space<semaphore_mem>>
          %dma_start3A_134 = arith.constant 0 : i32
          %dma_start3A_135 = arith.constant 0 : i32
          %dma_start3A_136 = tpu.memref_slice %arg16[%dma_start3A_134, %dma_start3A_135] : memref<12544x64xf32, #tpu.memory_space<vmem_shared>> -> memref<12544x64xf32, #tpu.memory_space<vmem_shared>>
          tpu.enqueue_indirect_dma source(%arg9 : memref<128x64xf32, #tpu.memory_space<vmem>>) target(%dma_start3A_136 : memref<12544x64xf32, #tpu.memory_space<vmem_shared>>) offsets(%arg8 : memref<128xi32, #tpu.memory_space<vmem>>) semaphore(%run_scoped3A_133 : memref<!tpu.dma_semaphore, #tpu.memory_space<semaphore_mem>>) {add = true}
          %dma_wait3A_137 = arith.constant 0 : i32
          %dma_wait3A_138 = arith.constant 0 : i32
          %dma_wait3A_139 = tpu.memref_slice %arg16[%dma_wait3A_137, %dma_wait3A_138] : memref<12544x64xf32, #tpu.memory_space<vmem_shared>> -> memref<12544x64xf32, #tpu.memory_space<vmem_shared>>
          tpu.wait_indirect_dma semaphore(%run_scoped3A_133 : memref<!tpu.dma_semaphore, #tpu.memory_space<semaphore_mem>>) src(%arg9 : memref<128x64xf32, #tpu.memory_space<vmem>>) dst(%dma_wait3A_139 : memref<12544x64xf32, #tpu.memory_space<vmem_shared>>)
          tpu.yield
        }) : () -> ()
      } else {
      }
      %scan3A_111 = arith.constant 0 : i32
      scf.yield %scan3A_111 : i32
    }
    %scan3A_43 = arith.constant 98 : i32
    %eq3A = arith.constant 15 : i32
    %eq3A_44 = arith.cmpi eq, %arg1, %eq3A : i32
    %convert_element_type3A = arith.extui %eq3A_44 : i1 to i32
    %cond3A = arith.constant 0 : i32
    %cond3A_45 = arith.cmpi ne, %convert_element_type3A, %cond3A : i32
    scf.if %cond3A_45 {
      %add3A_102 = arith.constant 199936 : i32
      %add3A_103 = arith.addi %add3A_36, %add3A_102 : i32
      "tpu.region"() ({
        %run_scoped3A_118 = tpu.sem_alloc : memref<!tpu.dma_semaphore, #tpu.memory_space<semaphore_mem>>
        %dma_start3A_119 = tpu.memref_slice %arg2[%add3A_103] : memref<800000xi32, #tpu.memory_space<hbm>> -> memref<64xi32, #tpu.memory_space<hbm>>
        %dma_start3A_120 = tpu.memref_slice %arg2[%add3A_103] : memref<800000xi32, #tpu.memory_space<hbm>> -> memref<64xi32, #tpu.memory_space<hbm>>
        tpu.enqueue_dma source(%dma_start3A_120 : memref<64xi32, #tpu.memory_space<hbm>>) target(%arg11 : memref<64xi32, #tpu.memory_space<vmem>>) target_semaphore(%run_scoped3A_118 : memref<!tpu.dma_semaphore, #tpu.memory_space<semaphore_mem>>)
        %dma_wait3A_121 = tpu.memref_slice %arg2[%add3A_103] : memref<800000xi32, #tpu.memory_space<hbm>> -> memref<64xi32, #tpu.memory_space<hbm>>
        %dma_wait3A_122 = tpu.memref_slice %arg2[%add3A_103] : memref<800000xi32, #tpu.memory_space<hbm>> -> memref<64xi32, #tpu.memory_space<hbm>>
        tpu.wait_dma2 semaphore(%run_scoped3A_118 : memref<!tpu.dma_semaphore, #tpu.memory_space<semaphore_mem>>) src(%dma_wait3A_122 : memref<64xi32, #tpu.memory_space<hbm>>) dst(%arg11 : memref<64xi32, #tpu.memory_space<vmem>>)
        tpu.yield
      }) : () -> ()
      "tpu.region"() ({
        %run_scoped3A_118 = tpu.sem_alloc : memref<!tpu.dma_semaphore, #tpu.memory_space<semaphore_mem>>
        %dma_start3A_119 = tpu.memref_slice %arg3[%add3A_103] : memref<800000xi32, #tpu.memory_space<hbm>> -> memref<64xi32, #tpu.memory_space<hbm>>
        %dma_start3A_120 = tpu.memref_slice %arg3[%add3A_103] : memref<800000xi32, #tpu.memory_space<hbm>> -> memref<64xi32, #tpu.memory_space<hbm>>
        tpu.enqueue_dma source(%dma_start3A_120 : memref<64xi32, #tpu.memory_space<hbm>>) target(%arg12 : memref<64xi32, #tpu.memory_space<vmem>>) target_semaphore(%run_scoped3A_118 : memref<!tpu.dma_semaphore, #tpu.memory_space<semaphore_mem>>)
        %dma_wait3A_121 = tpu.memref_slice %arg3[%add3A_103] : memref<800000xi32, #tpu.memory_space<hbm>> -> memref<64xi32, #tpu.memory_space<hbm>>
        %dma_wait3A_122 = tpu.memref_slice %arg3[%add3A_103] : memref<800000xi32, #tpu.memory_space<hbm>> -> memref<64xi32, #tpu.memory_space<hbm>>
        tpu.wait_dma2 semaphore(%run_scoped3A_118 : memref<!tpu.dma_semaphore, #tpu.memory_space<semaphore_mem>>) src(%dma_wait3A_122 : memref<64xi32, #tpu.memory_space<hbm>>) dst(%arg12 : memref<64xi32, #tpu.memory_space<vmem>>)
        tpu.yield
      }) : () -> ()
      %dma_start3A = arith.constant 0 : i32
      %dma_start3A_104 = arith.constant 0 : i32
      %dma_start3A_105 = tpu.memref_slice %arg4[%dma_start3A, %dma_start3A_104] : memref<50000x64xf32, #tpu.memory_space<hbm>> -> memref<50000x64xf32, #tpu.memory_space<hbm>>
      tpu.enqueue_indirect_dma source(%dma_start3A_105 : memref<50000x64xf32, #tpu.memory_space<hbm>>) target(%arg13 : memref<64x64xf32, #tpu.memory_space<vmem>>) offsets(%arg11 : memref<64xi32, #tpu.memory_space<vmem>>) semaphore(%arg17 : memref<!tpu.dma_semaphore, #tpu.memory_space<semaphore_mem>>)
      %dma_wait3A = arith.constant 0 : i32
      %dma_wait3A_106 = arith.constant 0 : i32
      %dma_wait3A_107 = tpu.memref_slice %arg4[%dma_wait3A, %dma_wait3A_106] : memref<50000x64xf32, #tpu.memory_space<hbm>> -> memref<50000x64xf32, #tpu.memory_space<hbm>>
      tpu.wait_indirect_dma semaphore(%arg17 : memref<!tpu.dma_semaphore, #tpu.memory_space<semaphore_mem>>) src(%dma_wait3A_107 : memref<50000x64xf32, #tpu.memory_space<hbm>>) dst(%arg13 : memref<64x64xf32, #tpu.memory_space<vmem>>)
      "tpu.region"() ({
        %run_scoped3A_118 = tpu.sem_alloc : memref<!tpu.dma_semaphore, #tpu.memory_space<semaphore_mem>>
        %dma_start3A_119 = arith.constant 199936 : i32
        %dma_start3A_120 = arith.constant 0 : i32
        %dma_start3A_121 = tpu.memref_slice %arg5[%dma_start3A_119, %dma_start3A_120] : memref<400000x128xf32, #tpu.memory_space<hbm>> -> memref<64x128xf32, #tpu.memory_space<hbm>>
        %dma_start3A_122 = arith.constant 199936 : i32
        %dma_start3A_123 = arith.constant 0 : i32
        %dma_start3A_124 = tpu.memref_slice %arg5[%dma_start3A_122, %dma_start3A_123] : memref<400000x128xf32, #tpu.memory_space<hbm>> -> memref<64x128xf32, #tpu.memory_space<hbm>>
        tpu.enqueue_dma source(%dma_start3A_124 : memref<64x128xf32, #tpu.memory_space<hbm>>) target(%arg14 : memref<64x128xf32, #tpu.memory_space<vmem>>) target_semaphore(%run_scoped3A_118 : memref<!tpu.dma_semaphore, #tpu.memory_space<semaphore_mem>>)
        %dma_wait3A_125 = arith.constant 199936 : i32
        %dma_wait3A_126 = arith.constant 0 : i32
        %dma_wait3A_127 = tpu.memref_slice %arg5[%dma_wait3A_125, %dma_wait3A_126] : memref<400000x128xf32, #tpu.memory_space<hbm>> -> memref<64x128xf32, #tpu.memory_space<hbm>>
        %dma_wait3A_128 = arith.constant 199936 : i32
        %dma_wait3A_129 = arith.constant 0 : i32
        %dma_wait3A_130 = tpu.memref_slice %arg5[%dma_wait3A_128, %dma_wait3A_129] : memref<400000x128xf32, #tpu.memory_space<hbm>> -> memref<64x128xf32, #tpu.memory_space<hbm>>
        tpu.wait_dma2 semaphore(%run_scoped3A_118 : memref<!tpu.dma_semaphore, #tpu.memory_space<semaphore_mem>>) src(%dma_wait3A_130 : memref<64x128xf32, #tpu.memory_space<hbm>>) dst(%arg14 : memref<64x128xf32, #tpu.memory_space<vmem>>)
        tpu.yield
      }) : () -> ()
      %eq3A_108 = arith.constant 0 : i32
      %eq3A_109 = arith.cmpi eq, %arg0, %eq3A_108 : i32
      %convert_element_type3A_110 = arith.extui %eq3A_109 : i1 to i32
      %cond3A_111 = arith.constant 0 : i32
      %cond3A_112 = arith.cmpi ne, %convert_element_type3A_110, %cond3A_111 : i32
      scf.if %cond3A_112 {
        %scan3A_118 = arith.constant 0 : i32
        %scan3A_119 = arith.constant 0 : i32
        %scan3A_120 = arith.constant 64 : i32
        %scan3A_121 = arith.addi %scan3A_119, %scan3A_120 : i32
        %scan3A_122 = arith.constant 1 : i32
        %scan3A_123 = scf.for %scan3A_125 = %scan3A_119 to %scan3A_121 step %scan3A_122 iter_args(%scan3A_126 = %scan3A_118) -> (i32)  : i32 {
          %get3A = arith.index_cast %scan3A_125 : i32 to index
          %get3A_127 = arith.constant 0 : index
          %get3A_128 = tpu.vector_load %arg13[%get3A, %get3A_127] {strides = array<i32>} : memref<64x64xf32, #tpu.memory_space<vmem>>, vector<1x16xf32>,
          %get3A_129 = vector.shape_cast %get3A_128 : vector<1x16xf32> to vector<16xf32>
          %get3A_130 = arith.index_cast %scan3A_125 : i32 to index
          %get3A_131 = arith.constant 0 : index
          %get3A_132 = tpu.vector_load %arg14[%get3A_130, %get3A_131] {strides = array<i32>} : memref<64x128xf32, #tpu.memory_space<vmem>>, vector<1x16xf32>,
          %get3A_133 = vector.shape_cast %get3A_132 : vector<1x16xf32> to vector<16xf32>
          %mul3A_134 = arith.mulf %get3A_129, %get3A_133 : vector<16xf32>
          %swap3A = arith.index_cast %scan3A_125 : i32 to index
          %swap3A_135 = arith.constant 0 : index
          %swap3A_136 = tpu.vector_load %arg13[%swap3A, %swap3A_135] {strides = array<i32>} : memref<64x64xf32, #tpu.memory_space<vmem>>, vector<1x16xf32>,
          %swap3A_137 = vector.shape_cast %swap3A_136 : vector<1x16xf32> to vector<16xf32>
          %swap3A_138 = vector.shape_cast %mul3A_134 : vector<16xf32> to vector<1x16xf32>
          tpu.vector_store %arg13[%swap3A, %swap3A_135], %swap3A_138 {strides = array<i32>} : memref<64x64xf32, #tpu.memory_space<vmem>>, vector<1x16xf32>,
          %get3A_139 = arith.index_cast %scan3A_125 : i32 to index
          %get3A_140 = arith.constant 16 : index
          %get3A_141 = tpu.vector_load %arg13[%get3A_139, %get3A_140] {strides = array<i32>} : memref<64x64xf32, #tpu.memory_space<vmem>>, vector<1x16xf32>,
          %get3A_142 = vector.shape_cast %get3A_141 : vector<1x16xf32> to vector<16xf32>
          %get3A_143 = arith.index_cast %scan3A_125 : i32 to index
          %get3A_144 = arith.constant 16 : index
          %get3A_145 = tpu.vector_load %arg14[%get3A_143, %get3A_144] {strides = array<i32>} : memref<64x128xf32, #tpu.memory_space<vmem>>, vector<1x16xf32>,
          %get3A_146 = vector.shape_cast %get3A_145 : vector<1x16xf32> to vector<16xf32>
          %mul3A_147 = arith.mulf %get3A_142, %get3A_146 : vector<16xf32>
          %swap3A_148 = arith.index_cast %scan3A_125 : i32 to index
          %swap3A_149 = arith.constant 16 : index
          %swap3A_150 = tpu.vector_load %arg13[%swap3A_148, %swap3A_149] {strides = array<i32>} : memref<64x64xf32, #tpu.memory_space<vmem>>, vector<1x16xf32>,
          %swap3A_151 = vector.shape_cast %swap3A_150 : vector<1x16xf32> to vector<16xf32>
          %swap3A_152 = vector.shape_cast %mul3A_147 : vector<16xf32> to vector<1x16xf32>
          tpu.vector_store %arg13[%swap3A_148, %swap3A_149], %swap3A_152 {strides = array<i32>} : memref<64x64xf32, #tpu.memory_space<vmem>>, vector<1x16xf32>,
          %get3A_153 = arith.index_cast %scan3A_125 : i32 to index
          %get3A_154 = arith.constant 32 : index
          %get3A_155 = tpu.vector_load %arg13[%get3A_153, %get3A_154] {strides = array<i32>} : memref<64x64xf32, #tpu.memory_space<vmem>>, vector<1x16xf32>,
          %get3A_156 = vector.shape_cast %get3A_155 : vector<1x16xf32> to vector<16xf32>
          %get3A_157 = arith.index_cast %scan3A_125 : i32 to index
          %get3A_158 = arith.constant 32 : index
          %get3A_159 = tpu.vector_load %arg14[%get3A_157, %get3A_158] {strides = array<i32>} : memref<64x128xf32, #tpu.memory_space<vmem>>, vector<1x16xf32>,
          %get3A_160 = vector.shape_cast %get3A_159 : vector<1x16xf32> to vector<16xf32>
          %mul3A_161 = arith.mulf %get3A_156, %get3A_160 : vector<16xf32>
          %swap3A_162 = arith.index_cast %scan3A_125 : i32 to index
          %swap3A_163 = arith.constant 32 : index
          %swap3A_164 = tpu.vector_load %arg13[%swap3A_162, %swap3A_163] {strides = array<i32>} : memref<64x64xf32, #tpu.memory_space<vmem>>, vector<1x16xf32>,
          %swap3A_165 = vector.shape_cast %swap3A_164 : vector<1x16xf32> to vector<16xf32>
          %swap3A_166 = vector.shape_cast %mul3A_161 : vector<16xf32> to vector<1x16xf32>
          tpu.vector_store %arg13[%swap3A_162, %swap3A_163], %swap3A_166 {strides = array<i32>} : memref<64x64xf32, #tpu.memory_space<vmem>>, vector<1x16xf32>,
          %get3A_167 = arith.index_cast %scan3A_125 : i32 to index
          %get3A_168 = arith.constant 48 : index
          %get3A_169 = tpu.vector_load %arg13[%get3A_167, %get3A_168] {strides = array<i32>} : memref<64x64xf32, #tpu.memory_space<vmem>>, vector<1x16xf32>,
          %get3A_170 = vector.shape_cast %get3A_169 : vector<1x16xf32> to vector<16xf32>
          %get3A_171 = arith.index_cast %scan3A_125 : i32 to index
          %get3A_172 = arith.constant 48 : index
          %get3A_173 = tpu.vector_load %arg14[%get3A_171, %get3A_172] {strides = array<i32>} : memref<64x128xf32, #tpu.memory_space<vmem>>, vector<1x16xf32>,
          %get3A_174 = vector.shape_cast %get3A_173 : vector<1x16xf32> to vector<16xf32>
          %mul3A_175 = arith.mulf %get3A_170, %get3A_174 : vector<16xf32>
          %swap3A_176 = arith.index_cast %scan3A_125 : i32 to index
          %swap3A_177 = arith.constant 48 : index
          %swap3A_178 = tpu.vector_load %arg13[%swap3A_176, %swap3A_177] {strides = array<i32>} : memref<64x64xf32, #tpu.memory_space<vmem>>, vector<1x16xf32>,
          %swap3A_179 = vector.shape_cast %swap3A_178 : vector<1x16xf32> to vector<16xf32>
          %swap3A_180 = vector.shape_cast %mul3A_175 : vector<16xf32> to vector<1x16xf32>
          tpu.vector_store %arg13[%swap3A_176, %swap3A_177], %swap3A_180 {strides = array<i32>} : memref<64x64xf32, #tpu.memory_space<vmem>>, vector<1x16xf32>,
          %scan3A_181 = arith.constant 0 : i32
          scf.yield %scan3A_181 : i32
        }
        %scan3A_124 = arith.constant 64 : i32
      } else {
      }
      %eq3A_113 = arith.constant 1 : i32
      %eq3A_114 = arith.cmpi eq, %arg0, %eq3A_113 : i32
      %convert_element_type3A_115 = arith.extui %eq3A_114 : i1 to i32
      %cond3A_116 = arith.constant 0 : i32
      %cond3A_117 = arith.cmpi ne, %convert_element_type3A_115, %cond3A_116 : i32
      scf.if %cond3A_117 {
        %scan3A_118 = arith.constant 0 : i32
        %scan3A_119 = arith.constant 0 : i32
        %scan3A_120 = arith.constant 64 : i32
        %scan3A_121 = arith.addi %scan3A_119, %scan3A_120 : i32
        %scan3A_122 = arith.constant 1 : i32
        %scan3A_123 = scf.for %scan3A_125 = %scan3A_119 to %scan3A_121 step %scan3A_122 iter_args(%scan3A_126 = %scan3A_118) -> (i32)  : i32 {
          %get3A = arith.index_cast %scan3A_125 : i32 to index
          %get3A_127 = arith.constant 0 : index
          %get3A_128 = tpu.vector_load %arg13[%get3A, %get3A_127] {strides = array<i32>} : memref<64x64xf32, #tpu.memory_space<vmem>>, vector<1x16xf32>,
          %get3A_129 = vector.shape_cast %get3A_128 : vector<1x16xf32> to vector<16xf32>
          %get3A_130 = arith.index_cast %scan3A_125 : i32 to index
          %get3A_131 = arith.constant 64 : index
          %get3A_132 = tpu.vector_load %arg14[%get3A_130, %get3A_131] {strides = array<i32>} : memref<64x128xf32, #tpu.memory_space<vmem>>, vector<1x16xf32>,
          %get3A_133 = vector.shape_cast %get3A_132 : vector<1x16xf32> to vector<16xf32>
          %mul3A_134 = arith.mulf %get3A_129, %get3A_133 : vector<16xf32>
          %swap3A = arith.index_cast %scan3A_125 : i32 to index
          %swap3A_135 = arith.constant 0 : index
          %swap3A_136 = tpu.vector_load %arg13[%swap3A, %swap3A_135] {strides = array<i32>} : memref<64x64xf32, #tpu.memory_space<vmem>>, vector<1x16xf32>,
          %swap3A_137 = vector.shape_cast %swap3A_136 : vector<1x16xf32> to vector<16xf32>
          %swap3A_138 = vector.shape_cast %mul3A_134 : vector<16xf32> to vector<1x16xf32>
          tpu.vector_store %arg13[%swap3A, %swap3A_135], %swap3A_138 {strides = array<i32>} : memref<64x64xf32, #tpu.memory_space<vmem>>, vector<1x16xf32>,
          %get3A_139 = arith.index_cast %scan3A_125 : i32 to index
          %get3A_140 = arith.constant 16 : index
          %get3A_141 = tpu.vector_load %arg13[%get3A_139, %get3A_140] {strides = array<i32>} : memref<64x64xf32, #tpu.memory_space<vmem>>, vector<1x16xf32>,
          %get3A_142 = vector.shape_cast %get3A_141 : vector<1x16xf32> to vector<16xf32>
          %get3A_143 = arith.index_cast %scan3A_125 : i32 to index
          %get3A_144 = arith.constant 80 : index
          %get3A_145 = tpu.vector_load %arg14[%get3A_143, %get3A_144] {strides = array<i32>} : memref<64x128xf32, #tpu.memory_space<vmem>>, vector<1x16xf32>,
          %get3A_146 = vector.shape_cast %get3A_145 : vector<1x16xf32> to vector<16xf32>
          %mul3A_147 = arith.mulf %get3A_142, %get3A_146 : vector<16xf32>
          %swap3A_148 = arith.index_cast %scan3A_125 : i32 to index
          %swap3A_149 = arith.constant 16 : index
          %swap3A_150 = tpu.vector_load %arg13[%swap3A_148, %swap3A_149] {strides = array<i32>} : memref<64x64xf32, #tpu.memory_space<vmem>>, vector<1x16xf32>,
          %swap3A_151 = vector.shape_cast %swap3A_150 : vector<1x16xf32> to vector<16xf32>
          %swap3A_152 = vector.shape_cast %mul3A_147 : vector<16xf32> to vector<1x16xf32>
          tpu.vector_store %arg13[%swap3A_148, %swap3A_149], %swap3A_152 {strides = array<i32>} : memref<64x64xf32, #tpu.memory_space<vmem>>, vector<1x16xf32>,
          %get3A_153 = arith.index_cast %scan3A_125 : i32 to index
          %get3A_154 = arith.constant 32 : index
          %get3A_155 = tpu.vector_load %arg13[%get3A_153, %get3A_154] {strides = array<i32>} : memref<64x64xf32, #tpu.memory_space<vmem>>, vector<1x16xf32>,
          %get3A_156 = vector.shape_cast %get3A_155 : vector<1x16xf32> to vector<16xf32>
          %get3A_157 = arith.index_cast %scan3A_125 : i32 to index
          %get3A_158 = arith.constant 96 : index
          %get3A_159 = tpu.vector_load %arg14[%get3A_157, %get3A_158] {strides = array<i32>} : memref<64x128xf32, #tpu.memory_space<vmem>>, vector<1x16xf32>,
          %get3A_160 = vector.shape_cast %get3A_159 : vector<1x16xf32> to vector<16xf32>
          %mul3A_161 = arith.mulf %get3A_156, %get3A_160 : vector<16xf32>
          %swap3A_162 = arith.index_cast %scan3A_125 : i32 to index
          %swap3A_163 = arith.constant 32 : index
          %swap3A_164 = tpu.vector_load %arg13[%swap3A_162, %swap3A_163] {strides = array<i32>} : memref<64x64xf32, #tpu.memory_space<vmem>>, vector<1x16xf32>,
          %swap3A_165 = vector.shape_cast %swap3A_164 : vector<1x16xf32> to vector<16xf32>
          %swap3A_166 = vector.shape_cast %mul3A_161 : vector<16xf32> to vector<1x16xf32>
          tpu.vector_store %arg13[%swap3A_162, %swap3A_163], %swap3A_166 {strides = array<i32>} : memref<64x64xf32, #tpu.memory_space<vmem>>, vector<1x16xf32>,
          %get3A_167 = arith.index_cast %scan3A_125 : i32 to index
          %get3A_168 = arith.constant 48 : index
          %get3A_169 = tpu.vector_load %arg13[%get3A_167, %get3A_168] {strides = array<i32>} : memref<64x64xf32, #tpu.memory_space<vmem>>, vector<1x16xf32>,
          %get3A_170 = vector.shape_cast %get3A_169 : vector<1x16xf32> to vector<16xf32>
          %get3A_171 = arith.index_cast %scan3A_125 : i32 to index
          %get3A_172 = arith.constant 112 : index
          %get3A_173 = tpu.vector_load %arg14[%get3A_171, %get3A_172] {strides = array<i32>} : memref<64x128xf32, #tpu.memory_space<vmem>>, vector<1x16xf32>,
          %get3A_174 = vector.shape_cast %get3A_173 : vector<1x16xf32> to vector<16xf32>
          %mul3A_175 = arith.mulf %get3A_170, %get3A_174 : vector<16xf32>
          %swap3A_176 = arith.index_cast %scan3A_125 : i32 to index
          %swap3A_177 = arith.constant 48 : index
          %swap3A_178 = tpu.vector_load %arg13[%swap3A_176, %swap3A_177] {strides = array<i32>} : memref<64x64xf32, #tpu.memory_space<vmem>>, vector<1x16xf32>,
          %swap3A_179 = vector.shape_cast %swap3A_178 : vector<1x16xf32> to vector<16xf32>
          %swap3A_180 = vector.shape_cast %mul3A_175 : vector<16xf32> to vector<1x16xf32>
          tpu.vector_store %arg13[%swap3A_176, %swap3A_177], %swap3A_180 {strides = array<i32>} : memref<64x64xf32, #tpu.memory_space<vmem>>, vector<1x16xf32>,
          %scan3A_181 = arith.constant 0 : i32
          scf.yield %scan3A_181 : i32
        }
        %scan3A_124 = arith.constant 64 : i32
      } else {
      }
      "tpu.region"() ({
        %run_scoped3A_118 = tpu.sem_alloc : memref<!tpu.dma_semaphore, #tpu.memory_space<semaphore_mem>>
        %dma_start3A_119 = arith.constant 0 : i32
        %dma_start3A_120 = arith.constant 0 : i32
        %dma_start3A_121 = tpu.memref_slice %arg16[%dma_start3A_119, %dma_start3A_120] : memref<12544x64xf32, #tpu.memory_space<vmem_shared>> -> memref<12544x64xf32, #tpu.memory_space<vmem_shared>>
        tpu.enqueue_indirect_dma source(%arg13 : memref<64x64xf32, #tpu.memory_space<vmem>>) target(%dma_start3A_121 : memref<12544x64xf32, #tpu.memory_space<vmem_shared>>) offsets(%arg12 : memref<64xi32, #tpu.memory_space<vmem>>) semaphore(%run_scoped3A_118 : memref<!tpu.dma_semaphore, #tpu.memory_space<semaphore_mem>>) {add = true}
        %dma_wait3A_122 = arith.constant 0 : i32
        %dma_wait3A_123 = arith.constant 0 : i32
        %dma_wait3A_124 = tpu.memref_slice %arg16[%dma_wait3A_122, %dma_wait3A_123] : memref<12544x64xf32, #tpu.memory_space<vmem_shared>> -> memref<12544x64xf32, #tpu.memory_space<vmem_shared>>
        tpu.wait_indirect_dma semaphore(%run_scoped3A_118 : memref<!tpu.dma_semaphore, #tpu.memory_space<semaphore_mem>>) src(%arg13 : memref<64x64xf32, #tpu.memory_space<vmem>>) dst(%dma_wait3A_124 : memref<12544x64xf32, #tpu.memory_space<vmem_shared>>)
        tpu.yield
      }) : () -> ()
    } else {
    }
    %barrier3A_46 = arith.constant 0 : index
    tpu.barrier barrier_id(%barrier3A_46)
    %mul3A_47 = arith.constant 784 : i32
    %mul3A_48 = arith.muli %arg1, %mul3A_47 : i32
    %mul3A_49 = arith.constant 784 : i32
    %mul3A_50 = arith.muli %arg1, %mul3A_49 : i32
    %run_scoped3A = arith.constant 0 : i32
    "tpu.region"() ({
      %run_scoped3A_102 = tpu.sem_alloc : memref<!tpu.dma_semaphore, #tpu.memory_space<semaphore_mem>>
      %dma_start3A = arith.constant 0 : i32
      %dma_start3A_103 = tpu.memref_slice %arg6[%arg0, %run_scoped3A, %mul3A_50, %dma_start3A] : memref<2x2x12544x64xf32, #tpu.memory_space<hbm>> -> memref<1x1x784x64xf32, #tpu.memory_space<hbm>>
      %dma_start3A_104 = tpu.memref_squeeze %dma_start3A_103 : memref<1x1x784x64xf32, #tpu.memory_space<hbm>> -> memref<784x64xf32, #tpu.memory_space<hbm>>
      %dma_start3A_105 = arith.constant 0 : i32
      %dma_start3A_106 = tpu.memref_slice %arg16[%mul3A_48, %dma_start3A_105] : memref<12544x64xf32, #tpu.memory_space<vmem_shared>> -> memref<784x64xf32, #tpu.memory_space<vmem_shared>>
      tpu.enqueue_dma source(%dma_start3A_106 : memref<784x64xf32, #tpu.memory_space<vmem_shared>>) target(%dma_start3A_104 : memref<784x64xf32, #tpu.memory_space<hbm>>) target_semaphore(%run_scoped3A_102 : memref<!tpu.dma_semaphore, #tpu.memory_space<semaphore_mem>>)
      %dma_wait3A = arith.constant 0 : i32
      %dma_wait3A_107 = tpu.memref_slice %arg6[%arg0, %run_scoped3A, %mul3A_50, %dma_wait3A] : memref<2x2x12544x64xf32, #tpu.memory_space<hbm>> -> memref<1x1x784x64xf32, #tpu.memory_space<hbm>>
      %dma_wait3A_108 = tpu.memref_squeeze %dma_wait3A_107 : memref<1x1x784x64xf32, #tpu.memory_space<hbm>> -> memref<784x64xf32, #tpu.memory_space<hbm>>
      %dma_wait3A_109 = arith.constant 0 : i32
      %dma_wait3A_110 = tpu.memref_slice %arg16[%mul3A_48, %dma_wait3A_109] : memref<12544x64xf32, #tpu.memory_space<vmem_shared>> -> memref<784x64xf32, #tpu.memory_space<vmem_shared>>
      tpu.wait_dma2 semaphore(%run_scoped3A_102 : memref<!tpu.dma_semaphore, #tpu.memory_space<semaphore_mem>>) src(%dma_wait3A_110 : memref<784x64xf32, #tpu.memory_space<vmem_shared>>) dst(%dma_wait3A_108 : memref<784x64xf32, #tpu.memory_space<hbm>>)
      tpu.yield
    }) : () -> ()
    %mul3A_51 = arith.constant 784 : i32
    %mul3A_52 = arith.muli %arg1, %mul3A_51 : i32
    %add3A_53 = arith.constant 0 : i32
    %add3A_54 = arith.addi %mul3A_52, %add3A_53 : i32
    "tpu.region"() ({
      %run_scoped3A_102 = tpu.sem_alloc : memref<!tpu.dma_semaphore, #tpu.memory_space<semaphore_mem>>
      %dma_start3A = arith.constant 0 : i32
      %dma_start3A_103 = tpu.memref_slice %arg16[%add3A_54, %dma_start3A] : memref<12544x64xf32, #tpu.memory_space<vmem_shared>> -> memref<112x64xf32, #tpu.memory_space<vmem_shared>>
      %dma_start3A_104 = arith.constant 0 : i32
      %dma_start3A_105 = tpu.memref_slice %arg16[%add3A_54, %dma_start3A_104] : memref<12544x64xf32, #tpu.memory_space<vmem_shared>> -> memref<112x64xf32, #tpu.memory_space<vmem_shared>>
      tpu.enqueue_dma source(%arg15 : memref<112x64xf32, #tpu.memory_space<vmem>>) target(%dma_start3A_105 : memref<112x64xf32, #tpu.memory_space<vmem_shared>>) target_semaphore(%run_scoped3A_102 : memref<!tpu.dma_semaphore, #tpu.memory_space<semaphore_mem>>)
      %dma_wait3A = arith.constant 0 : i32
      %dma_wait3A_106 = tpu.memref_slice %arg16[%add3A_54, %dma_wait3A] : memref<12544x64xf32, #tpu.memory_space<vmem_shared>> -> memref<112x64xf32, #tpu.memory_space<vmem_shared>>
      %dma_wait3A_107 = arith.constant 0 : i32
      %dma_wait3A_108 = tpu.memref_slice %arg16[%add3A_54, %dma_wait3A_107] : memref<12544x64xf32, #tpu.memory_space<vmem_shared>> -> memref<112x64xf32, #tpu.memory_space<vmem_shared>>
      tpu.wait_dma2 semaphore(%run_scoped3A_102 : memref<!tpu.dma_semaphore, #tpu.memory_space<semaphore_mem>>) src(%arg15 : memref<112x64xf32, #tpu.memory_space<vmem>>) dst(%dma_wait3A_108 : memref<112x64xf32, #tpu.memory_space<vmem_shared>>)
      tpu.yield
    }) : () -> ()
    %mul3A_55 = arith.constant 784 : i32
    %mul3A_56 = arith.muli %arg1, %mul3A_55 : i32
    %add3A_57 = arith.constant 112 : i32
    %add3A_58 = arith.addi %mul3A_56, %add3A_57 : i32
    "tpu.region"() ({
      %run_scoped3A_102 = tpu.sem_alloc : memref<!tpu.dma_semaphore, #tpu.memory_space<semaphore_mem>>
      %dma_start3A = arith.constant 0 : i32
      %dma_start3A_103 = tpu.memref_slice %arg16[%add3A_58, %dma_start3A] : memref<12544x64xf32, #tpu.memory_space<vmem_shared>> -> memref<112x64xf32, #tpu.memory_space<vmem_shared>>
      %dma_start3A_104 = arith.constant 0 : i32
      %dma_start3A_105 = tpu.memref_slice %arg16[%add3A_58, %dma_start3A_104] : memref<12544x64xf32, #tpu.memory_space<vmem_shared>> -> memref<112x64xf32, #tpu.memory_space<vmem_shared>>
      tpu.enqueue_dma source(%arg15 : memref<112x64xf32, #tpu.memory_space<vmem>>) target(%dma_start3A_105 : memref<112x64xf32, #tpu.memory_space<vmem_shared>>) target_semaphore(%run_scoped3A_102 : memref<!tpu.dma_semaphore, #tpu.memory_space<semaphore_mem>>)
      %dma_wait3A = arith.constant 0 : i32
      %dma_wait3A_106 = tpu.memref_slice %arg16[%add3A_58, %dma_wait3A] : memref<12544x64xf32, #tpu.memory_space<vmem_shared>> -> memref<112x64xf32, #tpu.memory_space<vmem_shared>>
      %dma_wait3A_107 = arith.constant 0 : i32
      %dma_wait3A_108 = tpu.memref_slice %arg16[%add3A_58, %dma_wait3A_107] : memref<12544x64xf32, #tpu.memory_space<vmem_shared>> -> memref<112x64xf32, #tpu.memory_space<vmem_shared>>
      tpu.wait_dma2 semaphore(%run_scoped3A_102 : memref<!tpu.dma_semaphore, #tpu.memory_space<semaphore_mem>>) src(%arg15 : memref<112x64xf32, #tpu.memory_space<vmem>>) dst(%dma_wait3A_108 : memref<112x64xf32, #tpu.memory_space<vmem_shared>>)
      tpu.yield
    }) : () -> ()
    %mul3A_59 = arith.constant 784 : i32
    %mul3A_60 = arith.muli %arg1, %mul3A_59 : i32
    %add3A_61 = arith.constant 224 : i32
    %add3A_62 = arith.addi %mul3A_60, %add3A_61 : i32
    "tpu.region"() ({
      %run_scoped3A_102 = tpu.sem_alloc : memref<!tpu.dma_semaphore, #tpu.memory_space<semaphore_mem>>
      %dma_start3A = arith.constant 0 : i32
      %dma_start3A_103 = tpu.memref_slice %arg16[%add3A_62, %dma_start3A] : memref<12544x64xf32, #tpu.memory_space<vmem_shared>> -> memref<112x64xf32, #tpu.memory_space<vmem_shared>>
      %dma_start3A_104 = arith.constant 0 : i32
      %dma_start3A_105 = tpu.memref_slice %arg16[%add3A_62, %dma_start3A_104] : memref<12544x64xf32, #tpu.memory_space<vmem_shared>> -> memref<112x64xf32, #tpu.memory_space<vmem_shared>>
      tpu.enqueue_dma source(%arg15 : memref<112x64xf32, #tpu.memory_space<vmem>>) target(%dma_start3A_105 : memref<112x64xf32, #tpu.memory_space<vmem_shared>>) target_semaphore(%run_scoped3A_102 : memref<!tpu.dma_semaphore, #tpu.memory_space<semaphore_mem>>)
      %dma_wait3A = arith.constant 0 : i32
      %dma_wait3A_106 = tpu.memref_slice %arg16[%add3A_62, %dma_wait3A] : memref<12544x64xf32, #tpu.memory_space<vmem_shared>> -> memref<112x64xf32, #tpu.memory_space<vmem_shared>>
      %dma_wait3A_107 = arith.constant 0 : i32
      %dma_wait3A_108 = tpu.memref_slice %arg16[%add3A_62, %dma_wait3A_107] : memref<12544x64xf32, #tpu.memory_space<vmem_shared>> -> memref<112x64xf32, #tpu.memory_space<vmem_shared>>
      tpu.wait_dma2 semaphore(%run_scoped3A_102 : memref<!tpu.dma_semaphore, #tpu.memory_space<semaphore_mem>>) src(%arg15 : memref<112x64xf32, #tpu.memory_space<vmem>>) dst(%dma_wait3A_108 : memref<112x64xf32, #tpu.memory_space<vmem_shared>>)
      tpu.yield
    }) : () -> ()
    %mul3A_63 = arith.constant 784 : i32
    %mul3A_64 = arith.muli %arg1, %mul3A_63 : i32
    %add3A_65 = arith.constant 336 : i32
    %add3A_66 = arith.addi %mul3A_64, %add3A_65 : i32
    "tpu.region"() ({
      %run_scoped3A_102 = tpu.sem_alloc : memref<!tpu.dma_semaphore, #tpu.memory_space<semaphore_mem>>
      %dma_start3A = arith.constant 0 : i32
      %dma_start3A_103 = tpu.memref_slice %arg16[%add3A_66, %dma_start3A] : memref<12544x64xf32, #tpu.memory_space<vmem_shared>> -> memref<112x64xf32, #tpu.memory_space<vmem_shared>>
      %dma_start3A_104 = arith.constant 0 : i32
      %dma_start3A_105 = tpu.memref_slice %arg16[%add3A_66, %dma_start3A_104] : memref<12544x64xf32, #tpu.memory_space<vmem_shared>> -> memref<112x64xf32, #tpu.memory_space<vmem_shared>>
      tpu.enqueue_dma source(%arg15 : memref<112x64xf32, #tpu.memory_space<vmem>>) target(%dma_start3A_105 : memref<112x64xf32, #tpu.memory_space<vmem_shared>>) target_semaphore(%run_scoped3A_102 : memref<!tpu.dma_semaphore, #tpu.memory_space<semaphore_mem>>)
      %dma_wait3A = arith.constant 0 : i32
      %dma_wait3A_106 = tpu.memref_slice %arg16[%add3A_66, %dma_wait3A] : memref<12544x64xf32, #tpu.memory_space<vmem_shared>> -> memref<112x64xf32, #tpu.memory_space<vmem_shared>>
      %dma_wait3A_107 = arith.constant 0 : i32
      %dma_wait3A_108 = tpu.memref_slice %arg16[%add3A_66, %dma_wait3A_107] : memref<12544x64xf32, #tpu.memory_space<vmem_shared>> -> memref<112x64xf32, #tpu.memory_space<vmem_shared>>
      tpu.wait_dma2 semaphore(%run_scoped3A_102 : memref<!tpu.dma_semaphore, #tpu.memory_space<semaphore_mem>>) src(%arg15 : memref<112x64xf32, #tpu.memory_space<vmem>>) dst(%dma_wait3A_108 : memref<112x64xf32, #tpu.memory_space<vmem_shared>>)
      tpu.yield
    }) : () -> ()
    %mul3A_67 = arith.constant 784 : i32
    %mul3A_68 = arith.muli %arg1, %mul3A_67 : i32
    %add3A_69 = arith.constant 448 : i32
    %add3A_70 = arith.addi %mul3A_68, %add3A_69 : i32
    "tpu.region"() ({
      %run_scoped3A_102 = tpu.sem_alloc : memref<!tpu.dma_semaphore, #tpu.memory_space<semaphore_mem>>
      %dma_start3A = arith.constant 0 : i32
      %dma_start3A_103 = tpu.memref_slice %arg16[%add3A_70, %dma_start3A] : memref<12544x64xf32, #tpu.memory_space<vmem_shared>> -> memref<112x64xf32, #tpu.memory_space<vmem_shared>>
      %dma_start3A_104 = arith.constant 0 : i32
      %dma_start3A_105 = tpu.memref_slice %arg16[%add3A_70, %dma_start3A_104] : memref<12544x64xf32, #tpu.memory_space<vmem_shared>> -> memref<112x64xf32, #tpu.memory_space<vmem_shared>>
      tpu.enqueue_dma source(%arg15 : memref<112x64xf32, #tpu.memory_space<vmem>>) target(%dma_start3A_105 : memref<112x64xf32, #tpu.memory_space<vmem_shared>>) target_semaphore(%run_scoped3A_102 : memref<!tpu.dma_semaphore, #tpu.memory_space<semaphore_mem>>)
      %dma_wait3A = arith.constant 0 : i32
      %dma_wait3A_106 = tpu.memref_slice %arg16[%add3A_70, %dma_wait3A] : memref<12544x64xf32, #tpu.memory_space<vmem_shared>> -> memref<112x64xf32, #tpu.memory_space<vmem_shared>>
      %dma_wait3A_107 = arith.constant 0 : i32
      %dma_wait3A_108 = tpu.memref_slice %arg16[%add3A_70, %dma_wait3A_107] : memref<12544x64xf32, #tpu.memory_space<vmem_shared>> -> memref<112x64xf32, #tpu.memory_space<vmem_shared>>
      tpu.wait_dma2 semaphore(%run_scoped3A_102 : memref<!tpu.dma_semaphore, #tpu.memory_space<semaphore_mem>>) src(%arg15 : memref<112x64xf32, #tpu.memory_space<vmem>>) dst(%dma_wait3A_108 : memref<112x64xf32, #tpu.memory_space<vmem_shared>>)
      tpu.yield
    }) : () -> ()
    %mul3A_71 = arith.constant 784 : i32
    %mul3A_72 = arith.muli %arg1, %mul3A_71 : i32
    %add3A_73 = arith.constant 560 : i32
    %add3A_74 = arith.addi %mul3A_72, %add3A_73 : i32
    "tpu.region"() ({
      %run_scoped3A_102 = tpu.sem_alloc : memref<!tpu.dma_semaphore, #tpu.memory_space<semaphore_mem>>
      %dma_start3A = arith.constant 0 : i32
      %dma_start3A_103 = tpu.memref_slice %arg16[%add3A_74, %dma_start3A] : memref<12544x64xf32, #tpu.memory_space<vmem_shared>> -> memref<112x64xf32, #tpu.memory_space<vmem_shared>>
      %dma_start3A_104 = arith.constant 0 : i32
      %dma_start3A_105 = tpu.memref_slice %arg16[%add3A_74, %dma_start3A_104] : memref<12544x64xf32, #tpu.memory_space<vmem_shared>> -> memref<112x64xf32, #tpu.memory_space<vmem_shared>>
      tpu.enqueue_dma source(%arg15 : memref<112x64xf32, #tpu.memory_space<vmem>>) target(%dma_start3A_105 : memref<112x64xf32, #tpu.memory_space<vmem_shared>>) target_semaphore(%run_scoped3A_102 : memref<!tpu.dma_semaphore, #tpu.memory_space<semaphore_mem>>)
      %dma_wait3A = arith.constant 0 : i32
      %dma_wait3A_106 = tpu.memref_slice %arg16[%add3A_74, %dma_wait3A] : memref<12544x64xf32, #tpu.memory_space<vmem_shared>> -> memref<112x64xf32, #tpu.memory_space<vmem_shared>>
      %dma_wait3A_107 = arith.constant 0 : i32
      %dma_wait3A_108 = tpu.memref_slice %arg16[%add3A_74, %dma_wait3A_107] : memref<12544x64xf32, #tpu.memory_space<vmem_shared>> -> memref<112x64xf32, #tpu.memory_space<vmem_shared>>
      tpu.wait_dma2 semaphore(%run_scoped3A_102 : memref<!tpu.dma_semaphore, #tpu.memory_space<semaphore_mem>>) src(%arg15 : memref<112x64xf32, #tpu.memory_space<vmem>>) dst(%dma_wait3A_108 : memref<112x64xf32, #tpu.memory_space<vmem_shared>>)
      tpu.yield
    }) : () -> ()
    %mul3A_75 = arith.constant 784 : i32
    %mul3A_76 = arith.muli %arg1, %mul3A_75 : i32
    %add3A_77 = arith.constant 672 : i32
    %add3A_78 = arith.addi %mul3A_76, %add3A_77 : i32
    "tpu.region"() ({
      %run_scoped3A_102 = tpu.sem_alloc : memref<!tpu.dma_semaphore, #tpu.memory_space<semaphore_mem>>
      %dma_start3A = arith.constant 0 : i32
      %dma_start3A_103 = tpu.memref_slice %arg16[%add3A_78, %dma_start3A] : memref<12544x64xf32, #tpu.memory_space<vmem_shared>> -> memref<112x64xf32, #tpu.memory_space<vmem_shared>>
      %dma_start3A_104 = arith.constant 0 : i32
      %dma_start3A_105 = tpu.memref_slice %arg16[%add3A_78, %dma_start3A_104] : memref<12544x64xf32, #tpu.memory_space<vmem_shared>> -> memref<112x64xf32, #tpu.memory_space<vmem_shared>>
      tpu.enqueue_dma source(%arg15 : memref<112x64xf32, #tpu.memory_space<vmem>>) target(%dma_start3A_105 : memref<112x64xf32, #tpu.memory_space<vmem_shared>>) target_semaphore(%run_scoped3A_102 : memref<!tpu.dma_semaphore, #tpu.memory_space<semaphore_mem>>)
      %dma_wait3A = arith.constant 0 : i32
      %dma_wait3A_106 = tpu.memref_slice %arg16[%add3A_78, %dma_wait3A] : memref<12544x64xf32, #tpu.memory_space<vmem_shared>> -> memref<112x64xf32, #tpu.memory_space<vmem_shared>>
      %dma_wait3A_107 = arith.constant 0 : i32
      %dma_wait3A_108 = tpu.memref_slice %arg16[%add3A_78, %dma_wait3A_107] : memref<12544x64xf32, #tpu.memory_space<vmem_shared>> -> memref<112x64xf32, #tpu.memory_space<vmem_shared>>
      tpu.wait_dma2 semaphore(%run_scoped3A_102 : memref<!tpu.dma_semaphore, #tpu.memory_space<semaphore_mem>>) src(%arg15 : memref<112x64xf32, #tpu.memory_space<vmem>>) dst(%dma_wait3A_108 : memref<112x64xf32, #tpu.memory_space<vmem_shared>>)
      tpu.yield
    }) : () -> ()
    %barrier3A_79 = arith.constant 0 : index
    tpu.barrier barrier_id(%barrier3A_79)
    %mul3A_80 = arith.constant 400000 : i32
    %mul3A_81 = arith.muli %arg0, %mul3A_80 : i32
    %add3A_82 = arith.constant 200000 : i32
    %add3A_83 = arith.addi %mul3A_81, %add3A_82 : i32
    %scan3A_84 = arith.constant 0 : i32
    %scan3A_85 = arith.constant 0 : i32
    %scan3A_86 = arith.constant 98 : i32
    %scan3A_87 = arith.addi %scan3A_85, %scan3A_86 : i32
    %scan3A_88 = arith.constant 1 : i32
    %scan3A_89 = scf.for %scan3A_102 = %scan3A_85 to %scan3A_87 step %scan3A_88 iter_args(%scan3A_103 = %scan3A_84) -> (i32)  : i32 {
      %mul3A_104 = arith.constant 16 : i32
      %mul3A_105 = arith.muli %scan3A_102, %mul3A_104 : i32
      %add3A_106 = arith.addi %mul3A_105, %arg1 : i32
      %lt3A = arith.constant 1562 : i32
      %lt3A_107 = arith.cmpi slt, %add3A_106, %lt3A : i32
      %convert_element_type3A_108 = arith.extui %lt3A_107 : i1 to i32
      %cond3A_109 = arith.constant 0 : i32
      %cond3A_110 = arith.cmpi ne, %convert_element_type3A_108, %cond3A_109 : i32
      scf.if %cond3A_110 {
        %mul3A_112 = arith.constant 128 : i32
        %mul3A_113 = arith.muli %add3A_106, %mul3A_112 : i32
        %add3A_114 = arith.addi %add3A_83, %mul3A_113 : i32
        "tpu.region"() ({
          %run_scoped3A_133 = tpu.sem_alloc : memref<!tpu.dma_semaphore, #tpu.memory_space<semaphore_mem>>
          %dma_start3A_134 = tpu.memref_slice %arg2[%add3A_114] : memref<800000xi32, #tpu.memory_space<hbm>> -> memref<128xi32, #tpu.memory_space<hbm>>
          %dma_start3A_135 = tpu.memref_slice %arg2[%add3A_114] : memref<800000xi32, #tpu.memory_space<hbm>> -> memref<128xi32, #tpu.memory_space<hbm>>
          tpu.enqueue_dma source(%dma_start3A_135 : memref<128xi32, #tpu.memory_space<hbm>>) target(%arg7 : memref<128xi32, #tpu.memory_space<vmem>>) target_semaphore(%run_scoped3A_133 : memref<!tpu.dma_semaphore, #tpu.memory_space<semaphore_mem>>)
          %dma_wait3A_136 = tpu.memref_slice %arg2[%add3A_114] : memref<800000xi32, #tpu.memory_space<hbm>> -> memref<128xi32, #tpu.memory_space<hbm>>
          %dma_wait3A_137 = tpu.memref_slice %arg2[%add3A_114] : memref<800000xi32, #tpu.memory_space<hbm>> -> memref<128xi32, #tpu.memory_space<hbm>>
          tpu.wait_dma2 semaphore(%run_scoped3A_133 : memref<!tpu.dma_semaphore, #tpu.memory_space<semaphore_mem>>) src(%dma_wait3A_137 : memref<128xi32, #tpu.memory_space<hbm>>) dst(%arg7 : memref<128xi32, #tpu.memory_space<vmem>>)
          tpu.yield
        }) : () -> ()
        "tpu.region"() ({
          %run_scoped3A_133 = tpu.sem_alloc : memref<!tpu.dma_semaphore, #tpu.memory_space<semaphore_mem>>
          %dma_start3A_134 = tpu.memref_slice %arg3[%add3A_114] : memref<800000xi32, #tpu.memory_space<hbm>> -> memref<128xi32, #tpu.memory_space<hbm>>
          %dma_start3A_135 = tpu.memref_slice %arg3[%add3A_114] : memref<800000xi32, #tpu.memory_space<hbm>> -> memref<128xi32, #tpu.memory_space<hbm>>
          tpu.enqueue_dma source(%dma_start3A_135 : memref<128xi32, #tpu.memory_space<hbm>>) target(%arg8 : memref<128xi32, #tpu.memory_space<vmem>>) target_semaphore(%run_scoped3A_133 : memref<!tpu.dma_semaphore, #tpu.memory_space<semaphore_mem>>)
          %dma_wait3A_136 = tpu.memref_slice %arg3[%add3A_114] : memref<800000xi32, #tpu.memory_space<hbm>> -> memref<128xi32, #tpu.memory_space<hbm>>
          %dma_wait3A_137 = tpu.memref_slice %arg3[%add3A_114] : memref<800000xi32, #tpu.memory_space<hbm>> -> memref<128xi32, #tpu.memory_space<hbm>>
          tpu.wait_dma2 semaphore(%run_scoped3A_133 : memref<!tpu.dma_semaphore, #tpu.memory_space<semaphore_mem>>) src(%dma_wait3A_137 : memref<128xi32, #tpu.memory_space<hbm>>) dst(%arg8 : memref<128xi32, #tpu.memory_space<vmem>>)
          tpu.yield
        }) : () -> ()
        %dma_start3A = arith.constant 0 : i32
        %dma_start3A_115 = arith.constant 0 : i32
        %dma_start3A_116 = tpu.memref_slice %arg4[%dma_start3A, %dma_start3A_115] : memref<50000x64xf32, #tpu.memory_space<hbm>> -> memref<50000x64xf32, #tpu.memory_space<hbm>>
        tpu.enqueue_indirect_dma source(%dma_start3A_116 : memref<50000x64xf32, #tpu.memory_space<hbm>>) target(%arg9 : memref<128x64xf32, #tpu.memory_space<vmem>>) offsets(%arg7 : memref<128xi32, #tpu.memory_space<vmem>>) semaphore(%arg17 : memref<!tpu.dma_semaphore, #tpu.memory_space<semaphore_mem>>)
        %dma_wait3A = arith.constant 0 : i32
        %dma_wait3A_117 = arith.constant 0 : i32
        %dma_wait3A_118 = tpu.memref_slice %arg4[%dma_wait3A, %dma_wait3A_117] : memref<50000x64xf32, #tpu.memory_space<hbm>> -> memref<50000x64xf32, #tpu.memory_space<hbm>>
        tpu.wait_indirect_dma semaphore(%arg17 : memref<!tpu.dma_semaphore, #tpu.memory_space<semaphore_mem>>) src(%dma_wait3A_118 : memref<50000x64xf32, #tpu.memory_space<hbm>>) dst(%arg9 : memref<128x64xf32, #tpu.memory_space<vmem>>)
        %mul3A_119 = arith.constant 128 : i32
        %mul3A_120 = arith.muli %add3A_106, %mul3A_119 : i32
        %add3A_121 = arith.constant 200000 : i32
        %add3A_122 = arith.addi %add3A_121, %mul3A_120 : i32
        "tpu.region"() ({
          %run_scoped3A_133 = tpu.sem_alloc : memref<!tpu.dma_semaphore, #tpu.memory_space<semaphore_mem>>
          %dma_start3A_134 = arith.constant 0 : i32
          %dma_start3A_135 = tpu.memref_slice %arg5[%add3A_122, %dma_start3A_134] : memref<400000x128xf32, #tpu.memory_space<hbm>> -> memref<128x128xf32, #tpu.memory_space<hbm>>
          %dma_start3A_136 = arith.constant 0 : i32
          %dma_start3A_137 = tpu.memref_slice %arg5[%add3A_122, %dma_start3A_136] : memref<400000x128xf32, #tpu.memory_space<hbm>> -> memref<128x128xf32, #tpu.memory_space<hbm>>
          tpu.enqueue_dma source(%dma_start3A_137 : memref<128x128xf32, #tpu.memory_space<hbm>>) target(%arg10 : memref<128x128xf32, #tpu.memory_space<vmem>>) target_semaphore(%run_scoped3A_133 : memref<!tpu.dma_semaphore, #tpu.memory_space<semaphore_mem>>)
          %dma_wait3A_138 = arith.constant 0 : i32
          %dma_wait3A_139 = tpu.memref_slice %arg5[%add3A_122, %dma_wait3A_138] : memref<400000x128xf32, #tpu.memory_space<hbm>> -> memref<128x128xf32, #tpu.memory_space<hbm>>
          %dma_wait3A_140 = arith.constant 0 : i32
          %dma_wait3A_141 = tpu.memref_slice %arg5[%add3A_122, %dma_wait3A_140] : memref<400000x128xf32, #tpu.memory_space<hbm>> -> memref<128x128xf32, #tpu.memory_space<hbm>>
          tpu.wait_dma2 semaphore(%run_scoped3A_133 : memref<!tpu.dma_semaphore, #tpu.memory_space<semaphore_mem>>) src(%dma_wait3A_141 : memref<128x128xf32, #tpu.memory_space<hbm>>) dst(%arg10 : memref<128x128xf32, #tpu.memory_space<vmem>>)
          tpu.yield
        }) : () -> ()
        %eq3A_123 = arith.constant 0 : i32
        %eq3A_124 = arith.cmpi eq, %arg0, %eq3A_123 : i32
        %convert_element_type3A_125 = arith.extui %eq3A_124 : i1 to i32
        %cond3A_126 = arith.constant 0 : i32
        %cond3A_127 = arith.cmpi ne, %convert_element_type3A_125, %cond3A_126 : i32
        scf.if %cond3A_127 {
          %scan3A_133 = arith.constant 0 : i32
          %scan3A_134 = arith.constant 0 : i32
          %scan3A_135 = arith.constant 128 : i32
          %scan3A_136 = arith.addi %scan3A_134, %scan3A_135 : i32
          %scan3A_137 = arith.constant 1 : i32
          %scan3A_138 = scf.for %scan3A_140 = %scan3A_134 to %scan3A_136 step %scan3A_137 iter_args(%scan3A_141 = %scan3A_133) -> (i32)  : i32 {
            %get3A = arith.index_cast %scan3A_140 : i32 to index
            %get3A_142 = arith.constant 0 : index
            %get3A_143 = tpu.vector_load %arg9[%get3A, %get3A_142] {strides = array<i32>} : memref<128x64xf32, #tpu.memory_space<vmem>>, vector<1x16xf32>,
            %get3A_144 = vector.shape_cast %get3A_143 : vector<1x16xf32> to vector<16xf32>
            %get3A_145 = arith.index_cast %scan3A_140 : i32 to index
            %get3A_146 = arith.constant 0 : index
            %get3A_147 = tpu.vector_load %arg10[%get3A_145, %get3A_146] {strides = array<i32>} : memref<128x128xf32, #tpu.memory_space<vmem>>, vector<1x16xf32>,
            %get3A_148 = vector.shape_cast %get3A_147 : vector<1x16xf32> to vector<16xf32>
            %mul3A_149 = arith.mulf %get3A_144, %get3A_148 : vector<16xf32>
            %swap3A = arith.index_cast %scan3A_140 : i32 to index
            %swap3A_150 = arith.constant 0 : index
            %swap3A_151 = tpu.vector_load %arg9[%swap3A, %swap3A_150] {strides = array<i32>} : memref<128x64xf32, #tpu.memory_space<vmem>>, vector<1x16xf32>,
            %swap3A_152 = vector.shape_cast %swap3A_151 : vector<1x16xf32> to vector<16xf32>
            %swap3A_153 = vector.shape_cast %mul3A_149 : vector<16xf32> to vector<1x16xf32>
            tpu.vector_store %arg9[%swap3A, %swap3A_150], %swap3A_153 {strides = array<i32>} : memref<128x64xf32, #tpu.memory_space<vmem>>, vector<1x16xf32>,
            %get3A_154 = arith.index_cast %scan3A_140 : i32 to index
            %get3A_155 = arith.constant 16 : index
            %get3A_156 = tpu.vector_load %arg9[%get3A_154, %get3A_155] {strides = array<i32>} : memref<128x64xf32, #tpu.memory_space<vmem>>, vector<1x16xf32>,
            %get3A_157 = vector.shape_cast %get3A_156 : vector<1x16xf32> to vector<16xf32>
            %get3A_158 = arith.index_cast %scan3A_140 : i32 to index
            %get3A_159 = arith.constant 16 : index
            %get3A_160 = tpu.vector_load %arg10[%get3A_158, %get3A_159] {strides = array<i32>} : memref<128x128xf32, #tpu.memory_space<vmem>>, vector<1x16xf32>,
            %get3A_161 = vector.shape_cast %get3A_160 : vector<1x16xf32> to vector<16xf32>
            %mul3A_162 = arith.mulf %get3A_157, %get3A_161 : vector<16xf32>
            %swap3A_163 = arith.index_cast %scan3A_140 : i32 to index
            %swap3A_164 = arith.constant 16 : index
            %swap3A_165 = tpu.vector_load %arg9[%swap3A_163, %swap3A_164] {strides = array<i32>} : memref<128x64xf32, #tpu.memory_space<vmem>>, vector<1x16xf32>,
            %swap3A_166 = vector.shape_cast %swap3A_165 : vector<1x16xf32> to vector<16xf32>
            %swap3A_167 = vector.shape_cast %mul3A_162 : vector<16xf32> to vector<1x16xf32>
            tpu.vector_store %arg9[%swap3A_163, %swap3A_164], %swap3A_167 {strides = array<i32>} : memref<128x64xf32, #tpu.memory_space<vmem>>, vector<1x16xf32>,
            %get3A_168 = arith.index_cast %scan3A_140 : i32 to index
            %get3A_169 = arith.constant 32 : index
            %get3A_170 = tpu.vector_load %arg9[%get3A_168, %get3A_169] {strides = array<i32>} : memref<128x64xf32, #tpu.memory_space<vmem>>, vector<1x16xf32>,
            %get3A_171 = vector.shape_cast %get3A_170 : vector<1x16xf32> to vector<16xf32>
            %get3A_172 = arith.index_cast %scan3A_140 : i32 to index
            %get3A_173 = arith.constant 32 : index
            %get3A_174 = tpu.vector_load %arg10[%get3A_172, %get3A_173] {strides = array<i32>} : memref<128x128xf32, #tpu.memory_space<vmem>>, vector<1x16xf32>,
            %get3A_175 = vector.shape_cast %get3A_174 : vector<1x16xf32> to vector<16xf32>
            %mul3A_176 = arith.mulf %get3A_171, %get3A_175 : vector<16xf32>
            %swap3A_177 = arith.index_cast %scan3A_140 : i32 to index
            %swap3A_178 = arith.constant 32 : index
            %swap3A_179 = tpu.vector_load %arg9[%swap3A_177, %swap3A_178] {strides = array<i32>} : memref<128x64xf32, #tpu.memory_space<vmem>>, vector<1x16xf32>,
            %swap3A_180 = vector.shape_cast %swap3A_179 : vector<1x16xf32> to vector<16xf32>
            %swap3A_181 = vector.shape_cast %mul3A_176 : vector<16xf32> to vector<1x16xf32>
            tpu.vector_store %arg9[%swap3A_177, %swap3A_178], %swap3A_181 {strides = array<i32>} : memref<128x64xf32, #tpu.memory_space<vmem>>, vector<1x16xf32>,
            %get3A_182 = arith.index_cast %scan3A_140 : i32 to index
            %get3A_183 = arith.constant 48 : index
            %get3A_184 = tpu.vector_load %arg9[%get3A_182, %get3A_183] {strides = array<i32>} : memref<128x64xf32, #tpu.memory_space<vmem>>, vector<1x16xf32>,
            %get3A_185 = vector.shape_cast %get3A_184 : vector<1x16xf32> to vector<16xf32>
            %get3A_186 = arith.index_cast %scan3A_140 : i32 to index
            %get3A_187 = arith.constant 48 : index
            %get3A_188 = tpu.vector_load %arg10[%get3A_186, %get3A_187] {strides = array<i32>} : memref<128x128xf32, #tpu.memory_space<vmem>>, vector<1x16xf32>,
            %get3A_189 = vector.shape_cast %get3A_188 : vector<1x16xf32> to vector<16xf32>
            %mul3A_190 = arith.mulf %get3A_185, %get3A_189 : vector<16xf32>
            %swap3A_191 = arith.index_cast %scan3A_140 : i32 to index
            %swap3A_192 = arith.constant 48 : index
            %swap3A_193 = tpu.vector_load %arg9[%swap3A_191, %swap3A_192] {strides = array<i32>} : memref<128x64xf32, #tpu.memory_space<vmem>>, vector<1x16xf32>,
            %swap3A_194 = vector.shape_cast %swap3A_193 : vector<1x16xf32> to vector<16xf32>
            %swap3A_195 = vector.shape_cast %mul3A_190 : vector<16xf32> to vector<1x16xf32>
            tpu.vector_store %arg9[%swap3A_191, %swap3A_192], %swap3A_195 {strides = array<i32>} : memref<128x64xf32, #tpu.memory_space<vmem>>, vector<1x16xf32>,
            %scan3A_196 = arith.constant 0 : i32
            scf.yield %scan3A_196 : i32
          }
          %scan3A_139 = arith.constant 128 : i32
        } else {
        }
        %eq3A_128 = arith.constant 1 : i32
        %eq3A_129 = arith.cmpi eq, %arg0, %eq3A_128 : i32
        %convert_element_type3A_130 = arith.extui %eq3A_129 : i1 to i32
        %cond3A_131 = arith.constant 0 : i32
        %cond3A_132 = arith.cmpi ne, %convert_element_type3A_130, %cond3A_131 : i32
        scf.if %cond3A_132 {
          %scan3A_133 = arith.constant 0 : i32
          %scan3A_134 = arith.constant 0 : i32
          %scan3A_135 = arith.constant 128 : i32
          %scan3A_136 = arith.addi %scan3A_134, %scan3A_135 : i32
          %scan3A_137 = arith.constant 1 : i32
          %scan3A_138 = scf.for %scan3A_140 = %scan3A_134 to %scan3A_136 step %scan3A_137 iter_args(%scan3A_141 = %scan3A_133) -> (i32)  : i32 {
            %get3A = arith.index_cast %scan3A_140 : i32 to index
            %get3A_142 = arith.constant 0 : index
            %get3A_143 = tpu.vector_load %arg9[%get3A, %get3A_142] {strides = array<i32>} : memref<128x64xf32, #tpu.memory_space<vmem>>, vector<1x16xf32>,
            %get3A_144 = vector.shape_cast %get3A_143 : vector<1x16xf32> to vector<16xf32>
            %get3A_145 = arith.index_cast %scan3A_140 : i32 to index
            %get3A_146 = arith.constant 64 : index
            %get3A_147 = tpu.vector_load %arg10[%get3A_145, %get3A_146] {strides = array<i32>} : memref<128x128xf32, #tpu.memory_space<vmem>>, vector<1x16xf32>,
            %get3A_148 = vector.shape_cast %get3A_147 : vector<1x16xf32> to vector<16xf32>
            %mul3A_149 = arith.mulf %get3A_144, %get3A_148 : vector<16xf32>
            %swap3A = arith.index_cast %scan3A_140 : i32 to index
            %swap3A_150 = arith.constant 0 : index
            %swap3A_151 = tpu.vector_load %arg9[%swap3A, %swap3A_150] {strides = array<i32>} : memref<128x64xf32, #tpu.memory_space<vmem>>, vector<1x16xf32>,
            %swap3A_152 = vector.shape_cast %swap3A_151 : vector<1x16xf32> to vector<16xf32>
            %swap3A_153 = vector.shape_cast %mul3A_149 : vector<16xf32> to vector<1x16xf32>
            tpu.vector_store %arg9[%swap3A, %swap3A_150], %swap3A_153 {strides = array<i32>} : memref<128x64xf32, #tpu.memory_space<vmem>>, vector<1x16xf32>,
            %get3A_154 = arith.index_cast %scan3A_140 : i32 to index
            %get3A_155 = arith.constant 16 : index
            %get3A_156 = tpu.vector_load %arg9[%get3A_154, %get3A_155] {strides = array<i32>} : memref<128x64xf32, #tpu.memory_space<vmem>>, vector<1x16xf32>,
            %get3A_157 = vector.shape_cast %get3A_156 : vector<1x16xf32> to vector<16xf32>
            %get3A_158 = arith.index_cast %scan3A_140 : i32 to index
            %get3A_159 = arith.constant 80 : index
            %get3A_160 = tpu.vector_load %arg10[%get3A_158, %get3A_159] {strides = array<i32>} : memref<128x128xf32, #tpu.memory_space<vmem>>, vector<1x16xf32>,
            %get3A_161 = vector.shape_cast %get3A_160 : vector<1x16xf32> to vector<16xf32>
            %mul3A_162 = arith.mulf %get3A_157, %get3A_161 : vector<16xf32>
            %swap3A_163 = arith.index_cast %scan3A_140 : i32 to index
            %swap3A_164 = arith.constant 16 : index
            %swap3A_165 = tpu.vector_load %arg9[%swap3A_163, %swap3A_164] {strides = array<i32>} : memref<128x64xf32, #tpu.memory_space<vmem>>, vector<1x16xf32>,
            %swap3A_166 = vector.shape_cast %swap3A_165 : vector<1x16xf32> to vector<16xf32>
            %swap3A_167 = vector.shape_cast %mul3A_162 : vector<16xf32> to vector<1x16xf32>
            tpu.vector_store %arg9[%swap3A_163, %swap3A_164], %swap3A_167 {strides = array<i32>} : memref<128x64xf32, #tpu.memory_space<vmem>>, vector<1x16xf32>,
            %get3A_168 = arith.index_cast %scan3A_140 : i32 to index
            %get3A_169 = arith.constant 32 : index
            %get3A_170 = tpu.vector_load %arg9[%get3A_168, %get3A_169] {strides = array<i32>} : memref<128x64xf32, #tpu.memory_space<vmem>>, vector<1x16xf32>,
            %get3A_171 = vector.shape_cast %get3A_170 : vector<1x16xf32> to vector<16xf32>
            %get3A_172 = arith.index_cast %scan3A_140 : i32 to index
            %get3A_173 = arith.constant 96 : index
            %get3A_174 = tpu.vector_load %arg10[%get3A_172, %get3A_173] {strides = array<i32>} : memref<128x128xf32, #tpu.memory_space<vmem>>, vector<1x16xf32>,
            %get3A_175 = vector.shape_cast %get3A_174 : vector<1x16xf32> to vector<16xf32>
            %mul3A_176 = arith.mulf %get3A_171, %get3A_175 : vector<16xf32>
            %swap3A_177 = arith.index_cast %scan3A_140 : i32 to index
            %swap3A_178 = arith.constant 32 : index
            %swap3A_179 = tpu.vector_load %arg9[%swap3A_177, %swap3A_178] {strides = array<i32>} : memref<128x64xf32, #tpu.memory_space<vmem>>, vector<1x16xf32>,
            %swap3A_180 = vector.shape_cast %swap3A_179 : vector<1x16xf32> to vector<16xf32>
            %swap3A_181 = vector.shape_cast %mul3A_176 : vector<16xf32> to vector<1x16xf32>
            tpu.vector_store %arg9[%swap3A_177, %swap3A_178], %swap3A_181 {strides = array<i32>} : memref<128x64xf32, #tpu.memory_space<vmem>>, vector<1x16xf32>,
            %get3A_182 = arith.index_cast %scan3A_140 : i32 to index
            %get3A_183 = arith.constant 48 : index
            %get3A_184 = tpu.vector_load %arg9[%get3A_182, %get3A_183] {strides = array<i32>} : memref<128x64xf32, #tpu.memory_space<vmem>>, vector<1x16xf32>,
            %get3A_185 = vector.shape_cast %get3A_184 : vector<1x16xf32> to vector<16xf32>
            %get3A_186 = arith.index_cast %scan3A_140 : i32 to index
            %get3A_187 = arith.constant 112 : index
            %get3A_188 = tpu.vector_load %arg10[%get3A_186, %get3A_187] {strides = array<i32>} : memref<128x128xf32, #tpu.memory_space<vmem>>, vector<1x16xf32>,
            %get3A_189 = vector.shape_cast %get3A_188 : vector<1x16xf32> to vector<16xf32>
            %mul3A_190 = arith.mulf %get3A_185, %get3A_189 : vector<16xf32>
            %swap3A_191 = arith.index_cast %scan3A_140 : i32 to index
            %swap3A_192 = arith.constant 48 : index
            %swap3A_193 = tpu.vector_load %arg9[%swap3A_191, %swap3A_192] {strides = array<i32>} : memref<128x64xf32, #tpu.memory_space<vmem>>, vector<1x16xf32>,
            %swap3A_194 = vector.shape_cast %swap3A_193 : vector<1x16xf32> to vector<16xf32>
            %swap3A_195 = vector.shape_cast %mul3A_190 : vector<16xf32> to vector<1x16xf32>
            tpu.vector_store %arg9[%swap3A_191, %swap3A_192], %swap3A_195 {strides = array<i32>} : memref<128x64xf32, #tpu.memory_space<vmem>>, vector<1x16xf32>,
            %scan3A_196 = arith.constant 0 : i32
            scf.yield %scan3A_196 : i32
          }
          %scan3A_139 = arith.constant 128 : i32
        } else {
        }
        "tpu.region"() ({
          %run_scoped3A_133 = tpu.sem_alloc : memref<!tpu.dma_semaphore, #tpu.memory_space<semaphore_mem>>
          %dma_start3A_134 = arith.constant 0 : i32
          %dma_start3A_135 = arith.constant 0 : i32
          %dma_start3A_136 = tpu.memref_slice %arg16[%dma_start3A_134, %dma_start3A_135] : memref<12544x64xf32, #tpu.memory_space<vmem_shared>> -> memref<12544x64xf32, #tpu.memory_space<vmem_shared>>
          tpu.enqueue_indirect_dma source(%arg9 : memref<128x64xf32, #tpu.memory_space<vmem>>) target(%dma_start3A_136 : memref<12544x64xf32, #tpu.memory_space<vmem_shared>>) offsets(%arg8 : memref<128xi32, #tpu.memory_space<vmem>>) semaphore(%run_scoped3A_133 : memref<!tpu.dma_semaphore, #tpu.memory_space<semaphore_mem>>) {add = true}
          %dma_wait3A_137 = arith.constant 0 : i32
          %dma_wait3A_138 = arith.constant 0 : i32
          %dma_wait3A_139 = tpu.memref_slice %arg16[%dma_wait3A_137, %dma_wait3A_138] : memref<12544x64xf32, #tpu.memory_space<vmem_shared>> -> memref<12544x64xf32, #tpu.memory_space<vmem_shared>>
          tpu.wait_indirect_dma semaphore(%run_scoped3A_133 : memref<!tpu.dma_semaphore, #tpu.memory_space<semaphore_mem>>) src(%arg9 : memref<128x64xf32, #tpu.memory_space<vmem>>) dst(%dma_wait3A_139 : memref<12544x64xf32, #tpu.memory_space<vmem_shared>>)
          tpu.yield
        }) : () -> ()
      } else {
      }
      %scan3A_111 = arith.constant 0 : i32
      scf.yield %scan3A_111 : i32
    }
    %scan3A_90 = arith.constant 98 : i32
    %eq3A_91 = arith.constant 15 : i32
    %eq3A_92 = arith.cmpi eq, %arg1, %eq3A_91 : i32
    %convert_element_type3A_93 = arith.extui %eq3A_92 : i1 to i32
    %cond3A_94 = arith.constant 0 : i32
    %cond3A_95 = arith.cmpi ne, %convert_element_type3A_93, %cond3A_94 : i32
    scf.if %cond3A_95 {
      %add3A_102 = arith.constant 199936 : i32
      %add3A_103 = arith.addi %add3A_83, %add3A_102 : i32
      "tpu.region"() ({
        %run_scoped3A_118 = tpu.sem_alloc : memref<!tpu.dma_semaphore, #tpu.memory_space<semaphore_mem>>
        %dma_start3A_119 = tpu.memref_slice %arg2[%add3A_103] : memref<800000xi32, #tpu.memory_space<hbm>> -> memref<64xi32, #tpu.memory_space<hbm>>
        %dma_start3A_120 = tpu.memref_slice %arg2[%add3A_103] : memref<800000xi32, #tpu.memory_space<hbm>> -> memref<64xi32, #tpu.memory_space<hbm>>
        tpu.enqueue_dma source(%dma_start3A_120 : memref<64xi32, #tpu.memory_space<hbm>>) target(%arg11 : memref<64xi32, #tpu.memory_space<vmem>>) target_semaphore(%run_scoped3A_118 : memref<!tpu.dma_semaphore, #tpu.memory_space<semaphore_mem>>)
        %dma_wait3A_121 = tpu.memref_slice %arg2[%add3A_103] : memref<800000xi32, #tpu.memory_space<hbm>> -> memref<64xi32, #tpu.memory_space<hbm>>
        %dma_wait3A_122 = tpu.memref_slice %arg2[%add3A_103] : memref<800000xi32, #tpu.memory_space<hbm>> -> memref<64xi32, #tpu.memory_space<hbm>>
        tpu.wait_dma2 semaphore(%run_scoped3A_118 : memref<!tpu.dma_semaphore, #tpu.memory_space<semaphore_mem>>) src(%dma_wait3A_122 : memref<64xi32, #tpu.memory_space<hbm>>) dst(%arg11 : memref<64xi32, #tpu.memory_space<vmem>>)
        tpu.yield
      }) : () -> ()
      "tpu.region"() ({
        %run_scoped3A_118 = tpu.sem_alloc : memref<!tpu.dma_semaphore, #tpu.memory_space<semaphore_mem>>
        %dma_start3A_119 = tpu.memref_slice %arg3[%add3A_103] : memref<800000xi32, #tpu.memory_space<hbm>> -> memref<64xi32, #tpu.memory_space<hbm>>
        %dma_start3A_120 = tpu.memref_slice %arg3[%add3A_103] : memref<800000xi32, #tpu.memory_space<hbm>> -> memref<64xi32, #tpu.memory_space<hbm>>
        tpu.enqueue_dma source(%dma_start3A_120 : memref<64xi32, #tpu.memory_space<hbm>>) target(%arg12 : memref<64xi32, #tpu.memory_space<vmem>>) target_semaphore(%run_scoped3A_118 : memref<!tpu.dma_semaphore, #tpu.memory_space<semaphore_mem>>)
        %dma_wait3A_121 = tpu.memref_slice %arg3[%add3A_103] : memref<800000xi32, #tpu.memory_space<hbm>> -> memref<64xi32, #tpu.memory_space<hbm>>
        %dma_wait3A_122 = tpu.memref_slice %arg3[%add3A_103] : memref<800000xi32, #tpu.memory_space<hbm>> -> memref<64xi32, #tpu.memory_space<hbm>>
        tpu.wait_dma2 semaphore(%run_scoped3A_118 : memref<!tpu.dma_semaphore, #tpu.memory_space<semaphore_mem>>) src(%dma_wait3A_122 : memref<64xi32, #tpu.memory_space<hbm>>) dst(%arg12 : memref<64xi32, #tpu.memory_space<vmem>>)
        tpu.yield
      }) : () -> ()
      %dma_start3A = arith.constant 0 : i32
      %dma_start3A_104 = arith.constant 0 : i32
      %dma_start3A_105 = tpu.memref_slice %arg4[%dma_start3A, %dma_start3A_104] : memref<50000x64xf32, #tpu.memory_space<hbm>> -> memref<50000x64xf32, #tpu.memory_space<hbm>>
      tpu.enqueue_indirect_dma source(%dma_start3A_105 : memref<50000x64xf32, #tpu.memory_space<hbm>>) target(%arg13 : memref<64x64xf32, #tpu.memory_space<vmem>>) offsets(%arg11 : memref<64xi32, #tpu.memory_space<vmem>>) semaphore(%arg17 : memref<!tpu.dma_semaphore, #tpu.memory_space<semaphore_mem>>)
      %dma_wait3A = arith.constant 0 : i32
      %dma_wait3A_106 = arith.constant 0 : i32
      %dma_wait3A_107 = tpu.memref_slice %arg4[%dma_wait3A, %dma_wait3A_106] : memref<50000x64xf32, #tpu.memory_space<hbm>> -> memref<50000x64xf32, #tpu.memory_space<hbm>>
      tpu.wait_indirect_dma semaphore(%arg17 : memref<!tpu.dma_semaphore, #tpu.memory_space<semaphore_mem>>) src(%dma_wait3A_107 : memref<50000x64xf32, #tpu.memory_space<hbm>>) dst(%arg13 : memref<64x64xf32, #tpu.memory_space<vmem>>)
      "tpu.region"() ({
        %run_scoped3A_118 = tpu.sem_alloc : memref<!tpu.dma_semaphore, #tpu.memory_space<semaphore_mem>>
        %dma_start3A_119 = arith.constant 399936 : i32
        %dma_start3A_120 = arith.constant 0 : i32
        %dma_start3A_121 = tpu.memref_slice %arg5[%dma_start3A_119, %dma_start3A_120] : memref<400000x128xf32, #tpu.memory_space<hbm>> -> memref<64x128xf32, #tpu.memory_space<hbm>>
        %dma_start3A_122 = arith.constant 399936 : i32
        %dma_start3A_123 = arith.constant 0 : i32
        %dma_start3A_124 = tpu.memref_slice %arg5[%dma_start3A_122, %dma_start3A_123] : memref<400000x128xf32, #tpu.memory_space<hbm>> -> memref<64x128xf32, #tpu.memory_space<hbm>>
        tpu.enqueue_dma source(%dma_start3A_124 : memref<64x128xf32, #tpu.memory_space<hbm>>) target(%arg14 : memref<64x128xf32, #tpu.memory_space<vmem>>) target_semaphore(%run_scoped3A_118 : memref<!tpu.dma_semaphore, #tpu.memory_space<semaphore_mem>>)
        %dma_wait3A_125 = arith.constant 399936 : i32
        %dma_wait3A_126 = arith.constant 0 : i32
        %dma_wait3A_127 = tpu.memref_slice %arg5[%dma_wait3A_125, %dma_wait3A_126] : memref<400000x128xf32, #tpu.memory_space<hbm>> -> memref<64x128xf32, #tpu.memory_space<hbm>>
        %dma_wait3A_128 = arith.constant 399936 : i32
        %dma_wait3A_129 = arith.constant 0 : i32
        %dma_wait3A_130 = tpu.memref_slice %arg5[%dma_wait3A_128, %dma_wait3A_129] : memref<400000x128xf32, #tpu.memory_space<hbm>> -> memref<64x128xf32, #tpu.memory_space<hbm>>
        tpu.wait_dma2 semaphore(%run_scoped3A_118 : memref<!tpu.dma_semaphore, #tpu.memory_space<semaphore_mem>>) src(%dma_wait3A_130 : memref<64x128xf32, #tpu.memory_space<hbm>>) dst(%arg14 : memref<64x128xf32, #tpu.memory_space<vmem>>)
        tpu.yield
      }) : () -> ()
      %eq3A_108 = arith.constant 0 : i32
      %eq3A_109 = arith.cmpi eq, %arg0, %eq3A_108 : i32
      %convert_element_type3A_110 = arith.extui %eq3A_109 : i1 to i32
      %cond3A_111 = arith.constant 0 : i32
      %cond3A_112 = arith.cmpi ne, %convert_element_type3A_110, %cond3A_111 : i32
      scf.if %cond3A_112 {
        %scan3A_118 = arith.constant 0 : i32
        %scan3A_119 = arith.constant 0 : i32
        %scan3A_120 = arith.constant 64 : i32
        %scan3A_121 = arith.addi %scan3A_119, %scan3A_120 : i32
        %scan3A_122 = arith.constant 1 : i32
        %scan3A_123 = scf.for %scan3A_125 = %scan3A_119 to %scan3A_121 step %scan3A_122 iter_args(%scan3A_126 = %scan3A_118) -> (i32)  : i32 {
          %get3A = arith.index_cast %scan3A_125 : i32 to index
          %get3A_127 = arith.constant 0 : index
          %get3A_128 = tpu.vector_load %arg13[%get3A, %get3A_127] {strides = array<i32>} : memref<64x64xf32, #tpu.memory_space<vmem>>, vector<1x16xf32>,
          %get3A_129 = vector.shape_cast %get3A_128 : vector<1x16xf32> to vector<16xf32>
          %get3A_130 = arith.index_cast %scan3A_125 : i32 to index
          %get3A_131 = arith.constant 0 : index
          %get3A_132 = tpu.vector_load %arg14[%get3A_130, %get3A_131] {strides = array<i32>} : memref<64x128xf32, #tpu.memory_space<vmem>>, vector<1x16xf32>,
          %get3A_133 = vector.shape_cast %get3A_132 : vector<1x16xf32> to vector<16xf32>
          %mul3A_134 = arith.mulf %get3A_129, %get3A_133 : vector<16xf32>
          %swap3A = arith.index_cast %scan3A_125 : i32 to index
          %swap3A_135 = arith.constant 0 : index
          %swap3A_136 = tpu.vector_load %arg13[%swap3A, %swap3A_135] {strides = array<i32>} : memref<64x64xf32, #tpu.memory_space<vmem>>, vector<1x16xf32>,
          %swap3A_137 = vector.shape_cast %swap3A_136 : vector<1x16xf32> to vector<16xf32>
          %swap3A_138 = vector.shape_cast %mul3A_134 : vector<16xf32> to vector<1x16xf32>
          tpu.vector_store %arg13[%swap3A, %swap3A_135], %swap3A_138 {strides = array<i32>} : memref<64x64xf32, #tpu.memory_space<vmem>>, vector<1x16xf32>,
          %get3A_139 = arith.index_cast %scan3A_125 : i32 to index
          %get3A_140 = arith.constant 16 : index
          %get3A_141 = tpu.vector_load %arg13[%get3A_139, %get3A_140] {strides = array<i32>} : memref<64x64xf32, #tpu.memory_space<vmem>>, vector<1x16xf32>,
          %get3A_142 = vector.shape_cast %get3A_141 : vector<1x16xf32> to vector<16xf32>
          %get3A_143 = arith.index_cast %scan3A_125 : i32 to index
          %get3A_144 = arith.constant 16 : index
          %get3A_145 = tpu.vector_load %arg14[%get3A_143, %get3A_144] {strides = array<i32>} : memref<64x128xf32, #tpu.memory_space<vmem>>, vector<1x16xf32>,
          %get3A_146 = vector.shape_cast %get3A_145 : vector<1x16xf32> to vector<16xf32>
          %mul3A_147 = arith.mulf %get3A_142, %get3A_146 : vector<16xf32>
          %swap3A_148 = arith.index_cast %scan3A_125 : i32 to index
          %swap3A_149 = arith.constant 16 : index
          %swap3A_150 = tpu.vector_load %arg13[%swap3A_148, %swap3A_149] {strides = array<i32>} : memref<64x64xf32, #tpu.memory_space<vmem>>, vector<1x16xf32>,
          %swap3A_151 = vector.shape_cast %swap3A_150 : vector<1x16xf32> to vector<16xf32>
          %swap3A_152 = vector.shape_cast %mul3A_147 : vector<16xf32> to vector<1x16xf32>
          tpu.vector_store %arg13[%swap3A_148, %swap3A_149], %swap3A_152 {strides = array<i32>} : memref<64x64xf32, #tpu.memory_space<vmem>>, vector<1x16xf32>,
          %get3A_153 = arith.index_cast %scan3A_125 : i32 to index
          %get3A_154 = arith.constant 32 : index
          %get3A_155 = tpu.vector_load %arg13[%get3A_153, %get3A_154] {strides = array<i32>} : memref<64x64xf32, #tpu.memory_space<vmem>>, vector<1x16xf32>,
          %get3A_156 = vector.shape_cast %get3A_155 : vector<1x16xf32> to vector<16xf32>
          %get3A_157 = arith.index_cast %scan3A_125 : i32 to index
          %get3A_158 = arith.constant 32 : index
          %get3A_159 = tpu.vector_load %arg14[%get3A_157, %get3A_158] {strides = array<i32>} : memref<64x128xf32, #tpu.memory_space<vmem>>, vector<1x16xf32>,
          %get3A_160 = vector.shape_cast %get3A_159 : vector<1x16xf32> to vector<16xf32>
          %mul3A_161 = arith.mulf %get3A_156, %get3A_160 : vector<16xf32>
          %swap3A_162 = arith.index_cast %scan3A_125 : i32 to index
          %swap3A_163 = arith.constant 32 : index
          %swap3A_164 = tpu.vector_load %arg13[%swap3A_162, %swap3A_163] {strides = array<i32>} : memref<64x64xf32, #tpu.memory_space<vmem>>, vector<1x16xf32>,
          %swap3A_165 = vector.shape_cast %swap3A_164 : vector<1x16xf32> to vector<16xf32>
          %swap3A_166 = vector.shape_cast %mul3A_161 : vector<16xf32> to vector<1x16xf32>
          tpu.vector_store %arg13[%swap3A_162, %swap3A_163], %swap3A_166 {strides = array<i32>} : memref<64x64xf32, #tpu.memory_space<vmem>>, vector<1x16xf32>,
          %get3A_167 = arith.index_cast %scan3A_125 : i32 to index
          %get3A_168 = arith.constant 48 : index
          %get3A_169 = tpu.vector_load %arg13[%get3A_167, %get3A_168] {strides = array<i32>} : memref<64x64xf32, #tpu.memory_space<vmem>>, vector<1x16xf32>,
          %get3A_170 = vector.shape_cast %get3A_169 : vector<1x16xf32> to vector<16xf32>
          %get3A_171 = arith.index_cast %scan3A_125 : i32 to index
          %get3A_172 = arith.constant 48 : index
          %get3A_173 = tpu.vector_load %arg14[%get3A_171, %get3A_172] {strides = array<i32>} : memref<64x128xf32, #tpu.memory_space<vmem>>, vector<1x16xf32>,
          %get3A_174 = vector.shape_cast %get3A_173 : vector<1x16xf32> to vector<16xf32>
          %mul3A_175 = arith.mulf %get3A_170, %get3A_174 : vector<16xf32>
          %swap3A_176 = arith.index_cast %scan3A_125 : i32 to index
          %swap3A_177 = arith.constant 48 : index
          %swap3A_178 = tpu.vector_load %arg13[%swap3A_176, %swap3A_177] {strides = array<i32>} : memref<64x64xf32, #tpu.memory_space<vmem>>, vector<1x16xf32>,
          %swap3A_179 = vector.shape_cast %swap3A_178 : vector<1x16xf32> to vector<16xf32>
          %swap3A_180 = vector.shape_cast %mul3A_175 : vector<16xf32> to vector<1x16xf32>
          tpu.vector_store %arg13[%swap3A_176, %swap3A_177], %swap3A_180 {strides = array<i32>} : memref<64x64xf32, #tpu.memory_space<vmem>>, vector<1x16xf32>,
          %scan3A_181 = arith.constant 0 : i32
          scf.yield %scan3A_181 : i32
        }
        %scan3A_124 = arith.constant 64 : i32
      } else {
      }
      %eq3A_113 = arith.constant 1 : i32
      %eq3A_114 = arith.cmpi eq, %arg0, %eq3A_113 : i32
      %convert_element_type3A_115 = arith.extui %eq3A_114 : i1 to i32
      %cond3A_116 = arith.constant 0 : i32
      %cond3A_117 = arith.cmpi ne, %convert_element_type3A_115, %cond3A_116 : i32
      scf.if %cond3A_117 {
        %scan3A_118 = arith.constant 0 : i32
        %scan3A_119 = arith.constant 0 : i32
        %scan3A_120 = arith.constant 64 : i32
        %scan3A_121 = arith.addi %scan3A_119, %scan3A_120 : i32
        %scan3A_122 = arith.constant 1 : i32
        %scan3A_123 = scf.for %scan3A_125 = %scan3A_119 to %scan3A_121 step %scan3A_122 iter_args(%scan3A_126 = %scan3A_118) -> (i32)  : i32 {
          %get3A = arith.index_cast %scan3A_125 : i32 to index
          %get3A_127 = arith.constant 0 : index
          %get3A_128 = tpu.vector_load %arg13[%get3A, %get3A_127] {strides = array<i32>} : memref<64x64xf32, #tpu.memory_space<vmem>>, vector<1x16xf32>,
          %get3A_129 = vector.shape_cast %get3A_128 : vector<1x16xf32> to vector<16xf32>
          %get3A_130 = arith.index_cast %scan3A_125 : i32 to index
          %get3A_131 = arith.constant 64 : index
          %get3A_132 = tpu.vector_load %arg14[%get3A_130, %get3A_131] {strides = array<i32>} : memref<64x128xf32, #tpu.memory_space<vmem>>, vector<1x16xf32>,
          %get3A_133 = vector.shape_cast %get3A_132 : vector<1x16xf32> to vector<16xf32>
          %mul3A_134 = arith.mulf %get3A_129, %get3A_133 : vector<16xf32>
          %swap3A = arith.index_cast %scan3A_125 : i32 to index
          %swap3A_135 = arith.constant 0 : index
          %swap3A_136 = tpu.vector_load %arg13[%swap3A, %swap3A_135] {strides = array<i32>} : memref<64x64xf32, #tpu.memory_space<vmem>>, vector<1x16xf32>,
          %swap3A_137 = vector.shape_cast %swap3A_136 : vector<1x16xf32> to vector<16xf32>
          %swap3A_138 = vector.shape_cast %mul3A_134 : vector<16xf32> to vector<1x16xf32>
          tpu.vector_store %arg13[%swap3A, %swap3A_135], %swap3A_138 {strides = array<i32>} : memref<64x64xf32, #tpu.memory_space<vmem>>, vector<1x16xf32>,
          %get3A_139 = arith.index_cast %scan3A_125 : i32 to index
          %get3A_140 = arith.constant 16 : index
          %get3A_141 = tpu.vector_load %arg13[%get3A_139, %get3A_140] {strides = array<i32>} : memref<64x64xf32, #tpu.memory_space<vmem>>, vector<1x16xf32>,
          %get3A_142 = vector.shape_cast %get3A_141 : vector<1x16xf32> to vector<16xf32>
          %get3A_143 = arith.index_cast %scan3A_125 : i32 to index
          %get3A_144 = arith.constant 80 : index
          %get3A_145 = tpu.vector_load %arg14[%get3A_143, %get3A_144] {strides = array<i32>} : memref<64x128xf32, #tpu.memory_space<vmem>>, vector<1x16xf32>,
          %get3A_146 = vector.shape_cast %get3A_145 : vector<1x16xf32> to vector<16xf32>
          %mul3A_147 = arith.mulf %get3A_142, %get3A_146 : vector<16xf32>
          %swap3A_148 = arith.index_cast %scan3A_125 : i32 to index
          %swap3A_149 = arith.constant 16 : index
          %swap3A_150 = tpu.vector_load %arg13[%swap3A_148, %swap3A_149] {strides = array<i32>} : memref<64x64xf32, #tpu.memory_space<vmem>>, vector<1x16xf32>,
          %swap3A_151 = vector.shape_cast %swap3A_150 : vector<1x16xf32> to vector<16xf32>
          %swap3A_152 = vector.shape_cast %mul3A_147 : vector<16xf32> to vector<1x16xf32>
          tpu.vector_store %arg13[%swap3A_148, %swap3A_149], %swap3A_152 {strides = array<i32>} : memref<64x64xf32, #tpu.memory_space<vmem>>, vector<1x16xf32>,
          %get3A_153 = arith.index_cast %scan3A_125 : i32 to index
          %get3A_154 = arith.constant 32 : index
          %get3A_155 = tpu.vector_load %arg13[%get3A_153, %get3A_154] {strides = array<i32>} : memref<64x64xf32, #tpu.memory_space<vmem>>, vector<1x16xf32>,
          %get3A_156 = vector.shape_cast %get3A_155 : vector<1x16xf32> to vector<16xf32>
          %get3A_157 = arith.index_cast %scan3A_125 : i32 to index
          %get3A_158 = arith.constant 96 : index
          %get3A_159 = tpu.vector_load %arg14[%get3A_157, %get3A_158] {strides = array<i32>} : memref<64x128xf32, #tpu.memory_space<vmem>>, vector<1x16xf32>,
          %get3A_160 = vector.shape_cast %get3A_159 : vector<1x16xf32> to vector<16xf32>
          %mul3A_161 = arith.mulf %get3A_156, %get3A_160 : vector<16xf32>
          %swap3A_162 = arith.index_cast %scan3A_125 : i32 to index
          %swap3A_163 = arith.constant 32 : index
          %swap3A_164 = tpu.vector_load %arg13[%swap3A_162, %swap3A_163] {strides = array<i32>} : memref<64x64xf32, #tpu.memory_space<vmem>>, vector<1x16xf32>,
          %swap3A_165 = vector.shape_cast %swap3A_164 : vector<1x16xf32> to vector<16xf32>
          %swap3A_166 = vector.shape_cast %mul3A_161 : vector<16xf32> to vector<1x16xf32>
          tpu.vector_store %arg13[%swap3A_162, %swap3A_163], %swap3A_166 {strides = array<i32>} : memref<64x64xf32, #tpu.memory_space<vmem>>, vector<1x16xf32>,
          %get3A_167 = arith.index_cast %scan3A_125 : i32 to index
          %get3A_168 = arith.constant 48 : index
          %get3A_169 = tpu.vector_load %arg13[%get3A_167, %get3A_168] {strides = array<i32>} : memref<64x64xf32, #tpu.memory_space<vmem>>, vector<1x16xf32>,
          %get3A_170 = vector.shape_cast %get3A_169 : vector<1x16xf32> to vector<16xf32>
          %get3A_171 = arith.index_cast %scan3A_125 : i32 to index
          %get3A_172 = arith.constant 112 : index
          %get3A_173 = tpu.vector_load %arg14[%get3A_171, %get3A_172] {strides = array<i32>} : memref<64x128xf32, #tpu.memory_space<vmem>>, vector<1x16xf32>,
          %get3A_174 = vector.shape_cast %get3A_173 : vector<1x16xf32> to vector<16xf32>
          %mul3A_175 = arith.mulf %get3A_170, %get3A_174 : vector<16xf32>
          %swap3A_176 = arith.index_cast %scan3A_125 : i32 to index
          %swap3A_177 = arith.constant 48 : index
          %swap3A_178 = tpu.vector_load %arg13[%swap3A_176, %swap3A_177] {strides = array<i32>} : memref<64x64xf32, #tpu.memory_space<vmem>>, vector<1x16xf32>,
          %swap3A_179 = vector.shape_cast %swap3A_178 : vector<1x16xf32> to vector<16xf32>
          %swap3A_180 = vector.shape_cast %mul3A_175 : vector<16xf32> to vector<1x16xf32>
          tpu.vector_store %arg13[%swap3A_176, %swap3A_177], %swap3A_180 {strides = array<i32>} : memref<64x64xf32, #tpu.memory_space<vmem>>, vector<1x16xf32>,
          %scan3A_181 = arith.constant 0 : i32
          scf.yield %scan3A_181 : i32
        }
        %scan3A_124 = arith.constant 64 : i32
      } else {
      }
      "tpu.region"() ({
        %run_scoped3A_118 = tpu.sem_alloc : memref<!tpu.dma_semaphore, #tpu.memory_space<semaphore_mem>>
        %dma_start3A_119 = arith.constant 0 : i32
        %dma_start3A_120 = arith.constant 0 : i32
        %dma_start3A_121 = tpu.memref_slice %arg16[%dma_start3A_119, %dma_start3A_120] : memref<12544x64xf32, #tpu.memory_space<vmem_shared>> -> memref<12544x64xf32, #tpu.memory_space<vmem_shared>>
        tpu.enqueue_indirect_dma source(%arg13 : memref<64x64xf32, #tpu.memory_space<vmem>>) target(%dma_start3A_121 : memref<12544x64xf32, #tpu.memory_space<vmem_shared>>) offsets(%arg12 : memref<64xi32, #tpu.memory_space<vmem>>) semaphore(%run_scoped3A_118 : memref<!tpu.dma_semaphore, #tpu.memory_space<semaphore_mem>>) {add = true}
        %dma_wait3A_122 = arith.constant 0 : i32
        %dma_wait3A_123 = arith.constant 0 : i32
        %dma_wait3A_124 = tpu.memref_slice %arg16[%dma_wait3A_122, %dma_wait3A_123] : memref<12544x64xf32, #tpu.memory_space<vmem_shared>> -> memref<12544x64xf32, #tpu.memory_space<vmem_shared>>
        tpu.wait_indirect_dma semaphore(%run_scoped3A_118 : memref<!tpu.dma_semaphore, #tpu.memory_space<semaphore_mem>>) src(%arg13 : memref<64x64xf32, #tpu.memory_space<vmem>>) dst(%dma_wait3A_124 : memref<12544x64xf32, #tpu.memory_space<vmem_shared>>)
        tpu.yield
      }) : () -> ()
    } else {
    }
    %barrier3A_96 = arith.constant 0 : index
    tpu.barrier barrier_id(%barrier3A_96)
    %mul3A_97 = arith.constant 784 : i32
    %mul3A_98 = arith.muli %arg1, %mul3A_97 : i32
    %mul3A_99 = arith.constant 784 : i32
    %mul3A_100 = arith.muli %arg1, %mul3A_99 : i32
    %run_scoped3A_101 = arith.constant 1 : i32
    "tpu.region"() ({
      %run_scoped3A_102 = tpu.sem_alloc : memref<!tpu.dma_semaphore, #tpu.memory_space<semaphore_mem>>
      %dma_start3A = arith.constant 0 : i32
      %dma_start3A_103 = tpu.memref_slice %arg6[%arg0, %run_scoped3A_101, %mul3A_100, %dma_start3A] : memref<2x2x12544x64xf32, #tpu.memory_space<hbm>> -> memref<1x1x784x64xf32, #tpu.memory_space<hbm>>
      %dma_start3A_104 = tpu.memref_squeeze %dma_start3A_103 : memref<1x1x784x64xf32, #tpu.memory_space<hbm>> -> memref<784x64xf32, #tpu.memory_space<hbm>>
      %dma_start3A_105 = arith.constant 0 : i32
      %dma_start3A_106 = tpu.memref_slice %arg16[%mul3A_98, %dma_start3A_105] : memref<12544x64xf32, #tpu.memory_space<vmem_shared>> -> memref<784x64xf32, #tpu.memory_space<vmem_shared>>
      tpu.enqueue_dma source(%dma_start3A_106 : memref<784x64xf32, #tpu.memory_space<vmem_shared>>) target(%dma_start3A_104 : memref<784x64xf32, #tpu.memory_space<hbm>>) target_semaphore(%run_scoped3A_102 : memref<!tpu.dma_semaphore, #tpu.memory_space<semaphore_mem>>)
      %dma_wait3A = arith.constant 0 : i32
      %dma_wait3A_107 = tpu.memref_slice %arg6[%arg0, %run_scoped3A_101, %mul3A_100, %dma_wait3A] : memref<2x2x12544x64xf32, #tpu.memory_space<hbm>> -> memref<1x1x784x64xf32, #tpu.memory_space<hbm>>
      %dma_wait3A_108 = tpu.memref_squeeze %dma_wait3A_107 : memref<1x1x784x64xf32, #tpu.memory_space<hbm>> -> memref<784x64xf32, #tpu.memory_space<hbm>>
      %dma_wait3A_109 = arith.constant 0 : i32
      %dma_wait3A_110 = tpu.memref_slice %arg16[%mul3A_98, %dma_wait3A_109] : memref<12544x64xf32, #tpu.memory_space<vmem_shared>> -> memref<784x64xf32, #tpu.memory_space<vmem_shared>>
      tpu.wait_dma2 semaphore(%run_scoped3A_102 : memref<!tpu.dma_semaphore, #tpu.memory_space<semaphore_mem>>) src(%dma_wait3A_110 : memref<784x64xf32, #tpu.memory_space<vmem_shared>>) dst(%dma_wait3A_108 : memref<784x64xf32, #tpu.memory_space<hbm>>)
      tpu.yield
    }) : () -> ()
    return
  }
}

module attributes {stable_mosaic.version = 14 : i64} {
  func.func @_n0_body(%arg0: i32, %arg1: memref<1000x1xi32, #tpu.memory_space<vmem>>, %arg2: memref<119x64xf32, #tpu.memory_space<vmem>>, %arg3: memref<119x64xf32, #tpu.memory_space<vmem>>, %arg4: memref<1000x64xf32, #tpu.memory_space<vmem>>, %arg5: memref<1000x64xf32, #tpu.memory_space<vmem>>) attributes {dimension_semantics = [#tpu.dimension_semantics<arbitrary>], iteration_bounds = array<i64: 50>, scalar_prefetch = 0 : i64, scratch_operands = 0 : i64, tpu.core_type = #tpu.core_type<tc>, window_params = [{transform_indices = @transform_0, window_bounds = array<i64: 1000, 1>}, {pipeline_mode = #tpu.pipeline_mode<synchronous>, transform_indices = @transform_1, window_bounds = array<i64: 119, 64>}, {pipeline_mode = #tpu.pipeline_mode<synchronous>, transform_indices = @transform_2, window_bounds = array<i64: 119, 64>}, {transform_indices = @transform_3, window_bounds = array<i64: 1000, 64>}, {transform_indices = @transform_4, window_bounds = array<i64: 1000, 64>}]} {
    %get3A = arith.constant 0 : index
    %get3A_0 = arith.constant 0 : index
    %get3A_1 = vector.load %arg1[%get3A, %get3A_0] : memref<1000x1xi32, #tpu.memory_space<vmem>>, vector<1000x1xi32>
    %iota3A = tpu.iota {dimensions = array<i32: 1>} : vector<1000x119xi32>
    %eq3A = vector.broadcast %get3A_1 : vector<1000x1xi32> to vector<1000x119xi32>
    %eq3A_2 = arith.cmpi eq, %eq3A, %iota3A : vector<1000x119xi32>
    %convert_element_type3A = arith.extui %eq3A_2 : vector<1000x119xi1> to vector<1000x119xi32>
    %convert_element_type3A_3 = arith.sitofp %convert_element_type3A : vector<1000x119xi32> to vector<1000x119xf32>
    %get3A_4 = arith.constant 0 : index
    %get3A_5 = arith.constant 0 : index
    %get3A_6 = vector.load %arg2[%get3A_4, %get3A_5] : memref<119x64xf32, #tpu.memory_space<vmem>>, vector<119x64xf32>
    %dot_general3A = arith.constant dense<0.000000e+00> : vector<1000x64xf32>
    %dot_general3A_7 = tpu.matmul %convert_element_type3A_3, %get3A_6, %dot_general3A {dimension_numbers = #tpu.dot_dimension_numbers<[1], [0], [0], [1], [0, 0, 1, 1], [], []>, precision = #tpu.contract_precision<fp32>, transpose_lhs_hint = false} : vector<1000x119xf32>, vector<119x64xf32>, vector<1000x64xf32> -> vector<1000x64xf32>
    %swap3A = arith.constant 0 : index
    %swap3A_8 = arith.constant 0 : index
    %swap3A_9 = vector.load %arg4[%swap3A, %swap3A_8] : memref<1000x64xf32, #tpu.memory_space<vmem>>, vector<1000x64xf32>
    tpu.vector_store %arg4[%swap3A, %swap3A_8], %dot_general3A_7 {strides = array<i32>} : memref<1000x64xf32, #tpu.memory_space<vmem>>, vector<1000x64xf32>,
    %get3A_10 = arith.constant 0 : index
    %get3A_11 = arith.constant 0 : index
    %get3A_12 = vector.load %arg3[%get3A_10, %get3A_11] : memref<119x64xf32, #tpu.memory_space<vmem>>, vector<119x64xf32>
    %dot_general3A_13 = arith.constant dense<0.000000e+00> : vector<1000x64xf32>
    %dot_general3A_14 = tpu.matmul %convert_element_type3A_3, %get3A_12, %dot_general3A_13 {dimension_numbers = #tpu.dot_dimension_numbers<[1], [0], [0], [1], [0, 0, 1, 1], [], []>, precision = #tpu.contract_precision<fp32>, transpose_lhs_hint = false} : vector<1000x119xf32>, vector<119x64xf32>, vector<1000x64xf32> -> vector<1000x64xf32>
    %swap3A_15 = arith.constant 0 : index
    %swap3A_16 = arith.constant 0 : index
    %swap3A_17 = vector.load %arg5[%swap3A_15, %swap3A_16] : memref<1000x64xf32, #tpu.memory_space<vmem>>, vector<1000x64xf32>
    tpu.vector_store %arg5[%swap3A_15, %swap3A_16], %dot_general3A_14 {strides = array<i32>} : memref<1000x64xf32, #tpu.memory_space<vmem>>, vector<1000x64xf32>,
    return
  }
  func.func @transform_0(%arg0: i32) -> (i32, i32) {
    %c0_i32 = arith.constant 0 : i32
    %c0_i32_0 = arith.constant 0 : i32
    return %arg0, %c0_i32 : i32, i32
  }
  func.func @transform_1(%arg0: i32) -> (i32, i32) {
    %c0_i32 = arith.constant 0 : i32
    %c0_i32_0 = arith.constant 0 : i32
    %c0_i32_1 = arith.constant 0 : i32
    return %c0_i32, %c0_i32_0 : i32, i32
  }
  func.func @transform_2(%arg0: i32) -> (i32, i32) {
    %c0_i32 = arith.constant 0 : i32
    %c0_i32_0 = arith.constant 0 : i32
    %c0_i32_1 = arith.constant 0 : i32
    return %c0_i32, %c0_i32_0 : i32, i32
  }
  func.func @transform_3(%arg0: i32) -> (i32, i32) {
    %c0_i32 = arith.constant 0 : i32
    %c0_i32_0 = arith.constant 0 : i32
    return %arg0, %c0_i32 : i32, i32
  }
  func.func @transform_4(%arg0: i32) -> (i32, i32) {
    %c0_i32 = arith.constant 0 : i32
    %c0_i32_0 = arith.constant 0 : i32
    return %arg0, %c0_i32 : i32, i32
  }
}

module attributes {stable_mosaic.version = 14 : i64} {
  func.func @_geom_body(%arg0: i32, %arg1: i32, %arg2: memref<4x16xf32, #tpu.memory_space<vmem>>, %arg3: memref<2000x4xf32, #tpu.memory_space<vmem>>, %arg4: memref<2000x4xf32, #tpu.memory_space<vmem>>, %arg5: memref<2000x4xf32, #tpu.memory_space<vmem>>, %arg6: memref<2000x4xf32, #tpu.memory_space<vmem>>, %arg7: memref<2000x4xf32, #tpu.memory_space<vmem>>, %arg8: memref<2000x4xf32, #tpu.memory_space<vmem>>, %arg9: memref<10x100xf32, #tpu.memory_space<vmem>>, %arg10: memref<100x64xf32, #tpu.memory_space<vmem>>, %arg11: memref<9x64xf32, #tpu.memory_space<vmem>>, %arg12: memref<10x100xf32, #tpu.memory_space<vmem>>, %arg13: memref<100x64xf32, #tpu.memory_space<vmem>>, %arg14: memref<9x64xf32, #tpu.memory_space<vmem>>, %arg15: memref<2000x128xf32, #tpu.memory_space<vmem>>, %arg16: memref<2000x128xf32, #tpu.memory_space<vmem>>) attributes {dimension_semantics = [#tpu.dimension_semantics<arbitrary>, #tpu.dimension_semantics<arbitrary>], iteration_bounds = array<i64: 2, 100>, scalar_prefetch = 0 : i64, scratch_operands = 0 : i64, tpu.core_type = #tpu.core_type<tc>, window_params = [{pipeline_mode = #tpu.pipeline_mode<synchronous>, transform_indices = @transform_0, window_bounds = array<i64: 4, 16>}, {transform_indices = @transform_1, window_bounds = array<i64: 2000, 4>}, {transform_indices = @transform_2, window_bounds = array<i64: 2000, 4>}, {transform_indices = @transform_3, window_bounds = array<i64: 2000, 4>}, {transform_indices = @transform_4, window_bounds = array<i64: 2000, 4>}, {transform_indices = @transform_5, window_bounds = array<i64: 2000, 4>}, {transform_indices = @transform_6, window_bounds = array<i64: 2000, 4>}, {pipeline_mode = #tpu.pipeline_mode<synchronous>, transform_indices = @transform_7, window_bounds = array<i64: 10, 100>}, {pipeline_mode = #tpu.pipeline_mode<synchronous>, transform_indices = @transform_8, window_bounds = array<i64: 100, 64>}, {pipeline_mode = #tpu.pipeline_mode<synchronous>, transform_indices = @transform_9, window_bounds = array<i64: 9, 64>}, {pipeline_mode = #tpu.pipeline_mode<synchronous>, transform_indices = @transform_10, window_bounds = array<i64: 10, 100>}, {pipeline_mode = #tpu.pipeline_mode<synchronous>, transform_indices = @transform_11, window_bounds = array<i64: 100, 64>}, {pipeline_mode = #tpu.pipeline_mode<synchronous>, transform_indices = @transform_12, window_bounds = array<i64: 9, 64>}, {transform_indices = @transform_13, window_bounds = array<i64: 2000, 128>}, {transform_indices = @transform_14, window_bounds = array<i64: 2000, 128>}]} {
    %get3A = arith.constant 0 : index
    %get3A_0 = arith.constant 0 : index
    %get3A_1 = vector.load %arg9[%get3A, %get3A_0] : memref<10x100xf32, #tpu.memory_space<vmem>>, vector<10x100xf32>
    %get3A_2 = arith.constant 0 : index
    %get3A_3 = arith.constant 0 : index
    %get3A_4 = vector.load %arg10[%get3A_2, %get3A_3] : memref<100x64xf32, #tpu.memory_space<vmem>>, vector<100x64xf32>
    %get3A_5 = arith.constant 0 : index
    %get3A_6 = arith.constant 0 : index
    %get3A_7 = vector.load %arg11[%get3A_5, %get3A_6] : memref<9x64xf32, #tpu.memory_space<vmem>>, vector<9x64xf32>
    %get3A_8 = arith.constant 0 : index
    %get3A_9 = arith.constant 0 : index
    %get3A_10 = vector.load %arg12[%get3A_8, %get3A_9] : memref<10x100xf32, #tpu.memory_space<vmem>>, vector<10x100xf32>
    %get3A_11 = arith.constant 0 : index
    %get3A_12 = arith.constant 0 : index
    %get3A_13 = vector.load %arg13[%get3A_11, %get3A_12] : memref<100x64xf32, #tpu.memory_space<vmem>>, vector<100x64xf32>
    %get3A_14 = arith.constant 0 : index
    %get3A_15 = arith.constant 0 : index
    %get3A_16 = vector.load %arg14[%get3A_14, %get3A_15] : memref<9x64xf32, #tpu.memory_space<vmem>>, vector<9x64xf32>
    %get3A_17 = arith.constant 0 : index
    %get3A_18 = arith.constant 0 : index
    %get3A_19 = vector.load %arg2[%get3A_17, %get3A_18] : memref<4x16xf32, #tpu.memory_space<vmem>>, vector<4x16xf32>
    %iota3A = tpu.iota {dimensions = array<i32: 0>} : vector<4x16xi32>
    %eq3A = vector.broadcast %arg0 : i32 to vector<4x16xi32>
    %eq3A_20 = arith.cmpi eq, %iota3A, %eq3A : vector<4x16xi32>
    %jit3A = arith.constant 0.000000e+00 : f32
    %broadcast_in_dim3A = vector.broadcast %jit3A : f32 to vector<4x16xf32>
    %select_n3A = arith.select %eq3A_20, %get3A_19, %broadcast_in_dim3A : vector<4x16xi1>, vector<4x16xf32>
    %reduce_sum3A = arith.constant dense<0.000000e+00> : vector<16xf32>
    %reduce_sum3A_21 = vector.multi_reduction <add>, %select_n3A, %reduce_sum3A [0] : vector<4x16xf32> to vector<16xf32>
    %broadcast_in_dim3A_22 = vector.shape_cast %reduce_sum3A_21 : vector<16xf32> to vector<1x16xf32>
    %add3A = arith.constant 2 : i32
    %add3A_23 = arith.addi %arg0, %add3A : i32
    %eq3A_24 = vector.broadcast %add3A_23 : i32 to vector<4x16xi32>
    %eq3A_25 = arith.cmpi eq, %iota3A, %eq3A_24 : vector<4x16xi32>
    %jit3A_26 = arith.constant 0.000000e+00 : f32
    %broadcast_in_dim3A_27 = vector.broadcast %jit3A_26 : f32 to vector<4x16xf32>
    %select_n3A_28 = arith.select %eq3A_25, %get3A_19, %broadcast_in_dim3A_27 : vector<4x16xi1>, vector<4x16xf32>
    %reduce_sum3A_29 = arith.constant dense<0.000000e+00> : vector<16xf32>
    %reduce_sum3A_30 = vector.multi_reduction <add>, %select_n3A_28, %reduce_sum3A_29 [0] : vector<4x16xf32> to vector<16xf32>
    %broadcast_in_dim3A_31 = vector.shape_cast %reduce_sum3A_30 : vector<16xf32> to vector<1x16xf32>
    %get3A_32 = arith.constant 0 : index
    %get3A_33 = arith.constant 0 : index
    %get3A_34 = vector.load %arg3[%get3A_32, %get3A_33] : memref<2000x4xf32, #tpu.memory_space<vmem>>, vector<2000x4xf32>
    %get3A_35 = arith.constant 0 : index
    %get3A_36 = arith.constant 0 : index
    %get3A_37 = vector.load %arg4[%get3A_35, %get3A_36] : memref<2000x4xf32, #tpu.memory_space<vmem>>, vector<2000x4xf32>
    %get3A_38 = arith.constant 0 : index
    %get3A_39 = arith.constant 0 : index
    %get3A_40 = vector.load %arg5[%get3A_38, %get3A_39] : memref<2000x4xf32, #tpu.memory_space<vmem>>, vector<2000x4xf32>
    %slice3A = vector.extract_strided_slice %get3A_37 {offsets = [0, 0], sizes = [2000, 1], strides = [1, 1]} : vector<2000x4xf32> to vector<2000x1xf32>
    %slice3A_41 = vector.extract_strided_slice %get3A_34 {offsets = [0, 0], sizes = [2000, 1], strides = [1, 1]} : vector<2000x4xf32> to vector<2000x1xf32>
    %sub3A = arith.subf %slice3A, %slice3A_41 : vector<2000x1xf32>
    %slice3A_42 = vector.extract_strided_slice %get3A_40 {offsets = [0, 0], sizes = [2000, 1], strides = [1, 1]} : vector<2000x4xf32> to vector<2000x1xf32>
    %slice3A_43 = vector.extract_strided_slice %broadcast_in_dim3A_22 {offsets = [0, 0], sizes = [1, 1], strides = [1, 1]} : vector<1x16xf32> to vector<1x1xf32>
    %squeeze3A = vector.extract %slice3A_43[0, 0] : f32 from vector<1x1xf32>
    %mul3A = vector.broadcast %squeeze3A : f32 to vector<2000x1xf32>
    %mul3A_44 = arith.mulf %slice3A_42, %mul3A : vector<2000x1xf32>
    %slice3A_45 = vector.extract_strided_slice %get3A_40 {offsets = [0, 1], sizes = [2000, 1], strides = [1, 1]} : vector<2000x4xf32> to vector<2000x1xf32>
    %slice3A_46 = vector.extract_strided_slice %broadcast_in_dim3A_22 {offsets = [0, 4], sizes = [1, 1], strides = [1, 1]} : vector<1x16xf32> to vector<1x1xf32>
    %squeeze3A_47 = vector.extract %slice3A_46[0, 0] : f32 from vector<1x1xf32>
    %mul3A_48 = vector.broadcast %squeeze3A_47 : f32 to vector<2000x1xf32>
    %mul3A_49 = arith.mulf %slice3A_45, %mul3A_48 : vector<2000x1xf32>
    %add3A_50 = arith.addf %mul3A_44, %mul3A_49 : vector<2000x1xf32>
    %slice3A_51 = vector.extract_strided_slice %get3A_40 {offsets = [0, 2], sizes = [2000, 1], strides = [1, 1]} : vector<2000x4xf32> to vector<2000x1xf32>
    %slice3A_52 = vector.extract_strided_slice %broadcast_in_dim3A_22 {offsets = [0, 8], sizes = [1, 1], strides = [1, 1]} : vector<1x16xf32> to vector<1x1xf32>
    %squeeze3A_53 = vector.extract %slice3A_52[0, 0] : f32 from vector<1x1xf32>
    %mul3A_54 = vector.broadcast %squeeze3A_53 : f32 to vector<2000x1xf32>
    %mul3A_55 = arith.mulf %slice3A_51, %mul3A_54 : vector<2000x1xf32>
    %add3A_56 = arith.addf %add3A_50, %mul3A_55 : vector<2000x1xf32>
    %sub3A_57 = arith.subf %sub3A, %add3A_56 : vector<2000x1xf32>
    %slice3A_58 = vector.extract_strided_slice %get3A_37 {offsets = [0, 1], sizes = [2000, 1], strides = [1, 1]} : vector<2000x4xf32> to vector<2000x1xf32>
    %slice3A_59 = vector.extract_strided_slice %get3A_34 {offsets = [0, 1], sizes = [2000, 1], strides = [1, 1]} : vector<2000x4xf32> to vector<2000x1xf32>
    %sub3A_60 = arith.subf %slice3A_58, %slice3A_59 : vector<2000x1xf32>
    %slice3A_61 = vector.extract_strided_slice %get3A_40 {offsets = [0, 0], sizes = [2000, 1], strides = [1, 1]} : vector<2000x4xf32> to vector<2000x1xf32>
    %slice3A_62 = vector.extract_strided_slice %broadcast_in_dim3A_22 {offsets = [0, 1], sizes = [1, 1], strides = [1, 1]} : vector<1x16xf32> to vector<1x1xf32>
    %squeeze3A_63 = vector.extract %slice3A_62[0, 0] : f32 from vector<1x1xf32>
    %mul3A_64 = vector.broadcast %squeeze3A_63 : f32 to vector<2000x1xf32>
    %mul3A_65 = arith.mulf %slice3A_61, %mul3A_64 : vector<2000x1xf32>
    %slice3A_66 = vector.extract_strided_slice %get3A_40 {offsets = [0, 1], sizes = [2000, 1], strides = [1, 1]} : vector<2000x4xf32> to vector<2000x1xf32>
    %slice3A_67 = vector.extract_strided_slice %broadcast_in_dim3A_22 {offsets = [0, 5], sizes = [1, 1], strides = [1, 1]} : vector<1x16xf32> to vector<1x1xf32>
    %squeeze3A_68 = vector.extract %slice3A_67[0, 0] : f32 from vector<1x1xf32>
    %mul3A_69 = vector.broadcast %squeeze3A_68 : f32 to vector<2000x1xf32>
    %mul3A_70 = arith.mulf %slice3A_66, %mul3A_69 : vector<2000x1xf32>
    %add3A_71 = arith.addf %mul3A_65, %mul3A_70 : vector<2000x1xf32>
    %slice3A_72 = vector.extract_strided_slice %get3A_40 {offsets = [0, 2], sizes = [2000, 1], strides = [1, 1]} : vector<2000x4xf32> to vector<2000x1xf32>
    %slice3A_73 = vector.extract_strided_slice %broadcast_in_dim3A_22 {offsets = [0, 9], sizes = [1, 1], strides = [1, 1]} : vector<1x16xf32> to vector<1x1xf32>
    %squeeze3A_74 = vector.extract %slice3A_73[0, 0] : f32 from vector<1x1xf32>
    %mul3A_75 = vector.broadcast %squeeze3A_74 : f32 to vector<2000x1xf32>
    %mul3A_76 = arith.mulf %slice3A_72, %mul3A_75 : vector<2000x1xf32>
    %add3A_77 = arith.addf %add3A_71, %mul3A_76 : vector<2000x1xf32>
    %sub3A_78 = arith.subf %sub3A_60, %add3A_77 : vector<2000x1xf32>
    %slice3A_79 = vector.extract_strided_slice %get3A_37 {offsets = [0, 2], sizes = [2000, 1], strides = [1, 1]} : vector<2000x4xf32> to vector<2000x1xf32>
    %slice3A_80 = vector.extract_strided_slice %get3A_34 {offsets = [0, 2], sizes = [2000, 1], strides = [1, 1]} : vector<2000x4xf32> to vector<2000x1xf32>
    %sub3A_81 = arith.subf %slice3A_79, %slice3A_80 : vector<2000x1xf32>
    %slice3A_82 = vector.extract_strided_slice %get3A_40 {offsets = [0, 0], sizes = [2000, 1], strides = [1, 1]} : vector<2000x4xf32> to vector<2000x1xf32>
    %slice3A_83 = vector.extract_strided_slice %broadcast_in_dim3A_22 {offsets = [0, 2], sizes = [1, 1], strides = [1, 1]} : vector<1x16xf32> to vector<1x1xf32>
    %squeeze3A_84 = vector.extract %slice3A_83[0, 0] : f32 from vector<1x1xf32>
    %mul3A_85 = vector.broadcast %squeeze3A_84 : f32 to vector<2000x1xf32>
    %mul3A_86 = arith.mulf %slice3A_82, %mul3A_85 : vector<2000x1xf32>
    %slice3A_87 = vector.extract_strided_slice %get3A_40 {offsets = [0, 1], sizes = [2000, 1], strides = [1, 1]} : vector<2000x4xf32> to vector<2000x1xf32>
    %slice3A_88 = vector.extract_strided_slice %broadcast_in_dim3A_22 {offsets = [0, 6], sizes = [1, 1], strides = [1, 1]} : vector<1x16xf32> to vector<1x1xf32>
    %squeeze3A_89 = vector.extract %slice3A_88[0, 0] : f32 from vector<1x1xf32>
    %mul3A_90 = vector.broadcast %squeeze3A_89 : f32 to vector<2000x1xf32>
    %mul3A_91 = arith.mulf %slice3A_87, %mul3A_90 : vector<2000x1xf32>
    %add3A_92 = arith.addf %mul3A_86, %mul3A_91 : vector<2000x1xf32>
    %slice3A_93 = vector.extract_strided_slice %get3A_40 {offsets = [0, 2], sizes = [2000, 1], strides = [1, 1]} : vector<2000x4xf32> to vector<2000x1xf32>
    %slice3A_94 = vector.extract_strided_slice %broadcast_in_dim3A_22 {offsets = [0, 10], sizes = [1, 1], strides = [1, 1]} : vector<1x16xf32> to vector<1x1xf32>
    %squeeze3A_95 = vector.extract %slice3A_94[0, 0] : f32 from vector<1x1xf32>
    %mul3A_96 = vector.broadcast %squeeze3A_95 : f32 to vector<2000x1xf32>
    %mul3A_97 = arith.mulf %slice3A_93, %mul3A_96 : vector<2000x1xf32>
    %add3A_98 = arith.addf %add3A_92, %mul3A_97 : vector<2000x1xf32>
    %sub3A_99 = arith.subf %sub3A_81, %add3A_98 : vector<2000x1xf32>
    %mul3A_100 = arith.mulf %sub3A_57, %sub3A_57 : vector<2000x1xf32>
    %mul3A_101 = arith.mulf %sub3A_78, %sub3A_78 : vector<2000x1xf32>
    %add3A_102 = arith.addf %mul3A_100, %mul3A_101 : vector<2000x1xf32>
    %mul3A_103 = arith.mulf %sub3A_99, %sub3A_99 : vector<2000x1xf32>
    %add3A_104 = arith.addf %add3A_102, %mul3A_103 : vector<2000x1xf32>
    %sqrt3A = math.sqrt %add3A_104 : vector<2000x1xf32>
    %add3A_105 = arith.constant 9.99999996E-13 : f32
    %add3A_106 = vector.broadcast %add3A_105 : f32 to vector<2000x1xf32>
    %add3A_107 = arith.addf %sqrt3A, %add3A_106 : vector<2000x1xf32>
    %div3A = arith.constant 1.000000e+00 : f32
    %div3A_108 = vector.broadcast %div3A : f32 to vector<2000x1xf32>
    %div3A_109 = arith.divf %div3A_108, %add3A_107 : vector<2000x1xf32>
    %mul3A_110 = arith.mulf %sub3A_57, %div3A_109 : vector<2000x1xf32>
    %mul3A_111 = arith.mulf %sub3A_78, %div3A_109 : vector<2000x1xf32>
    %mul3A_112 = arith.mulf %sub3A_99, %div3A_109 : vector<2000x1xf32>
    %broadcast_in_dim3A_113 = arith.constant 1.000000e+00 : f32
    %broadcast_in_dim3A_114 = vector.broadcast %broadcast_in_dim3A_113 : f32 to vector<2000x1xf32>
    %mul3A_115 = arith.constant 1.73205078 : f32
    %mul3A_116 = vector.broadcast %mul3A_115 : f32 to vector<2000x1xf32>
    %mul3A_117 = arith.mulf %mul3A_116, %mul3A_110 : vector<2000x1xf32>
    %mul3A_118 = arith.constant 1.73205078 : f32
    %mul3A_119 = vector.broadcast %mul3A_118 : f32 to vector<2000x1xf32>
    %mul3A_120 = arith.mulf %mul3A_119, %mul3A_111 : vector<2000x1xf32>
    %mul3A_121 = arith.constant 1.73205078 : f32
    %mul3A_122 = vector.broadcast %mul3A_121 : f32 to vector<2000x1xf32>
    %mul3A_123 = arith.mulf %mul3A_122, %mul3A_112 : vector<2000x1xf32>
    %mul3A_124 = arith.constant 3.87298346 : f32
    %mul3A_125 = vector.broadcast %mul3A_124 : f32 to vector<2000x1xf32>
    %mul3A_126 = arith.mulf %mul3A_125, %mul3A_110 : vector<2000x1xf32>
    %mul3A_127 = arith.mulf %mul3A_126, %mul3A_111 : vector<2000x1xf32>
    %mul3A_128 = arith.constant 3.87298346 : f32
    %mul3A_129 = vector.broadcast %mul3A_128 : f32 to vector<2000x1xf32>
    %mul3A_130 = arith.mulf %mul3A_129, %mul3A_111 : vector<2000x1xf32>
    %mul3A_131 = arith.mulf %mul3A_130, %mul3A_112 : vector<2000x1xf32>
    %mul3A_132 = arith.constant 3.000000e+00 : f32
    %mul3A_133 = vector.broadcast %mul3A_132 : f32 to vector<2000x1xf32>
    %mul3A_134 = arith.mulf %mul3A_133, %mul3A_112 : vector<2000x1xf32>
    %mul3A_135 = arith.mulf %mul3A_134, %mul3A_112 : vector<2000x1xf32>
    %sub3A_136 = arith.constant 1.000000e+00 : f32
    %sub3A_137 = vector.broadcast %sub3A_136 : f32 to vector<2000x1xf32>
    %sub3A_138 = arith.subf %mul3A_135, %sub3A_137 : vector<2000x1xf32>
    %mul3A_139 = arith.constant 1.11803401 : f32
    %mul3A_140 = vector.broadcast %mul3A_139 : f32 to vector<2000x1xf32>
    %mul3A_141 = arith.mulf %mul3A_140, %sub3A_138 : vector<2000x1xf32>
    %mul3A_142 = arith.constant 3.87298346 : f32
    %mul3A_143 = vector.broadcast %mul3A_142 : f32 to vector<2000x1xf32>
    %mul3A_144 = arith.mulf %mul3A_143, %mul3A_110 : vector<2000x1xf32>
    %mul3A_145 = arith.mulf %mul3A_144, %mul3A_112 : vector<2000x1xf32>
    %mul3A_146 = arith.mulf %mul3A_110, %mul3A_110 : vector<2000x1xf32>
    %mul3A_147 = arith.mulf %mul3A_111, %mul3A_111 : vector<2000x1xf32>
    %sub3A_148 = arith.subf %mul3A_146, %mul3A_147 : vector<2000x1xf32>
    %mul3A_149 = arith.constant 1.93649173 : f32
    %mul3A_150 = vector.broadcast %mul3A_149 : f32 to vector<2000x1xf32>
    %mul3A_151 = arith.mulf %mul3A_150, %sub3A_148 : vector<2000x1xf32>
    %concatenate3A = tpu.concatenate %broadcast_in_dim3A_114, %mul3A_117, %mul3A_120, %mul3A_123, %mul3A_127, %mul3A_131, %mul3A_141, %mul3A_145, %mul3A_151 in 1 : vector<2000x1xf32>, vector<2000x1xf32>, vector<2000x1xf32>, vector<2000x1xf32>, vector<2000x1xf32>, vector<2000x1xf32>, vector<2000x1xf32>, vector<2000x1xf32>, vector<2000x1xf32> -> vector<2000x9xf32>
    %iota3A_152 = tpu.iota {dimensions = array<i32: 1>} : vector<1x10xi32>
    %convert_element_type3A = arith.sitofp %iota3A_152 : vector<1x10xi32> to vector<1x10xf32>
    %mul3A_153 = arith.constant 0.444444448 : f32
    %mul3A_154 = vector.broadcast %mul3A_153 : f32 to vector<1x10xf32>
    %mul3A_155 = arith.mulf %convert_element_type3A, %mul3A_154 : vector<1x10xf32>
    %sub3A_156 = vector.broadcast %sqrt3A : vector<2000x1xf32> to vector<2000x10xf32>
    %sub3A_157 = vector.broadcast %mul3A_155 : vector<1x10xf32> to vector<2000x10xf32>
    %sub3A_158 = arith.subf %sub3A_156, %sub3A_157 : vector<2000x10xf32>
    %div3A_159 = arith.constant 0.444444448 : f32
    %div3A_160 = vector.broadcast %div3A_159 : f32 to vector<2000x10xf32>
    %div3A_161 = arith.divf %sub3A_158, %div3A_160 : vector<2000x10xf32>
    %neg3A = arith.constant 0.000000e+00 : f32
    %neg3A_162 = vector.broadcast %neg3A : f32 to vector<2000x10xf32>
    %neg3A_163 = arith.subf %neg3A_162, %div3A_161 : vector<2000x10xf32>
    %mul3A_164 = arith.mulf %neg3A_163, %div3A_161 : vector<2000x10xf32>
    %exp3A = math.exp %mul3A_164 : vector<2000x10xf32>
    %mul3A_165 = arith.constant 1.120000e+00 : f32
    %mul3A_166 = vector.broadcast %mul3A_165 : f32 to vector<2000x10xf32>
    %mul3A_167 = arith.mulf %mul3A_166, %exp3A : vector<2000x10xf32>
    %dot_general3A = arith.constant dense<0.000000e+00> : vector<2000x100xf32>
    %dot_general3A_168 = tpu.matmul %mul3A_167, %get3A_1, %dot_general3A {dimension_numbers = #tpu.dot_dimension_numbers<[1], [0], [0], [1], [0, 0, 1, 1], [], []>, precision = #tpu.contract_precision<fp32>, transpose_lhs_hint = false} : vector<2000x10xf32>, vector<10x100xf32>, vector<2000x100xf32> -> vector<2000x100xf32>
    %logistic3A = arith.negf %dot_general3A_168 : vector<2000x100xf32>
    %logistic3A_169 = math.exp %logistic3A : vector<2000x100xf32>
    %logistic3A_170 = arith.constant 1.000000e+00 : f32
    %logistic3A_171 = vector.broadcast %logistic3A_170 : f32 to vector<2000x100xf32>
    %logistic3A_172 = arith.addf %logistic3A_171, %logistic3A_169 : vector<2000x100xf32>
    %logistic3A_173 = arith.divf %logistic3A_171, %logistic3A_172 : vector<2000x100xf32>
    %mul3A_174 = arith.mulf %dot_general3A_168, %logistic3A_173 : vector<2000x100xf32>
    %dot_general3A_175 = arith.constant dense<0.000000e+00> : vector<2000x64xf32>
    %dot_general3A_176 = tpu.matmul %mul3A_174, %get3A_4, %dot_general3A_175 {dimension_numbers = #tpu.dot_dimension_numbers<[1], [0], [0], [1], [0, 0, 1, 1], [], []>, precision = #tpu.contract_precision<fp32>, transpose_lhs_hint = false} : vector<2000x100xf32>, vector<100x64xf32>, vector<2000x64xf32> -> vector<2000x64xf32>
    %dot_general3A_177 = arith.constant dense<0.000000e+00> : vector<2000x64xf32>
    %dot_general3A_178 = tpu.matmul %concatenate3A, %get3A_7, %dot_general3A_177 {dimension_numbers = #tpu.dot_dimension_numbers<[1], [0], [0], [1], [0, 0, 1, 1], [], []>, precision = #tpu.contract_precision<fp32>, transpose_lhs_hint = false} : vector<2000x9xf32>, vector<9x64xf32>, vector<2000x64xf32> -> vector<2000x64xf32>
    %mul3A_179 = arith.mulf %dot_general3A_176, %dot_general3A_178 : vector<2000x64xf32>
    %dot_general3A_180 = arith.constant dense<0.000000e+00> : vector<2000x100xf32>
    %dot_general3A_181 = tpu.matmul %mul3A_167, %get3A_10, %dot_general3A_180 {dimension_numbers = #tpu.dot_dimension_numbers<[1], [0], [0], [1], [0, 0, 1, 1], [], []>, precision = #tpu.contract_precision<fp32>, transpose_lhs_hint = false} : vector<2000x10xf32>, vector<10x100xf32>, vector<2000x100xf32> -> vector<2000x100xf32>
    %logistic3A_182 = arith.negf %dot_general3A_181 : vector<2000x100xf32>
    %logistic3A_183 = math.exp %logistic3A_182 : vector<2000x100xf32>
    %logistic3A_184 = arith.constant 1.000000e+00 : f32
    %logistic3A_185 = vector.broadcast %logistic3A_184 : f32 to vector<2000x100xf32>
    %logistic3A_186 = arith.addf %logistic3A_185, %logistic3A_183 : vector<2000x100xf32>
    %logistic3A_187 = arith.divf %logistic3A_185, %logistic3A_186 : vector<2000x100xf32>
    %mul3A_188 = arith.mulf %dot_general3A_181, %logistic3A_187 : vector<2000x100xf32>
    %dot_general3A_189 = arith.constant dense<0.000000e+00> : vector<2000x64xf32>
    %dot_general3A_190 = tpu.matmul %mul3A_188, %get3A_13, %dot_general3A_189 {dimension_numbers = #tpu.dot_dimension_numbers<[1], [0], [0], [1], [0, 0, 1, 1], [], []>, precision = #tpu.contract_precision<fp32>, transpose_lhs_hint = false} : vector<2000x100xf32>, vector<100x64xf32>, vector<2000x64xf32> -> vector<2000x64xf32>
    %dot_general3A_191 = arith.constant dense<0.000000e+00> : vector<2000x64xf32>
    %dot_general3A_192 = tpu.matmul %concatenate3A, %get3A_16, %dot_general3A_191 {dimension_numbers = #tpu.dot_dimension_numbers<[1], [0], [0], [1], [0, 0, 1, 1], [], []>, precision = #tpu.contract_precision<fp32>, transpose_lhs_hint = false} : vector<2000x9xf32>, vector<9x64xf32>, vector<2000x64xf32> -> vector<2000x64xf32>
    %mul3A_193 = arith.mulf %dot_general3A_190, %dot_general3A_192 : vector<2000x64xf32>
    %get3A_194 = arith.constant 0 : index
    %get3A_195 = arith.constant 0 : index
    %get3A_196 = vector.load %arg6[%get3A_194, %get3A_195] : memref<2000x4xf32, #tpu.memory_space<vmem>>, vector<2000x4xf32>
    %get3A_197 = arith.constant 0 : index
    %get3A_198 = arith.constant 0 : index
    %get3A_199 = vector.load %arg7[%get3A_197, %get3A_198] : memref<2000x4xf32, #tpu.memory_space<vmem>>, vector<2000x4xf32>
    %get3A_200 = arith.constant 0 : index
    %get3A_201 = arith.constant 0 : index
    %get3A_202 = vector.load %arg8[%get3A_200, %get3A_201] : memref<2000x4xf32, #tpu.memory_space<vmem>>, vector<2000x4xf32>
    %slice3A_203 = vector.extract_strided_slice %get3A_199 {offsets = [0, 0], sizes = [2000, 1], strides = [1, 1]} : vector<2000x4xf32> to vector<2000x1xf32>
    %slice3A_204 = vector.extract_strided_slice %get3A_196 {offsets = [0, 0], sizes = [2000, 1], strides = [1, 1]} : vector<2000x4xf32> to vector<2000x1xf32>
    %sub3A_205 = arith.subf %slice3A_203, %slice3A_204 : vector<2000x1xf32>
    %slice3A_206 = vector.extract_strided_slice %get3A_202 {offsets = [0, 0], sizes = [2000, 1], strides = [1, 1]} : vector<2000x4xf32> to vector<2000x1xf32>
    %slice3A_207 = vector.extract_strided_slice %broadcast_in_dim3A_31 {offsets = [0, 0], sizes = [1, 1], strides = [1, 1]} : vector<1x16xf32> to vector<1x1xf32>
    %squeeze3A_208 = vector.extract %slice3A_207[0, 0] : f32 from vector<1x1xf32>
    %mul3A_209 = vector.broadcast %squeeze3A_208 : f32 to vector<2000x1xf32>
    %mul3A_210 = arith.mulf %slice3A_206, %mul3A_209 : vector<2000x1xf32>
    %slice3A_211 = vector.extract_strided_slice %get3A_202 {offsets = [0, 1], sizes = [2000, 1], strides = [1, 1]} : vector<2000x4xf32> to vector<2000x1xf32>
    %slice3A_212 = vector.extract_strided_slice %broadcast_in_dim3A_31 {offsets = [0, 4], sizes = [1, 1], strides = [1, 1]} : vector<1x16xf32> to vector<1x1xf32>
    %squeeze3A_213 = vector.extract %slice3A_212[0, 0] : f32 from vector<1x1xf32>
    %mul3A_214 = vector.broadcast %squeeze3A_213 : f32 to vector<2000x1xf32>
    %mul3A_215 = arith.mulf %slice3A_211, %mul3A_214 : vector<2000x1xf32>
    %add3A_216 = arith.addf %mul3A_210, %mul3A_215 : vector<2000x1xf32>
    %slice3A_217 = vector.extract_strided_slice %get3A_202 {offsets = [0, 2], sizes = [2000, 1], strides = [1, 1]} : vector<2000x4xf32> to vector<2000x1xf32>
    %slice3A_218 = vector.extract_strided_slice %broadcast_in_dim3A_31 {offsets = [0, 8], sizes = [1, 1], strides = [1, 1]} : vector<1x16xf32> to vector<1x1xf32>
    %squeeze3A_219 = vector.extract %slice3A_218[0, 0] : f32 from vector<1x1xf32>
    %mul3A_220 = vector.broadcast %squeeze3A_219 : f32 to vector<2000x1xf32>
    %mul3A_221 = arith.mulf %slice3A_217, %mul3A_220 : vector<2000x1xf32>
    %add3A_222 = arith.addf %add3A_216, %mul3A_221 : vector<2000x1xf32>
    %sub3A_223 = arith.subf %sub3A_205, %add3A_222 : vector<2000x1xf32>
    %slice3A_224 = vector.extract_strided_slice %get3A_199 {offsets = [0, 1], sizes = [2000, 1], strides = [1, 1]} : vector<2000x4xf32> to vector<2000x1xf32>
    %slice3A_225 = vector.extract_strided_slice %get3A_196 {offsets = [0, 1], sizes = [2000, 1], strides = [1, 1]} : vector<2000x4xf32> to vector<2000x1xf32>
    %sub3A_226 = arith.subf %slice3A_224, %slice3A_225 : vector<2000x1xf32>
    %slice3A_227 = vector.extract_strided_slice %get3A_202 {offsets = [0, 0], sizes = [2000, 1], strides = [1, 1]} : vector<2000x4xf32> to vector<2000x1xf32>
    %slice3A_228 = vector.extract_strided_slice %broadcast_in_dim3A_31 {offsets = [0, 1], sizes = [1, 1], strides = [1, 1]} : vector<1x16xf32> to vector<1x1xf32>
    %squeeze3A_229 = vector.extract %slice3A_228[0, 0] : f32 from vector<1x1xf32>
    %mul3A_230 = vector.broadcast %squeeze3A_229 : f32 to vector<2000x1xf32>
    %mul3A_231 = arith.mulf %slice3A_227, %mul3A_230 : vector<2000x1xf32>
    %slice3A_232 = vector.extract_strided_slice %get3A_202 {offsets = [0, 1], sizes = [2000, 1], strides = [1, 1]} : vector<2000x4xf32> to vector<2000x1xf32>
    %slice3A_233 = vector.extract_strided_slice %broadcast_in_dim3A_31 {offsets = [0, 5], sizes = [1, 1], strides = [1, 1]} : vector<1x16xf32> to vector<1x1xf32>
    %squeeze3A_234 = vector.extract %slice3A_233[0, 0] : f32 from vector<1x1xf32>
    %mul3A_235 = vector.broadcast %squeeze3A_234 : f32 to vector<2000x1xf32>
    %mul3A_236 = arith.mulf %slice3A_232, %mul3A_235 : vector<2000x1xf32>
    %add3A_237 = arith.addf %mul3A_231, %mul3A_236 : vector<2000x1xf32>
    %slice3A_238 = vector.extract_strided_slice %get3A_202 {offsets = [0, 2], sizes = [2000, 1], strides = [1, 1]} : vector<2000x4xf32> to vector<2000x1xf32>
    %slice3A_239 = vector.extract_strided_slice %broadcast_in_dim3A_31 {offsets = [0, 9], sizes = [1, 1], strides = [1, 1]} : vector<1x16xf32> to vector<1x1xf32>
    %squeeze3A_240 = vector.extract %slice3A_239[0, 0] : f32 from vector<1x1xf32>
    %mul3A_241 = vector.broadcast %squeeze3A_240 : f32 to vector<2000x1xf32>
    %mul3A_242 = arith.mulf %slice3A_238, %mul3A_241 : vector<2000x1xf32>
    %add3A_243 = arith.addf %add3A_237, %mul3A_242 : vector<2000x1xf32>
    %sub3A_244 = arith.subf %sub3A_226, %add3A_243 : vector<2000x1xf32>
    %slice3A_245 = vector.extract_strided_slice %get3A_199 {offsets = [0, 2], sizes = [2000, 1], strides = [1, 1]} : vector<2000x4xf32> to vector<2000x1xf32>
    %slice3A_246 = vector.extract_strided_slice %get3A_196 {offsets = [0, 2], sizes = [2000, 1], strides = [1, 1]} : vector<2000x4xf32> to vector<2000x1xf32>
    %sub3A_247 = arith.subf %slice3A_245, %slice3A_246 : vector<2000x1xf32>
    %slice3A_248 = vector.extract_strided_slice %get3A_202 {offsets = [0, 0], sizes = [2000, 1], strides = [1, 1]} : vector<2000x4xf32> to vector<2000x1xf32>
    %slice3A_249 = vector.extract_strided_slice %broadcast_in_dim3A_31 {offsets = [0, 2], sizes = [1, 1], strides = [1, 1]} : vector<1x16xf32> to vector<1x1xf32>
    %squeeze3A_250 = vector.extract %slice3A_249[0, 0] : f32 from vector<1x1xf32>
    %mul3A_251 = vector.broadcast %squeeze3A_250 : f32 to vector<2000x1xf32>
    %mul3A_252 = arith.mulf %slice3A_248, %mul3A_251 : vector<2000x1xf32>
    %slice3A_253 = vector.extract_strided_slice %get3A_202 {offsets = [0, 1], sizes = [2000, 1], strides = [1, 1]} : vector<2000x4xf32> to vector<2000x1xf32>
    %slice3A_254 = vector.extract_strided_slice %broadcast_in_dim3A_31 {offsets = [0, 6], sizes = [1, 1], strides = [1, 1]} : vector<1x16xf32> to vector<1x1xf32>
    %squeeze3A_255 = vector.extract %slice3A_254[0, 0] : f32 from vector<1x1xf32>
    %mul3A_256 = vector.broadcast %squeeze3A_255 : f32 to vector<2000x1xf32>
    %mul3A_257 = arith.mulf %slice3A_253, %mul3A_256 : vector<2000x1xf32>
    %add3A_258 = arith.addf %mul3A_252, %mul3A_257 : vector<2000x1xf32>
    %slice3A_259 = vector.extract_strided_slice %get3A_202 {offsets = [0, 2], sizes = [2000, 1], strides = [1, 1]} : vector<2000x4xf32> to vector<2000x1xf32>
    %slice3A_260 = vector.extract_strided_slice %broadcast_in_dim3A_31 {offsets = [0, 10], sizes = [1, 1], strides = [1, 1]} : vector<1x16xf32> to vector<1x1xf32>
    %squeeze3A_261 = vector.extract %slice3A_260[0, 0] : f32 from vector<1x1xf32>
    %mul3A_262 = vector.broadcast %squeeze3A_261 : f32 to vector<2000x1xf32>
    %mul3A_263 = arith.mulf %slice3A_259, %mul3A_262 : vector<2000x1xf32>
    %add3A_264 = arith.addf %add3A_258, %mul3A_263 : vector<2000x1xf32>
    %sub3A_265 = arith.subf %sub3A_247, %add3A_264 : vector<2000x1xf32>
    %mul3A_266 = arith.mulf %sub3A_223, %sub3A_223 : vector<2000x1xf32>
    %mul3A_267 = arith.mulf %sub3A_244, %sub3A_244 : vector<2000x1xf32>
    %add3A_268 = arith.addf %mul3A_266, %mul3A_267 : vector<2000x1xf32>
    %mul3A_269 = arith.mulf %sub3A_265, %sub3A_265 : vector<2000x1xf32>
    %add3A_270 = arith.addf %add3A_268, %mul3A_269 : vector<2000x1xf32>
    %sqrt3A_271 = math.sqrt %add3A_270 : vector<2000x1xf32>
    %add3A_272 = arith.constant 9.99999996E-13 : f32
    %add3A_273 = vector.broadcast %add3A_272 : f32 to vector<2000x1xf32>
    %add3A_274 = arith.addf %sqrt3A_271, %add3A_273 : vector<2000x1xf32>
    %div3A_275 = arith.constant 1.000000e+00 : f32
    %div3A_276 = vector.broadcast %div3A_275 : f32 to vector<2000x1xf32>
    %div3A_277 = arith.divf %div3A_276, %add3A_274 : vector<2000x1xf32>
    %mul3A_278 = arith.mulf %sub3A_223, %div3A_277 : vector<2000x1xf32>
    %mul3A_279 = arith.mulf %sub3A_244, %div3A_277 : vector<2000x1xf32>
    %mul3A_280 = arith.mulf %sub3A_265, %div3A_277 : vector<2000x1xf32>
    %broadcast_in_dim3A_281 = arith.constant 1.000000e+00 : f32
    %broadcast_in_dim3A_282 = vector.broadcast %broadcast_in_dim3A_281 : f32 to vector<2000x1xf32>
    %mul3A_283 = arith.constant 1.73205078 : f32
    %mul3A_284 = vector.broadcast %mul3A_283 : f32 to vector<2000x1xf32>
    %mul3A_285 = arith.mulf %mul3A_284, %mul3A_278 : vector<2000x1xf32>
    %mul3A_286 = arith.constant 1.73205078 : f32
    %mul3A_287 = vector.broadcast %mul3A_286 : f32 to vector<2000x1xf32>
    %mul3A_288 = arith.mulf %mul3A_287, %mul3A_279 : vector<2000x1xf32>
    %mul3A_289 = arith.constant 1.73205078 : f32
    %mul3A_290 = vector.broadcast %mul3A_289 : f32 to vector<2000x1xf32>
    %mul3A_291 = arith.mulf %mul3A_290, %mul3A_280 : vector<2000x1xf32>
    %mul3A_292 = arith.constant 3.87298346 : f32
    %mul3A_293 = vector.broadcast %mul3A_292 : f32 to vector<2000x1xf32>
    %mul3A_294 = arith.mulf %mul3A_293, %mul3A_278 : vector<2000x1xf32>
    %mul3A_295 = arith.mulf %mul3A_294, %mul3A_279 : vector<2000x1xf32>
    %mul3A_296 = arith.constant 3.87298346 : f32
    %mul3A_297 = vector.broadcast %mul3A_296 : f32 to vector<2000x1xf32>
    %mul3A_298 = arith.mulf %mul3A_297, %mul3A_279 : vector<2000x1xf32>
    %mul3A_299 = arith.mulf %mul3A_298, %mul3A_280 : vector<2000x1xf32>
    %mul3A_300 = arith.constant 3.000000e+00 : f32
    %mul3A_301 = vector.broadcast %mul3A_300 : f32 to vector<2000x1xf32>
    %mul3A_302 = arith.mulf %mul3A_301, %mul3A_280 : vector<2000x1xf32>
    %mul3A_303 = arith.mulf %mul3A_302, %mul3A_280 : vector<2000x1xf32>
    %sub3A_304 = arith.constant 1.000000e+00 : f32
    %sub3A_305 = vector.broadcast %sub3A_304 : f32 to vector<2000x1xf32>
    %sub3A_306 = arith.subf %mul3A_303, %sub3A_305 : vector<2000x1xf32>
    %mul3A_307 = arith.constant 1.11803401 : f32
    %mul3A_308 = vector.broadcast %mul3A_307 : f32 to vector<2000x1xf32>
    %mul3A_309 = arith.mulf %mul3A_308, %sub3A_306 : vector<2000x1xf32>
    %mul3A_310 = arith.constant 3.87298346 : f32
    %mul3A_311 = vector.broadcast %mul3A_310 : f32 to vector<2000x1xf32>
    %mul3A_312 = arith.mulf %mul3A_311, %mul3A_278 : vector<2000x1xf32>
    %mul3A_313 = arith.mulf %mul3A_312, %mul3A_280 : vector<2000x1xf32>
    %mul3A_314 = arith.mulf %mul3A_278, %mul3A_278 : vector<2000x1xf32>
    %mul3A_315 = arith.mulf %mul3A_279, %mul3A_279 : vector<2000x1xf32>
    %sub3A_316 = arith.subf %mul3A_314, %mul3A_315 : vector<2000x1xf32>
    %mul3A_317 = arith.constant 1.93649173 : f32
    %mul3A_318 = vector.broadcast %mul3A_317 : f32 to vector<2000x1xf32>
    %mul3A_319 = arith.mulf %mul3A_318, %sub3A_316 : vector<2000x1xf32>
    %concatenate3A_320 = tpu.concatenate %broadcast_in_dim3A_282, %mul3A_285, %mul3A_288, %mul3A_291, %mul3A_295, %mul3A_299, %mul3A_309, %mul3A_313, %mul3A_319 in 1 : vector<2000x1xf32>, vector<2000x1xf32>, vector<2000x1xf32>, vector<2000x1xf32>, vector<2000x1xf32>, vector<2000x1xf32>, vector<2000x1xf32>, vector<2000x1xf32>, vector<2000x1xf32> -> vector<2000x9xf32>
    %iota3A_321 = tpu.iota {dimensions = array<i32: 1>} : vector<1x10xi32>
    %convert_element_type3A_322 = arith.sitofp %iota3A_321 : vector<1x10xi32> to vector<1x10xf32>
    %mul3A_323 = arith.constant 0.444444448 : f32
    %mul3A_324 = vector.broadcast %mul3A_323 : f32 to vector<1x10xf32>
    %mul3A_325 = arith.mulf %convert_element_type3A_322, %mul3A_324 : vector<1x10xf32>
    %sub3A_326 = vector.broadcast %sqrt3A_271 : vector<2000x1xf32> to vector<2000x10xf32>
    %sub3A_327 = vector.broadcast %mul3A_325 : vector<1x10xf32> to vector<2000x10xf32>
    %sub3A_328 = arith.subf %sub3A_326, %sub3A_327 : vector<2000x10xf32>
    %div3A_329 = arith.constant 0.444444448 : f32
    %div3A_330 = vector.broadcast %div3A_329 : f32 to vector<2000x10xf32>
    %div3A_331 = arith.divf %sub3A_328, %div3A_330 : vector<2000x10xf32>
    %neg3A_332 = arith.constant 0.000000e+00 : f32
    %neg3A_333 = vector.broadcast %neg3A_332 : f32 to vector<2000x10xf32>
    %neg3A_334 = arith.subf %neg3A_333, %div3A_331 : vector<2000x10xf32>
    %mul3A_335 = arith.mulf %neg3A_334, %div3A_331 : vector<2000x10xf32>
    %exp3A_336 = math.exp %mul3A_335 : vector<2000x10xf32>
    %mul3A_337 = arith.constant 1.120000e+00 : f32
    %mul3A_338 = vector.broadcast %mul3A_337 : f32 to vector<2000x10xf32>
    %mul3A_339 = arith.mulf %mul3A_338, %exp3A_336 : vector<2000x10xf32>
    %dot_general3A_340 = arith.constant dense<0.000000e+00> : vector<2000x100xf32>
    %dot_general3A_341 = tpu.matmul %mul3A_339, %get3A_1, %dot_general3A_340 {dimension_numbers = #tpu.dot_dimension_numbers<[1], [0], [0], [1], [0, 0, 1, 1], [], []>, precision = #tpu.contract_precision<fp32>, transpose_lhs_hint = false} : vector<2000x10xf32>, vector<10x100xf32>, vector<2000x100xf32> -> vector<2000x100xf32>
    %logistic3A_342 = arith.negf %dot_general3A_341 : vector<2000x100xf32>
    %logistic3A_343 = math.exp %logistic3A_342 : vector<2000x100xf32>
    %logistic3A_344 = arith.constant 1.000000e+00 : f32
    %logistic3A_345 = vector.broadcast %logistic3A_344 : f32 to vector<2000x100xf32>
    %logistic3A_346 = arith.addf %logistic3A_345, %logistic3A_343 : vector<2000x100xf32>
    %logistic3A_347 = arith.divf %logistic3A_345, %logistic3A_346 : vector<2000x100xf32>
    %mul3A_348 = arith.mulf %dot_general3A_341, %logistic3A_347 : vector<2000x100xf32>
    %dot_general3A_349 = arith.constant dense<0.000000e+00> : vector<2000x64xf32>
    %dot_general3A_350 = tpu.matmul %mul3A_348, %get3A_4, %dot_general3A_349 {dimension_numbers = #tpu.dot_dimension_numbers<[1], [0], [0], [1], [0, 0, 1, 1], [], []>, precision = #tpu.contract_precision<fp32>, transpose_lhs_hint = false} : vector<2000x100xf32>, vector<100x64xf32>, vector<2000x64xf32> -> vector<2000x64xf32>
    %dot_general3A_351 = arith.constant dense<0.000000e+00> : vector<2000x64xf32>
    %dot_general3A_352 = tpu.matmul %concatenate3A_320, %get3A_7, %dot_general3A_351 {dimension_numbers = #tpu.dot_dimension_numbers<[1], [0], [0], [1], [0, 0, 1, 1], [], []>, precision = #tpu.contract_precision<fp32>, transpose_lhs_hint = false} : vector<2000x9xf32>, vector<9x64xf32>, vector<2000x64xf32> -> vector<2000x64xf32>
    %mul3A_353 = arith.mulf %dot_general3A_350, %dot_general3A_352 : vector<2000x64xf32>
    %dot_general3A_354 = arith.constant dense<0.000000e+00> : vector<2000x100xf32>
    %dot_general3A_355 = tpu.matmul %mul3A_339, %get3A_10, %dot_general3A_354 {dimension_numbers = #tpu.dot_dimension_numbers<[1], [0], [0], [1], [0, 0, 1, 1], [], []>, precision = #tpu.contract_precision<fp32>, transpose_lhs_hint = false} : vector<2000x10xf32>, vector<10x100xf32>, vector<2000x100xf32> -> vector<2000x100xf32>
    %logistic3A_356 = arith.negf %dot_general3A_355 : vector<2000x100xf32>
    %logistic3A_357 = math.exp %logistic3A_356 : vector<2000x100xf32>
    %logistic3A_358 = arith.constant 1.000000e+00 : f32
    %logistic3A_359 = vector.broadcast %logistic3A_358 : f32 to vector<2000x100xf32>
    %logistic3A_360 = arith.addf %logistic3A_359, %logistic3A_357 : vector<2000x100xf32>
    %logistic3A_361 = arith.divf %logistic3A_359, %logistic3A_360 : vector<2000x100xf32>
    %mul3A_362 = arith.mulf %dot_general3A_355, %logistic3A_361 : vector<2000x100xf32>
    %dot_general3A_363 = arith.constant dense<0.000000e+00> : vector<2000x64xf32>
    %dot_general3A_364 = tpu.matmul %mul3A_362, %get3A_13, %dot_general3A_363 {dimension_numbers = #tpu.dot_dimension_numbers<[1], [0], [0], [1], [0, 0, 1, 1], [], []>, precision = #tpu.contract_precision<fp32>, transpose_lhs_hint = false} : vector<2000x100xf32>, vector<100x64xf32>, vector<2000x64xf32> -> vector<2000x64xf32>
    %dot_general3A_365 = arith.constant dense<0.000000e+00> : vector<2000x64xf32>
    %dot_general3A_366 = tpu.matmul %concatenate3A_320, %get3A_16, %dot_general3A_365 {dimension_numbers = #tpu.dot_dimension_numbers<[1], [0], [0], [1], [0, 0, 1, 1], [], []>, precision = #tpu.contract_precision<fp32>, transpose_lhs_hint = false} : vector<2000x9xf32>, vector<9x64xf32>, vector<2000x64xf32> -> vector<2000x64xf32>
    %mul3A_367 = arith.mulf %dot_general3A_364, %dot_general3A_366 : vector<2000x64xf32>
    %concatenate3A_368 = tpu.concatenate %mul3A_179, %mul3A_353 in 1 : vector<2000x64xf32>, vector<2000x64xf32> -> vector<2000x128xf32>
    %swap3A = arith.constant 0 : index
    %swap3A_369 = arith.constant 0 : index
    %swap3A_370 = vector.load %arg15[%swap3A, %swap3A_369] : memref<2000x128xf32, #tpu.memory_space<vmem>>, vector<2000x128xf32>
    tpu.vector_store %arg15[%swap3A, %swap3A_369], %concatenate3A_368 {strides = array<i32>} : memref<2000x128xf32, #tpu.memory_space<vmem>>, vector<2000x128xf32>,
    %concatenate3A_371 = tpu.concatenate %mul3A_193, %mul3A_367 in 1 : vector<2000x64xf32>, vector<2000x64xf32> -> vector<2000x128xf32>
    %swap3A_372 = arith.constant 0 : index
    %swap3A_373 = arith.constant 0 : index
    %swap3A_374 = vector.load %arg16[%swap3A_372, %swap3A_373] : memref<2000x128xf32, #tpu.memory_space<vmem>>, vector<2000x128xf32>
    tpu.vector_store %arg16[%swap3A_372, %swap3A_373], %concatenate3A_371 {strides = array<i32>} : memref<2000x128xf32, #tpu.memory_space<vmem>>, vector<2000x128xf32>,
    return
  }
  func.func @transform_0(%arg0: i32, %arg1: i32) -> (i32, i32) {
    %c0_i32 = arith.constant 0 : i32
    %c0_i32_0 = arith.constant 0 : i32
    %c0_i32_1 = arith.constant 0 : i32
    return %c0_i32, %c0_i32_0 : i32, i32
  }
  func.func @transform_1(%arg0: i32, %arg1: i32) -> (i32, i32) {
    %mul3A = arith.constant 100 : i32
    %mul3A_0 = arith.muli %arg0, %mul3A : i32
    %add3A = arith.addi %mul3A_0, %arg1 : i32
    %c0_i32 = arith.constant 0 : i32
    %c0_i32_1 = arith.constant 0 : i32
    return %add3A, %c0_i32 : i32, i32
  }
  func.func @transform_2(%arg0: i32, %arg1: i32) -> (i32, i32) {
    %mul3A = arith.constant 100 : i32
    %mul3A_0 = arith.muli %arg0, %mul3A : i32
    %add3A = arith.addi %mul3A_0, %arg1 : i32
    %c0_i32 = arith.constant 0 : i32
    %c0_i32_1 = arith.constant 0 : i32
    return %add3A, %c0_i32 : i32, i32
  }
  func.func @transform_3(%arg0: i32, %arg1: i32) -> (i32, i32) {
    %mul3A = arith.constant 100 : i32
    %mul3A_0 = arith.muli %arg0, %mul3A : i32
    %add3A = arith.addi %mul3A_0, %arg1 : i32
    %c0_i32 = arith.constant 0 : i32
    %c0_i32_1 = arith.constant 0 : i32
    return %add3A, %c0_i32 : i32, i32
  }
  func.func @transform_4(%arg0: i32, %arg1: i32) -> (i32, i32) {
    %mul3A = arith.constant 100 : i32
    %mul3A_0 = arith.muli %arg0, %mul3A : i32
    %add3A = arith.constant 200 : i32
    %add3A_1 = arith.addi %add3A, %mul3A_0 : i32
    %add3A_2 = arith.addi %add3A_1, %arg1 : i32
    %c0_i32 = arith.constant 0 : i32
    %c0_i32_3 = arith.constant 0 : i32
    return %add3A_2, %c0_i32 : i32, i32
  }
  func.func @transform_5(%arg0: i32, %arg1: i32) -> (i32, i32) {
    %mul3A = arith.constant 100 : i32
    %mul3A_0 = arith.muli %arg0, %mul3A : i32
    %add3A = arith.constant 200 : i32
    %add3A_1 = arith.addi %add3A, %mul3A_0 : i32
    %add3A_2 = arith.addi %add3A_1, %arg1 : i32
    %c0_i32 = arith.constant 0 : i32
    %c0_i32_3 = arith.constant 0 : i32
    return %add3A_2, %c0_i32 : i32, i32
  }
  func.func @transform_6(%arg0: i32, %arg1: i32) -> (i32, i32) {
    %mul3A = arith.constant 100 : i32
    %mul3A_0 = arith.muli %arg0, %mul3A : i32
    %add3A = arith.constant 200 : i32
    %add3A_1 = arith.addi %add3A, %mul3A_0 : i32
    %add3A_2 = arith.addi %add3A_1, %arg1 : i32
    %c0_i32 = arith.constant 0 : i32
    %c0_i32_3 = arith.constant 0 : i32
    return %add3A_2, %c0_i32 : i32, i32
  }
  func.func @transform_7(%arg0: i32, %arg1: i32) -> (i32, i32) {
    %c0_i32 = arith.constant 0 : i32
    %c0_i32_0 = arith.constant 0 : i32
    %c0_i32_1 = arith.constant 0 : i32
    return %c0_i32, %c0_i32_0 : i32, i32
  }
  func.func @transform_8(%arg0: i32, %arg1: i32) -> (i32, i32) {
    %c0_i32 = arith.constant 0 : i32
    %c0_i32_0 = arith.constant 0 : i32
    %c0_i32_1 = arith.constant 0 : i32
    return %c0_i32, %c0_i32_0 : i32, i32
  }
  func.func @transform_9(%arg0: i32, %arg1: i32) -> (i32, i32) {
    %c0_i32 = arith.constant 0 : i32
    %c0_i32_0 = arith.constant 0 : i32
    %c0_i32_1 = arith.constant 0 : i32
    return %c0_i32, %c0_i32_0 : i32, i32
  }
  func.func @transform_10(%arg0: i32, %arg1: i32) -> (i32, i32) {
    %c0_i32 = arith.constant 0 : i32
    %c0_i32_0 = arith.constant 0 : i32
    %c0_i32_1 = arith.constant 0 : i32
    return %c0_i32, %c0_i32_0 : i32, i32
  }
  func.func @transform_11(%arg0: i32, %arg1: i32) -> (i32, i32) {
    %c0_i32 = arith.constant 0 : i32
    %c0_i32_0 = arith.constant 0 : i32
    %c0_i32_1 = arith.constant 0 : i32
    return %c0_i32, %c0_i32_0 : i32, i32
  }
  func.func @transform_12(%arg0: i32, %arg1: i32) -> (i32, i32) {
    %c0_i32 = arith.constant 0 : i32
    %c0_i32_0 = arith.constant 0 : i32
    %c0_i32_1 = arith.constant 0 : i32
    return %c0_i32, %c0_i32_0 : i32, i32
  }
  func.func @transform_13(%arg0: i32, %arg1: i32) -> (i32, i32) {
    %mul3A = arith.constant 100 : i32
    %mul3A_0 = arith.muli %arg0, %mul3A : i32
    %add3A = arith.addi %mul3A_0, %arg1 : i32
    %c0_i32 = arith.constant 0 : i32
    %c0_i32_1 = arith.constant 0 : i32
    return %add3A, %c0_i32 : i32, i32
  }
  func.func @transform_14(%arg0: i32, %arg1: i32) -> (i32, i32) {
    %mul3A = arith.constant 100 : i32
    %mul3A_0 = arith.muli %arg0, %mul3A : i32
    %add3A = arith.addi %mul3A_0, %arg1 : i32
    %c0_i32 = arith.constant 0 : i32
    %c0_i32_1 = arith.constant 0 : i32
    return %add3A, %c0_i32 : i32, i32
  }
}

module attributes {stable_mosaic.version = 14 : i64} {
  func.func @_n1_body(%arg0: i32, %arg1: memref<1000x64xf32, #tpu.memory_space<vmem>>, %arg2: memref<1000x64xf32, #tpu.memory_space<vmem>>, %arg3: memref<64x64xf32, #tpu.memory_space<vmem>>, %arg4: memref<64x64xf32, #tpu.memory_space<vmem>>, %arg5: memref<1000x64xf32, #tpu.memory_space<vmem>>, %arg6: memref<1000x64xf32, #tpu.memory_space<vmem>>, %arg7: memref<1000x64xf32, #tpu.memory_space<vmem>>) attributes {dimension_semantics = [#tpu.dimension_semantics<arbitrary>], iteration_bounds = array<i64: 50>, scalar_prefetch = 0 : i64, scratch_operands = 0 : i64, tpu.core_type = #tpu.core_type<tc>, window_params = [{transform_indices = @transform_0, window_bounds = array<i64: 1000, 64>}, {transform_indices = @transform_1, window_bounds = array<i64: 1000, 64>}, {pipeline_mode = #tpu.pipeline_mode<synchronous>, transform_indices = @transform_2, window_bounds = array<i64: 64, 64>}, {pipeline_mode = #tpu.pipeline_mode<synchronous>, transform_indices = @transform_3, window_bounds = array<i64: 64, 64>}, {transform_indices = @transform_4, window_bounds = array<i64: 1000, 64>}, {transform_indices = @transform_5, window_bounds = array<i64: 1000, 64>}, {transform_indices = @transform_6, window_bounds = array<i64: 1000, 64>}]} {
    %get3A = arith.constant 0 : index
    %get3A_0 = arith.constant 0 : index
    %get3A_1 = vector.load %arg1[%get3A, %get3A_0] : memref<1000x64xf32, #tpu.memory_space<vmem>>, vector<1000x64xf32>
    %get3A_2 = arith.constant 0 : index
    %get3A_3 = arith.constant 0 : index
    %get3A_4 = vector.load %arg2[%get3A_2, %get3A_3] : memref<1000x64xf32, #tpu.memory_space<vmem>>, vector<1000x64xf32>
    %mul3A = arith.constant 2.500000e-01 : f32
    %mul3A_5 = vector.broadcast %mul3A : f32 to vector<1000x64xf32>
    %mul3A_6 = arith.mulf %mul3A_5, %get3A_4 : vector<1000x64xf32>
    %add3A = arith.addf %get3A_1, %mul3A_6 : vector<1000x64xf32>
    %logistic3A = arith.negf %add3A : vector<1000x64xf32>
    %logistic3A_7 = math.exp %logistic3A : vector<1000x64xf32>
    %logistic3A_8 = arith.constant 1.000000e+00 : f32
    %logistic3A_9 = vector.broadcast %logistic3A_8 : f32 to vector<1000x64xf32>
    %logistic3A_10 = arith.addf %logistic3A_9, %logistic3A_7 : vector<1000x64xf32>
    %logistic3A_11 = arith.divf %logistic3A_9, %logistic3A_10 : vector<1000x64xf32>
    %mul3A_12 = arith.mulf %add3A, %logistic3A_11 : vector<1000x64xf32>
    %swap3A = arith.constant 0 : index
    %swap3A_13 = arith.constant 0 : index
    %swap3A_14 = vector.load %arg5[%swap3A, %swap3A_13] : memref<1000x64xf32, #tpu.memory_space<vmem>>, vector<1000x64xf32>
    tpu.vector_store %arg5[%swap3A, %swap3A_13], %mul3A_12 {strides = array<i32>} : memref<1000x64xf32, #tpu.memory_space<vmem>>, vector<1000x64xf32>,
    %get3A_15 = arith.constant 0 : index
    %get3A_16 = arith.constant 0 : index
    %get3A_17 = vector.load %arg3[%get3A_15, %get3A_16] : memref<64x64xf32, #tpu.memory_space<vmem>>, vector<64x64xf32>
    %dot_general3A = arith.constant dense<0.000000e+00> : vector<1000x64xf32>
    %dot_general3A_18 = tpu.matmul %mul3A_12, %get3A_17, %dot_general3A {dimension_numbers = #tpu.dot_dimension_numbers<[1], [0], [0], [1], [0, 0, 1, 1], [], []>, precision = #tpu.contract_precision<fp32>, transpose_lhs_hint = false} : vector<1000x64xf32>, vector<64x64xf32>, vector<1000x64xf32> -> vector<1000x64xf32>
    %swap3A_19 = arith.constant 0 : index
    %swap3A_20 = arith.constant 0 : index
    %swap3A_21 = vector.load %arg6[%swap3A_19, %swap3A_20] : memref<1000x64xf32, #tpu.memory_space<vmem>>, vector<1000x64xf32>
    tpu.vector_store %arg6[%swap3A_19, %swap3A_20], %dot_general3A_18 {strides = array<i32>} : memref<1000x64xf32, #tpu.memory_space<vmem>>, vector<1000x64xf32>,
    %get3A_22 = arith.constant 0 : index
    %get3A_23 = arith.constant 0 : index
    %get3A_24 = vector.load %arg4[%get3A_22, %get3A_23] : memref<64x64xf32, #tpu.memory_space<vmem>>, vector<64x64xf32>
    %dot_general3A_25 = arith.constant dense<0.000000e+00> : vector<1000x64xf32>
    %dot_general3A_26 = tpu.matmul %mul3A_12, %get3A_24, %dot_general3A_25 {dimension_numbers = #tpu.dot_dimension_numbers<[1], [0], [0], [1], [0, 0, 1, 1], [], []>, precision = #tpu.contract_precision<fp32>, transpose_lhs_hint = false} : vector<1000x64xf32>, vector<64x64xf32>, vector<1000x64xf32> -> vector<1000x64xf32>
    %swap3A_27 = arith.constant 0 : index
    %swap3A_28 = arith.constant 0 : index
    %swap3A_29 = vector.load %arg7[%swap3A_27, %swap3A_28] : memref<1000x64xf32, #tpu.memory_space<vmem>>, vector<1000x64xf32>
    tpu.vector_store %arg7[%swap3A_27, %swap3A_28], %dot_general3A_26 {strides = array<i32>} : memref<1000x64xf32, #tpu.memory_space<vmem>>, vector<1000x64xf32>,
    return
  }
  func.func @transform_0(%arg0: i32) -> (i32, i32) {
    %c0_i32 = arith.constant 0 : i32
    %c0_i32_0 = arith.constant 0 : i32
    return %arg0, %c0_i32 : i32, i32
  }
  func.func @transform_1(%arg0: i32) -> (i32, i32) {
    %c0_i32 = arith.constant 0 : i32
    %c0_i32_0 = arith.constant 0 : i32
    return %arg0, %c0_i32 : i32, i32
  }
  func.func @transform_2(%arg0: i32) -> (i32, i32) {
    %c0_i32 = arith.constant 0 : i32
    %c0_i32_0 = arith.constant 0 : i32
    %c0_i32_1 = arith.constant 0 : i32
    return %c0_i32, %c0_i32_0 : i32, i32
  }
  func.func @transform_3(%arg0: i32) -> (i32, i32) {
    %c0_i32 = arith.constant 0 : i32
    %c0_i32_0 = arith.constant 0 : i32
    %c0_i32_1 = arith.constant 0 : i32
    return %c0_i32, %c0_i32_0 : i32, i32
  }
  func.func @transform_4(%arg0: i32) -> (i32, i32) {
    %c0_i32 = arith.constant 0 : i32
    %c0_i32_0 = arith.constant 0 : i32
    return %arg0, %c0_i32 : i32, i32
  }
  func.func @transform_5(%arg0: i32) -> (i32, i32) {
    %c0_i32 = arith.constant 0 : i32
    %c0_i32_0 = arith.constant 0 : i32
    return %arg0, %c0_i32 : i32, i32
  }
  func.func @transform_6(%arg0: i32) -> (i32, i32) {
    %c0_i32 = arith.constant 0 : i32
    %c0_i32_0 = arith.constant 0 : i32
    return %arg0, %c0_i32 : i32, i32
  }
}

module attributes {stable_mosaic.version = 14 : i64} {
  func.func @_n2_body(%arg0: i32, %arg1: memref<1000x64xf32, #tpu.memory_space<vmem>>, %arg2: memref<1000x64xf32, #tpu.memory_space<vmem>>, %arg3: memref<1000x64xf32, #tpu.memory_space<vmem>>) attributes {dimension_semantics = [#tpu.dimension_semantics<arbitrary>], iteration_bounds = array<i64: 50>, scalar_prefetch = 0 : i64, scratch_operands = 0 : i64, tpu.core_type = #tpu.core_type<tc>, window_params = [{transform_indices = @transform_0, window_bounds = array<i64: 1000, 64>}, {transform_indices = @transform_1, window_bounds = array<i64: 1000, 64>}, {transform_indices = @transform_2, window_bounds = array<i64: 1000, 64>}]} {
    %get3A = arith.constant 0 : index
    %get3A_0 = arith.constant 0 : index
    %get3A_1 = vector.load %arg1[%get3A, %get3A_0] : memref<1000x64xf32, #tpu.memory_space<vmem>>, vector<1000x64xf32>
    %get3A_2 = arith.constant 0 : index
    %get3A_3 = arith.constant 0 : index
    %get3A_4 = vector.load %arg2[%get3A_2, %get3A_3] : memref<1000x64xf32, #tpu.memory_space<vmem>>, vector<1000x64xf32>
    %mul3A = arith.constant 2.500000e-01 : f32
    %mul3A_5 = vector.broadcast %mul3A : f32 to vector<1000x64xf32>
    %mul3A_6 = arith.mulf %mul3A_5, %get3A_4 : vector<1000x64xf32>
    %add3A = arith.addf %get3A_1, %mul3A_6 : vector<1000x64xf32>
    %logistic3A = arith.negf %add3A : vector<1000x64xf32>
    %logistic3A_7 = math.exp %logistic3A : vector<1000x64xf32>
    %logistic3A_8 = arith.constant 1.000000e+00 : f32
    %logistic3A_9 = vector.broadcast %logistic3A_8 : f32 to vector<1000x64xf32>
    %logistic3A_10 = arith.addf %logistic3A_9, %logistic3A_7 : vector<1000x64xf32>
    %logistic3A_11 = arith.divf %logistic3A_9, %logistic3A_10 : vector<1000x64xf32>
    %mul3A_12 = arith.mulf %add3A, %logistic3A_11 : vector<1000x64xf32>
    %swap3A = arith.constant 0 : index
    %swap3A_13 = arith.constant 0 : index
    %swap3A_14 = vector.load %arg3[%swap3A, %swap3A_13] : memref<1000x64xf32, #tpu.memory_space<vmem>>, vector<1000x64xf32>
    tpu.vector_store %arg3[%swap3A, %swap3A_13], %mul3A_12 {strides = array<i32>} : memref<1000x64xf32, #tpu.memory_space<vmem>>, vector<1000x64xf32>,
    return
  }
  func.func @transform_0(%arg0: i32) -> (i32, i32) {
    %c0_i32 = arith.constant 0 : i32
    %c0_i32_0 = arith.constant 0 : i32
    return %arg0, %c0_i32 : i32, i32
  }
  func.func @transform_1(%arg0: i32) -> (i32, i32) {
    %c0_i32 = arith.constant 0 : i32
    %c0_i32_0 = arith.constant 0 : i32
    return %arg0, %c0_i32 : i32, i32
  }
  func.func @transform_2(%arg0: i32) -> (i32, i32) {
    %c0_i32 = arith.constant 0 : i32
    %c0_i32_0 = arith.constant 0 : i32
    return %arg0, %c0_i32 : i32, i32
  }
}

</mosaic_0001>

<sc_bundles>
// kernel: kernel.12.cloned.1.call-start
scs
__scs_entry_jumppad:
0x0: {  	(pc) =	sbr.rel $0x88, $3  }
0x1: {  	(tag) =	ssettag $0x0;
	lr =	simm.s32 $0x1  }
0x2: {  	[smem:$0x3F92] =	sst lr;
	_ =	strace $0xD0000000  }
0x3: {  	_ = 	snop  }
0x4: {  	_ = 	snop  }
0x5: {  	_ = 	snop  }
0x6: {  	_ = 	snop  }
0x7: {  	_ = 	snop  }
__scs_overlays_trampoline_lowered:
0x8: {  	[smem:$0x3FA1] =	sst s0  }
0x9: {  	[smem:$0x3FA2] =	sst s1  }
0xa: {  	[smem:$0x3FA3] =	sst s2  }
0xb: {  	[smem:$0x3FA4] =	sst s3  }
0xc: {  	[smem:$0x3FA5] =	sst s4  }
0xd: {  	[smem:$0x3FA6] =	sst s5  }
0xe: {  	[smem:$0x3FA7] =	sst s6  }
0xf: {  	[smem:$0x3FA8] =	sst s7  }
0x10: {  	[smem:$0x3FA9] =	sst s8  }
0x11: {  	[smem:$0x3FAA] =	sst s9;
	s0 =	simm.s32 @!p0 $0x0  }
0x12: {  	s1 =	sld [smem:$0x3F90];
	s0 =	simm.s32 @p0 $0x1  }
0x13: {  	[smem:$0x3FAB] =	sst s0;
	s0 =	simm.s32 @!p1 $0x0  }
0x14: {  	s2 =	sld [smem:$0x3F8F];
	s0 =	simm.s32 @p1 $0x1  }
0x15: {  	[smem:$0x3FAC] =	sst s0;
	s0 =	simm.s32 @!p2 $0x0  }
0x16: {  	s3 =	sld [smem:$0x3FDB];
	s0 =	simm.s32 @p2 $0x1  }
0x17: {  	s4 =	simm.s32 $0x1BF5;
	[smem:$0x3FAE] =	sst s0  }
0x18: {  	s0 =	sld [smem:$0x3F91];
	_ =	swait.ge [sflag:s4], $0x0  }
0x19: {  	s7 =	sld [smem:$0x3F92]  }
0x1a: {  	s8 =	sadd.s32 $0xFFFFE003, lr  }
0x1b: {  	s9 =	sadd.s32 $0xFFFFFEF7, lr;
	s5 =	simm.s32 $0xFFFFFFFF;
	p2 =	slt.u32 s8, $0xFFFFF086  }
0x1c: {  	p1 =	slt.u32 s9, $0xF7A;
	s5 =	simm.s32 @!p2 $0x0  }
0x1d: {  	s5 =	simm.s32 @p1 $0x1;
	p0 =	seq.s32 s7, s2  }
0x1e: {  	s7 =	smul.u32 @!p0 $0xF7A, s2;
	p2 =	seq.s32 @!p0 s5, $0x0  }
0x1f: {  	s9 =	smul.u32 $0xF7A, s1;
	s8 =	simm.s32 @!p0 $0x1BF5;
	p2 =	por !p2, p0  }
0x20: {  	[sflag:s8] =	ssyncset.s32 @!p0 $0xFFFFF086;
	s6 =	sadd.s32 @!p0 s3, s7;
	s7 =	simm.s32 @!p0 $0x108  }
0x21: {  	s3 =	sadd.s32 s3, s9;
	s6 =	sadd.s32 @!p0 $0x88, s6;
	s7 =	simm.s32 @p2 $0x1082  }
0x22: {  	[simem:s7], [sflag:s8] =	dma.local @!p0 [hbm:s6], $0xF7A  }
0x23: {  	s9 =	sor.u32 $0xD0000000, s2;
	s6 =	simm.s32 $0x108;
	_ =	swait.ge @!p0 [sflag:s8], $0x0  }
0x24: {  	s3 =	sadd.s32 $0x88, s3;
	s6 =	simm.s32 @!p1 $0x1082;
	[sflag:s4] =	ssyncset.s32 $0xFFFFF086  }
0x25: {  	[simem:s6], [sflag:s4] =	dma.local [hbm:s3], $0xF7A  }
0x26: {  	[smem:$0x3F92] =	sst s1;
	(tag) =	ssettag s2;
	_ =	strace s9  }
0x27: {  	s1 =	sld [smem:$0x3FA2]  }
0x28: {  	s2 =	sld [smem:$0x3FA3]  }
0x29: {  	s4 =	sld [smem:$0x3FA5]  }
0x2a: {  	p0 =	seq.s32 s5, $0x0;
	s5 =	sld [smem:$0x3FA6]  }
0x2b: {  	s6 =	sld [smem:$0x3FA7]  }
0x2c: {  	s7 =	sld [smem:$0x3FA8]  }
0x2d: {  	s3 =	simm.s32 $0x108;
	s8 =	sld [smem:$0x3FA9]  }
0x2e: {  	s3 =	simm.s32 @!p0 $0x1082;
	s9 =	sld [smem:$0x3FAA]  }
0x2f: {  	lr =	sadd.s32 s0, s3;
	s0 =	sld [smem:$0x3FA1]  }
0x30: {  	s3 =	sld [smem:$0x3FA4]  }
0x31: {  	[smem:$0x3FAD] =	sst s10  }
0x32: {  	s10 =	sld [smem:$0x3FAB];
	_ =	sdelay $0x3  }
0x33: {  	p0 =	seq.s32 s10, $0x1;
	s10 =	sld [smem:$0x3FAD];
	_ =	sdelay $0x3  }
0x34: {  	[smem:$0x3FAD] =	sst s10  }
0x35: {  	s10 =	sld [smem:$0x3FAC];
	_ =	sdelay $0x3  }
0x36: {  	p1 =	seq.s32 s10, $0x1;
	s10 =	sld [smem:$0x3FAD];
	_ =	sdelay $0x3  }
0x37: {  	[smem:$0x3FAD] =	sst s10  }
0x38: {  	s10 =	sld [smem:$0x3FAE]  }
0x39: {  	_ = 	snop;
	(pc) =	sbr.ind lr, $3  }
0x3a: {  	_ = 	snop  }
0x3b: {  	_ = 	snop  }
0x3c: {  	p2 =	seq.s32 s10, $0x1;
	s10 =	sld [smem:$0x3FAD]  }
0x3d: {  	_ =	shalt  }
0x3e: {  	_ =	shalt  }
0x3f: {  	_ =	shalt  }
0x40: {  	_ =	shalt  }
0x41: {  	_ =	shalt  }
0x42: {  	_ =	shalt  }
0x43: {  	_ =	shalt  }
0x44: {  	_ =	shalt  }
0x45: {  	_ =	shalt  }
0x46: {  	_ =	shalt  }
0x47: {  	_ =	shalt  }
0x48: {  	_ =	shalt  }
0x49: {  	_ =	shalt  }
0x4a: {  	_ =	shalt  }
0x4b: {  	_ =	shalt  }
0x4c: {  	_ =	shalt  }
0x4d: {  	_ =	shalt  }
0x4e: {  	_ =	shalt  }
0x4f: {  	_ =	shalt  }
0x50: {  	_ =	shalt  }
0x51: {  	_ =	shalt  }
0x52: {  	_ =	shalt  }
0x53: {  	_ =	shalt  }
0x54: {  	_ =	shalt  }
0x55: {  	_ =	shalt  }
0x56: {  	_ =	shalt  }
0x57: {  	_ =	shalt  }
0x58: {  	_ =	shalt  }
0x59: {  	_ =	shalt  }
0x5a: {  	_ =	shalt  }
0x5b: {  	_ =	shalt  }
0x5c: {  	_ =	shalt  }
0x5d: {  	_ =	shalt  }
0x5e: {  	_ =	shalt  }
0x5f: {  	_ =	shalt  }
0x60: {  	_ =	shalt  }
0x61: {  	_ =	shalt  }
0x62: {  	_ =	shalt  }
0x63: {  	_ =	shalt  }
0x64: {  	_ =	shalt  }
0x65: {  	_ =	shalt  }
0x66: {  	_ =	shalt  }
0x67: {  	_ =	shalt  }
0x68: {  	_ =	shalt  }
0x69: {  	_ =	shalt  }
0x6a: {  	_ =	shalt  }
0x6b: {  	_ =	shalt  }
0x6c: {  	_ =	shalt  }
0x6d: {  	_ =	shalt  }
0x6e: {  	_ =	shalt  }
0x6f: {  	_ =	shalt  }
0x70: {  	_ =	shalt  }
0x71: {  	_ =	shalt  }
0x72: {  	_ =	shalt  }
0x73: {  	_ =	shalt  }
0x74: {  	_ =	shalt  }
0x75: {  	_ =	shalt  }
0x76: {  	_ =	shalt  }
0x77: {  	_ =	shalt  }
0x78: {  	_ =	shalt  }
0x79: {  	_ =	shalt  }
0x7a: {  	_ =	shalt  }
0x7b: {  	_ =	shalt  }
0x7c: {  	_ =	shalt  }
0x7d: {  	_ =	shalt  }
0x7e: {  	_ =	shalt  }
0x7f: {  	_ =	shalt  }
0x80: {  	_ =	shalt  }
0x81: {  	_ =	shalt  }
0x82: {  	_ =	shalt  }
0x83: {  	_ =	shalt  }
0x84: {  	_ =	shalt  }
0x85: {  	_ =	shalt  }
0x86: {  	_ =	shalt  }
0x87: {  	_ =	shalt  }
.Lfunc_end0:
.L_simem_size_0:
called_computation.1_lowered:
.L_overlay_start_0:
0x88: {  	s2 =	sld [smem:$0x3FD9]  }
0x89: {  	s3 =	sld [smem:$0x3FFE];
	_ =	sdelay $0x1  }
0x8a: {  	s1 =	srdreg.scid  }
0x8b: {  	s0 =	sand.u32 $0x1, s1  }
0x8c: {  	s14 =	sshll.u32 s0, $0xA;
	s2 =	sadd.s32 s3, s2  }
0x8d: {  	s2 =	sadd.s32 s2, s14  }
0x8e: {  	[smem:$0x3FB9] =	sst s2  }
0x8f: {  	_ = 	snop  }
0x90: {  	s2 =	sld [smem:$0x3FD0];
	_ =	sdelay $0x2  }
0x91: {  	s15 =	simm.s32 $0xA;
	s4 =	simm.s32 $0x10  }
0x92: {  	[smem:s4], [sflag:s15] =	dma.local [hbm:s2], $0x1  }
0x93: {  	_ =	swait.eq [sflag:s15], $0x1  }
0x94: {  	[sflag:s15] =	ssyncset.done $0x0  }
0x95: {  	[sflag:s15] =	ssyncadd.s32 $0xFFFFFFFF  }
0x96: {  	s16 =	sld [smem:$0x11];
	(tm) =	ssettm $0x1  }
0x97: {  	s17 =	sld [smem:$0x3FFB];
	_ =	sdelay $0x3  }
0x98: {  	_ =	strace s17  }
0x99: {  	s3 =	sld [smem:$0x3FFC];
	_ =	sdelay $0x3  }
0x9a: {  	_ =	strace s3  }
0x9b: {  	s3 =	sld [smem:$0x3FFD];
	_ =	sdelay $0x3  }
0x9c: {  	_ =	strace s3  }
0x9d: {  	_ =	strace $0x8FFFFFFF  }
0x9e: {  	s18 =	sld [smem:$0x3FDB];
	_ =	sdelay $0x1  }
0x9f: {  	s19 =	simm.s32 $_scs_section_size  }
0xa0: {  	s5 =	simm.s32 $_size__tile_overlayer_lowered;
	s6 =	simm.s32 $_tile_overlayer_lowered  }
0xa1: {  	s22 =	simm.s32 $0x1BFF;
	s21 =	sshll.u32 s6, $0x1;
	s3 =	sadd.s32 s19, s18  }
0xa2: {  	s7 =	simm.s32 $0x0;
	s20 =	sshll.u32 s5, $0x1;
	s5 =	sadd.s32 s21, s3  }
0xa3: {  	[timem:s7], [sflag:s22] =	dma.local [hbm:s5], s20  }
0xa4: {  	_ =	swait.ge [sflag:s22], s20  }
0xa5: {  	s4 =	ssub.s32 $0x0, s20;
	[sflag:s22] =	ssyncset.done $0x0  }
0xa6: {  	[sflag:s22] =	ssyncadd.s32 s4;
	_ =	sdelay $0x1  }
0xa7: {  	s23 =	simm.s32 $0x1B8B  }
0xa8: {  	_ =	swait.ge [sflag:s23], $0x1  }
0xa9: {  	[sflag:s23] =	ssyncset.done $0x0  }
0xaa: {  	s25 =	simm.s32 $0x1B8E;
	s24 =	sld [smem:$0x3FFE];
	[sflag:s23] =	ssyncadd.s32 $0xFFFFFFFF  }
0xab: {  	s26 =	simm.s32 $execute0_lowered;
	[smem:$0x3FD2] =	sst s25  }
0xac: {  	s5 =	sshll.u32 s26, $0x1;
	_ =	strace $0x80000049;
	[dreg:$0x1] =	wrdreg $0xFFFFFFFF  }
0xad: {  	s28 =	simm.s32 $_size_execute0_lowered;
	s3 =	sadd.s32 s3, s5;
	[dreg:$0x0] =	wrdreg $0x0  }
0xae: {  	s5 =	sshll.u32 s28, $0x1;
	[dreg:$0x2] =	wrdreg s3  }
0xaf: {  	[dreg:$0x3] =	wrdreg s5  }
0xb0: {  	[dreg:$0x4] =	wrdreg $0xC0  }
0xb1: {  	_ =	task [dreg:s7], $0x5FFFF  }
0xb2: {  	[dreg:$0x1] =	wrdreg $0xFFFFFFFF  }
0xb3: {  	[dreg:$0x0] =	wrdreg $0x60  }
0xb4: {  	[dreg:$0x2] =	wrdreg s24  }
0xb5: {  	[dreg:$0x3] =	wrdreg s16  }
0xb6: {  	[dreg:$0x4] =	wrdreg $0xAD800  }
0xb7: {  	[dreg:$0x5] =	wrdreg $0x9  }
0xb8: {  	_ =	task.clear_ibuf [dreg:s7], $0x6FFFF;
	_ =	strace $0x90000049  }
0xb9: {  	s29 =	simm.s32 $0x9;
	_ =	strace $0x8000004B  }
0xba: {  	_ =	swait.ge [sflag:s29], $0x1  }
0xbb: {  	[sflag:s29] =	ssyncadd.s32 $0xFFFFFFFF  }
0xbc: {  	_ =	strace $0x9000004B  }
0xbd: {  	_ =	sfence  }
0xbe: {  	s30 =	sld [smem:$0x0];
	_ =	sdelay $0x2  }
0xbf: {  	s31 =	sshll.u32 s1, $0xD;
	s1 =	sshrl.u32 s1, $0x2  }
0xc0: {  	s3 =	sand.u32 $0x4000, s31;
	s1 =	sadd.s32 s1, s30  }
0xc1: {  	s0 =	sor.u32 s3, s0;
	s1 =	sshll.u32 s1, $0x11  }
0xc2: {  	s0 =	sor.u32 s1, s0  }
0xc3: {  	s0 =	sadd.s32 $0x8F2B, s0  }
0xc4: {  	[sflag:s0] =	ssyncadd.remote.s32 $0x1  }
0xc5: {  	_ =	sfence.sel $0xFFFF  }
0xc6: {  	[dreg:$0x0] =	wrdreg $0xFFFFFFFF;
	(pc) =	sbr.abs _section_cstart, $3  }
0xc7: {  	[dreg:$0x1] =	wrdreg $0xFFFFFFFF  }
0xc8: {  	_ =	task.clear_ibuf [dreg:s7], $0x2FFFF;
	_ =	strace $0x9FFFFFFF  }
0xc9: {  	(tm) =	ssettm $0x7FFFFFFF  }
tec
execute0_lowered:
.L_overlay_start_1:
0x0: {  	(tag) =	ssettag $0x1  }
0x1: {  	s0 =	rddreg [dreg:$0x0]  }
0x2: {  	s2 =	rddreg [dreg:$0x1]  }
0x3: {  	s3 =	rddreg [dreg:$0x2];
	s5 =	srdreg.scid  }
0x4: {  	s1 =	stileid.u32;
	s4 =	simm.s32 $0x0;
	s28 =	simm.s32 $0x9180  }
0x5: {  	s29 =	simm.s32 $0x2;
	s30 =	simm.s32 $0x3;
	s31 =	simm.s32 $0x80  }
0x6: {  	s16 =	sand.u32 $0x1, s5;
	s9 =	smul.u32 $0xC400, s1;
	[smem:$0x7FF] =	sst s4  }
0x7: {  	s5 =	sadd.s32 $0x1CA00, s0;
	s10 =	smul.u32 $0x31000, s1;
	s7 =	sadd.s32 $0x4BD200, s0  }
0x8: {  	s21 =	sadd.s32 $0x7CA200, s0;
	p1 =	sne.s32 s1, $0xF;
	s6 =	smul.u32 $0x188000, s16  }
0x9: {  	_ =	strace $0x8000004A;
	s11 =	ssub.s32 $0x2, s16;
	p0 =	seq.s32 s16, $0x1  }
0xa: {  	[dreg:$0x6] =	wrdreg s21;
	s24 =	sshrl.u32 s10, $0x2;
	s25 =	sshrl.u32 s11, $0x1  }
0xb: {  	s8 =	sadd.s32 s9, s6;
	s6 =	sadd.s32 $0x4200, s0;
	s15 =	sadd.s32 s24, s3  }
0xc: {  	s18 =	ssub.s32 s11, s25;
	s9 =	sadd.s32 s9, s3;
	s8 =	sshrl.u32 s8, $0x3  }
0xd: {  	s10 =	sadd.s32 $0x1C00, s15;
	s17 =	sadd.s32 s8, s0;
	s8 =	smul.u32 $0x61A80, s16  }
0xe: {  	s11 =	sadd.s32 $0x3800, s15;
	s12 =	sadd.s32 $0x5400, s15;
	s13 =	sadd.s32 $0x7000, s15  }
0xf: {  	s14 =	sadd.s32 $0x8C00, s15;
	s23 =	sadd.s32 $0x35200, s17;
	s19 =	sshrl.u32 s8, $0x3  }
0x10: {  	s25 =	sadd.s32 $0x4DA00, s17;
	[dreg:$0x7] =	wrdreg s23;
	s20 =	sadd.s32 $0x61A0, s19  }
0x11: {  	s15 =	sadd.s32 $0xA800, s15;
	[dreg:$0xb] =	wrdreg s25;
	s26 =	sadd.s32 s5, s20  }
0x12: {  	s22 =	sadd.s32 $0xC348, s19;
	s20 =	sadd.s32 s6, s20;
	[dreg:$0x4] =	wrdreg s26  }
.Ltmp0:
0x13: {  	s24 =	sadd.s32 s5, s22;
	[dreg:$0x5] =	wrdreg s20;
	(pc) =	sbr.rel .LBB2_1-.Ltmp0, $4  }
0x14: {  	s17 =	simm.s32 $0x2100;
	s16 =	sadd.s32 s6, s22;
	[dreg:$0x8] =	wrdreg s24  }
0x15: {  	s20 =	sadd.s32 $0x7CA600, s0;
	[dreg:$0x9] =	wrdreg s16;
	s0 =	sadd.s32 $0xAD7600, s0  }
0x16: {  	s26 =	smax.u32 s18, $0x1;
	s16 =	simm.s32 $0x1;
	[dreg:$0xa] =	wrdreg s0  }
0x17: {  	v0 =	vimm.f32 $0.0e+00;
	[dreg:$0xc] =	wrdreg s26;
	s26 =	sadd.s32 $0x30D40, s8;
	s0 =	simm.s32 $0x100  }
.LBB2_42:
0x18: {  	s21 =	simm.s32 $0x6140;
	s22 =	simm.s32 $0x40;
	s23 =	simm.s32 $0x6180  }
0x19: {  	[spmem:s3] =	stream.indirect.scatter.add.f32 [tilespmem:s23], [sflag:$0x2], $0x40, s21, s22, $0xb8;
	[tilespmem:$0x17180] =	vst v63  }
0x1a: {  	_ =	swait.ge [sflag:s29], $0x1000  }
0x1b: {  	[sflag:s29] =	ssyncset.done $0x0  }
0x1c: {  	[sflag:s29] =	ssyncadd.s32 $0xFFFFF000  }
.LBB2_43:
0x1d: {  	[bflag:$0x0] =	sbarrier.arrive $0xFFFF  }
0x1e: {  	s21 =	rddreg [dreg:$0xb]  }
0x1f: {  	[hbm:s21], [sflag:s19] =	dma.local [spmem:s18], $0x1880  }
0x20: {  	_ =	swait.ge [sflag:s29], $0x1880  }
0x21: {  	s4 =	sadd.s32 $0x1, s4;
	s25 =	rddreg [dreg:$0xc]  }
0x22: {  	p2 =	sne.s32 s4, s25  }
.Ltmp1:
0x23: {  	_ = 	snop;
	(pc) =	sbr.rel @!p2 .LBB2_44-.Ltmp1, $3  }
0x24: {  	_ =	sdelay $0x1  }
0x25: {  	[sflag:s29] =	ssyncset.done $0x0  }
0x26: {  	[sflag:s29] =	ssyncadd.s32 $0xFFFFE780  }
.LBB2_1:
0x27: {  	s19 =	simm.s32 $0x100;
	s18 =	simm.s32 $0x0  }
.LBB2_2:
0x28: {  	p2 =	sne.s32 s19, $0x6F00;
	[tilespmem:s18+$0x91B0] =	vst v0;
	s21 =	smov.u32 s19;
	s19 =	sadd.s32 $0x100, s19  }
.Ltmp2:
0x29: {  	[tilespmem:s18+$0x91A0] =	vst v0;
	(pc) =	sbr.rel @p2 .LBB2_2-.Ltmp2, $3  }
0x2a: {  	[tilespmem:s18+$0x9180] =	vst v0  }
0x2b: {  	[tilespmem:s18+$0x9190] =	vst v0;
	_ =	sdelay $0x1  }
0x2c: {  	s18 =	sshra.s32 s21, $0x2  }
0x2d: {  	[tilespmem:s18+$0x91B0] =	vst v0  }
0x2e: {  	[tilespmem:s18+$0x91A0] =	vst v0  }
0x2f: {  	[tilespmem:s18+$0x9180] =	vst v0  }
0x30: {  	[tilespmem:s18+$0x9190] =	vst v0  }
0x31: {  	[spmem:s9] =	stream.linear.scatter [tilespmem:s28], [sflag:$0x2], $0x1C00, $0x38;
	[tilespmem:$0x17180] =	vst v63  }
0x32: {  	_ =	swait.ge [sflag:s29], $0x1C00  }
0x33: {  	[sflag:s29] =	ssyncset.done $0x0  }
0x34: {  	[sflag:s29] =	ssyncadd.s32 $0xFFFFE400  }
0x35: {  	[spmem:s10] =	stream.linear.scatter [tilespmem:s28], [sflag:$0x2], $0x1C00, $0x38;
	[tilespmem:$0x17180] =	vst v63  }
0x36: {  	_ =	swait.ge [sflag:s29], $0x1C00  }
0x37: {  	[sflag:s29] =	ssyncset.done $0x0  }
0x38: {  	[sflag:s29] =	ssyncadd.s32 $0xFFFFE400  }
0x39: {  	[spmem:s11] =	stream.linear.scatter [tilespmem:s28], [sflag:$0x2], $0x1C00, $0x38;
	[tilespmem:$0x17180] =	vst v63  }
0x3a: {  	_ =	swait.ge [sflag:s29], $0x1C00  }
0x3b: {  	[sflag:s29] =	ssyncset.done $0x0  }
0x3c: {  	[sflag:s29] =	ssyncadd.s32 $0xFFFFE400  }
0x3d: {  	[spmem:s12] =	stream.linear.scatter [tilespmem:s28], [sflag:$0x2], $0x1C00, $0x38;
	[tilespmem:$0x17180] =	vst v63  }
0x3e: {  	_ =	swait.ge [sflag:s29], $0x1C00  }
0x3f: {  	[sflag:s29] =	ssyncset.done $0x0  }
0x40: {  	[sflag:s29] =	ssyncadd.s32 $0xFFFFE400  }
0x41: {  	[spmem:s13] =	stream.linear.scatter [tilespmem:s28], [sflag:$0x2], $0x1C00, $0x38;
	[tilespmem:$0x17180] =	vst v63  }
0x42: {  	_ =	swait.ge [sflag:s29], $0x1C00  }
0x43: {  	[sflag:s29] =	ssyncset.done $0x0  }
0x44: {  	[sflag:s29] =	ssyncadd.s32 $0xFFFFE400  }
0x45: {  	[spmem:s14] =	stream.linear.scatter [tilespmem:s28], [sflag:$0x2], $0x1C00, $0x38;
	[tilespmem:$0x17180] =	vst v63  }
0x46: {  	_ =	swait.ge [sflag:s29], $0x1C00  }
0x47: {  	[sflag:s29] =	ssyncset.done $0x0  }
0x48: {  	[sflag:s29] =	ssyncadd.s32 $0xFFFFE400  }
0x49: {  	[spmem:s15] =	stream.linear.scatter [tilespmem:s28], [sflag:$0x2], $0x1C00, $0x38;
	[tilespmem:$0x17180] =	vst v63  }
.Ltmp3:
0x4a: {  	_ =	swait.ge [sflag:s29], $0x1C00;
	(pc) =	sbr.rel .LBB2_4-.Ltmp3, $4  }
0x4b: {  	[sflag:s29] =	ssyncset.done $0x0  }
0x4c: {  	[sflag:s29] =	ssyncadd.s32 $0xFFFFE400  }
0x4d: {  	[bflag:$0x0] =	sbarrier.arrive $0xFFFF  }
0x4e: {  	s18 =	simm.s32 $0x0  }
.LBB2_8:
0x4f: {  	v2 =	vld [tilespmem:s22+$0x2100];
	_ =	sdelay $0x4  }
0x50: {  	v1 =	vmul.f32 v2, v1;
	_ =	sdelay $0x1  }
0x51: {  	[tilespmem:s19+$0xFFFFFFE0] =	vst v1;
	v1 =	vld [tilespmem:s19+$0xFFFFFFF0]  }
0x52: {  	v2 =	vld [tilespmem:s22+$0x2110];
	_ =	sdelay $0x4  }
0x53: {  	v1 =	vmul.f32 v2, v1;
	_ =	sdelay $0x1  }
0x54: {  	[tilespmem:s19+$0xFFFFFFF0] =	vst v1;
	v1 =	vld [tilespmem:s19+$0x0]  }
0x55: {  	v2 =	vld [tilespmem:s22+$0x2120];
	_ =	sdelay $0x4  }
0x56: {  	v1 =	vmul.f32 v2, v1;
	_ =	sdelay $0x1  }
0x57: {  	[tilespmem:s19+$0x0] =	vst v1;
	v1 =	vld [tilespmem:s19+$0x10]  }
0x58: {  	v2 =	vld [tilespmem:s22+$0x2130];
	_ =	sdelay $0x4  }
0x59: {  	v1 =	vmul.f32 v2, v1;
	_ =	sdelay $0x1  }
0x5a: {  	[tilespmem:s21+$0x10] =	vst v1  }
.LBB2_12:
0x5b: {  	[spmem:s3] =	stream.indirect.scatter.add.f32 [tilespmem:s0], [sflag:$0x2], $0x40, s31, s31, $0xb8;
	[tilespmem:$0x17180] =	vst v63  }
0x5c: {  	_ =	swait.ge [sflag:s29], $0x2000  }
0x5d: {  	[sflag:s29] =	ssyncset.done $0x0  }
0x5e: {  	[sflag:s29] =	ssyncadd.s32 $0xFFFFE000  }
.LBB2_13:
0x5f: {  	s18 =	sadd.s32 $0x1, s18  }
0x60: {  	p2 =	sne.s32 s18, $0x62  }
.Ltmp4:
0x61: {  	_ = 	snop;
	(pc) =	sbr.rel @!p2 .LBB2_14-.Ltmp4, $1  }
0x62: {  	_ =	sdelay $0x3  }
.LBB2_4:
0x63: {  	s19 =	sshll.u32 s18, $0x4  }
0x64: {  	s19 =	sor.u32 s1, s19  }
0x65: {  	p2 =	sgt.u32 s19, $0x619  }
.Ltmp5:
0x66: {  	_ = 	snop;
	(pc) =	sbr.rel @p2 .LBB2_13-.Ltmp5, $1  }
0x67: {  	_ =	sdelay $0x3  }
0x68: {  	s21 =	sshll.u32 s19, $0x7  }
0x69: {  	s21 =	sadd.s32 s8, s21  }
0x6a: {  	s21 =	sshrl.u32 s21, $0x3  }
0x6b: {  	s23 =	simm.s32 $0x0;
	s22 =	sadd.s32 s5, s21  }
0x6c: {  	[tilespmem:s23], [sflag:$0x3] =	stream.linear.gather [hbm4b:s22+s23], $0x80, $0x38;
	[tilespmem:$0x17180] =	vst v63  }
0x6d: {  	_ =	swait.ge [sflag:s30], $0x80  }
0x6e: {  	[sflag:s30] =	ssyncset.done $0x0  }
0x6f: {  	s21 =	sadd.s32 s6, s21;
	[sflag:s30] =	ssyncadd.s32 $0xFFFFFF80  }
0x70: {  	[tilespmem:s31], [sflag:$0x3] =	stream.linear.gather [hbm4b:s21+s23], $0x80, $0x38;
	[tilespmem:$0x17180] =	vst v63  }
0x71: {  	_ =	swait.ge [sflag:s30], $0x80  }
0x72: {  	[sflag:s30] =	ssyncset.done $0x0  }
0x73: {  	[sflag:s30] =	ssyncadd.s32 $0xFFFFFF80  }
0x74: {  	[tilespmem:s0], [sflag:$0x1] =	stream.indirect.gather [hbm4b:s2+s31], $0x40, s23, s31, $0xb8;
	[tilespmem:$0x17180] =	vst v63  }
0x75: {  	_ =	swait.ge [sflag:s16], $0x2000  }
0x76: {  	s25 =	sshll.u32 s19, $0xB;
	[sflag:s16] =	ssyncset.done $0x0  }
.Ltmp6:
0x77: {  	s19 =	sadd.s32 s7, s25;
	[sflag:s16] =	ssyncadd.s32 $0xFFFFE000;
	(pc) =	sbr.rel @!p0 .LBB2_6-.Ltmp6, $4  }
0x78: {  	[tilespmem:s17], [sflag:$0x3] =	stream.linear.gather [hbm4b:s19+s23], $0x4000, $0x38;
	[tilespmem:$0x17180] =	vst v63  }
0x79: {  	_ =	swait.ge [sflag:s30], $0x4000  }
0x7a: {  	[sflag:s30] =	ssyncset.done $0x0  }
0x7b: {  	s19 =	simm.s32 $0x120;
	[sflag:s30] =	ssyncadd.s32 $0xFFFFC000  }
0x7c: {  	v1 =	vld [tilespmem:s19+$0xFFFFFFE0];
	s22 =	simm.s32 $0x0;
	s24 =	simm.s32 $0x200;
	s21 =	simm.s32 $0x120  }
.LBB2_10:
0x7d: {  	p2 =	sne.s32 s24, $0xFE00;
	v2 =	vld [tilespmem:s22+$0x2140];
	_ =	sdelay $0x4  }
0x7e: {  	v1 =	vmul.f32 v2, v1;
	_ =	sdelay $0x1  }
0x7f: {  	[tilespmem:s19+$0xFFFFFFE0] =	vst v1;
	v1 =	vld [tilespmem:s19+$0xFFFFFFF0]  }
0x80: {  	v2 =	vld [tilespmem:s22+$0x2150];
	_ =	sdelay $0x4  }
0x81: {  	v1 =	vmul.f32 v2, v1;
	_ =	sdelay $0x1  }
0x82: {  	[tilespmem:s19+$0xFFFFFFF0] =	vst v1;
	v1 =	vld [tilespmem:s19+$0x0]  }
0x83: {  	v2 =	vld [tilespmem:s22+$0x2160];
	_ =	sdelay $0x4  }
0x84: {  	v1 =	vmul.f32 v2, v1;
	_ =	sdelay $0x1  }
0x85: {  	[tilespmem:s19+$0x0] =	vst v1;
	v1 =	vld [tilespmem:s19+$0x10]  }
0x86: {  	v2 =	vld [tilespmem:s22+$0x2170];
	_ =	sdelay $0x2  }
.Ltmp7:
0x87: {  	(pc) =	sbr.rel @p2 .LBB2_10-.Ltmp7, $4  }
0x88: {  	_ = 	snop  }
0x89: {  	v2 =	vmul.f32 v2, v1  }
0x8a: {  	s19 =	sadd.s32 $0x40, s19  }
0x8b: {  	s22 =	sshra.s32 s24, $0x2;
	s24 =	sadd.s32 $0x200, s24;
	v1 =	vld [tilespmem:s19+$0xFFFFFFE0];
	[tilespmem:s21+$0x10] =	vst v2;
	s21 =	smov.u32 s19  }
0x8c: {  	v2 =	vld [tilespmem:s22+$0x2140];
	_ =	sdelay $0x4  }
0x8d: {  	v1 =	vmul.f32 v2, v1;
	_ =	sdelay $0x1  }
0x8e: {  	[tilespmem:s19+$0xFFFFFFE0] =	vst v1;
	v1 =	vld [tilespmem:s19+$0xFFFFFFF0]  }
0x8f: {  	v2 =	vld [tilespmem:s22+$0x2150];
	_ =	sdelay $0x4  }
0x90: {  	v1 =	vmul.f32 v2, v1;
	_ =	sdelay $0x1  }
0x91: {  	[tilespmem:s19+$0xFFFFFFF0] =	vst v1;
	v1 =	vld [tilespmem:s19+$0x0]  }
0x92: {  	v2 =	vld [tilespmem:s22+$0x2160];
	_ =	sdelay $0x4  }
0x93: {  	v1 =	vmul.f32 v2, v1;
	_ =	sdelay $0x1  }
0x94: {  	[tilespmem:s19+$0x0] =	vst v1;
	v1 =	vld [tilespmem:s19+$0x10]  }
0x95: {  	v2 =	vld [tilespmem:s22+$0x2170];
	_ =	sdelay $0x2  }
.Ltmp8:
0x96: {  	_ = 	snop;
	(pc) =	sbr.rel .LBB2_12-.Ltmp8, $3  }
0x97: {  	_ = 	snop  }
0x98: {  	v1 =	vmul.f32 v2, v1;
	_ =	sdelay $0x1  }
0x99: {  	[tilespmem:s21+$0x10] =	vst v1  }
.LBB2_6:
0x9a: {  	v1 =	vld [tilespmem:s19+$0xFFFFFFE0];
	s22 =	simm.s32 $0x0;
	s24 =	simm.s32 $0x200;
	s21 =	simm.s32 $0x120  }
.LBB2_7:
0x9b: {  	p2 =	seq.s32 s24, $0xFE00;
	v2 =	vld [tilespmem:s22+$0x2100];
	_ =	sdelay $0x4  }
0x9c: {  	v1 =	vmul.f32 v2, v1;
	_ =	sdelay $0x1  }
0x9d: {  	[tilespmem:s19+$0xFFFFFFE0] =	vst v1;
	v1 =	vld [tilespmem:s19+$0xFFFFFFF0]  }
0x9e: {  	v2 =	vld [tilespmem:s22+$0x2110];
	_ =	sdelay $0x4  }
0x9f: {  	v1 =	vmul.f32 v2, v1;
	_ =	sdelay $0x1  }
0xa0: {  	[tilespmem:s19+$0xFFFFFFF0] =	vst v1;
	v1 =	vld [tilespmem:s19+$0x0]  }
0xa1: {  	v2 =	vld [tilespmem:s22+$0x2120];
	_ =	sdelay $0x4  }
0xa2: {  	v1 =	vmul.f32 v2, v1;
	_ =	sdelay $0x1  }
0xa3: {  	[tilespmem:s19+$0x0] =	vst v1;
	v1 =	vld [tilespmem:s19+$0x10]  }
0xa4: {  	v2 =	vld [tilespmem:s22+$0x2130];
	_ =	sdelay $0x2  }
.Ltmp9:
0xa5: {  	(pc) =	sbr.rel @!p2 .LBB2_7-.Ltmp9, $4  }
0xa6: {  	_ = 	snop  }
0xa7: {  	v2 =	vmul.f32 v2, v1  }
0xa8: {  	s19 =	sadd.s32 $0x40, s19  }
0xa9: {  	s22 =	sshra.s32 s24, $0x2;
	s24 =	sadd.s32 $0x200, s24;
	v1 =	vld [tilespmem:s19+$0xFFFFFFE0];
	[tilespmem:s21+$0x10] =	vst v2;
	s21 =	smov.u32 s19  }
.Ltmp10:
0xaa: {  	_ = 	snop;
	(pc) =	sbr.rel .LBB2_8-.Ltmp10, $1  }
0xab: {  	_ =	sdelay $0x3  }
.LBB2_14:
.Ltmp11:
0xac: {  	(pc) =	sbr.rel @p1 .LBB2_23-.Ltmp11, $1  }
0xad: {  	_ =	sdelay $0x3  }
0xae: {  	s18 =	simm.s32 $0x0;
	s19 =	rddreg [dreg:$0x4];
	s21 =	simm.s32 $0x6100  }
0xaf: {  	[tilespmem:s21], [sflag:$0x2] =	stream.linear.gather [hbm4b:s19+s18], $0x40, $0x38;
	[tilespmem:$0x17180] =	vst v63  }
0xb0: {  	_ =	swait.ge [sflag:s29], $0x40  }
0xb1: {  	[sflag:s29] =	ssyncset.done $0x0  }
0xb2: {  	s22 =	simm.s32 $0x6140;
	s25 =	rddreg [dreg:$0x5];
	[sflag:s29] =	ssyncadd.s32 $0xFFFFFFC0  }
0xb3: {  	[tilespmem:s22], [sflag:$0x2] =	stream.linear.gather [hbm4b:s25+s18], $0x40, $0x38;
	[tilespmem:$0x17180] =	vst v63  }
0xb4: {  	_ =	swait.ge [sflag:s29], $0x40  }
0xb5: {  	[sflag:s29] =	ssyncset.done $0x0  }
0xb6: {  	s23 =	simm.s32 $0x6180;
	s22 =	simm.s32 $0x40;
	[sflag:s29] =	ssyncadd.s32 $0xFFFFFFC0  }
0xb7: {  	[tilespmem:s23], [sflag:$0x1] =	stream.indirect.gather [hbm4b:s2+s22], $0x40, s21, s22, $0xb8;
	[tilespmem:$0x17180] =	vst v63  }
0xb8: {  	_ =	swait.ge [sflag:s16], $0x1000  }
0xb9: {  	s25 =	simm.s32 $0x7180;
	[sflag:s16] =	ssyncset.done $0x0  }
.Ltmp12:
0xba: {  	s24 =	rddreg [dreg:$0x6];
	[sflag:s16] =	ssyncadd.s32 $0xFFFFF000;
	(pc) =	sbr.rel @!p0 .LBB2_16-.Ltmp12, $4  }
0xbb: {  	[tilespmem:s25], [sflag:$0x2] =	stream.linear.gather [hbm4b:s24+s18], $0x2000, $0x38;
	[tilespmem:$0x17180] =	vst v63  }
0xbc: {  	_ =	swait.ge [sflag:s29], $0x2000  }
0xbd: {  	[sflag:s29] =	ssyncset.done $0x0  }
0xbe: {  	s18 =	simm.s32 $0x61A0;
	[sflag:s29] =	ssyncadd.s32 $0xFFFFE000  }
0xbf: {  	v1 =	vld [tilespmem:s18+$0xFFFFFFE0];
	s21 =	simm.s32 $0x0;
	s22 =	simm.s32 $0x200;
	s19 =	simm.s32 $0x61A0  }
.LBB2_20:
0xc0: {  	p2 =	sne.s32 s22, $0x7E00;
	v2 =	vld [tilespmem:s21+$0x71C0];
	_ =	sdelay $0x4  }
0xc1: {  	v1 =	vmul.f32 v2, v1;
	_ =	sdelay $0x1  }
0xc2: {  	[tilespmem:s18+$0xFFFFFFE0] =	vst v1;
	v1 =	vld [tilespmem:s18+$0xFFFFFFF0]  }
0xc3: {  	v2 =	vld [tilespmem:s21+$0x71D0];
	_ =	sdelay $0x4  }
0xc4: {  	v1 =	vmul.f32 v2, v1;
	_ =	sdelay $0x1  }
0xc5: {  	[tilespmem:s18+$0xFFFFFFF0] =	vst v1;
	v1 =	vld [tilespmem:s18+$0x0]  }
0xc6: {  	v2 =	vld [tilespmem:s21+$0x71E0];
	_ =	sdelay $0x4  }
0xc7: {  	v1 =	vmul.f32 v2, v1;
	_ =	sdelay $0x1  }
0xc8: {  	[tilespmem:s18+$0x0] =	vst v1;
	v1 =	vld [tilespmem:s18+$0x10]  }
0xc9: {  	v2 =	vld [tilespmem:s21+$0x71F0];
	_ =	sdelay $0x2  }
.Ltmp13:
0xca: {  	(pc) =	sbr.rel @p2 .LBB2_20-.Ltmp13, $4  }
0xcb: {  	_ = 	snop  }
0xcc: {  	v2 =	vmul.f32 v2, v1  }
0xcd: {  	s18 =	sadd.s32 $0x40, s18  }
0xce: {  	s21 =	sshra.s32 s22, $0x2;
	s22 =	sadd.s32 $0x200, s22;
	v1 =	vld [tilespmem:s18+$0xFFFFFFE0];
	[tilespmem:s19+$0x10] =	vst v2;
	s19 =	smov.u32 s18  }
0xcf: {  	v2 =	vld [tilespmem:s21+$0x71C0];
	_ =	sdelay $0x4  }
0xd0: {  	v1 =	vmul.f32 v2, v1;
	_ =	sdelay $0x1  }
0xd1: {  	[tilespmem:s18+$0xFFFFFFE0] =	vst v1;
	v1 =	vld [tilespmem:s18+$0xFFFFFFF0]  }
0xd2: {  	v2 =	vld [tilespmem:s21+$0x71D0];
	_ =	sdelay $0x4  }
0xd3: {  	v1 =	vmul.f32 v2, v1;
	_ =	sdelay $0x1  }
0xd4: {  	[tilespmem:s18+$0xFFFFFFF0] =	vst v1;
	v1 =	vld [tilespmem:s18+$0x0]  }
0xd5: {  	v2 =	vld [tilespmem:s21+$0x71E0];
	_ =	sdelay $0x4  }
0xd6: {  	v1 =	vmul.f32 v2, v1;
	_ =	sdelay $0x1  }
0xd7: {  	[tilespmem:s18+$0x0] =	vst v1;
	v1 =	vld [tilespmem:s18+$0x10]  }
0xd8: {  	v2 =	vld [tilespmem:s21+$0x71F0];
	_ =	sdelay $0x2  }
.Ltmp14:
0xd9: {  	_ = 	snop;
	(pc) =	sbr.rel .LBB2_22-.Ltmp14, $3  }
0xda: {  	_ = 	snop  }
0xdb: {  	v1 =	vmul.f32 v2, v1;
	_ =	sdelay $0x1  }
0xdc: {  	[tilespmem:s19+$0x10] =	vst v1  }
.LBB2_16:
0xdd: {  	v1 =	vld [tilespmem:s18+$0xFFFFFFE0];
	s21 =	simm.s32 $0x0;
	s22 =	simm.s32 $0x200;
	s19 =	simm.s32 $0x61A0  }
.LBB2_17:
0xde: {  	p2 =	seq.s32 s22, $0x7E00;
	v2 =	vld [tilespmem:s21+$0x7180];
	_ =	sdelay $0x4  }
0xdf: {  	v1 =	vmul.f32 v2, v1;
	_ =	sdelay $0x1  }
0xe0: {  	[tilespmem:s18+$0xFFFFFFE0] =	vst v1;
	v1 =	vld [tilespmem:s18+$0xFFFFFFF0]  }
0xe1: {  	v2 =	vld [tilespmem:s21+$0x7190];
	_ =	sdelay $0x4  }
0xe2: {  	v1 =	vmul.f32 v2, v1;
	_ =	sdelay $0x1  }
0xe3: {  	[tilespmem:s18+$0xFFFFFFF0] =	vst v1;
	v1 =	vld [tilespmem:s18+$0x0]  }
0xe4: {  	v2 =	vld [tilespmem:s21+$0x71A0];
	_ =	sdelay $0x4  }
0xe5: {  	v1 =	vmul.f32 v2, v1;
	_ =	sdelay $0x1  }
0xe6: {  	[tilespmem:s18+$0x0] =	vst v1;
	v1 =	vld [tilespmem:s18+$0x10]  }
0xe7: {  	v2 =	vld [tilespmem:s21+$0x71B0];
	_ =	sdelay $0x2  }
.Ltmp15:
0xe8: {  	(pc) =	sbr.rel @!p2 .LBB2_17-.Ltmp15, $4  }
0xe9: {  	_ = 	snop  }
0xea: {  	v2 =	vmul.f32 v2, v1  }
0xeb: {  	s18 =	sadd.s32 $0x40, s18  }
0xec: {  	s21 =	sshra.s32 s22, $0x2;
	s22 =	sadd.s32 $0x200, s22;
	v1 =	vld [tilespmem:s18+$0xFFFFFFE0];
	[tilespmem:s19+$0x10] =	vst v2;
	s19 =	smov.u32 s18  }
0xed: {  	v2 =	vld [tilespmem:s21+$0x7180];
	_ =	sdelay $0x4  }
0xee: {  	v1 =	vmul.f32 v2, v1;
	_ =	sdelay $0x1  }
0xef: {  	[tilespmem:s18+$0xFFFFFFE0] =	vst v1;
	v1 =	vld [tilespmem:s18+$0xFFFFFFF0]  }
0xf0: {  	v2 =	vld [tilespmem:s21+$0x7190];
	_ =	sdelay $0x4  }
0xf1: {  	v1 =	vmul.f32 v2, v1;
	_ =	sdelay $0x1  }
0xf2: {  	[tilespmem:s18+$0xFFFFFFF0] =	vst v1;
	v1 =	vld [tilespmem:s18+$0x0]  }
0xf3: {  	v2 =	vld [tilespmem:s21+$0x71A0];
	_ =	sdelay $0x4  }
0xf4: {  	v1 =	vmul.f32 v2, v1;
	_ =	sdelay $0x1  }
0xf5: {  	[tilespmem:s18+$0x0] =	vst v1;
	v1 =	vld [tilespmem:s18+$0x10]  }
0xf6: {  	v2 =	vld [tilespmem:s21+$0x71B0];
	_ =	sdelay $0x4  }
0xf7: {  	v1 =	vmul.f32 v2, v1;
	_ =	sdelay $0x1  }
0xf8: {  	[tilespmem:s19+$0x10] =	vst v1  }
.LBB2_22:
0xf9: {  	s18 =	simm.s32 $0x6140;
	s19 =	simm.s32 $0x40;
	s21 =	simm.s32 $0x6180  }
0xfa: {  	[spmem:s3] =	stream.indirect.scatter.add.f32 [tilespmem:s21], [sflag:$0x2], $0x40, s18, s19, $0xb8;
	[tilespmem:$0x17180] =	vst v63  }
0xfb: {  	_ =	swait.ge [sflag:s29], $0x1000  }
0xfc: {  	[sflag:s29] =	ssyncset.done $0x0  }
0xfd: {  	[sflag:s29] =	ssyncadd.s32 $0xFFFFF000  }
.LBB2_23:
0xfe: {  	s18 =	sshll.u32 s1, $0x6;
	[bflag:$0x0] =	sbarrier.arrive $0xFFFF  }
0xff: {  	s19 =	sor.u32 $0x1C02, s18;
	s18 =	sshrl.u32 s9, $0x3;
	s21 =	rddreg [dreg:$0x7]  }
0x100: {  	[hbm:s21], [sflag:s19] =	dma.local [spmem:s18], $0x1880  }
0x101: {  	_ =	swait.ge [sflag:s29], $0x1880  }
0x102: {  	[sflag:s29] =	ssyncset.done $0x0  }
0x103: {  	[sflag:s29] =	ssyncadd.s32 $0xFFFFE780  }
0x104: {  	[spmem:s9] =	stream.linear.scatter [tilespmem:s28], [sflag:$0x2], $0x1C00, $0x38;
	[tilespmem:$0x17180] =	vst v63  }
0x105: {  	_ =	swait.ge [sflag:s29], $0x1C00  }
0x106: {  	[sflag:s29] =	ssyncset.done $0x0  }
0x107: {  	[sflag:s29] =	ssyncadd.s32 $0xFFFFE400  }
0x108: {  	[spmem:s10] =	stream.linear.scatter [tilespmem:s28], [sflag:$0x2], $0x1C00, $0x38;
	[tilespmem:$0x17180] =	vst v63  }
0x109: {  	_ =	swait.ge [sflag:s29], $0x1C00  }
0x10a: {  	[sflag:s29] =	ssyncset.done $0x0  }
0x10b: {  	[sflag:s29] =	ssyncadd.s32 $0xFFFFE400  }
0x10c: {  	[spmem:s11] =	stream.linear.scatter [tilespmem:s28], [sflag:$0x2], $0x1C00, $0x38;
	[tilespmem:$0x17180] =	vst v63  }
0x10d: {  	_ =	swait.ge [sflag:s29], $0x1C00  }
0x10e: {  	[sflag:s29] =	ssyncset.done $0x0  }
0x10f: {  	[sflag:s29] =	ssyncadd.s32 $0xFFFFE400  }
0x110: {  	[spmem:s12] =	stream.linear.scatter [tilespmem:s28], [sflag:$0x2], $0x1C00, $0x38;
	[tilespmem:$0x17180] =	vst v63  }
0x111: {  	_ =	swait.ge [sflag:s29], $0x1C00  }
0x112: {  	[sflag:s29] =	ssyncset.done $0x0  }
0x113: {  	[sflag:s29] =	ssyncadd.s32 $0xFFFFE400  }
0x114: {  	[spmem:s13] =	stream.linear.scatter [tilespmem:s28], [sflag:$0x2], $0x1C00, $0x38;
	[tilespmem:$0x17180] =	vst v63  }
0x115: {  	_ =	swait.ge [sflag:s29], $0x1C00  }
0x116: {  	[sflag:s29] =	ssyncset.done $0x0  }
0x117: {  	[sflag:s29] =	ssyncadd.s32 $0xFFFFE400  }
0x118: {  	[spmem:s14] =	stream.linear.scatter [tilespmem:s28], [sflag:$0x2], $0x1C00, $0x38;
	[tilespmem:$0x17180] =	vst v63  }
0x119: {  	_ =	swait.ge [sflag:s29], $0x1C00  }
0x11a: {  	[sflag:s29] =	ssyncset.done $0x0  }
0x11b: {  	[sflag:s29] =	ssyncadd.s32 $0xFFFFE400  }
0x11c: {  	[spmem:s15] =	stream.linear.scatter [tilespmem:s28], [sflag:$0x2], $0x1C00, $0x38;
	[tilespmem:$0x17180] =	vst v63  }
.Ltmp16:
0x11d: {  	_ =	swait.ge [sflag:s29], $0x1C00;
	(pc) =	sbr.rel .LBB2_24-.Ltmp16, $4  }
0x11e: {  	[sflag:s29] =	ssyncset.done $0x0  }
0x11f: {  	[sflag:s29] =	ssyncadd.s32 $0xFFFFE400  }
0x120: {  	[bflag:$0x0] =	sbarrier.arrive $0xFFFF  }
0x121: {  	s21 =	simm.s32 $0x0  }
.LBB2_28:
0x122: {  	v2 =	vld [tilespmem:s25+$0x2100];
	_ =	sdelay $0x4  }
0x123: {  	v1 =	vmul.f32 v2, v1;
	_ =	sdelay $0x1  }
0x124: {  	[tilespmem:s24+$0xFFFFFFE0] =	vst v1;
	v1 =	vld [tilespmem:s24+$0xFFFFFFF0]  }
0x125: {  	v2 =	vld [tilespmem:s25+$0x2110];
	_ =	sdelay $0x4  }
0x126: {  	v1 =	vmul.f32 v2, v1;
	_ =	sdelay $0x1  }
0x127: {  	[tilespmem:s24+$0xFFFFFFF0] =	vst v1;
	v1 =	vld [tilespmem:s24+$0x0]  }
0x128: {  	v2 =	vld [tilespmem:s25+$0x2120];
	_ =	sdelay $0x4  }
0x129: {  	v1 =	vmul.f32 v2, v1;
	_ =	sdelay $0x1  }
0x12a: {  	[tilespmem:s24+$0x0] =	vst v1;
	v1 =	vld [tilespmem:s24+$0x10]  }
0x12b: {  	v2 =	vld [tilespmem:s25+$0x2130];
	_ =	sdelay $0x4  }
0x12c: {  	v1 =	vmul.f32 v2, v1;
	_ =	sdelay $0x1  }
0x12d: {  	[tilespmem:s22+$0x10] =	vst v1  }
.LBB2_32:
0x12e: {  	[spmem:s3] =	stream.indirect.scatter.add.f32 [tilespmem:s0], [sflag:$0x2], $0x40, s31, s31, $0xb8;
	[tilespmem:$0x17180] =	vst v63  }
0x12f: {  	_ =	swait.ge [sflag:s29], $0x2000  }
0x130: {  	[sflag:s29] =	ssyncset.done $0x0  }
0x131: {  	[sflag:s29] =	ssyncadd.s32 $0xFFFFE000  }
.LBB2_33:
0x132: {  	s21 =	sadd.s32 $0x1, s21  }
0x133: {  	p2 =	sne.s32 s21, $0x62  }
.Ltmp17:
0x134: {  	_ = 	snop;
	(pc) =	sbr.rel @!p2 .LBB2_34-.Ltmp17, $1  }
0x135: {  	_ =	sdelay $0x3  }
.LBB2_24:
0x136: {  	s22 =	sshll.u32 s21, $0x4  }
0x137: {  	s22 =	sor.u32 s1, s22  }
0x138: {  	p2 =	sgt.u32 s22, $0x619  }
.Ltmp18:
0x139: {  	_ = 	snop;
	(pc) =	sbr.rel @p2 .LBB2_33-.Ltmp18, $1  }
0x13a: {  	_ =	sdelay $0x3  }
0x13b: {  	s23 =	sshll.u32 s22, $0x7  }
0x13c: {  	s23 =	sadd.s32 s23, s26  }
0x13d: {  	s23 =	sshrl.u32 s23, $0x3  }
0x13e: {  	s25 =	simm.s32 $0x0;
	s24 =	sadd.s32 s5, s23  }
0x13f: {  	[tilespmem:s25], [sflag:$0x3] =	stream.linear.gather [hbm4b:s24+s25], $0x80, $0x38;
	[tilespmem:$0x17180] =	vst v63  }
0x140: {  	_ =	swait.ge [sflag:s30], $0x80  }
0x141: {  	[sflag:s30] =	ssyncset.done $0x0  }
0x142: {  	s23 =	sadd.s32 s6, s23;
	[sflag:s30] =	ssyncadd.s32 $0xFFFFFF80  }
0x143: {  	[tilespmem:s31], [sflag:$0x3] =	stream.linear.gather [hbm4b:s23+s25], $0x80, $0x38;
	[tilespmem:$0x17180] =	vst v63  }
0x144: {  	_ =	swait.ge [sflag:s30], $0x80  }
0x145: {  	[sflag:s30] =	ssyncset.done $0x0  }
0x146: {  	[sflag:s30] =	ssyncadd.s32 $0xFFFFFF80  }
0x147: {  	[tilespmem:s0], [sflag:$0x1] =	stream.indirect.gather [hbm4b:s2+s31], $0x40, s25, s31, $0xb8;
	[tilespmem:$0x17180] =	vst v63  }
0x148: {  	_ =	swait.ge [sflag:s16], $0x2000  }
0x149: {  	s24 =	sshll.u32 s22, $0xB;
	[sflag:s16] =	ssyncset.done $0x0  }
.Ltmp19:
0x14a: {  	s22 =	sadd.s32 s24, s20;
	[sflag:s16] =	ssyncadd.s32 $0xFFFFE000;
	(pc) =	sbr.rel @!p0 .LBB2_26-.Ltmp19, $4  }
0x14b: {  	[tilespmem:s17], [sflag:$0x3] =	stream.linear.gather [hbm4b:s22+s25], $0x4000, $0x38;
	[tilespmem:$0x17180] =	vst v63  }
0x14c: {  	_ =	swait.ge [sflag:s30], $0x4000  }
0x14d: {  	[sflag:s30] =	ssyncset.done $0x0  }
0x14e: {  	s24 =	simm.s32 $0x120;
	[sflag:s30] =	ssyncadd.s32 $0xFFFFC000  }
0x14f: {  	v1 =	vld [tilespmem:s24+$0xFFFFFFE0];
	s25 =	simm.s32 $0x0;
	s23 =	simm.s32 $0x200;
	s22 =	simm.s32 $0x120  }
.LBB2_30:
0x150: {  	p2 =	sne.s32 s23, $0xFE00;
	v2 =	vld [tilespmem:s25+$0x2140];
	_ =	sdelay $0x4  }
0x151: {  	v1 =	vmul.f32 v2, v1;
	_ =	sdelay $0x1  }
0x152: {  	[tilespmem:s24+$0xFFFFFFE0] =	vst v1;
	v1 =	vld [tilespmem:s24+$0xFFFFFFF0]  }
0x153: {  	v2 =	vld [tilespmem:s25+$0x2150];
	_ =	sdelay $0x4  }
0x154: {  	v1 =	vmul.f32 v2, v1;
	_ =	sdelay $0x1  }
0x155: {  	[tilespmem:s24+$0xFFFFFFF0] =	vst v1;
	v1 =	vld [tilespmem:s24+$0x0]  }
0x156: {  	v2 =	vld [tilespmem:s25+$0x2160];
	_ =	sdelay $0x4  }
0x157: {  	v1 =	vmul.f32 v2, v1;
	_ =	sdelay $0x1  }
0x158: {  	[tilespmem:s24+$0x0] =	vst v1;
	v1 =	vld [tilespmem:s24+$0x10]  }
0x159: {  	v2 =	vld [tilespmem:s25+$0x2170];
	_ =	sdelay $0x2  }
.Ltmp20:
0x15a: {  	(pc) =	sbr.rel @p2 .LBB2_30-.Ltmp20, $4  }
0x15b: {  	_ = 	snop  }
0x15c: {  	v2 =	vmul.f32 v2, v1  }
0x15d: {  	s24 =	sadd.s32 $0x40, s24  }
0x15e: {  	s25 =	sshra.s32 s23, $0x2;
	s23 =	sadd.s32 $0x200, s23;
	v1 =	vld [tilespmem:s24+$0xFFFFFFE0];
	[tilespmem:s22+$0x10] =	vst v2;
	s22 =	smov.u32 s24  }
0x15f: {  	v2 =	vld [tilespmem:s25+$0x2140];
	_ =	sdelay $0x4  }
0x160: {  	v1 =	vmul.f32 v2, v1;
	_ =	sdelay $0x1  }
0x161: {  	[tilespmem:s24+$0xFFFFFFE0] =	vst v1;
	v1 =	vld [tilespmem:s24+$0xFFFFFFF0]  }
0x162: {  	v2 =	vld [tilespmem:s25+$0x2150];
	_ =	sdelay $0x4  }
0x163: {  	v1 =	vmul.f32 v2, v1;
	_ =	sdelay $0x1  }
0x164: {  	[tilespmem:s24+$0xFFFFFFF0] =	vst v1;
	v1 =	vld [tilespmem:s24+$0x0]  }
0x165: {  	v2 =	vld [tilespmem:s25+$0x2160];
	_ =	sdelay $0x4  }
0x166: {  	v1 =	vmul.f32 v2, v1;
	_ =	sdelay $0x1  }
0x167: {  	[tilespmem:s24+$0x0] =	vst v1;
	v1 =	vld [tilespmem:s24+$0x10]  }
0x168: {  	v2 =	vld [tilespmem:s25+$0x2170];
	_ =	sdelay $0x2  }
.Ltmp21:
0x169: {  	_ = 	snop;
	(pc) =	sbr.rel .LBB2_32-.Ltmp21, $3  }
0x16a: {  	_ = 	snop  }
0x16b: {  	v1 =	vmul.f32 v2, v1;
	_ =	sdelay $0x1  }
0x16c: {  	[tilespmem:s22+$0x10] =	vst v1  }
.LBB2_26:
0x16d: {  	v1 =	vld [tilespmem:s24+$0xFFFFFFE0];
	s25 =	simm.s32 $0x0;
	s23 =	simm.s32 $0x200;
	s22 =	simm.s32 $0x120  }
.LBB2_27:
0x16e: {  	p2 =	seq.s32 s23, $0xFE00;
	v2 =	vld [tilespmem:s25+$0x2100];
	_ =	sdelay $0x4  }
0x16f: {  	v1 =	vmul.f32 v2, v1;
	_ =	sdelay $0x1  }
0x170: {  	[tilespmem:s24+$0xFFFFFFE0] =	vst v1;
	v1 =	vld [tilespmem:s24+$0xFFFFFFF0]  }
0x171: {  	v2 =	vld [tilespmem:s25+$0x2110];
	_ =	sdelay $0x4  }
0x172: {  	v1 =	vmul.f32 v2, v1;
	_ =	sdelay $0x1  }
0x173: {  	[tilespmem:s24+$0xFFFFFFF0] =	vst v1;
	v1 =	vld [tilespmem:s24+$0x0]  }
0x174: {  	v2 =	vld [tilespmem:s25+$0x2120];
	_ =	sdelay $0x4  }
0x175: {  	v1 =	vmul.f32 v2, v1;
	_ =	sdelay $0x1  }
0x176: {  	[tilespmem:s24+$0x0] =	vst v1;
	v1 =	vld [tilespmem:s24+$0x10]  }
0x177: {  	v2 =	vld [tilespmem:s25+$0x2130];
	_ =	sdelay $0x2  }
.Ltmp22:
0x178: {  	(pc) =	sbr.rel @!p2 .LBB2_27-.Ltmp22, $4  }
0x179: {  	_ = 	snop  }
0x17a: {  	v2 =	vmul.f32 v2, v1  }
0x17b: {  	s24 =	sadd.s32 $0x40, s24  }
0x17c: {  	s25 =	sshra.s32 s23, $0x2;
	s23 =	sadd.s32 $0x200, s23;
	v1 =	vld [tilespmem:s24+$0xFFFFFFE0];
	[tilespmem:s22+$0x10] =	vst v2;
	s22 =	smov.u32 s24  }
.Ltmp23:
0x17d: {  	_ = 	snop;
	(pc) =	sbr.rel .LBB2_28-.Ltmp23, $1  }
0x17e: {  	_ =	sdelay $0x3  }
.LBB2_34:
.Ltmp24:
0x17f: {  	(pc) =	sbr.rel @p1 .LBB2_43-.Ltmp24, $1  }
0x180: {  	_ =	sdelay $0x3  }
0x181: {  	s21 =	simm.s32 $0x0;
	s22 =	rddreg [dreg:$0x8];
	s23 =	simm.s32 $0x6100  }
0x182: {  	[tilespmem:s23], [sflag:$0x2] =	stream.linear.gather [hbm4b:s22+s21], $0x40, $0x38;
	[tilespmem:$0x17180] =	vst v63  }
0x183: {  	_ =	swait.ge [sflag:s29], $0x40  }
0x184: {  	[sflag:s29] =	ssyncset.done $0x0  }
0x185: {  	s24 =	simm.s32 $0x6140;
	s25 =	rddreg [dreg:$0x9];
	[sflag:s29] =	ssyncadd.s32 $0xFFFFFFC0  }
0x186: {  	[tilespmem:s24], [sflag:$0x2] =	stream.linear.gather [hbm4b:s25+s21], $0x40, $0x38;
	[tilespmem:$0x17180] =	vst v63  }
0x187: {  	_ =	swait.ge [sflag:s29], $0x40  }
0x188: {  	[sflag:s29] =	ssyncset.done $0x0  }
0x189: {  	s24 =	simm.s32 $0x40;
	s25 =	simm.s32 $0x6180;
	[sflag:s29] =	ssyncadd.s32 $0xFFFFFFC0  }
0x18a: {  	[tilespmem:s25], [sflag:$0x1] =	stream.indirect.gather [hbm4b:s2+s24], $0x40, s23, s24, $0xb8;
	[tilespmem:$0x17180] =	vst v63  }
0x18b: {  	_ =	swait.ge [sflag:s16], $0x1000  }
0x18c: {  	s25 =	simm.s32 $0x7180;
	[sflag:s16] =	ssyncset.done $0x0  }
.Ltmp25:
0x18d: {  	s24 =	rddreg [dreg:$0xa];
	[sflag:s16] =	ssyncadd.s32 $0xFFFFF000;
	(pc) =	sbr.rel @!p0 .LBB2_36-.Ltmp25, $4  }
0x18e: {  	[tilespmem:s25], [sflag:$0x2] =	stream.linear.gather [hbm4b:s24+s21], $0x2000, $0x38;
	[tilespmem:$0x17180] =	vst v63  }
0x18f: {  	_ =	swait.ge [sflag:s29], $0x2000  }
0x190: {  	[sflag:s29] =	ssyncset.done $0x0  }
0x191: {  	s21 =	simm.s32 $0x61A0;
	[sflag:s29] =	ssyncadd.s32 $0xFFFFE000  }
0x192: {  	v1 =	vld [tilespmem:s21+$0xFFFFFFE0];
	s24 =	simm.s32 $0x0;
	s23 =	simm.s32 $0x200;
	s22 =	simm.s32 $0x61A0  }
.LBB2_40:
0x193: {  	p2 =	sne.s32 s23, $0x7E00;
	v2 =	vld [tilespmem:s24+$0x71C0];
	_ =	sdelay $0x4  }
0x194: {  	v1 =	vmul.f32 v2, v1;
	_ =	sdelay $0x1  }
0x195: {  	[tilespmem:s21+$0xFFFFFFE0] =	vst v1;
	v1 =	vld [tilespmem:s21+$0xFFFFFFF0]  }
0x196: {  	v2 =	vld [tilespmem:s24+$0x71D0];
	_ =	sdelay $0x4  }
0x197: {  	v1 =	vmul.f32 v2, v1;
	_ =	sdelay $0x1  }
0x198: {  	[tilespmem:s21+$0xFFFFFFF0] =	vst v1;
	v1 =	vld [tilespmem:s21+$0x0]  }
0x199: {  	v2 =	vld [tilespmem:s24+$0x71E0];
	_ =	sdelay $0x4  }
0x19a: {  	v1 =	vmul.f32 v2, v1;
	_ =	sdelay $0x1  }
0x19b: {  	[tilespmem:s21+$0x0] =	vst v1;
	v1 =	vld [tilespmem:s21+$0x10]  }
0x19c: {  	v2 =	vld [tilespmem:s24+$0x71F0];
	_ =	sdelay $0x2  }
.Ltmp26:
0x19d: {  	(pc) =	sbr.rel @p2 .LBB2_40-.Ltmp26, $4  }
0x19e: {  	_ = 	snop  }
0x19f: {  	v2 =	vmul.f32 v2, v1  }
0x1a0: {  	s21 =	sadd.s32 $0x40, s21  }
0x1a1: {  	s24 =	sshra.s32 s23, $0x2;
	s23 =	sadd.s32 $0x200, s23;
	v1 =	vld [tilespmem:s21+$0xFFFFFFE0];
	[tilespmem:s22+$0x10] =	vst v2;
	s22 =	smov.u32 s21  }
0x1a2: {  	v2 =	vld [tilespmem:s24+$0x71C0];
	_ =	sdelay $0x4  }
0x1a3: {  	v1 =	vmul.f32 v2, v1;
	_ =	sdelay $0x1  }
0x1a4: {  	[tilespmem:s21+$0xFFFFFFE0] =	vst v1;
	v1 =	vld [tilespmem:s21+$0xFFFFFFF0]  }
0x1a5: {  	v2 =	vld [tilespmem:s24+$0x71D0];
	_ =	sdelay $0x4  }
0x1a6: {  	v1 =	vmul.f32 v2, v1;
	_ =	sdelay $0x1  }
0x1a7: {  	[tilespmem:s21+$0xFFFFFFF0] =	vst v1;
	v1 =	vld [tilespmem:s21+$0x0]  }
0x1a8: {  	v2 =	vld [tilespmem:s24+$0x71E0];
	_ =	sdelay $0x4  }
0x1a9: {  	v1 =	vmul.f32 v2, v1;
	_ =	sdelay $0x1  }
0x1aa: {  	[tilespmem:s21+$0x0] =	vst v1;
	v1 =	vld [tilespmem:s21+$0x10]  }
0x1ab: {  	v2 =	vld [tilespmem:s24+$0x71F0];
	_ =	sdelay $0x2  }
.Ltmp27:
0x1ac: {  	_ = 	snop;
	(pc) =	sbr.rel .LBB2_42-.Ltmp27, $3  }
0x1ad: {  	_ = 	snop  }
0x1ae: {  	v1 =	vmul.f32 v2, v1;
	_ =	sdelay $0x1  }
0x1af: {  	[tilespmem:s22+$0x10] =	vst v1  }
.LBB2_36:
0x1b0: {  	v1 =	vld [tilespmem:s21+$0xFFFFFFE0];
	s24 =	simm.s32 $0x0;
	s23 =	simm.s32 $0x200;
	s22 =	simm.s32 $0x61A0  }
.LBB2_37:
0x1b1: {  	p2 =	seq.s32 s23, $0x7E00;
	v2 =	vld [tilespmem:s24+$0x7180];
	_ =	sdelay $0x4  }
0x1b2: {  	v1 =	vmul.f32 v2, v1;
	_ =	sdelay $0x1  }
0x1b3: {  	[tilespmem:s21+$0xFFFFFFE0] =	vst v1;
	v1 =	vld [tilespmem:s21+$0xFFFFFFF0]  }
0x1b4: {  	v2 =	vld [tilespmem:s24+$0x7190];
	_ =	sdelay $0x4  }
0x1b5: {  	v1 =	vmul.f32 v2, v1;
	_ =	sdelay $0x1  }
0x1b6: {  	[tilespmem:s21+$0xFFFFFFF0] =	vst v1;
	v1 =	vld [tilespmem:s21+$0x0]  }
0x1b7: {  	v2 =	vld [tilespmem:s24+$0x71A0];
	_ =	sdelay $0x4  }
0x1b8: {  	v1 =	vmul.f32 v2, v1;
	_ =	sdelay $0x1  }
0x1b9: {  	[tilespmem:s21+$0x0] =	vst v1;
	v1 =	vld [tilespmem:s21+$0x10]  }
0x1ba: {  	v2 =	vld [tilespmem:s24+$0x71B0];
	_ =	sdelay $0x2  }
.Ltmp28:
0x1bb: {  	(pc) =	sbr.rel @!p2 .LBB2_37-.Ltmp28, $4  }
0x1bc: {  	_ = 	snop  }
0x1bd: {  	v2 =	vmul.f32 v2, v1  }
0x1be: {  	s21 =	sadd.s32 $0x40, s21  }
0x1bf: {  	s24 =	sshra.s32 s23, $0x2;
	s23 =	sadd.s32 $0x200, s23;
	v1 =	vld [tilespmem:s21+$0xFFFFFFE0];
	[tilespmem:s22+$0x10] =	vst v2;
	s22 =	smov.u32 s21  }
0x1c0: {  	v2 =	vld [tilespmem:s24+$0x7180];
	_ =	sdelay $0x4  }
0x1c1: {  	v1 =	vmul.f32 v2, v1;
	_ =	sdelay $0x1  }
0x1c2: {  	[tilespmem:s21+$0xFFFFFFE0] =	vst v1;
	v1 =	vld [tilespmem:s21+$0xFFFFFFF0]  }
0x1c3: {  	v2 =	vld [tilespmem:s24+$0x7190];
	_ =	sdelay $0x4  }
0x1c4: {  	v1 =	vmul.f32 v2, v1;
	_ =	sdelay $0x1  }
0x1c5: {  	[tilespmem:s21+$0xFFFFFFF0] =	vst v1;
	v1 =	vld [tilespmem:s21+$0x0]  }
0x1c6: {  	v2 =	vld [tilespmem:s24+$0x71A0];
	_ =	sdelay $0x4  }
0x1c7: {  	v1 =	vmul.f32 v2, v1;
	_ =	sdelay $0x1  }
0x1c8: {  	[tilespmem:s21+$0x0] =	vst v1;
	v1 =	vld [tilespmem:s21+$0x10]  }
0x1c9: {  	v2 =	vld [tilespmem:s24+$0x71B0];
	_ =	sdelay $0x2  }
.Ltmp29:
0x1ca: {  	_ = 	snop;
	(pc) =	sbr.rel .LBB2_42-.Ltmp29, $3  }
0x1cb: {  	_ = 	snop  }
0x1cc: {  	v1 =	vmul.f32 v2, v1;
	_ =	sdelay $0x1  }
0x1cd: {  	[tilespmem:s22+$0x10] =	vst v1  }
.LBB2_44:
0x1ce: {  	_ =	sfence.sel $0x180000  }
0x1cf: {  	[bflag:$0x0] =	sbarrier.arrive $0xFFFF  }
0x1d0: {  	_ =	strace $0x9000004A  }
0x1d1: {  	[bflag:$0x2] =	sbarrier.arrive $0xFFFF  }
0x1d2: {  	p0 =	sne.s32 s1, $0x0;
	s0 =	rddreg [dreg:$0x3]  }
0x1d3: {  	s0 =	sadd.s32 @!p0 $0x100000, s0  }
0x1d4: {  	[sflag:s0] =	ssyncadd.tile.s32 @!p0 $0x1;
	_ =	shalt  }
.Lfunc_end2:
_tile_overlayer_lowered:
.L_overlay_start_2:
0x1d5: {  	(tag) =	ssettag $0x2  }
0x1d6: {  	s0 =	rddreg [dreg:$0x0];
	s2 =	stileid.u32  }
0x1d7: {  	s1 =	rddreg [dreg:$0x1];
	p0 =	sne.s32 s2, $0x0  }
0x1d8: {  	s3 =	rddreg [dreg:$0x2];
	[bflag:$0x3] =	sbarrier.arrive $0xFFFF;
	s2 =	simm.s32 @!p0 $0x1C02  }
0x1d9: {  	[timem:s3], [sflag:s2] =	dma.local @!p0 [hbm:s0], s1  }
0x1da: {  	s0 =	simm.s32 @!p0 $0x2  }
0x1db: {  	_ =	swait.ge @!p0 [sflag:s0], s1  }
0x1dc: {  	s1 =	ssub.s32 @!p0 $0x0, s1;
	[sflag:s0] =	ssyncset.done @!p0 $0x0  }
0x1dd: {  	[sflag:s0] =	ssyncadd.s32 @!p0 s1  }
0x1de: {  	[bflag:$0x3] =	sbarrier.arrive $0xFFFF  }
0x1df: {  	_ =	shalt  }

// kernel: kernel.15.cloned.1.call-start
scs
__scs_entry_jumppad:
0x0: {  	(pc) =	sbr.rel $0x88, $3  }
0x1: {  	(tag) =	ssettag $0x0;
	lr =	simm.s32 $0x1  }
0x2: {  	[smem:$0x3F92] =	sst lr;
	_ =	strace $0xD0000000  }
0x3: {  	_ = 	snop  }
0x4: {  	_ = 	snop  }
0x5: {  	_ = 	snop  }
0x6: {  	_ = 	snop  }
0x7: {  	_ = 	snop  }
__scs_overlays_trampoline_lowered:
0x8: {  	[smem:$0x3FA1] =	sst s0  }
0x9: {  	[smem:$0x3FA2] =	sst s1  }
0xa: {  	[smem:$0x3FA3] =	sst s2  }
0xb: {  	[smem:$0x3FA4] =	sst s3  }
0xc: {  	[smem:$0x3FA5] =	sst s4  }
0xd: {  	[smem:$0x3FA6] =	sst s5  }
0xe: {  	[smem:$0x3FA7] =	sst s6  }
0xf: {  	[smem:$0x3FA8] =	sst s7  }
0x10: {  	[smem:$0x3FA9] =	sst s8  }
0x11: {  	[smem:$0x3FAA] =	sst s9;
	s0 =	simm.s32 @!p0 $0x0  }
0x12: {  	s1 =	sld [smem:$0x3F90];
	s0 =	simm.s32 @p0 $0x1  }
0x13: {  	[smem:$0x3FAB] =	sst s0;
	s0 =	simm.s32 @!p1 $0x0  }
0x14: {  	s2 =	sld [smem:$0x3F8F];
	s0 =	simm.s32 @p1 $0x1  }
0x15: {  	[smem:$0x3FAC] =	sst s0;
	s0 =	simm.s32 @!p2 $0x0  }
0x16: {  	s3 =	sld [smem:$0x3FDB];
	s0 =	simm.s32 @p2 $0x1  }
0x17: {  	s4 =	simm.s32 $0x1BF5;
	[smem:$0x3FAE] =	sst s0  }
0x18: {  	s0 =	sld [smem:$0x3F91];
	_ =	swait.ge [sflag:s4], $0x0  }
0x19: {  	s7 =	sld [smem:$0x3F92]  }
0x1a: {  	s8 =	sadd.s32 $0xFFFFE003, lr  }
0x1b: {  	s9 =	sadd.s32 $0xFFFFFEF7, lr;
	s5 =	simm.s32 $0xFFFFFFFF;
	p2 =	slt.u32 s8, $0xFFFFF086  }
0x1c: {  	p1 =	slt.u32 s9, $0xF7A;
	s5 =	simm.s32 @!p2 $0x0  }
0x1d: {  	s5 =	simm.s32 @p1 $0x1;
	p0 =	seq.s32 s7, s2  }
0x1e: {  	s7 =	smul.u32 @!p0 $0xF7A, s2;
	p2 =	seq.s32 @!p0 s5, $0x0  }
0x1f: {  	s9 =	smul.u32 $0xF7A, s1;
	s8 =	simm.s32 @!p0 $0x1BF5;
	p2 =	por !p2, p0  }
0x20: {  	[sflag:s8] =	ssyncset.s32 @!p0 $0xFFFFF086;
	s6 =	sadd.s32 @!p0 s3, s7;
	s7 =	simm.s32 @!p0 $0x108  }
0x21: {  	s3 =	sadd.s32 s3, s9;
	s6 =	sadd.s32 @!p0 $0x88, s6;
	s7 =	simm.s32 @p2 $0x1082  }
0x22: {  	[simem:s7], [sflag:s8] =	dma.local @!p0 [hbm:s6], $0xF7A  }
0x23: {  	s9 =	sor.u32 $0xD0000000, s2;
	s6 =	simm.s32 $0x108;
	_ =	swait.ge @!p0 [sflag:s8], $0x0  }
0x24: {  	s3 =	sadd.s32 $0x88, s3;
	s6 =	simm.s32 @!p1 $0x1082;
	[sflag:s4] =	ssyncset.s32 $0xFFFFF086  }
0x25: {  	[simem:s6], [sflag:s4] =	dma.local [hbm:s3], $0xF7A  }
0x26: {  	[smem:$0x3F92] =	sst s1;
	(tag) =	ssettag s2;
	_ =	strace s9  }
0x27: {  	s1 =	sld [smem:$0x3FA2]  }
0x28: {  	s2 =	sld [smem:$0x3FA3]  }
0x29: {  	s4 =	sld [smem:$0x3FA5]  }
0x2a: {  	p0 =	seq.s32 s5, $0x0;
	s5 =	sld [smem:$0x3FA6]  }
0x2b: {  	s6 =	sld [smem:$0x3FA7]  }
0x2c: {  	s7 =	sld [smem:$0x3FA8]  }
0x2d: {  	s3 =	simm.s32 $0x108;
	s8 =	sld [smem:$0x3FA9]  }
0x2e: {  	s3 =	simm.s32 @!p0 $0x1082;
	s9 =	sld [smem:$0x3FAA]  }
0x2f: {  	lr =	sadd.s32 s0, s3;
	s0 =	sld [smem:$0x3FA1]  }
0x30: {  	s3 =	sld [smem:$0x3FA4]  }
0x31: {  	[smem:$0x3FAD] =	sst s10  }
0x32: {  	s10 =	sld [smem:$0x3FAB];
	_ =	sdelay $0x3  }
0x33: {  	p0 =	seq.s32 s10, $0x1;
	s10 =	sld [smem:$0x3FAD];
	_ =	sdelay $0x3  }
0x34: {  	[smem:$0x3FAD] =	sst s10  }
0x35: {  	s10 =	sld [smem:$0x3FAC];
	_ =	sdelay $0x3  }
0x36: {  	p1 =	seq.s32 s10, $0x1;
	s10 =	sld [smem:$0x3FAD];
	_ =	sdelay $0x3  }
0x37: {  	[smem:$0x3FAD] =	sst s10  }
0x38: {  	s10 =	sld [smem:$0x3FAE]  }
0x39: {  	_ = 	snop;
	(pc) =	sbr.ind lr, $3  }
0x3a: {  	_ = 	snop  }
0x3b: {  	_ = 	snop  }
0x3c: {  	p2 =	seq.s32 s10, $0x1;
	s10 =	sld [smem:$0x3FAD]  }
0x3d: {  	_ =	shalt  }
0x3e: {  	_ =	shalt  }
0x3f: {  	_ =	shalt  }
0x40: {  	_ =	shalt  }
0x41: {  	_ =	shalt  }
0x42: {  	_ =	shalt  }
0x43: {  	_ =	shalt  }
0x44: {  	_ =	shalt  }
0x45: {  	_ =	shalt  }
0x46: {  	_ =	shalt  }
0x47: {  	_ =	shalt  }
0x48: {  	_ =	shalt  }
0x49: {  	_ =	shalt  }
0x4a: {  	_ =	shalt  }
0x4b: {  	_ =	shalt  }
0x4c: {  	_ =	shalt  }
0x4d: {  	_ =	shalt  }
0x4e: {  	_ =	shalt  }
0x4f: {  	_ =	shalt  }
0x50: {  	_ =	shalt  }
0x51: {  	_ =	shalt  }
0x52: {  	_ =	shalt  }
0x53: {  	_ =	shalt  }
0x54: {  	_ =	shalt  }
0x55: {  	_ =	shalt  }
0x56: {  	_ =	shalt  }
0x57: {  	_ =	shalt  }
0x58: {  	_ =	shalt  }
0x59: {  	_ =	shalt  }
0x5a: {  	_ =	shalt  }
0x5b: {  	_ =	shalt  }
0x5c: {  	_ =	shalt  }
0x5d: {  	_ =	shalt  }
0x5e: {  	_ =	shalt  }
0x5f: {  	_ =	shalt  }
0x60: {  	_ =	shalt  }
0x61: {  	_ =	shalt  }
0x62: {  	_ =	shalt  }
0x63: {  	_ =	shalt  }
0x64: {  	_ =	shalt  }
0x65: {  	_ =	shalt  }
0x66: {  	_ =	shalt  }
0x67: {  	_ =	shalt  }
0x68: {  	_ =	shalt  }
0x69: {  	_ =	shalt  }
0x6a: {  	_ =	shalt  }
0x6b: {  	_ =	shalt  }
0x6c: {  	_ =	shalt  }
0x6d: {  	_ =	shalt  }
0x6e: {  	_ =	shalt  }
0x6f: {  	_ =	shalt  }
0x70: {  	_ =	shalt  }
0x71: {  	_ =	shalt  }
0x72: {  	_ =	shalt  }
0x73: {  	_ =	shalt  }
0x74: {  	_ =	shalt  }
0x75: {  	_ =	shalt  }
0x76: {  	_ =	shalt  }
0x77: {  	_ =	shalt  }
0x78: {  	_ =	shalt  }
0x79: {  	_ =	shalt  }
0x7a: {  	_ =	shalt  }
0x7b: {  	_ =	shalt  }
0x7c: {  	_ =	shalt  }
0x7d: {  	_ =	shalt  }
0x7e: {  	_ =	shalt  }
0x7f: {  	_ =	shalt  }
0x80: {  	_ =	shalt  }
0x81: {  	_ =	shalt  }
0x82: {  	_ =	shalt  }
0x83: {  	_ =	shalt  }
0x84: {  	_ =	shalt  }
0x85: {  	_ =	shalt  }
0x86: {  	_ =	shalt  }
0x87: {  	_ =	shalt  }
.Lfunc_end0:
.L_simem_size_0:
called_computation.2_lowered:
.L_overlay_start_0:
0x88: {  	s2 =	sld [smem:$0x3FD9]  }
0x89: {  	s3 =	sld [smem:$0x3FFE];
	_ =	sdelay $0x1  }
0x8a: {  	s1 =	srdreg.scid  }
0x8b: {  	s0 =	sand.u32 $0x1, s1  }
0x8c: {  	s14 =	sshll.u32 s0, $0xA;
	s2 =	sadd.s32 s3, s2  }
0x8d: {  	s2 =	sadd.s32 s2, s14  }
0x8e: {  	[smem:$0x3FB9] =	sst s2  }
0x8f: {  	_ = 	snop  }
0x90: {  	s2 =	sld [smem:$0x3FD0];
	_ =	sdelay $0x2  }
0x91: {  	s15 =	simm.s32 $0xA;
	s4 =	simm.s32 $0x10  }
0x92: {  	[smem:s4], [sflag:s15] =	dma.local [hbm:s2], $0x1  }
0x93: {  	_ =	swait.eq [sflag:s15], $0x1  }
0x94: {  	[sflag:s15] =	ssyncset.done $0x0  }
0x95: {  	[sflag:s15] =	ssyncadd.s32 $0xFFFFFFFF  }
0x96: {  	s16 =	sld [smem:$0x11];
	(tm) =	ssettm $0x1  }
0x97: {  	s17 =	sld [smem:$0x3FFB];
	_ =	sdelay $0x3  }
0x98: {  	_ =	strace s17  }
0x99: {  	s3 =	sld [smem:$0x3FFC];
	_ =	sdelay $0x3  }
0x9a: {  	_ =	strace s3  }
0x9b: {  	s3 =	sld [smem:$0x3FFD];
	_ =	sdelay $0x3  }
0x9c: {  	_ =	strace s3  }
0x9d: {  	_ =	strace $0x8FFFFFFF  }
0x9e: {  	s18 =	sld [smem:$0x3FDB];
	_ =	sdelay $0x1  }
0x9f: {  	s19 =	simm.s32 $_scs_section_size  }
0xa0: {  	s5 =	simm.s32 $_size__tile_overlayer_lowered;
	s6 =	simm.s32 $_tile_overlayer_lowered  }
0xa1: {  	s22 =	simm.s32 $0x1BFF;
	s21 =	sshll.u32 s6, $0x1;
	s3 =	sadd.s32 s19, s18  }
0xa2: {  	s7 =	simm.s32 $0x0;
	s20 =	sshll.u32 s5, $0x1;
	s5 =	sadd.s32 s21, s3  }
0xa3: {  	[timem:s7], [sflag:s22] =	dma.local [hbm:s5], s20  }
0xa4: {  	_ =	swait.ge [sflag:s22], s20  }
0xa5: {  	s4 =	ssub.s32 $0x0, s20;
	[sflag:s22] =	ssyncset.done $0x0  }
0xa6: {  	[sflag:s22] =	ssyncadd.s32 s4;
	_ =	sdelay $0x1  }
0xa7: {  	s23 =	simm.s32 $0x1B8B  }
0xa8: {  	_ =	swait.ge [sflag:s23], $0x1  }
0xa9: {  	[sflag:s23] =	ssyncset.done $0x0  }
0xaa: {  	s25 =	simm.s32 $0x1B8E;
	s24 =	sld [smem:$0x3FFE];
	[sflag:s23] =	ssyncadd.s32 $0xFFFFFFFF  }
0xab: {  	s26 =	simm.s32 $execute0_lowered;
	[smem:$0x3FD2] =	sst s25  }
0xac: {  	s5 =	sshll.u32 s26, $0x1;
	_ =	strace $0x8000004C;
	[dreg:$0x1] =	wrdreg $0xFFFFFFFF  }
0xad: {  	s28 =	simm.s32 $_size_execute0_lowered;
	s3 =	sadd.s32 s3, s5;
	[dreg:$0x0] =	wrdreg $0x0  }
0xae: {  	s5 =	sshll.u32 s28, $0x1;
	[dreg:$0x2] =	wrdreg s3  }
0xaf: {  	[dreg:$0x3] =	wrdreg s5  }
0xb0: {  	[dreg:$0x4] =	wrdreg $0xC0  }
0xb1: {  	_ =	task [dreg:s7], $0x5FFFF  }
0xb2: {  	[dreg:$0x1] =	wrdreg $0xFFFFFFFF  }
0xb3: {  	[dreg:$0x0] =	wrdreg $0x60  }
0xb4: {  	[dreg:$0x2] =	wrdreg s24  }
0xb5: {  	[dreg:$0x3] =	wrdreg s16  }
0xb6: {  	[dreg:$0x4] =	wrdreg $0xAD800  }
0xb7: {  	[dreg:$0x5] =	wrdreg $0x9  }
0xb8: {  	_ =	task.clear_ibuf [dreg:s7], $0x6FFFF;
	_ =	strace $0x9000004C  }
0xb9: {  	s29 =	simm.s32 $0x9;
	_ =	strace $0x8000004E  }
0xba: {  	_ =	swait.ge [sflag:s29], $0x1  }
0xbb: {  	[sflag:s29] =	ssyncadd.s32 $0xFFFFFFFF  }
0xbc: {  	_ =	strace $0x9000004E  }
0xbd: {  	_ =	sfence  }
0xbe: {  	s30 =	sld [smem:$0x0];
	_ =	sdelay $0x2  }
0xbf: {  	s31 =	sshll.u32 s1, $0xD;
	s1 =	sshrl.u32 s1, $0x2  }
0xc0: {  	s3 =	sand.u32 $0x4000, s31;
	s1 =	sadd.s32 s1, s30  }
0xc1: {  	s0 =	sor.u32 s3, s0;
	s1 =	sshll.u32 s1, $0x11  }
0xc2: {  	s0 =	sor.u32 s1, s0  }
0xc3: {  	s0 =	sadd.s32 $0x8F2B, s0  }
0xc4: {  	[sflag:s0] =	ssyncadd.remote.s32 $0x1  }
0xc5: {  	_ =	sfence.sel $0xFFFF  }
0xc6: {  	[dreg:$0x0] =	wrdreg $0xFFFFFFFF;
	(pc) =	sbr.abs _section_cstart, $3  }
0xc7: {  	[dreg:$0x1] =	wrdreg $0xFFFFFFFF  }
0xc8: {  	_ =	task.clear_ibuf [dreg:s7], $0x2FFFF;
	_ =	strace $0x9FFFFFFF  }
0xc9: {  	(tm) =	ssettm $0x7FFFFFFF  }
tec
execute0_lowered:
.L_overlay_start_1:
0x0: {  	(tag) =	ssettag $0x1  }
0x1: {  	s0 =	rddreg [dreg:$0x0]  }
0x2: {  	s2 =	rddreg [dreg:$0x1]  }
0x3: {  	s3 =	rddreg [dreg:$0x2];
	s5 =	srdreg.scid  }
0x4: {  	s1 =	stileid.u32;
	s4 =	simm.s32 $0x0;
	s28 =	simm.s32 $0x9180  }
0x5: {  	s29 =	simm.s32 $0x2;
	s30 =	simm.s32 $0x3;
	s31 =	simm.s32 $0x80  }
0x6: {  	s16 =	sand.u32 $0x1, s5;
	s9 =	smul.u32 $0xC400, s1;
	[smem:$0x7FF] =	sst s4  }
0x7: {  	s5 =	sadd.s32 $0x1CA00, s0;
	s10 =	smul.u32 $0x31000, s1;
	s7 =	sadd.s32 $0x3347000, s0  }
0x8: {  	s21 =	sadd.s32 $0x3654000, s0;
	p1 =	sne.s32 s1, $0xF;
	s6 =	smul.u32 $0x188000, s16  }
0x9: {  	_ =	strace $0x8000004D;
	s11 =	ssub.s32 $0x2, s16;
	p0 =	seq.s32 s16, $0x1  }
0xa: {  	[dreg:$0x6] =	wrdreg s21;
	s24 =	sshrl.u32 s10, $0x2;
	s25 =	sshrl.u32 s11, $0x1  }
0xb: {  	s8 =	sadd.s32 s9, s6;
	s6 =	sadd.s32 $0x4200, s0;
	s15 =	sadd.s32 s24, s3  }
0xc: {  	s18 =	ssub.s32 s11, s25;
	s9 =	sadd.s32 s9, s3;
	s8 =	sshrl.u32 s8, $0x3  }
0xd: {  	s10 =	sadd.s32 $0x1C00, s15;
	s17 =	sadd.s32 s8, s0;
	s8 =	smul.u32 $0x61A80, s16  }
0xe: {  	s11 =	sadd.s32 $0x3800, s15;
	s12 =	sadd.s32 $0x5400, s15;
	s13 =	sadd.s32 $0x7000, s15  }
0xf: {  	s14 =	sadd.s32 $0x8C00, s15;
	s23 =	sadd.s32 $0x35200, s17;
	s19 =	sshrl.u32 s8, $0x3  }
0x10: {  	s25 =	sadd.s32 $0x4DA00, s17;
	[dreg:$0x7] =	wrdreg s23;
	s20 =	sadd.s32 $0x61A0, s19  }
0x11: {  	s15 =	sadd.s32 $0xA800, s15;
	[dreg:$0xb] =	wrdreg s25;
	s26 =	sadd.s32 s5, s20  }
0x12: {  	s22 =	sadd.s32 $0xC348, s19;
	s20 =	sadd.s32 s6, s20;
	[dreg:$0x4] =	wrdreg s26  }
.Ltmp0:
0x13: {  	s24 =	sadd.s32 s5, s22;
	[dreg:$0x5] =	wrdreg s20;
	(pc) =	sbr.rel .LBB2_1-.Ltmp0, $4  }
0x14: {  	s17 =	simm.s32 $0x2100;
	s16 =	sadd.s32 s6, s22;
	[dreg:$0x8] =	wrdreg s24  }
0x15: {  	s20 =	sadd.s32 $0x3654400, s0;
	[dreg:$0x9] =	wrdreg s16;
	s0 =	sadd.s32 $0x3961400, s0  }
0x16: {  	s26 =	smax.u32 s18, $0x1;
	s16 =	simm.s32 $0x1;
	[dreg:$0xa] =	wrdreg s0  }
0x17: {  	v0 =	vimm.f32 $0.0e+00;
	[dreg:$0xc] =	wrdreg s26;
	s26 =	sadd.s32 $0x30D40, s8;
	s0 =	simm.s32 $0x100  }
.LBB2_42:
0x18: {  	s21 =	simm.s32 $0x6140;
	s22 =	simm.s32 $0x40;
	s23 =	simm.s32 $0x6180  }
0x19: {  	[spmem:s3] =	stream.indirect.scatter.add.f32 [tilespmem:s23], [sflag:$0x2], $0x40, s21, s22, $0xb8;
	[tilespmem:$0x17180] =	vst v63  }
0x1a: {  	_ =	swait.ge [sflag:s29], $0x1000  }
0x1b: {  	[sflag:s29] =	ssyncset.done $0x0  }
0x1c: {  	[sflag:s29] =	ssyncadd.s32 $0xFFFFF000  }
.LBB2_43:
0x1d: {  	[bflag:$0x0] =	sbarrier.arrive $0xFFFF  }
0x1e: {  	s21 =	rddreg [dreg:$0xb]  }
0x1f: {  	[hbm:s21], [sflag:s19] =	dma.local [spmem:s18], $0x1880  }
0x20: {  	_ =	swait.ge [sflag:s29], $0x1880  }
0x21: {  	s4 =	sadd.s32 $0x1, s4;
	s25 =	rddreg [dreg:$0xc]  }
0x22: {  	p2 =	sne.s32 s4, s25  }
.Ltmp1:
0x23: {  	_ = 	snop;
	(pc) =	sbr.rel @!p2 .LBB2_44-.Ltmp1, $3  }
0x24: {  	_ =	sdelay $0x1  }
0x25: {  	[sflag:s29] =	ssyncset.done $0x0  }
0x26: {  	[sflag:s29] =	ssyncadd.s32 $0xFFFFE780  }
.LBB2_1:
0x27: {  	s19 =	simm.s32 $0x100;
	s18 =	simm.s32 $0x0  }
.LBB2_2:
0x28: {  	p2 =	sne.s32 s19, $0x6F00;
	[tilespmem:s18+$0x91B0] =	vst v0;
	s21 =	smov.u32 s19;
	s19 =	sadd.s32 $0x100, s19  }
.Ltmp2:
0x29: {  	[tilespmem:s18+$0x91A0] =	vst v0;
	(pc) =	sbr.rel @p2 .LBB2_2-.Ltmp2, $3  }
0x2a: {  	[tilespmem:s18+$0x9180] =	vst v0  }
0x2b: {  	[tilespmem:s18+$0x9190] =	vst v0;
	_ =	sdelay $0x1  }
0x2c: {  	s18 =	sshra.s32 s21, $0x2  }
0x2d: {  	[tilespmem:s18+$0x91B0] =	vst v0  }
0x2e: {  	[tilespmem:s18+$0x91A0] =	vst v0  }
0x2f: {  	[tilespmem:s18+$0x9180] =	vst v0  }
0x30: {  	[tilespmem:s18+$0x9190] =	vst v0  }
0x31: {  	[spmem:s9] =	stream.linear.scatter [tilespmem:s28], [sflag:$0x2], $0x1C00, $0x38;
	[tilespmem:$0x17180] =	vst v63  }
0x32: {  	_ =	swait.ge [sflag:s29], $0x1C00  }
0x33: {  	[sflag:s29] =	ssyncset.done $0x0  }
0x34: {  	[sflag:s29] =	ssyncadd.s32 $0xFFFFE400  }
0x35: {  	[spmem:s10] =	stream.linear.scatter [tilespmem:s28], [sflag:$0x2], $0x1C00, $0x38;
	[tilespmem:$0x17180] =	vst v63  }
0x36: {  	_ =	swait.ge [sflag:s29], $0x1C00  }
0x37: {  	[sflag:s29] =	ssyncset.done $0x0  }
0x38: {  	[sflag:s29] =	ssyncadd.s32 $0xFFFFE400  }
0x39: {  	[spmem:s11] =	stream.linear.scatter [tilespmem:s28], [sflag:$0x2], $0x1C00, $0x38;
	[tilespmem:$0x17180] =	vst v63  }
0x3a: {  	_ =	swait.ge [sflag:s29], $0x1C00  }
0x3b: {  	[sflag:s29] =	ssyncset.done $0x0  }
0x3c: {  	[sflag:s29] =	ssyncadd.s32 $0xFFFFE400  }
0x3d: {  	[spmem:s12] =	stream.linear.scatter [tilespmem:s28], [sflag:$0x2], $0x1C00, $0x38;
	[tilespmem:$0x17180] =	vst v63  }
0x3e: {  	_ =	swait.ge [sflag:s29], $0x1C00  }
0x3f: {  	[sflag:s29] =	ssyncset.done $0x0  }
0x40: {  	[sflag:s29] =	ssyncadd.s32 $0xFFFFE400  }
0x41: {  	[spmem:s13] =	stream.linear.scatter [tilespmem:s28], [sflag:$0x2], $0x1C00, $0x38;
	[tilespmem:$0x17180] =	vst v63  }
0x42: {  	_ =	swait.ge [sflag:s29], $0x1C00  }
0x43: {  	[sflag:s29] =	ssyncset.done $0x0  }
0x44: {  	[sflag:s29] =	ssyncadd.s32 $0xFFFFE400  }
0x45: {  	[spmem:s14] =	stream.linear.scatter [tilespmem:s28], [sflag:$0x2], $0x1C00, $0x38;
	[tilespmem:$0x17180] =	vst v63  }
0x46: {  	_ =	swait.ge [sflag:s29], $0x1C00  }
0x47: {  	[sflag:s29] =	ssyncset.done $0x0  }
0x48: {  	[sflag:s29] =	ssyncadd.s32 $0xFFFFE400  }
0x49: {  	[spmem:s15] =	stream.linear.scatter [tilespmem:s28], [sflag:$0x2], $0x1C00, $0x38;
	[tilespmem:$0x17180] =	vst v63  }
.Ltmp3:
0x4a: {  	_ =	swait.ge [sflag:s29], $0x1C00;
	(pc) =	sbr.rel .LBB2_4-.Ltmp3, $4  }
0x4b: {  	[sflag:s29] =	ssyncset.done $0x0  }
0x4c: {  	[sflag:s29] =	ssyncadd.s32 $0xFFFFE400  }
0x4d: {  	[bflag:$0x0] =	sbarrier.arrive $0xFFFF  }
0x4e: {  	s18 =	simm.s32 $0x0  }
.LBB2_8:
0x4f: {  	v2 =	vld [tilespmem:s22+$0x2100];
	_ =	sdelay $0x4  }
0x50: {  	v1 =	vmul.f32 v2, v1;
	_ =	sdelay $0x1  }
0x51: {  	[tilespmem:s19+$0xFFFFFFE0] =	vst v1;
	v1 =	vld [tilespmem:s19+$0xFFFFFFF0]  }
0x52: {  	v2 =	vld [tilespmem:s22+$0x2110];
	_ =	sdelay $0x4  }
0x53: {  	v1 =	vmul.f32 v2, v1;
	_ =	sdelay $0x1  }
0x54: {  	[tilespmem:s19+$0xFFFFFFF0] =	vst v1;
	v1 =	vld [tilespmem:s19+$0x0]  }
0x55: {  	v2 =	vld [tilespmem:s22+$0x2120];
	_ =	sdelay $0x4  }
0x56: {  	v1 =	vmul.f32 v2, v1;
	_ =	sdelay $0x1  }
0x57: {  	[tilespmem:s19+$0x0] =	vst v1;
	v1 =	vld [tilespmem:s19+$0x10]  }
0x58: {  	v2 =	vld [tilespmem:s22+$0x2130];
	_ =	sdelay $0x4  }
0x59: {  	v1 =	vmul.f32 v2, v1;
	_ =	sdelay $0x1  }
0x5a: {  	[tilespmem:s21+$0x10] =	vst v1  }
.LBB2_12:
0x5b: {  	[spmem:s3] =	stream.indirect.scatter.add.f32 [tilespmem:s0], [sflag:$0x2], $0x40, s31, s31, $0xb8;
	[tilespmem:$0x17180] =	vst v63  }
0x5c: {  	_ =	swait.ge [sflag:s29], $0x2000  }
0x5d: {  	[sflag:s29] =	ssyncset.done $0x0  }
0x5e: {  	[sflag:s29] =	ssyncadd.s32 $0xFFFFE000  }
.LBB2_13:
0x5f: {  	s18 =	sadd.s32 $0x1, s18  }
0x60: {  	p2 =	sne.s32 s18, $0x62  }
.Ltmp4:
0x61: {  	_ = 	snop;
	(pc) =	sbr.rel @!p2 .LBB2_14-.Ltmp4, $1  }
0x62: {  	_ =	sdelay $0x3  }
.LBB2_4:
0x63: {  	s19 =	sshll.u32 s18, $0x4  }
0x64: {  	s19 =	sor.u32 s1, s19  }
0x65: {  	p2 =	sgt.u32 s19, $0x619  }
.Ltmp5:
0x66: {  	_ = 	snop;
	(pc) =	sbr.rel @p2 .LBB2_13-.Ltmp5, $1  }
0x67: {  	_ =	sdelay $0x3  }
0x68: {  	s21 =	sshll.u32 s19, $0x7  }
0x69: {  	s21 =	sadd.s32 s8, s21  }
0x6a: {  	s21 =	sshrl.u32 s21, $0x3  }
0x6b: {  	s23 =	simm.s32 $0x0;
	s22 =	sadd.s32 s5, s21  }
0x6c: {  	[tilespmem:s23], [sflag:$0x3] =	stream.linear.gather [hbm4b:s22+s23], $0x80, $0x38;
	[tilespmem:$0x17180] =	vst v63  }
0x6d: {  	_ =	swait.ge [sflag:s30], $0x80  }
0x6e: {  	[sflag:s30] =	ssyncset.done $0x0  }
0x6f: {  	s21 =	sadd.s32 s6, s21;
	[sflag:s30] =	ssyncadd.s32 $0xFFFFFF80  }
0x70: {  	[tilespmem:s31], [sflag:$0x3] =	stream.linear.gather [hbm4b:s21+s23], $0x80, $0x38;
	[tilespmem:$0x17180] =	vst v63  }
0x71: {  	_ =	swait.ge [sflag:s30], $0x80  }
0x72: {  	[sflag:s30] =	ssyncset.done $0x0  }
0x73: {  	[sflag:s30] =	ssyncadd.s32 $0xFFFFFF80  }
0x74: {  	[tilespmem:s0], [sflag:$0x1] =	stream.indirect.gather [hbm4b:s2+s31], $0x40, s23, s31, $0xb8;
	[tilespmem:$0x17180] =	vst v63  }
0x75: {  	_ =	swait.ge [sflag:s16], $0x2000  }
0x76: {  	s25 =	sshll.u32 s19, $0xB;
	[sflag:s16] =	ssyncset.done $0x0  }
.Ltmp6:
0x77: {  	s19 =	sadd.s32 s7, s25;
	[sflag:s16] =	ssyncadd.s32 $0xFFFFE000;
	(pc) =	sbr.rel @!p0 .LBB2_6-.Ltmp6, $4  }
0x78: {  	[tilespmem:s17], [sflag:$0x3] =	stream.linear.gather [hbm4b:s19+s23], $0x4000, $0x38;
	[tilespmem:$0x17180] =	vst v63  }
0x79: {  	_ =	swait.ge [sflag:s30], $0x4000  }
0x7a: {  	[sflag:s30] =	ssyncset.done $0x0  }
0x7b: {  	s19 =	simm.s32 $0x120;
	[sflag:s30] =	ssyncadd.s32 $0xFFFFC000  }
0x7c: {  	v1 =	vld [tilespmem:s19+$0xFFFFFFE0];
	s22 =	simm.s32 $0x0;
	s24 =	simm.s32 $0x200;
	s21 =	simm.s32 $0x120  }
.LBB2_10:
0x7d: {  	p2 =	sne.s32 s24, $0xFE00;
	v2 =	vld [tilespmem:s22+$0x2140];
	_ =	sdelay $0x4  }
0x7e: {  	v1 =	vmul.f32 v2, v1;
	_ =	sdelay $0x1  }
0x7f: {  	[tilespmem:s19+$0xFFFFFFE0] =	vst v1;
	v1 =	vld [tilespmem:s19+$0xFFFFFFF0]  }
0x80: {  	v2 =	vld [tilespmem:s22+$0x2150];
	_ =	sdelay $0x4  }
0x81: {  	v1 =	vmul.f32 v2, v1;
	_ =	sdelay $0x1  }
0x82: {  	[tilespmem:s19+$0xFFFFFFF0] =	vst v1;
	v1 =	vld [tilespmem:s19+$0x0]  }
0x83: {  	v2 =	vld [tilespmem:s22+$0x2160];
	_ =	sdelay $0x4  }
0x84: {  	v1 =	vmul.f32 v2, v1;
	_ =	sdelay $0x1  }
0x85: {  	[tilespmem:s19+$0x0] =	vst v1;
	v1 =	vld [tilespmem:s19+$0x10]  }
0x86: {  	v2 =	vld [tilespmem:s22+$0x2170];
	_ =	sdelay $0x2  }
.Ltmp7:
0x87: {  	(pc) =	sbr.rel @p2 .LBB2_10-.Ltmp7, $4  }
0x88: {  	_ = 	snop  }
0x89: {  	v2 =	vmul.f32 v2, v1  }
0x8a: {  	s19 =	sadd.s32 $0x40, s19  }
0x8b: {  	s22 =	sshra.s32 s24, $0x2;
	s24 =	sadd.s32 $0x200, s24;
	v1 =	vld [tilespmem:s19+$0xFFFFFFE0];
	[tilespmem:s21+$0x10] =	vst v2;
	s21 =	smov.u32 s19  }
0x8c: {  	v2 =	vld [tilespmem:s22+$0x2140];
	_ =	sdelay $0x4  }
0x8d: {  	v1 =	vmul.f32 v2, v1;
	_ =	sdelay $0x1  }
0x8e: {  	[tilespmem:s19+$0xFFFFFFE0] =	vst v1;
	v1 =	vld [tilespmem:s19+$0xFFFFFFF0]  }
0x8f: {  	v2 =	vld [tilespmem:s22+$0x2150];
	_ =	sdelay $0x4  }
0x90: {  	v1 =	vmul.f32 v2, v1;
	_ =	sdelay $0x1  }
0x91: {  	[tilespmem:s19+$0xFFFFFFF0] =	vst v1;
	v1 =	vld [tilespmem:s19+$0x0]  }
0x92: {  	v2 =	vld [tilespmem:s22+$0x2160];
	_ =	sdelay $0x4  }
0x93: {  	v1 =	vmul.f32 v2, v1;
	_ =	sdelay $0x1  }
0x94: {  	[tilespmem:s19+$0x0] =	vst v1;
	v1 =	vld [tilespmem:s19+$0x10]  }
0x95: {  	v2 =	vld [tilespmem:s22+$0x2170];
	_ =	sdelay $0x2  }
.Ltmp8:
0x96: {  	_ = 	snop;
	(pc) =	sbr.rel .LBB2_12-.Ltmp8, $3  }
0x97: {  	_ = 	snop  }
0x98: {  	v1 =	vmul.f32 v2, v1;
	_ =	sdelay $0x1  }
0x99: {  	[tilespmem:s21+$0x10] =	vst v1  }
.LBB2_6:
0x9a: {  	v1 =	vld [tilespmem:s19+$0xFFFFFFE0];
	s22 =	simm.s32 $0x0;
	s24 =	simm.s32 $0x200;
	s21 =	simm.s32 $0x120  }
.LBB2_7:
0x9b: {  	p2 =	seq.s32 s24, $0xFE00;
	v2 =	vld [tilespmem:s22+$0x2100];
	_ =	sdelay $0x4  }
0x9c: {  	v1 =	vmul.f32 v2, v1;
	_ =	sdelay $0x1  }
0x9d: {  	[tilespmem:s19+$0xFFFFFFE0] =	vst v1;
	v1 =	vld [tilespmem:s19+$0xFFFFFFF0]  }
0x9e: {  	v2 =	vld [tilespmem:s22+$0x2110];
	_ =	sdelay $0x4  }
0x9f: {  	v1 =	vmul.f32 v2, v1;
	_ =	sdelay $0x1  }
0xa0: {  	[tilespmem:s19+$0xFFFFFFF0] =	vst v1;
	v1 =	vld [tilespmem:s19+$0x0]  }
0xa1: {  	v2 =	vld [tilespmem:s22+$0x2120];
	_ =	sdelay $0x4  }
0xa2: {  	v1 =	vmul.f32 v2, v1;
	_ =	sdelay $0x1  }
0xa3: {  	[tilespmem:s19+$0x0] =	vst v1;
	v1 =	vld [tilespmem:s19+$0x10]  }
0xa4: {  	v2 =	vld [tilespmem:s22+$0x2130];
	_ =	sdelay $0x2  }
.Ltmp9:
0xa5: {  	(pc) =	sbr.rel @!p2 .LBB2_7-.Ltmp9, $4  }
0xa6: {  	_ = 	snop  }
0xa7: {  	v2 =	vmul.f32 v2, v1  }
0xa8: {  	s19 =	sadd.s32 $0x40, s19  }
0xa9: {  	s22 =	sshra.s32 s24, $0x2;
	s24 =	sadd.s32 $0x200, s24;
	v1 =	vld [tilespmem:s19+$0xFFFFFFE0];
	[tilespmem:s21+$0x10] =	vst v2;
	s21 =	smov.u32 s19  }
.Ltmp10:
0xaa: {  	_ = 	snop;
	(pc) =	sbr.rel .LBB2_8-.Ltmp10, $1  }
0xab: {  	_ =	sdelay $0x3  }
.LBB2_14:
.Ltmp11:
0xac: {  	(pc) =	sbr.rel @p1 .LBB2_23-.Ltmp11, $1  }
0xad: {  	_ =	sdelay $0x3  }
0xae: {  	s18 =	simm.s32 $0x0;
	s19 =	rddreg [dreg:$0x4];
	s21 =	simm.s32 $0x6100  }
0xaf: {  	[tilespmem:s21], [sflag:$0x2] =	stream.linear.gather [hbm4b:s19+s18], $0x40, $0x38;
	[tilespmem:$0x17180] =	vst v63  }
0xb0: {  	_ =	swait.ge [sflag:s29], $0x40  }
0xb1: {  	[sflag:s29] =	ssyncset.done $0x0  }
0xb2: {  	s22 =	simm.s32 $0x6140;
	s25 =	rddreg [dreg:$0x5];
	[sflag:s29] =	ssyncadd.s32 $0xFFFFFFC0  }
0xb3: {  	[tilespmem:s22], [sflag:$0x2] =	stream.linear.gather [hbm4b:s25+s18], $0x40, $0x38;
	[tilespmem:$0x17180] =	vst v63  }
0xb4: {  	_ =	swait.ge [sflag:s29], $0x40  }
0xb5: {  	[sflag:s29] =	ssyncset.done $0x0  }
0xb6: {  	s23 =	simm.s32 $0x6180;
	s22 =	simm.s32 $0x40;
	[sflag:s29] =	ssyncadd.s32 $0xFFFFFFC0  }
0xb7: {  	[tilespmem:s23], [sflag:$0x1] =	stream.indirect.gather [hbm4b:s2+s22], $0x40, s21, s22, $0xb8;
	[tilespmem:$0x17180] =	vst v63  }
0xb8: {  	_ =	swait.ge [sflag:s16], $0x1000  }
0xb9: {  	s25 =	simm.s32 $0x7180;
	[sflag:s16] =	ssyncset.done $0x0  }
.Ltmp12:
0xba: {  	s24 =	rddreg [dreg:$0x6];
	[sflag:s16] =	ssyncadd.s32 $0xFFFFF000;
	(pc) =	sbr.rel @!p0 .LBB2_16-.Ltmp12, $4  }
0xbb: {  	[tilespmem:s25], [sflag:$0x2] =	stream.linear.gather [hbm4b:s24+s18], $0x2000, $0x38;
	[tilespmem:$0x17180] =	vst v63  }
0xbc: {  	_ =	swait.ge [sflag:s29], $0x2000  }
0xbd: {  	[sflag:s29] =	ssyncset.done $0x0  }
0xbe: {  	s18 =	simm.s32 $0x61A0;
	[sflag:s29] =	ssyncadd.s32 $0xFFFFE000  }
0xbf: {  	v1 =	vld [tilespmem:s18+$0xFFFFFFE0];
	s21 =	simm.s32 $0x0;
	s22 =	simm.s32 $0x200;
	s19 =	simm.s32 $0x61A0  }
.LBB2_20:
0xc0: {  	p2 =	sne.s32 s22, $0x7E00;
	v2 =	vld [tilespmem:s21+$0x71C0];
	_ =	sdelay $0x4  }
0xc1: {  	v1 =	vmul.f32 v2, v1;
	_ =	sdelay $0x1  }
0xc2: {  	[tilespmem:s18+$0xFFFFFFE0] =	vst v1;
	v1 =	vld [tilespmem:s18+$0xFFFFFFF0]  }
0xc3: {  	v2 =	vld [tilespmem:s21+$0x71D0];
	_ =	sdelay $0x4  }
0xc4: {  	v1 =	vmul.f32 v2, v1;
	_ =	sdelay $0x1  }
0xc5: {  	[tilespmem:s18+$0xFFFFFFF0] =	vst v1;
	v1 =	vld [tilespmem:s18+$0x0]  }
0xc6: {  	v2 =	vld [tilespmem:s21+$0x71E0];
	_ =	sdelay $0x4  }
0xc7: {  	v1 =	vmul.f32 v2, v1;
	_ =	sdelay $0x1  }
0xc8: {  	[tilespmem:s18+$0x0] =	vst v1;
	v1 =	vld [tilespmem:s18+$0x10]  }
0xc9: {  	v2 =	vld [tilespmem:s21+$0x71F0];
	_ =	sdelay $0x2  }
.Ltmp13:
0xca: {  	(pc) =	sbr.rel @p2 .LBB2_20-.Ltmp13, $4  }
0xcb: {  	_ = 	snop  }
0xcc: {  	v2 =	vmul.f32 v2, v1  }
0xcd: {  	s18 =	sadd.s32 $0x40, s18  }
0xce: {  	s21 =	sshra.s32 s22, $0x2;
	s22 =	sadd.s32 $0x200, s22;
	v1 =	vld [tilespmem:s18+$0xFFFFFFE0];
	[tilespmem:s19+$0x10] =	vst v2;
	s19 =	smov.u32 s18  }
0xcf: {  	v2 =	vld [tilespmem:s21+$0x71C0];
	_ =	sdelay $0x4  }
0xd0: {  	v1 =	vmul.f32 v2, v1;
	_ =	sdelay $0x1  }
0xd1: {  	[tilespmem:s18+$0xFFFFFFE0] =	vst v1;
	v1 =	vld [tilespmem:s18+$0xFFFFFFF0]  }
0xd2: {  	v2 =	vld [tilespmem:s21+$0x71D0];
	_ =	sdelay $0x4  }
0xd3: {  	v1 =	vmul.f32 v2, v1;
	_ =	sdelay $0x1  }
0xd4: {  	[tilespmem:s18+$0xFFFFFFF0] =	vst v1;
	v1 =	vld [tilespmem:s18+$0x0]  }
0xd5: {  	v2 =	vld [tilespmem:s21+$0x71E0];
	_ =	sdelay $0x4  }
0xd6: {  	v1 =	vmul.f32 v2, v1;
	_ =	sdelay $0x1  }
0xd7: {  	[tilespmem:s18+$0x0] =	vst v1;
	v1 =	vld [tilespmem:s18+$0x10]  }
0xd8: {  	v2 =	vld [tilespmem:s21+$0x71F0];
	_ =	sdelay $0x2  }
.Ltmp14:
0xd9: {  	_ = 	snop;
	(pc) =	sbr.rel .LBB2_22-.Ltmp14, $3  }
0xda: {  	_ = 	snop  }
0xdb: {  	v1 =	vmul.f32 v2, v1;
	_ =	sdelay $0x1  }
0xdc: {  	[tilespmem:s19+$0x10] =	vst v1  }
.LBB2_16:
0xdd: {  	v1 =	vld [tilespmem:s18+$0xFFFFFFE0];
	s21 =	simm.s32 $0x0;
	s22 =	simm.s32 $0x200;
	s19 =	simm.s32 $0x61A0  }
.LBB2_17:
0xde: {  	p2 =	seq.s32 s22, $0x7E00;
	v2 =	vld [tilespmem:s21+$0x7180];
	_ =	sdelay $0x4  }
0xdf: {  	v1 =	vmul.f32 v2, v1;
	_ =	sdelay $0x1  }
0xe0: {  	[tilespmem:s18+$0xFFFFFFE0] =	vst v1;
	v1 =	vld [tilespmem:s18+$0xFFFFFFF0]  }
0xe1: {  	v2 =	vld [tilespmem:s21+$0x7190];
	_ =	sdelay $0x4  }
0xe2: {  	v1 =	vmul.f32 v2, v1;
	_ =	sdelay $0x1  }
0xe3: {  	[tilespmem:s18+$0xFFFFFFF0] =	vst v1;
	v1 =	vld [tilespmem:s18+$0x0]  }
0xe4: {  	v2 =	vld [tilespmem:s21+$0x71A0];
	_ =	sdelay $0x4  }
0xe5: {  	v1 =	vmul.f32 v2, v1;
	_ =	sdelay $0x1  }
0xe6: {  	[tilespmem:s18+$0x0] =	vst v1;
	v1 =	vld [tilespmem:s18+$0x10]  }
0xe7: {  	v2 =	vld [tilespmem:s21+$0x71B0];
	_ =	sdelay $0x2  }
.Ltmp15:
0xe8: {  	(pc) =	sbr.rel @!p2 .LBB2_17-.Ltmp15, $4  }
0xe9: {  	_ = 	snop  }
0xea: {  	v2 =	vmul.f32 v2, v1  }
0xeb: {  	s18 =	sadd.s32 $0x40, s18  }
0xec: {  	s21 =	sshra.s32 s22, $0x2;
	s22 =	sadd.s32 $0x200, s22;
	v1 =	vld [tilespmem:s18+$0xFFFFFFE0];
	[tilespmem:s19+$0x10] =	vst v2;
	s19 =	smov.u32 s18  }
0xed: {  	v2 =	vld [tilespmem:s21+$0x7180];
	_ =	sdelay $0x4  }
0xee: {  	v1 =	vmul.f32 v2, v1;
	_ =	sdelay $0x1  }
0xef: {  	[tilespmem:s18+$0xFFFFFFE0] =	vst v1;
	v1 =	vld [tilespmem:s18+$0xFFFFFFF0]  }
0xf0: {  	v2 =	vld [tilespmem:s21+$0x7190];
	_ =	sdelay $0x4  }
0xf1: {  	v1 =	vmul.f32 v2, v1;
	_ =	sdelay $0x1  }
0xf2: {  	[tilespmem:s18+$0xFFFFFFF0] =	vst v1;
	v1 =	vld [tilespmem:s18+$0x0]  }
0xf3: {  	v2 =	vld [tilespmem:s21+$0x71A0];
	_ =	sdelay $0x4  }
0xf4: {  	v1 =	vmul.f32 v2, v1;
	_ =	sdelay $0x1  }
0xf5: {  	[tilespmem:s18+$0x0] =	vst v1;
	v1 =	vld [tilespmem:s18+$0x10]  }
0xf6: {  	v2 =	vld [tilespmem:s21+$0x71B0];
	_ =	sdelay $0x4  }
0xf7: {  	v1 =	vmul.f32 v2, v1;
	_ =	sdelay $0x1  }
0xf8: {  	[tilespmem:s19+$0x10] =	vst v1  }
.LBB2_22:
0xf9: {  	s18 =	simm.s32 $0x6140;
	s19 =	simm.s32 $0x40;
	s21 =	simm.s32 $0x6180  }
0xfa: {  	[spmem:s3] =	stream.indirect.scatter.add.f32 [tilespmem:s21], [sflag:$0x2], $0x40, s18, s19, $0xb8;
	[tilespmem:$0x17180] =	vst v63  }
0xfb: {  	_ =	swait.ge [sflag:s29], $0x1000  }
0xfc: {  	[sflag:s29] =	ssyncset.done $0x0  }
0xfd: {  	[sflag:s29] =	ssyncadd.s32 $0xFFFFF000  }
.LBB2_23:
0xfe: {  	s18 =	sshll.u32 s1, $0x6;
	[bflag:$0x0] =	sbarrier.arrive $0xFFFF  }
0xff: {  	s19 =	sor.u32 $0x1C02, s18;
	s18 =	sshrl.u32 s9, $0x3;
	s21 =	rddreg [dreg:$0x7]  }
0x100: {  	[hbm:s21], [sflag:s19] =	dma.local [spmem:s18], $0x1880  }
0x101: {  	_ =	swait.ge [sflag:s29], $0x1880  }
0x102: {  	[sflag:s29] =	ssyncset.done $0x0  }
0x103: {  	[sflag:s29] =	ssyncadd.s32 $0xFFFFE780  }
0x104: {  	[spmem:s9] =	stream.linear.scatter [tilespmem:s28], [sflag:$0x2], $0x1C00, $0x38;
	[tilespmem:$0x17180] =	vst v63  }
0x105: {  	_ =	swait.ge [sflag:s29], $0x1C00  }
0x106: {  	[sflag:s29] =	ssyncset.done $0x0  }
0x107: {  	[sflag:s29] =	ssyncadd.s32 $0xFFFFE400  }
0x108: {  	[spmem:s10] =	stream.linear.scatter [tilespmem:s28], [sflag:$0x2], $0x1C00, $0x38;
	[tilespmem:$0x17180] =	vst v63  }
0x109: {  	_ =	swait.ge [sflag:s29], $0x1C00  }
0x10a: {  	[sflag:s29] =	ssyncset.done $0x0  }
0x10b: {  	[sflag:s29] =	ssyncadd.s32 $0xFFFFE400  }
0x10c: {  	[spmem:s11] =	stream.linear.scatter [tilespmem:s28], [sflag:$0x2], $0x1C00, $0x38;
	[tilespmem:$0x17180] =	vst v63  }
0x10d: {  	_ =	swait.ge [sflag:s29], $0x1C00  }
0x10e: {  	[sflag:s29] =	ssyncset.done $0x0  }
0x10f: {  	[sflag:s29] =	ssyncadd.s32 $0xFFFFE400  }
0x110: {  	[spmem:s12] =	stream.linear.scatter [tilespmem:s28], [sflag:$0x2], $0x1C00, $0x38;
	[tilespmem:$0x17180] =	vst v63  }
0x111: {  	_ =	swait.ge [sflag:s29], $0x1C00  }
0x112: {  	[sflag:s29] =	ssyncset.done $0x0  }
0x113: {  	[sflag:s29] =	ssyncadd.s32 $0xFFFFE400  }
0x114: {  	[spmem:s13] =	stream.linear.scatter [tilespmem:s28], [sflag:$0x2], $0x1C00, $0x38;
	[tilespmem:$0x17180] =	vst v63  }
0x115: {  	_ =	swait.ge [sflag:s29], $0x1C00  }
0x116: {  	[sflag:s29] =	ssyncset.done $0x0  }
0x117: {  	[sflag:s29] =	ssyncadd.s32 $0xFFFFE400  }
0x118: {  	[spmem:s14] =	stream.linear.scatter [tilespmem:s28], [sflag:$0x2], $0x1C00, $0x38;
	[tilespmem:$0x17180] =	vst v63  }
0x119: {  	_ =	swait.ge [sflag:s29], $0x1C00  }
0x11a: {  	[sflag:s29] =	ssyncset.done $0x0  }
0x11b: {  	[sflag:s29] =	ssyncadd.s32 $0xFFFFE400  }
0x11c: {  	[spmem:s15] =	stream.linear.scatter [tilespmem:s28], [sflag:$0x2], $0x1C00, $0x38;
	[tilespmem:$0x17180] =	vst v63  }
.Ltmp16:
0x11d: {  	_ =	swait.ge [sflag:s29], $0x1C00;
	(pc) =	sbr.rel .LBB2_24-.Ltmp16, $4  }
0x11e: {  	[sflag:s29] =	ssyncset.done $0x0  }
0x11f: {  	[sflag:s29] =	ssyncadd.s32 $0xFFFFE400  }
0x120: {  	[bflag:$0x0] =	sbarrier.arrive $0xFFFF  }
0x121: {  	s21 =	simm.s32 $0x0  }
.LBB2_28:
0x122: {  	v2 =	vld [tilespmem:s25+$0x2100];
	_ =	sdelay $0x4  }
0x123: {  	v1 =	vmul.f32 v2, v1;
	_ =	sdelay $0x1  }
0x124: {  	[tilespmem:s24+$0xFFFFFFE0] =	vst v1;
	v1 =	vld [tilespmem:s24+$0xFFFFFFF0]  }
0x125: {  	v2 =	vld [tilespmem:s25+$0x2110];
	_ =	sdelay $0x4  }
0x126: {  	v1 =	vmul.f32 v2, v1;
	_ =	sdelay $0x1  }
0x127: {  	[tilespmem:s24+$0xFFFFFFF0] =	vst v1;
	v1 =	vld [tilespmem:s24+$0x0]  }
0x128: {  	v2 =	vld [tilespmem:s25+$0x2120];
	_ =	sdelay $0x4  }
0x129: {  	v1 =	vmul.f32 v2, v1;
	_ =	sdelay $0x1  }
0x12a: {  	[tilespmem:s24+$0x0] =	vst v1;
	v1 =	vld [tilespmem:s24+$0x10]  }
0x12b: {  	v2 =	vld [tilespmem:s25+$0x2130];
	_ =	sdelay $0x4  }
0x12c: {  	v1 =	vmul.f32 v2, v1;
	_ =	sdelay $0x1  }
0x12d: {  	[tilespmem:s22+$0x10] =	vst v1  }
.LBB2_32:
0x12e: {  	[spmem:s3] =	stream.indirect.scatter.add.f32 [tilespmem:s0], [sflag:$0x2], $0x40, s31, s31, $0xb8;
	[tilespmem:$0x17180] =	vst v63  }
0x12f: {  	_ =	swait.ge [sflag:s29], $0x2000  }
0x130: {  	[sflag:s29] =	ssyncset.done $0x0  }
0x131: {  	[sflag:s29] =	ssyncadd.s32 $0xFFFFE000  }
.LBB2_33:
0x132: {  	s21 =	sadd.s32 $0x1, s21  }
0x133: {  	p2 =	sne.s32 s21, $0x62  }
.Ltmp17:
0x134: {  	_ = 	snop;
	(pc) =	sbr.rel @!p2 .LBB2_34-.Ltmp17, $1  }
0x135: {  	_ =	sdelay $0x3  }
.LBB2_24:
0x136: {  	s22 =	sshll.u32 s21, $0x4  }
0x137: {  	s22 =	sor.u32 s1, s22  }
0x138: {  	p2 =	sgt.u32 s22, $0x619  }
.Ltmp18:
0x139: {  	_ = 	snop;
	(pc) =	sbr.rel @p2 .LBB2_33-.Ltmp18, $1  }
0x13a: {  	_ =	sdelay $0x3  }
0x13b: {  	s23 =	sshll.u32 s22, $0x7  }
0x13c: {  	s23 =	sadd.s32 s23, s26  }
0x13d: {  	s23 =	sshrl.u32 s23, $0x3  }
0x13e: {  	s25 =	simm.s32 $0x0;
	s24 =	sadd.s32 s5, s23  }
0x13f: {  	[tilespmem:s25], [sflag:$0x3] =	stream.linear.gather [hbm4b:s24+s25], $0x80, $0x38;
	[tilespmem:$0x17180] =	vst v63  }
0x140: {  	_ =	swait.ge [sflag:s30], $0x80  }
0x141: {  	[sflag:s30] =	ssyncset.done $0x0  }
0x142: {  	s23 =	sadd.s32 s6, s23;
	[sflag:s30] =	ssyncadd.s32 $0xFFFFFF80  }
0x143: {  	[tilespmem:s31], [sflag:$0x3] =	stream.linear.gather [hbm4b:s23+s25], $0x80, $0x38;
	[tilespmem:$0x17180] =	vst v63  }
0x144: {  	_ =	swait.ge [sflag:s30], $0x80  }
0x145: {  	[sflag:s30] =	ssyncset.done $0x0  }
0x146: {  	[sflag:s30] =	ssyncadd.s32 $0xFFFFFF80  }
0x147: {  	[tilespmem:s0], [sflag:$0x1] =	stream.indirect.gather [hbm4b:s2+s31], $0x40, s25, s31, $0xb8;
	[tilespmem:$0x17180] =	vst v63  }
0x148: {  	_ =	swait.ge [sflag:s16], $0x2000  }
0x149: {  	s24 =	sshll.u32 s22, $0xB;
	[sflag:s16] =	ssyncset.done $0x0  }
.Ltmp19:
0x14a: {  	s22 =	sadd.s32 s24, s20;
	[sflag:s16] =	ssyncadd.s32 $0xFFFFE000;
	(pc) =	sbr.rel @!p0 .LBB2_26-.Ltmp19, $4  }
0x14b: {  	[tilespmem:s17], [sflag:$0x3] =	stream.linear.gather [hbm4b:s22+s25], $0x4000, $0x38;
	[tilespmem:$0x17180] =	vst v63  }
0x14c: {  	_ =	swait.ge [sflag:s30], $0x4000  }
0x14d: {  	[sflag:s30] =	ssyncset.done $0x0  }
0x14e: {  	s24 =	simm.s32 $0x120;
	[sflag:s30] =	ssyncadd.s32 $0xFFFFC000  }
0x14f: {  	v1 =	vld [tilespmem:s24+$0xFFFFFFE0];
	s25 =	simm.s32 $0x0;
	s23 =	simm.s32 $0x200;
	s22 =	simm.s32 $0x120  }
.LBB2_30:
0x150: {  	p2 =	sne.s32 s23, $0xFE00;
	v2 =	vld [tilespmem:s25+$0x2140];
	_ =	sdelay $0x4  }
0x151: {  	v1 =	vmul.f32 v2, v1;
	_ =	sdelay $0x1  }
0x152: {  	[tilespmem:s24+$0xFFFFFFE0] =	vst v1;
	v1 =	vld [tilespmem:s24+$0xFFFFFFF0]  }
0x153: {  	v2 =	vld [tilespmem:s25+$0x2150];
	_ =	sdelay $0x4  }
0x154: {  	v1 =	vmul.f32 v2, v1;
	_ =	sdelay $0x1  }
0x155: {  	[tilespmem:s24+$0xFFFFFFF0] =	vst v1;
	v1 =	vld [tilespmem:s24+$0x0]  }
0x156: {  	v2 =	vld [tilespmem:s25+$0x2160];
	_ =	sdelay $0x4  }
0x157: {  	v1 =	vmul.f32 v2, v1;
	_ =	sdelay $0x1  }
0x158: {  	[tilespmem:s24+$0x0] =	vst v1;
	v1 =	vld [tilespmem:s24+$0x10]  }
0x159: {  	v2 =	vld [tilespmem:s25+$0x2170];
	_ =	sdelay $0x2  }
.Ltmp20:
0x15a: {  	(pc) =	sbr.rel @p2 .LBB2_30-.Ltmp20, $4  }
0x15b: {  	_ = 	snop  }
0x15c: {  	v2 =	vmul.f32 v2, v1  }
0x15d: {  	s24 =	sadd.s32 $0x40, s24  }
0x15e: {  	s25 =	sshra.s32 s23, $0x2;
	s23 =	sadd.s32 $0x200, s23;
	v1 =	vld [tilespmem:s24+$0xFFFFFFE0];
	[tilespmem:s22+$0x10] =	vst v2;
	s22 =	smov.u32 s24  }
0x15f: {  	v2 =	vld [tilespmem:s25+$0x2140];
	_ =	sdelay $0x4  }
0x160: {  	v1 =	vmul.f32 v2, v1;
	_ =	sdelay $0x1  }
0x161: {  	[tilespmem:s24+$0xFFFFFFE0] =	vst v1;
	v1 =	vld [tilespmem:s24+$0xFFFFFFF0]  }
0x162: {  	v2 =	vld [tilespmem:s25+$0x2150];
	_ =	sdelay $0x4  }
0x163: {  	v1 =	vmul.f32 v2, v1;
	_ =	sdelay $0x1  }
0x164: {  	[tilespmem:s24+$0xFFFFFFF0] =	vst v1;
	v1 =	vld [tilespmem:s24+$0x0]  }
0x165: {  	v2 =	vld [tilespmem:s25+$0x2160];
	_ =	sdelay $0x4  }
0x166: {  	v1 =	vmul.f32 v2, v1;
	_ =	sdelay $0x1  }
0x167: {  	[tilespmem:s24+$0x0] =	vst v1;
	v1 =	vld [tilespmem:s24+$0x10]  }
0x168: {  	v2 =	vld [tilespmem:s25+$0x2170];
	_ =	sdelay $0x2  }
.Ltmp21:
0x169: {  	_ = 	snop;
	(pc) =	sbr.rel .LBB2_32-.Ltmp21, $3  }
0x16a: {  	_ = 	snop  }
0x16b: {  	v1 =	vmul.f32 v2, v1;
	_ =	sdelay $0x1  }
0x16c: {  	[tilespmem:s22+$0x10] =	vst v1  }
.LBB2_26:
0x16d: {  	v1 =	vld [tilespmem:s24+$0xFFFFFFE0];
	s25 =	simm.s32 $0x0;
	s23 =	simm.s32 $0x200;
	s22 =	simm.s32 $0x120  }
.LBB2_27:
0x16e: {  	p2 =	seq.s32 s23, $0xFE00;
	v2 =	vld [tilespmem:s25+$0x2100];
	_ =	sdelay $0x4  }
0x16f: {  	v1 =	vmul.f32 v2, v1;
	_ =	sdelay $0x1  }
0x170: {  	[tilespmem:s24+$0xFFFFFFE0] =	vst v1;
	v1 =	vld [tilespmem:s24+$0xFFFFFFF0]  }
0x171: {  	v2 =	vld [tilespmem:s25+$0x2110];
	_ =	sdelay $0x4  }
0x172: {  	v1 =	vmul.f32 v2, v1;
	_ =	sdelay $0x1  }
0x173: {  	[tilespmem:s24+$0xFFFFFFF0] =	vst v1;
	v1 =	vld [tilespmem:s24+$0x0]  }
0x174: {  	v2 =	vld [tilespmem:s25+$0x2120];
	_ =	sdelay $0x4  }
0x175: {  	v1 =	vmul.f32 v2, v1;
	_ =	sdelay $0x1  }
0x176: {  	[tilespmem:s24+$0x0] =	vst v1;
	v1 =	vld [tilespmem:s24+$0x10]  }
0x177: {  	v2 =	vld [tilespmem:s25+$0x2130];
	_ =	sdelay $0x2  }
.Ltmp22:
0x178: {  	(pc) =	sbr.rel @!p2 .LBB2_27-.Ltmp22, $4  }
0x179: {  	_ = 	snop  }
0x17a: {  	v2 =	vmul.f32 v2, v1  }
0x17b: {  	s24 =	sadd.s32 $0x40, s24  }
0x17c: {  	s25 =	sshra.s32 s23, $0x2;
	s23 =	sadd.s32 $0x200, s23;
	v1 =	vld [tilespmem:s24+$0xFFFFFFE0];
	[tilespmem:s22+$0x10] =	vst v2;
	s22 =	smov.u32 s24  }
.Ltmp23:
0x17d: {  	_ = 	snop;
	(pc) =	sbr.rel .LBB2_28-.Ltmp23, $1  }
0x17e: {  	_ =	sdelay $0x3  }
.LBB2_34:
.Ltmp24:
0x17f: {  	(pc) =	sbr.rel @p1 .LBB2_43-.Ltmp24, $1  }
0x180: {  	_ =	sdelay $0x3  }
0x181: {  	s21 =	simm.s32 $0x0;
	s22 =	rddreg [dreg:$0x8];
	s23 =	simm.s32 $0x6100  }
0x182: {  	[tilespmem:s23], [sflag:$0x2] =	stream.linear.gather [hbm4b:s22+s21], $0x40, $0x38;
	[tilespmem:$0x17180] =	vst v63  }
0x183: {  	_ =	swait.ge [sflag:s29], $0x40  }
0x184: {  	[sflag:s29] =	ssyncset.done $0x0  }
0x185: {  	s24 =	simm.s32 $0x6140;
	s25 =	rddreg [dreg:$0x9];
	[sflag:s29] =	ssyncadd.s32 $0xFFFFFFC0  }
0x186: {  	[tilespmem:s24], [sflag:$0x2] =	stream.linear.gather [hbm4b:s25+s21], $0x40, $0x38;
	[tilespmem:$0x17180] =	vst v63  }
0x187: {  	_ =	swait.ge [sflag:s29], $0x40  }
0x188: {  	[sflag:s29] =	ssyncset.done $0x0  }
0x189: {  	s24 =	simm.s32 $0x40;
	s25 =	simm.s32 $0x6180;
	[sflag:s29] =	ssyncadd.s32 $0xFFFFFFC0  }
0x18a: {  	[tilespmem:s25], [sflag:$0x1] =	stream.indirect.gather [hbm4b:s2+s24], $0x40, s23, s24, $0xb8;
	[tilespmem:$0x17180] =	vst v63  }
0x18b: {  	_ =	swait.ge [sflag:s16], $0x1000  }
0x18c: {  	s25 =	simm.s32 $0x7180;
	[sflag:s16] =	ssyncset.done $0x0  }
.Ltmp25:
0x18d: {  	s24 =	rddreg [dreg:$0xa];
	[sflag:s16] =	ssyncadd.s32 $0xFFFFF000;
	(pc) =	sbr.rel @!p0 .LBB2_36-.Ltmp25, $4  }
0x18e: {  	[tilespmem:s25], [sflag:$0x2] =	stream.linear.gather [hbm4b:s24+s21], $0x2000, $0x38;
	[tilespmem:$0x17180] =	vst v63  }
0x18f: {  	_ =	swait.ge [sflag:s29], $0x2000  }
0x190: {  	[sflag:s29] =	ssyncset.done $0x0  }
0x191: {  	s21 =	simm.s32 $0x61A0;
	[sflag:s29] =	ssyncadd.s32 $0xFFFFE000  }
0x192: {  	v1 =	vld [tilespmem:s21+$0xFFFFFFE0];
	s24 =	simm.s32 $0x0;
	s23 =	simm.s32 $0x200;
	s22 =	simm.s32 $0x61A0  }
.LBB2_40:
0x193: {  	p2 =	sne.s32 s23, $0x7E00;
	v2 =	vld [tilespmem:s24+$0x71C0];
	_ =	sdelay $0x4  }
0x194: {  	v1 =	vmul.f32 v2, v1;
	_ =	sdelay $0x1  }
0x195: {  	[tilespmem:s21+$0xFFFFFFE0] =	vst v1;
	v1 =	vld [tilespmem:s21+$0xFFFFFFF0]  }
0x196: {  	v2 =	vld [tilespmem:s24+$0x71D0];
	_ =	sdelay $0x4  }
0x197: {  	v1 =	vmul.f32 v2, v1;
	_ =	sdelay $0x1  }
0x198: {  	[tilespmem:s21+$0xFFFFFFF0] =	vst v1;
	v1 =	vld [tilespmem:s21+$0x0]  }
0x199: {  	v2 =	vld [tilespmem:s24+$0x71E0];
	_ =	sdelay $0x4  }
0x19a: {  	v1 =	vmul.f32 v2, v1;
	_ =	sdelay $0x1  }
0x19b: {  	[tilespmem:s21+$0x0] =	vst v1;
	v1 =	vld [tilespmem:s21+$0x10]  }
0x19c: {  	v2 =	vld [tilespmem:s24+$0x71F0];
	_ =	sdelay $0x2  }
.Ltmp26:
0x19d: {  	(pc) =	sbr.rel @p2 .LBB2_40-.Ltmp26, $4  }
0x19e: {  	_ = 	snop  }
0x19f: {  	v2 =	vmul.f32 v2, v1  }
0x1a0: {  	s21 =	sadd.s32 $0x40, s21  }
0x1a1: {  	s24 =	sshra.s32 s23, $0x2;
	s23 =	sadd.s32 $0x200, s23;
	v1 =	vld [tilespmem:s21+$0xFFFFFFE0];
	[tilespmem:s22+$0x10] =	vst v2;
	s22 =	smov.u32 s21  }
0x1a2: {  	v2 =	vld [tilespmem:s24+$0x71C0];
	_ =	sdelay $0x4  }
0x1a3: {  	v1 =	vmul.f32 v2, v1;
	_ =	sdelay $0x1  }
0x1a4: {  	[tilespmem:s21+$0xFFFFFFE0] =	vst v1;
	v1 =	vld [tilespmem:s21+$0xFFFFFFF0]  }
0x1a5: {  	v2 =	vld [tilespmem:s24+$0x71D0];
	_ =	sdelay $0x4  }
0x1a6: {  	v1 =	vmul.f32 v2, v1;
	_ =	sdelay $0x1  }
0x1a7: {  	[tilespmem:s21+$0xFFFFFFF0] =	vst v1;
	v1 =	vld [tilespmem:s21+$0x0]  }
0x1a8: {  	v2 =	vld [tilespmem:s24+$0x71E0];
	_ =	sdelay $0x4  }
0x1a9: {  	v1 =	vmul.f32 v2, v1;
	_ =	sdelay $0x1  }
0x1aa: {  	[tilespmem:s21+$0x0] =	vst v1;
	v1 =	vld [tilespmem:s21+$0x10]  }
0x1ab: {  	v2 =	vld [tilespmem:s24+$0x71F0];
	_ =	sdelay $0x2  }
.Ltmp27:
0x1ac: {  	_ = 	snop;
	(pc) =	sbr.rel .LBB2_42-.Ltmp27, $3  }
0x1ad: {  	_ = 	snop  }
0x1ae: {  	v1 =	vmul.f32 v2, v1;
	_ =	sdelay $0x1  }
0x1af: {  	[tilespmem:s22+$0x10] =	vst v1  }
.LBB2_36:
0x1b0: {  	v1 =	vld [tilespmem:s21+$0xFFFFFFE0];
	s24 =	simm.s32 $0x0;
	s23 =	simm.s32 $0x200;
	s22 =	simm.s32 $0x61A0  }
.LBB2_37:
0x1b1: {  	p2 =	seq.s32 s23, $0x7E00;
	v2 =	vld [tilespmem:s24+$0x7180];
	_ =	sdelay $0x4  }
0x1b2: {  	v1 =	vmul.f32 v2, v1;
	_ =	sdelay $0x1  }
0x1b3: {  	[tilespmem:s21+$0xFFFFFFE0] =	vst v1;
	v1 =	vld [tilespmem:s21+$0xFFFFFFF0]  }
0x1b4: {  	v2 =	vld [tilespmem:s24+$0x7190];
	_ =	sdelay $0x4  }
0x1b5: {  	v1 =	vmul.f32 v2, v1;
	_ =	sdelay $0x1  }
0x1b6: {  	[tilespmem:s21+$0xFFFFFFF0] =	vst v1;
	v1 =	vld [tilespmem:s21+$0x0]  }
0x1b7: {  	v2 =	vld [tilespmem:s24+$0x71A0];
	_ =	sdelay $0x4  }
0x1b8: {  	v1 =	vmul.f32 v2, v1;
	_ =	sdelay $0x1  }
0x1b9: {  	[tilespmem:s21+$0x0] =	vst v1;
	v1 =	vld [tilespmem:s21+$0x10]  }
0x1ba: {  	v2 =	vld [tilespmem:s24+$0x71B0];
	_ =	sdelay $0x2  }
.Ltmp28:
0x1bb: {  	(pc) =	sbr.rel @!p2 .LBB2_37-.Ltmp28, $4  }
0x1bc: {  	_ = 	snop  }
0x1bd: {  	v2 =	vmul.f32 v2, v1  }
0x1be: {  	s21 =	sadd.s32 $0x40, s21  }
0x1bf: {  	s24 =	sshra.s32 s23, $0x2;
	s23 =	sadd.s32 $0x200, s23;
	v1 =	vld [tilespmem:s21+$0xFFFFFFE0];
	[tilespmem:s22+$0x10] =	vst v2;
	s22 =	smov.u32 s21  }
0x1c0: {  	v2 =	vld [tilespmem:s24+$0x7180];
	_ =	sdelay $0x4  }
0x1c1: {  	v1 =	vmul.f32 v2, v1;
	_ =	sdelay $0x1  }
0x1c2: {  	[tilespmem:s21+$0xFFFFFFE0] =	vst v1;
	v1 =	vld [tilespmem:s21+$0xFFFFFFF0]  }
0x1c3: {  	v2 =	vld [tilespmem:s24+$0x7190];
	_ =	sdelay $0x4  }
0x1c4: {  	v1 =	vmul.f32 v2, v1;
	_ =	sdelay $0x1  }
0x1c5: {  	[tilespmem:s21+$0xFFFFFFF0] =	vst v1;
	v1 =	vld [tilespmem:s21+$0x0]  }
0x1c6: {  	v2 =	vld [tilespmem:s24+$0x71A0];
	_ =	sdelay $0x4  }
0x1c7: {  	v1 =	vmul.f32 v2, v1;
	_ =	sdelay $0x1  }
0x1c8: {  	[tilespmem:s21+$0x0] =	vst v1;
	v1 =	vld [tilespmem:s21+$0x10]  }
0x1c9: {  	v2 =	vld [tilespmem:s24+$0x71B0];
	_ =	sdelay $0x2  }
.Ltmp29:
0x1ca: {  	_ = 	snop;
	(pc) =	sbr.rel .LBB2_42-.Ltmp29, $3  }
0x1cb: {  	_ = 	snop  }
0x1cc: {  	v1 =	vmul.f32 v2, v1;
	_ =	sdelay $0x1  }
0x1cd: {  	[tilespmem:s22+$0x10] =	vst v1  }
.LBB2_44:
0x1ce: {  	_ =	sfence.sel $0x180000  }
0x1cf: {  	[bflag:$0x0] =	sbarrier.arrive $0xFFFF  }
0x1d0: {  	_ =	strace $0x9000004D  }
0x1d1: {  	[bflag:$0x2] =	sbarrier.arrive $0xFFFF  }
0x1d2: {  	p0 =	sne.s32 s1, $0x0;
	s0 =	rddreg [dreg:$0x3]  }
0x1d3: {  	s0 =	sadd.s32 @!p0 $0x100000, s0  }
0x1d4: {  	[sflag:s0] =	ssyncadd.tile.s32 @!p0 $0x1;
	_ =	shalt  }
.Lfunc_end2:
_tile_overlayer_lowered:
.L_overlay_start_2:
0x1d5: {  	(tag) =	ssettag $0x2  }
0x1d6: {  	s0 =	rddreg [dreg:$0x0];
	s2 =	stileid.u32  }
0x1d7: {  	s1 =	rddreg [dreg:$0x1];
	p0 =	sne.s32 s2, $0x0  }
0x1d8: {  	s3 =	rddreg [dreg:$0x2];
	[bflag:$0x3] =	sbarrier.arrive $0xFFFF;
	s2 =	simm.s32 @!p0 $0x1C02  }
0x1d9: {  	[timem:s3], [sflag:s2] =	dma.local @!p0 [hbm:s0], s1  }
0x1da: {  	s0 =	simm.s32 @!p0 $0x2  }
0x1db: {  	_ =	swait.ge @!p0 [sflag:s0], s1  }
0x1dc: {  	s1 =	ssub.s32 @!p0 $0x0, s1;
	[sflag:s0] =	ssyncset.done @!p0 $0x0  }
0x1dd: {  	[sflag:s0] =	ssyncadd.s32 @!p0 s1  }
0x1de: {  	[bflag:$0x3] =	sbarrier.arrive $0xFFFF  }
0x1df: {  	_ =	shalt  }

// kernel: kernel.9.cloned.1.call-start
scs
__scs_entry_jumppad:
0x0: {  	(pc) =	sbr.rel $0x88, $3  }
0x1: {  	(tag) =	ssettag $0x0;
	lr =	simm.s32 $0x1  }
0x2: {  	[smem:$0x3F92] =	sst lr;
	_ =	strace $0xD0000000  }
0x3: {  	_ = 	snop  }
0x4: {  	_ = 	snop  }
0x5: {  	_ = 	snop  }
0x6: {  	_ = 	snop  }
0x7: {  	_ = 	snop  }
__scs_overlays_trampoline_lowered:
0x8: {  	[smem:$0x3FA1] =	sst s0  }
0x9: {  	[smem:$0x3FA2] =	sst s1  }
0xa: {  	[smem:$0x3FA3] =	sst s2  }
0xb: {  	[smem:$0x3FA4] =	sst s3  }
0xc: {  	[smem:$0x3FA5] =	sst s4  }
0xd: {  	[smem:$0x3FA6] =	sst s5  }
0xe: {  	[smem:$0x3FA7] =	sst s6  }
0xf: {  	[smem:$0x3FA8] =	sst s7  }
0x10: {  	[smem:$0x3FA9] =	sst s8  }
0x11: {  	[smem:$0x3FAA] =	sst s9;
	s0 =	simm.s32 @!p0 $0x0  }
0x12: {  	s1 =	sld [smem:$0x3F90];
	s0 =	simm.s32 @p0 $0x1  }
0x13: {  	[smem:$0x3FAB] =	sst s0;
	s0 =	simm.s32 @!p1 $0x0  }
0x14: {  	s2 =	sld [smem:$0x3F8F];
	s0 =	simm.s32 @p1 $0x1  }
0x15: {  	[smem:$0x3FAC] =	sst s0;
	s0 =	simm.s32 @!p2 $0x0  }
0x16: {  	s3 =	sld [smem:$0x3FDB];
	s0 =	simm.s32 @p2 $0x1  }
0x17: {  	s4 =	simm.s32 $0x1BF5;
	[smem:$0x3FAE] =	sst s0  }
0x18: {  	s0 =	sld [smem:$0x3F91];
	_ =	swait.ge [sflag:s4], $0x0  }
0x19: {  	s7 =	sld [smem:$0x3F92]  }
0x1a: {  	s8 =	sadd.s32 $0xFFFFE003, lr  }
0x1b: {  	s9 =	sadd.s32 $0xFFFFFEF7, lr;
	s5 =	simm.s32 $0xFFFFFFFF;
	p2 =	slt.u32 s8, $0xFFFFF086  }
0x1c: {  	p1 =	slt.u32 s9, $0xF7A;
	s5 =	simm.s32 @!p2 $0x0  }
0x1d: {  	s5 =	simm.s32 @p1 $0x1;
	p0 =	seq.s32 s7, s2  }
0x1e: {  	s7 =	smul.u32 @!p0 $0xF7A, s2;
	p2 =	seq.s32 @!p0 s5, $0x0  }
0x1f: {  	s9 =	smul.u32 $0xF7A, s1;
	s8 =	simm.s32 @!p0 $0x1BF5;
	p2 =	por !p2, p0  }
0x20: {  	[sflag:s8] =	ssyncset.s32 @!p0 $0xFFFFF086;
	s6 =	sadd.s32 @!p0 s3, s7;
	s7 =	simm.s32 @!p0 $0x108  }
0x21: {  	s3 =	sadd.s32 s3, s9;
	s6 =	sadd.s32 @!p0 $0x88, s6;
	s7 =	simm.s32 @p2 $0x1082  }
0x22: {  	[simem:s7], [sflag:s8] =	dma.local @!p0 [hbm:s6], $0xF7A  }
0x23: {  	s9 =	sor.u32 $0xD0000000, s2;
	s6 =	simm.s32 $0x108;
	_ =	swait.ge @!p0 [sflag:s8], $0x0  }
0x24: {  	s3 =	sadd.s32 $0x88, s3;
	s6 =	simm.s32 @!p1 $0x1082;
	[sflag:s4] =	ssyncset.s32 $0xFFFFF086  }
0x25: {  	[simem:s6], [sflag:s4] =	dma.local [hbm:s3], $0xF7A  }
0x26: {  	[smem:$0x3F92] =	sst s1;
	(tag) =	ssettag s2;
	_ =	strace s9  }
0x27: {  	s1 =	sld [smem:$0x3FA2]  }
0x28: {  	s2 =	sld [smem:$0x3FA3]  }
0x29: {  	s4 =	sld [smem:$0x3FA5]  }
0x2a: {  	p0 =	seq.s32 s5, $0x0;
	s5 =	sld [smem:$0x3FA6]  }
0x2b: {  	s6 =	sld [smem:$0x3FA7]  }
0x2c: {  	s7 =	sld [smem:$0x3FA8]  }
0x2d: {  	s3 =	simm.s32 $0x108;
	s8 =	sld [smem:$0x3FA9]  }
0x2e: {  	s3 =	simm.s32 @!p0 $0x1082;
	s9 =	sld [smem:$0x3FAA]  }
0x2f: {  	lr =	sadd.s32 s0, s3;
	s0 =	sld [smem:$0x3FA1]  }
0x30: {  	s3 =	sld [smem:$0x3FA4]  }
0x31: {  	[smem:$0x3FAD] =	sst s10  }
0x32: {  	s10 =	sld [smem:$0x3FAB];
	_ =	sdelay $0x3  }
0x33: {  	p0 =	seq.s32 s10, $0x1;
	s10 =	sld [smem:$0x3FAD];
	_ =	sdelay $0x3  }
0x34: {  	[smem:$0x3FAD] =	sst s10  }
0x35: {  	s10 =	sld [smem:$0x3FAC];
	_ =	sdelay $0x3  }
0x36: {  	p1 =	seq.s32 s10, $0x1;
	s10 =	sld [smem:$0x3FAD];
	_ =	sdelay $0x3  }
0x37: {  	[smem:$0x3FAD] =	sst s10  }
0x38: {  	s10 =	sld [smem:$0x3FAE]  }
0x39: {  	_ = 	snop;
	(pc) =	sbr.ind lr, $3  }
0x3a: {  	_ = 	snop  }
0x3b: {  	_ = 	snop  }
0x3c: {  	p2 =	seq.s32 s10, $0x1;
	s10 =	sld [smem:$0x3FAD]  }
0x3d: {  	_ =	shalt  }
0x3e: {  	_ =	shalt  }
0x3f: {  	_ =	shalt  }
0x40: {  	_ =	shalt  }
0x41: {  	_ =	shalt  }
0x42: {  	_ =	shalt  }
0x43: {  	_ =	shalt  }
0x44: {  	_ =	shalt  }
0x45: {  	_ =	shalt  }
0x46: {  	_ =	shalt  }
0x47: {  	_ =	shalt  }
0x48: {  	_ =	shalt  }
0x49: {  	_ =	shalt  }
0x4a: {  	_ =	shalt  }
0x4b: {  	_ =	shalt  }
0x4c: {  	_ =	shalt  }
0x4d: {  	_ =	shalt  }
0x4e: {  	_ =	shalt  }
0x4f: {  	_ =	shalt  }
0x50: {  	_ =	shalt  }
0x51: {  	_ =	shalt  }
0x52: {  	_ =	shalt  }
0x53: {  	_ =	shalt  }
0x54: {  	_ =	shalt  }
0x55: {  	_ =	shalt  }
0x56: {  	_ =	shalt  }
0x57: {  	_ =	shalt  }
0x58: {  	_ =	shalt  }
0x59: {  	_ =	shalt  }
0x5a: {  	_ =	shalt  }
0x5b: {  	_ =	shalt  }
0x5c: {  	_ =	shalt  }
0x5d: {  	_ =	shalt  }
0x5e: {  	_ =	shalt  }
0x5f: {  	_ =	shalt  }
0x60: {  	_ =	shalt  }
0x61: {  	_ =	shalt  }
0x62: {  	_ =	shalt  }
0x63: {  	_ =	shalt  }
0x64: {  	_ =	shalt  }
0x65: {  	_ =	shalt  }
0x66: {  	_ =	shalt  }
0x67: {  	_ =	shalt  }
0x68: {  	_ =	shalt  }
0x69: {  	_ =	shalt  }
0x6a: {  	_ =	shalt  }
0x6b: {  	_ =	shalt  }
0x6c: {  	_ =	shalt  }
0x6d: {  	_ =	shalt  }
0x6e: {  	_ =	shalt  }
0x6f: {  	_ =	shalt  }
0x70: {  	_ =	shalt  }
0x71: {  	_ =	shalt  }
0x72: {  	_ =	shalt  }
0x73: {  	_ =	shalt  }
0x74: {  	_ =	shalt  }
0x75: {  	_ =	shalt  }
0x76: {  	_ =	shalt  }
0x77: {  	_ =	shalt  }
0x78: {  	_ =	shalt  }
0x79: {  	_ =	shalt  }
0x7a: {  	_ =	shalt  }
0x7b: {  	_ =	shalt  }
0x7c: {  	_ =	shalt  }
0x7d: {  	_ =	shalt  }
0x7e: {  	_ =	shalt  }
0x7f: {  	_ =	shalt  }
0x80: {  	_ =	shalt  }
0x81: {  	_ =	shalt  }
0x82: {  	_ =	shalt  }
0x83: {  	_ =	shalt  }
0x84: {  	_ =	shalt  }
0x85: {  	_ =	shalt  }
0x86: {  	_ =	shalt  }
0x87: {  	_ =	shalt  }
.Lfunc_end0:
.L_simem_size_0:
called_computation_lowered:
.L_overlay_start_0:
0x88: {  	s2 =	sld [smem:$0x3FD9]  }
0x89: {  	s3 =	sld [smem:$0x3FFE];
	_ =	sdelay $0x1  }
0x8a: {  	s1 =	srdreg.scid  }
0x8b: {  	s0 =	sand.u32 $0x1, s1  }
0x8c: {  	s14 =	sshll.u32 s0, $0xA;
	s2 =	sadd.s32 s3, s2  }
0x8d: {  	s2 =	sadd.s32 s2, s14  }
0x8e: {  	[smem:$0x3FB9] =	sst s2  }
0x8f: {  	_ = 	snop  }
0x90: {  	s2 =	sld [smem:$0x3FD0];
	_ =	sdelay $0x2  }
0x91: {  	s15 =	simm.s32 $0xA;
	s4 =	simm.s32 $0x10  }
0x92: {  	[smem:s4], [sflag:s15] =	dma.local [hbm:s2], $0x1  }
0x93: {  	_ =	swait.eq [sflag:s15], $0x1  }
0x94: {  	[sflag:s15] =	ssyncset.done $0x0  }
0x95: {  	[sflag:s15] =	ssyncadd.s32 $0xFFFFFFFF  }
0x96: {  	s16 =	sld [smem:$0x10];
	(tm) =	ssettm $0x1  }
0x97: {  	s17 =	sld [smem:$0x3FFB];
	_ =	sdelay $0x3  }
0x98: {  	_ =	strace s17  }
0x99: {  	s3 =	sld [smem:$0x3FFC];
	_ =	sdelay $0x3  }
0x9a: {  	_ =	strace s3  }
0x9b: {  	s3 =	sld [smem:$0x3FFD];
	_ =	sdelay $0x3  }
0x9c: {  	_ =	strace s3  }
0x9d: {  	_ =	strace $0x8FFFFFFF  }
0x9e: {  	s18 =	sld [smem:$0x3FDB];
	_ =	sdelay $0x1  }
0x9f: {  	s19 =	simm.s32 $_scs_section_size  }
0xa0: {  	s5 =	simm.s32 $_size__tile_overlayer_lowered;
	s6 =	simm.s32 $_tile_overlayer_lowered  }
0xa1: {  	s22 =	simm.s32 $0x1BFF;
	s21 =	sshll.u32 s6, $0x1;
	s3 =	sadd.s32 s19, s18  }
0xa2: {  	s7 =	simm.s32 $0x0;
	s20 =	sshll.u32 s5, $0x1;
	s5 =	sadd.s32 s21, s3  }
0xa3: {  	[timem:s7], [sflag:s22] =	dma.local [hbm:s5], s20  }
0xa4: {  	_ =	swait.ge [sflag:s22], s20  }
0xa5: {  	s4 =	ssub.s32 $0x0, s20;
	[sflag:s22] =	ssyncset.done $0x0  }
0xa6: {  	[sflag:s22] =	ssyncadd.s32 s4;
	_ =	sdelay $0x1  }
0xa7: {  	s23 =	simm.s32 $0x1B8B  }
0xa8: {  	_ =	swait.ge [sflag:s23], $0x1  }
0xa9: {  	[sflag:s23] =	ssyncset.done $0x0  }
0xaa: {  	s25 =	simm.s32 $0x1B8E;
	s24 =	sld [smem:$0x3FFE];
	[sflag:s23] =	ssyncadd.s32 $0xFFFFFFFF  }
0xab: {  	s26 =	simm.s32 $execute0_lowered;
	[smem:$0x3FD2] =	sst s25  }
0xac: {  	s5 =	sshll.u32 s26, $0x1;
	_ =	strace $0x80000046;
	[dreg:$0x1] =	wrdreg $0xFFFFFFFF  }
0xad: {  	s28 =	simm.s32 $_size_execute0_lowered;
	s3 =	sadd.s32 s3, s5;
	[dreg:$0x0] =	wrdreg $0x0  }
0xae: {  	s5 =	sshll.u32 s28, $0x1;
	[dreg:$0x2] =	wrdreg s3  }
0xaf: {  	[dreg:$0x3] =	wrdreg s5  }
0xb0: {  	[dreg:$0x4] =	wrdreg $0xC0  }
0xb1: {  	_ =	task [dreg:s7], $0x5FFFF  }
0xb2: {  	[dreg:$0x1] =	wrdreg $0xFFFFFFFF  }
0xb3: {  	[dreg:$0x0] =	wrdreg $0x60  }
0xb4: {  	[dreg:$0x2] =	wrdreg s24  }
0xb5: {  	[dreg:$0x3] =	wrdreg s16  }
0xb6: {  	[dreg:$0x4] =	wrdreg $0x9  }
0xb7: {  	_ =	task.clear_ibuf [dreg:s7], $0x5FFFF;
	_ =	strace $0x90000046  }
0xb8: {  	s29 =	simm.s32 $0x9;
	_ =	strace $0x80000048  }
0xb9: {  	_ =	swait.ge [sflag:s29], $0x1  }
0xba: {  	[sflag:s29] =	ssyncadd.s32 $0xFFFFFFFF  }
0xbb: {  	_ =	strace $0x90000048  }
0xbc: {  	_ =	sfence  }
0xbd: {  	s30 =	sld [smem:$0x0];
	_ =	sdelay $0x2  }
0xbe: {  	s31 =	sshll.u32 s1, $0xD;
	s1 =	sshrl.u32 s1, $0x2  }
0xbf: {  	s3 =	sand.u32 $0x4000, s31;
	s1 =	sadd.s32 s1, s30  }
0xc0: {  	s0 =	sor.u32 s3, s0;
	s1 =	sshll.u32 s1, $0x11  }
0xc1: {  	s0 =	sor.u32 s1, s0  }
0xc2: {  	s0 =	sadd.s32 $0x8F2B, s0  }
0xc3: {  	[sflag:s0] =	ssyncadd.remote.s32 $0x1  }
0xc4: {  	_ =	sfence.sel $0xFFFF  }
0xc5: {  	[dreg:$0x0] =	wrdreg $0xFFFFFFFF;
	(pc) =	sbr.abs _section_cstart, $3  }
0xc6: {  	[dreg:$0x1] =	wrdreg $0xFFFFFFFF  }
0xc7: {  	_ =	task.clear_ibuf [dreg:s7], $0x2FFFF;
	_ =	strace $0x9FFFFFFF  }
0xc8: {  	(tm) =	ssettm $0x7FFFFFFF  }
0xc9: {  	_ =	shalt  }
tec
execute0_lowered:
.L_overlay_start_1:
0x0: {  	(tag) =	ssettag $0x1  }
0x1: {  	s4 =	rddreg [dreg:$0x0]  }
0x2: {  	s11 =	rddreg [dreg:$0x1];
	s1 =	srdreg.scid  }
0x3: {  	s0 =	rddreg [dreg:$0x2];
	s2 =	simm.s32 $0x0;
	s16 =	simm.s32 $0x1  }
0x4: {  	s17 =	simm.s32 $0x500;
	s18 =	simm.s32 $0x900;
	s19 =	simm.s32 $0x928  }
0x5: {  	s20 =	simm.s32 $0x28;
	s21 =	simm.s32 $0x950;
	s22 =	simm.s32 $0xA90  }
0x6: {  	s23 =	simm.s32 $0x0;
	s5 =	sand.u32 $0x1, s1;
	s1 =	stileid.u32  }
0x7: {  	[smem:$0x7FF] =	sst s2;
	s12 =	sadd.s32 $0x1CA00, s4;
	s10 =	sadd.s32 $0xEC400, s4  }
0x8: {  	s14 =	sadd.s32 $0x1AFA00, s4;
	s3 =	sshll.u32 s5, $0x4;
	s9 =	smul.u32 $0x61A80, s5  }
0x9: {  	s7 =	ssub.s32 $0x2, s5;
	s13 =	smul.u32 $0x61A8, s1;
	s3 =	sor.u32 s1, s3  }
0xa: {  	_ =	strace $0x80000047;
	s30 =	sshrl.u32 s7, $0x1;
	s6 =	smul.u32 $0x61A8, s3  }
0xb: {  	s3 =	sadd.s32 $0xE0000, s4;
	s15 =	ssub.s32 s7, s30;
	s13 =	sadd.s32 s13, s9  }
0xc: {  	s31 =	sshrl.u32 s13, $0x3;
	s9 =	sadd.s32 s14, s13;
	s8 =	sadd.s32 $0x6180, s6  }
0xd: {  	s6 =	sshrl.u32 s8, $0x3;
	s7 =	sadd.s32 s14, s8;
	s14 =	simm.s32 $0x80  }
0xe: {  	s4 =	sadd.s32 s12, s6;
	s5 =	sadd.s32 s11, s6;
	s6 =	sadd.s32 s10, s8  }
0xf: {  	s8 =	smax.u32 s15, $0x1;
	s10 =	sadd.s32 s10, s13;
	s11 =	sadd.s32 s31, s11  }
0x10: {  	s12 =	sadd.s32 s31, s12;
	s13 =	simm.s32 $0x2;
	s15 =	simm.s32 $0x100  }
.LBB2_1:
0x11: {  	s24 =	sadd.s32 $0x0, s12  }
0x12: {  	[tilespmem:s2], [sflag:$0x2] =	stream.linear.gather [hbm4b:s24+s2], $0x80, $0x38;
	[tilespmem:$0xBD0] =	vst v63  }
0x13: {  	_ =	swait.ge [sflag:s13], $0x80  }
0x14: {  	[sflag:s13] =	ssyncset.done $0x0  }
0x15: {  	s31 =	sadd.s32 $0x0, s11;
	[sflag:s13] =	ssyncadd.s32 $0xFFFFFF80  }
0x16: {  	[tilespmem:s14], [sflag:$0x2] =	stream.linear.gather [hbm4b:s31+s2], $0x80, $0x38;
	[tilespmem:$0xBD0] =	vst v63  }
0x17: {  	_ =	swait.ge [sflag:s13], $0x80  }
0x18: {  	[sflag:s13] =	ssyncset.done $0x0  }
0x19: {  	[sflag:s13] =	ssyncadd.s32 $0xFFFFFF80  }
0x1a: {  	[tilespmem:s15], [sflag:$0x1] =	stream.indirect.gather [hbm4b:s3+s14], $0x4, s2, s14, $0xb8;
	[tilespmem:$0xBD0] =	vst v63  }
0x1b: {  	_ =	swait.ge [sflag:s16], $0x200  }
0x1c: {  	[sflag:s16] =	ssyncset.done $0x0  }
0x1d: {  	[sflag:s16] =	ssyncadd.s32 $0xFFFFFE00  }
0x1e: {  	[tilespmem:s17], [sflag:$0x1] =	stream.indirect.gather [hbm4b:s3+s14], $0x4, s14, s14, $0xb8;
	[tilespmem:$0xBD0] =	vst v63  }
0x1f: {  	_ =	swait.ge [sflag:s16], $0x200  }
0x20: {  	[sflag:s16] =	ssyncset.done $0x0  }
0x21: {  	[sflag:s16] =	ssyncadd.s32 $0xFFFFFE00  }
0x22: {  	[hbm4b:s10+s2] =	stream.linear.scatter [tilespmem:s15], [sflag:$0x2], $0x400, $0x38;
	[tilespmem:$0xBD0] =	vst v63  }
0x23: {  	_ =	swait.ge [sflag:s13], $0x400  }
0x24: {  	[sflag:s13] =	ssyncset.done $0x0  }
0x25: {  	[sflag:s13] =	ssyncadd.s32 $0xFFFFFC00  }
0x26: {  	[hbm4b:s9+s2] =	stream.linear.scatter [tilespmem:s17], [sflag:$0x2], $0x400, $0x38;
	[tilespmem:$0xBD0] =	vst v63  }
0x27: {  	s26 =	simm.s32 $0x10;
	s28 =	simm.s32 $0x20;
	_ =	swait.ge [sflag:s13], $0x400  }
0x28: {  	s25 =	sadd.s32 $0x80, s10;
	s24 =	sadd.s32 $0x80, s9;
	[sflag:s13] =	ssyncset.done $0x0  }
.LBB2_2:
0x29: {  	s29 =	sadd.s32 s26, s12  }
0x2a: {  	[sflag:s13] =	ssyncadd.s32 $0xFFFFFC00;
	s30 =	smov.u32 s28;
	s31 =	sadd.s32 $0x10, s28  }
0x2b: {  	[tilespmem:s2], [sflag:$0x2] =	stream.linear.gather [hbm4b:s29+s2], $0x80, $0x38;
	[tilespmem:$0xBD0] =	vst v63  }
0x2c: {  	p0 =	sne.s32 s28, $0xC20;
	_ =	swait.ge [sflag:s13], $0x80  }
0x2d: {  	[sflag:s13] =	ssyncset.done $0x0  }
0x2e: {  	s28 =	sadd.s32 s26, s11;
	s26 =	smov.u32 s30;
	[sflag:s13] =	ssyncadd.s32 $0xFFFFFF80  }
0x2f: {  	[tilespmem:s14], [sflag:$0x2] =	stream.linear.gather [hbm4b:s28+s2], $0x80, $0x38;
	[tilespmem:$0xBD0] =	vst v63  }
0x30: {  	_ =	swait.ge [sflag:s13], $0x80  }
0x31: {  	[sflag:s13] =	ssyncset.done $0x0  }
0x32: {  	[sflag:s13] =	ssyncadd.s32 $0xFFFFFF80  }
0x33: {  	[tilespmem:s15], [sflag:$0x1] =	stream.indirect.gather [hbm4b:s3+s14], $0x4, s2, s14, $0xb8;
	[tilespmem:$0xBD0] =	vst v63  }
0x34: {  	_ =	swait.ge [sflag:s16], $0x200  }
0x35: {  	[sflag:s16] =	ssyncset.done $0x0  }
0x36: {  	[sflag:s16] =	ssyncadd.s32 $0xFFFFFE00  }
0x37: {  	[tilespmem:s17], [sflag:$0x1] =	stream.indirect.gather [hbm4b:s3+s14], $0x4, s14, s14, $0xb8;
	[tilespmem:$0xBD0] =	vst v63  }
0x38: {  	_ =	swait.ge [sflag:s16], $0x200  }
0x39: {  	[sflag:s16] =	ssyncset.done $0x0  }
0x3a: {  	[sflag:s16] =	ssyncadd.s32 $0xFFFFFE00  }
0x3b: {  	[hbm4b:s25+s2] =	stream.linear.scatter [tilespmem:s15], [sflag:$0x2], $0x400, $0x38;
	[tilespmem:$0xBD0] =	vst v63  }
0x3c: {  	_ =	swait.ge [sflag:s13], $0x400  }
.Ltmp0:
0x3d: {  	[sflag:s13] =	ssyncset.done $0x0;
	(pc) =	sbr.rel @p0 .LBB2_2-.Ltmp0, $4  }
0x3e: {  	[sflag:s13] =	ssyncadd.s32 $0xFFFFFC00  }
0x3f: {  	[hbm4b:s24+s2] =	stream.linear.scatter [tilespmem:s17], [sflag:$0x2], $0x400, $0x38;
	[tilespmem:$0xBD0] =	vst v63  }
0x40: {  	s28 =	smov.u32 s31;
	_ =	swait.ge [sflag:s13], $0x400  }
0x41: {  	s25 =	sadd.s32 $0x80, s25;
	s24 =	sadd.s32 $0x80, s24;
	[sflag:s13] =	ssyncset.done $0x0  }
0x42: {  	s28 =	sadd.s32 s26, s12;
	[sflag:s13] =	ssyncadd.s32 $0xFFFFFC00  }
0x43: {  	[tilespmem:s2], [sflag:$0x2] =	stream.linear.gather [hbm4b:s28+s2], $0x80, $0x38;
	[tilespmem:$0xBD0] =	vst v63  }
0x44: {  	_ =	swait.ge [sflag:s13], $0x80  }
0x45: {  	[sflag:s13] =	ssyncset.done $0x0  }
0x46: {  	s31 =	sadd.s32 s26, s11;
	[sflag:s13] =	ssyncadd.s32 $0xFFFFFF80  }
0x47: {  	[tilespmem:s14], [sflag:$0x2] =	stream.linear.gather [hbm4b:s31+s2], $0x80, $0x38;
	[tilespmem:$0xBD0] =	vst v63  }
0x48: {  	_ =	swait.ge [sflag:s13], $0x80  }
0x49: {  	[sflag:s13] =	ssyncset.done $0x0  }
0x4a: {  	[sflag:s13] =	ssyncadd.s32 $0xFFFFFF80  }
0x4b: {  	[tilespmem:s15], [sflag:$0x1] =	stream.indirect.gather [hbm4b:s3+s14], $0x4, s2, s14, $0xb8;
	[tilespmem:$0xBD0] =	vst v63  }
0x4c: {  	_ =	swait.ge [sflag:s16], $0x200  }
0x4d: {  	[sflag:s16] =	ssyncset.done $0x0  }
0x4e: {  	[sflag:s16] =	ssyncadd.s32 $0xFFFFFE00  }
0x4f: {  	[tilespmem:s17], [sflag:$0x1] =	stream.indirect.gather [hbm4b:s3+s14], $0x4, s14, s14, $0xb8;
	[tilespmem:$0xBD0] =	vst v63  }
0x50: {  	_ =	swait.ge [sflag:s16], $0x200  }
0x51: {  	[sflag:s16] =	ssyncset.done $0x0  }
0x52: {  	[sflag:s16] =	ssyncadd.s32 $0xFFFFFE00  }
0x53: {  	[hbm4b:s25+s2] =	stream.linear.scatter [tilespmem:s15], [sflag:$0x2], $0x400, $0x38;
	[tilespmem:$0xBD0] =	vst v63  }
0x54: {  	_ =	swait.ge [sflag:s13], $0x400  }
0x55: {  	[sflag:s13] =	ssyncset.done $0x0  }
0x56: {  	[sflag:s13] =	ssyncadd.s32 $0xFFFFFC00  }
0x57: {  	[hbm4b:s24+s2] =	stream.linear.scatter [tilespmem:s17], [sflag:$0x2], $0x400, $0x38;
	[tilespmem:$0xBD0] =	vst v63  }
0x58: {  	_ =	swait.ge [sflag:s13], $0x400  }
0x59: {  	[sflag:s13] =	ssyncset.done $0x0  }
0x5a: {  	[sflag:s13] =	ssyncadd.s32 $0xFFFFFC00  }
0x5b: {  	[tilespmem:s18], [sflag:$0x2] =	stream.linear.gather [hbm4b:s4+s2], $0x28, $0x38;
	[tilespmem:$0xBD0] =	vst v63  }
0x5c: {  	_ =	swait.ge [sflag:s13], $0x28  }
0x5d: {  	[sflag:s13] =	ssyncset.done $0x0  }
0x5e: {  	[sflag:s13] =	ssyncadd.s32 $0xFFFFFFD8  }
0x5f: {  	[tilespmem:s19], [sflag:$0x2] =	stream.linear.gather [hbm4b:s5+s2], $0x28, $0x38;
	[tilespmem:$0xBD0] =	vst v63  }
0x60: {  	_ =	swait.ge [sflag:s13], $0x28  }
0x61: {  	[sflag:s13] =	ssyncset.done $0x0  }
0x62: {  	[sflag:s13] =	ssyncadd.s32 $0xFFFFFFD8  }
0x63: {  	[tilespmem:s21], [sflag:$0x1] =	stream.indirect.gather [hbm4b:s3+s20], $0x4, s18, s20, $0xb8;
	[tilespmem:$0xBD0] =	vst v63  }
0x64: {  	_ =	swait.ge [sflag:s16], $0xA0  }
0x65: {  	[sflag:s16] =	ssyncset.done $0x0  }
0x66: {  	[sflag:s16] =	ssyncadd.s32 $0xFFFFFF60  }
0x67: {  	[tilespmem:s22], [sflag:$0x1] =	stream.indirect.gather [hbm4b:s3+s20], $0x4, s19, s20, $0xb8;
	[tilespmem:$0xBD0] =	vst v63  }
0x68: {  	_ =	swait.ge [sflag:s16], $0xA0  }
0x69: {  	[sflag:s16] =	ssyncset.done $0x0  }
0x6a: {  	[sflag:s16] =	ssyncadd.s32 $0xFFFFFF60  }
0x6b: {  	[hbm4b:s6+s2] =	stream.linear.scatter [tilespmem:s21], [sflag:$0x2], $0x140, $0x38;
	[tilespmem:$0xBD0] =	vst v63  }
0x6c: {  	s23 =	sadd.s32 $0x1, s23;
	_ =	swait.ge [sflag:s13], $0x140  }
0x6d: {  	p0 =	sne.s32 s23, s8;
	[sflag:s13] =	ssyncset.done $0x0  }
.Ltmp1:
0x6e: {  	[sflag:s13] =	ssyncadd.s32 $0xFFFFFEC0;
	(pc) =	sbr.rel @p0 .LBB2_1-.Ltmp1, $4  }
0x6f: {  	[hbm4b:s7+s2] =	stream.linear.scatter [tilespmem:s22], [sflag:$0x2], $0x140, $0x38;
	[tilespmem:$0xBD0] =	vst v63  }
0x70: {  	_ =	swait.ge [sflag:s13], $0x140  }
0x71: {  	[sflag:s13] =	ssyncset.done $0x0  }
0x72: {  	[sflag:s13] =	ssyncadd.s32 $0xFFFFFEC0  }
0x73: {  	_ =	sfence.sel $0x180000  }
0x74: {  	[bflag:$0x0] =	sbarrier.arrive $0xFFFF  }
0x75: {  	p0 =	sne.s32 s1, $0x0;
	_ =	strace $0x90000047  }
0x76: {  	s0 =	sadd.s32 @!p0 $0x100000, s0;
	[bflag:$0x2] =	sbarrier.arrive $0xFFFF  }
0x77: {  	[sflag:s0] =	ssyncadd.tile.s32 @!p0 $0x1;
	_ =	shalt  }
.Lfunc_end2:
_tile_overlayer_lowered:
.L_overlay_start_2:
0x78: {  	(tag) =	ssettag $0x2  }
0x79: {  	s0 =	rddreg [dreg:$0x0];
	s2 =	stileid.u32  }
0x7a: {  	s1 =	rddreg [dreg:$0x1];
	p0 =	sne.s32 s2, $0x0  }
0x7b: {  	s3 =	rddreg [dreg:$0x2];
	[bflag:$0x3] =	sbarrier.arrive $0xFFFF;
	s2 =	simm.s32 @!p0 $0x1C02  }
0x7c: {  	[timem:s3], [sflag:s2] =	dma.local @!p0 [hbm:s0], s1  }
0x7d: {  	s0 =	simm.s32 @!p0 $0x2  }
0x7e: {  	_ =	swait.ge @!p0 [sflag:s0], s1  }
0x7f: {  	s1 =	ssub.s32 @!p0 $0x0, s1;
	[sflag:s0] =	ssyncset.done @!p0 $0x0  }
0x80: {  	[sflag:s0] =	ssyncadd.s32 @!p0 s1  }
0x81: {  	[bflag:$0x3] =	sbarrier.arrive $0xFFFF  }
0x82: {  	_ =	shalt  }

</sc_bundles>
